<compile_context>
chip_gen: v7x
topology: tpu7x:2x2x1
jax: 0.10.2.dev20260603
libtpu: 0.0.44.dev20260713+nightly
codegen_flags: <defaults>
</compile_context>

<pallas_src>
import functools

import jax
import jax.numpy as jnp
from jax import lax
from jax.experimental import pallas as pl
from jax.experimental.pallas import tpu as pltpu
from jax.experimental.pallas import tpu_sc as plsc

N_NODES = 10000
N_EDGES = 160000
N_GRAPHS = 64
NPAD = 10240
CW = 128
NC = 2
NS = 16
NW = NC * NS
EBLK = 128
NBLK = 40
EPT = NBLK * EBLK
EPAD = EPT * NW
RPT = NPAD // NS
ZROWS = 64
ZSRC = NPAD - 1
PACK = 16384
R = 512
F32 = jnp.float32

_MESH = dict(core_axis_name="c", subcore_axis_name="s")


def _fill(ref, rows, cols, value):
    v = jnp.full((16,), value, F32)
    steps = cols // 16

    def body(t, carry):
        i = t // steps
        k = (t % steps) * 16
        ref[i, pl.ds(k, 16)] = v
        return carry

    lax.fori_loop(0, rows * steps, body, 0)


def _build_deg_kernel():
  @functools.partial(
      pl.kernel,
      out_type=jax.ShapeDtypeStruct((NC, NPAD, CW), F32),
      mesh=plsc.VectorSubcoreMesh(**_MESH),
      scratch_types=[
          pltpu.VMEM((NBLK, EBLK), jnp.int32),
          pltpu.VMEM((EBLK, CW), F32),
          pltpu.VMEM((ZROWS, CW), F32),
          pltpu.VMEM_SHARED((NPAD, CW), F32),
      ],
  )
  def deg(dst_hbm, deg_out, dst_v, ones_v, zbuf, hist):
    cid = lax.axis_index("c")
    sid = lax.axis_index("s")
    wid = cid * NS + sid
    row0 = sid * RPT

    _fill(ones_v, EBLK, CW, 1.0)
    _fill(zbuf, ZROWS, CW, 0.0)
    pltpu.sync_copy(dst_hbm.at[wid], dst_v)
    for z in range(RPT // ZROWS):
        pltpu.sync_copy(zbuf, hist.at[pl.ds(row0 + z * ZROWS, ZROWS)])
    plsc.subcore_barrier()

    def blk(j, carry):
        pltpu.sync_copy(ones_v, hist.at[dst_v.at[j]], add=True)
        return carry

    lax.fori_loop(0, NBLK, blk, 0)
    plsc.subcore_barrier()
    pltpu.sync_copy(hist.at[pl.ds(row0, RPT)],
                    deg_out.at[cid, pl.ds(row0, RPT)])

  return deg


def _make_scatter(n_chunks):

    @functools.partial(
        pl.kernel,
        out_type=jax.ShapeDtypeStruct((NC, n_chunks * NPAD, CW), F32),
        mesh=plsc.VectorSubcoreMesh(**_MESH),
        scratch_types=[
            pltpu.VMEM((NBLK, EBLK), jnp.int32),
            pltpu.VMEM((NBLK, EBLK), jnp.int32),
            pltpu.VMEM((EBLK, CW), F32),
            pltpu.VMEM((ZROWS, CW), F32),
            pltpu.VMEM_SHARED((NPAD, CW), F32),
        ],
    )
    def scat(*refs):
        g_refs = refs[:n_chunks]
        src_hbm, dst_hbm, out_hbm, src_v, dst_v, rowbuf, zbuf, acc = \
            refs[n_chunks:]
        cid = lax.axis_index("c")
        sid = lax.axis_index("s")
        wid = cid * NS + sid
        row0 = sid * RPT

        _fill(zbuf, ZROWS, CW, 0.0)
        pltpu.sync_copy(src_hbm.at[wid], src_v)
        pltpu.sync_copy(dst_hbm.at[wid], dst_v)

        for c in range(n_chunks):
            g = g_refs[c]
            for z in range(RPT // ZROWS):
                pltpu.sync_copy(zbuf, acc.at[pl.ds(row0 + z * ZROWS, ZROWS)])
            plsc.subcore_barrier()

            def blk(j, carry, g=g):
                pltpu.sync_copy(g.at[src_v.at[j]], rowbuf)
                pltpu.sync_copy(rowbuf, acc.at[dst_v.at[j]], add=True)
                return carry

            lax.fori_loop(0, NBLK, blk, 0)
            plsc.subcore_barrier()
            pltpu.sync_copy(
                acc.at[pl.ds(row0, RPT)],
                out_hbm.at[cid, pl.ds(c * NPAD + row0, RPT)])

    return scat


_SC_CACHE = {}


def _deg_kernel(dst_t):
    if "deg" not in _SC_CACHE:
        _SC_CACHE["deg"] = _build_deg_kernel()
    return _SC_CACHE["deg"](dst_t)


def _scatter(gs, src_t, dst_t):
    n = len(gs)
    if n not in _SC_CACHE:
        _SC_CACHE[n] = _make_scatter(n)
    out = _SC_CACHE[n](*gs, src_t, dst_t)
    return out.reshape(NC, n, NPAD, CW)


def _tc1_body(x_ref, w_ref, degp_ref, g0_ref, g1_ref, dis_ref):
    indeg = degp_ref[0, :, 0:1] + degp_ref[1, :, 0:1]
    dis = lax.rsqrt(indeg + 1.0)
    h = jnp.dot(x_ref[...], w_ref[...], preferred_element_type=F32)
    g = h * dis
    g0_ref[...] = g[:, :CW]
    g1_ref[...] = g[:, CW:]
    dis_ref[...] = jnp.broadcast_to(dis, (R, 128))


def _tc1(x, w1, degp):
    return pl.pallas_call(
        _tc1_body,
        grid=(NPAD // R,),
        in_specs=[
            pl.BlockSpec((R, 128), lambda i: (i, 0)),
            pl.BlockSpec((128, 256), lambda i: (0, 0)),
            pl.BlockSpec((NC, R, CW), lambda i: (0, i, 0)),
        ],
        out_specs=[
            pl.BlockSpec((R, CW), lambda i: (i, 0)),
            pl.BlockSpec((R, CW), lambda i: (i, 0)),
            pl.BlockSpec((R, 128), lambda i: (i, 0)),
        ],
        out_shape=[
            jax.ShapeDtypeStruct((NPAD, CW), F32),
            jax.ShapeDtypeStruct((NPAD, CW), F32),
            jax.ShapeDtypeStruct((NPAD, 128), F32),
        ],
    )(x, w1, degp)


def _make_tc_mid(n_in, d_out):
    n_out = d_out // CW

    def body(*refs):
        a_ref = refs[0]
        g_refs = refs[1:1 + n_in]
        dis_ref, b_ref, w_ref = refs[1 + n_in:4 + n_in]
        out_refs = refs[4 + n_in:]
        dis = dis_ref[:, 0:1]
        cols = [a_ref[0, c] + a_ref[1, c] + g_refs[c][...]
                for c in range(n_in)]
        s = jnp.concatenate(cols, axis=1)
        z = jnp.maximum(dis * s + b_ref[...], 0.0)
        h = jnp.dot(z, w_ref[...], preferred_element_type=F32)
        g = h * dis
        for c in range(n_out):
            out_refs[c][...] = g[:, c * CW:(c + 1) * CW]

    def run(a4, gs, dis, b, w):
        n_inl = len(gs)
        d_in = n_inl * CW
        return pl.pallas_call(
            body,
            grid=(NPAD // R,),
            in_specs=(
                [pl.BlockSpec((NC, n_inl, R, CW), lambda i: (0, 0, i, 0))]
                + [pl.BlockSpec((R, CW), lambda i: (i, 0))] * n_inl
                + [
                    pl.BlockSpec((R, 128), lambda i: (i, 0)),
                    pl.BlockSpec((1, d_in), lambda i: (0, 0)),
                    pl.BlockSpec((d_in, d_out), lambda i: (0, 0)),
                ]
            ),
            out_specs=[pl.BlockSpec((R, CW), lambda i: (i, 0))] * n_out,
            out_shape=[jax.ShapeDtypeStruct((NPAD, CW), F32)] * n_out,
        )(a4, *gs, dis, b, w)

    return run


_tc2 = _make_tc_mid(2, 512)
_tc3 = _make_tc_mid(4, 512)


def _tc4_body(a_ref, g0, g1, g2, g3, dis_ref, b_ref, batch_ref, wl_ref,
              bl_ref, out_ref, acc_ref, cnt_ref):
    i = pl.program_id(0)

    @pl.when(i == 0)
    def _init():
        acc_ref[...] = jnp.zeros_like(acc_ref)
        cnt_ref[...] = jnp.zeros_like(cnt_ref)

    dis = dis_ref[:, 0:1]
    g_all = (g0, g1, g2, g3)
    cols = [a_ref[0, c] + a_ref[1, c] + g_all[c][...] for c in range(4)]
    s = jnp.concatenate(cols, axis=1)
    z = dis * s + b_ref[...]
    bb = batch_ref[:, 0]
    iota_g = lax.broadcasted_iota(jnp.int32, (N_GRAPHS, R), 0).astype(F32)
    ind = (bb[None, :] == iota_g).astype(F32)
    acc_ref[...] += jnp.dot(ind, z, preferred_element_type=F32)
    cnt_ref[...] += jnp.broadcast_to(
        jnp.sum(ind, axis=1, keepdims=True), (N_GRAPHS, 128))

    @pl.when(i == NPAD // R - 1)
    def _fin():
        pooled = acc_ref[...] / jnp.maximum(cnt_ref[:, 0:1], 1.0)
        out_ref[...] = (
            jnp.dot(pooled, wl_ref[...], preferred_element_type=F32)
            + bl_ref[...])


def _tc4(a4, gs, dis, b3, batchf, wl_pad, bl_pad):
    return pl.pallas_call(
        _tc4_body,
        grid=(NPAD // R,),
        in_specs=(
            [pl.BlockSpec((NC, 4, R, CW), lambda i: (0, 0, i, 0))]
            + [pl.BlockSpec((R, CW), lambda i: (i, 0))] * 4
            + [
                pl.BlockSpec((R, 128), lambda i: (i, 0)),
                pl.BlockSpec((1, 512), lambda i: (0, 0)),
                pl.BlockSpec((R, 128), lambda i: (i, 0)),
                pl.BlockSpec((512, 128), lambda i: (0, 0)),
                pl.BlockSpec((1, 128), lambda i: (0, 0)),
            ]
        ),
        out_specs=pl.BlockSpec((N_GRAPHS, 128), lambda i: (0, 0)),
        out_shape=jax.ShapeDtypeStruct((N_GRAPHS, 128), F32),
        scratch_shapes=[
            pltpu.VMEM((N_GRAPHS, 512), F32),
            pltpu.VMEM((N_GRAPHS, 128), F32),
        ],
    )(a4, *gs, dis, b3, batchf, wl_pad, bl_pad)


def kernel(x, edge_index, batch, W1, b1, W2, b2, W3, b3, Wl, bl):
    src = edge_index[0]
    dst = edge_index[1]
    pad_e = EPAD - N_EDGES
    srcp = jnp.concatenate([src, jnp.zeros((pad_e,), jnp.int32)])
    dstp = jnp.concatenate([dst, jnp.full((pad_e,), ZSRC, jnp.int32)])
    src_t = srcp.reshape(NW, NBLK, EBLK)
    dst_t = dstp.reshape(NW, NBLK, EBLK)

    xp = jnp.pad(x, ((0, NPAD - N_NODES), (0, 0)))
    batchp = jnp.concatenate(
        [batch, jnp.full((NPAD - N_NODES,), N_GRAPHS, jnp.int32)])
    batchf = jnp.broadcast_to(batchp.astype(F32)[:, None], (NPAD, 128))

    degp = _deg_kernel(dst_t)

    g1a, g1b, dis = _tc1(xp, W1, degp)
    a1 = _scatter((g1a, g1b), src_t, dst_t)

    g2 = _tc2(a1, (g1a, g1b), dis, b1.reshape(1, 256), W2)
    a2 = _scatter(tuple(g2), src_t, dst_t)

    g3 = _tc3(a2, tuple(g2), dis, b2.reshape(1, 512), W3)
    a3 = _scatter(tuple(g3), src_t, dst_t)

    wl_pad = jnp.pad(Wl, ((0, 0), (0, 128 - 16)))
    bl_pad = jnp.pad(bl, (0, 128 - 16)).reshape(1, 128)
    out = _tc4(a3, tuple(g3), dis, b3.reshape(1, 512), batchf, wl_pad,
               bl_pad)
    return out[:, :16]

# --- scband reference (transcript-rebuilt; emitter-appended) ---
"""Pipeline reference for scband-simple-gcnmodel-1683627180174 (READ-ONLY COPY).

The authoritative reference and input builder live on the scoring server;
editing this copy changes nothing except your own understanding.
"""

import jax, jax.numpy as jnp
import numpy as np

N_NODES = 10000
N_EDGES = 160000
D_IN = 128
D_H1 = 256
D_H2 = 512
D_OUT = 16
NUM_GRAPHS = 64


def _glorot(key, fan_in, fan_out):
    s = jnp.sqrt(2.0 / (fan_in + fan_out))
    return jax.random.normal(key, (fan_in, fan_out), dtype=jnp.float32) * s


def setup_inputs(seed: int = 0) -> dict:
    key = jax.random.key(seed)
    ks = jax.random.split(key, 12)
    x = jax.random.normal(ks[0], (N_NODES, D_IN), dtype=jnp.float32)
    edge_index = jax.random.randint(ks[1], (2, N_EDGES), 0, N_NODES, dtype=jnp.int32)
    batch = jnp.sort(jax.random.randint(ks[2], (N_NODES,), 0, NUM_GRAPHS, dtype=jnp.int32))
    W1 = _glorot(ks[3], D_IN, D_H1)
    b1 = jnp.zeros((D_H1,), dtype=jnp.float32)
    W2 = _glorot(ks[4], D_H1, D_H2)
    b2 = jnp.zeros((D_H2,), dtype=jnp.float32)
    W3 = _glorot(ks[5], D_H2, D_H2)
    b3 = jnp.zeros((D_H2,), dtype=jnp.float32)
    Wl = _glorot(ks[6], D_H2, D_OUT)
    bl = jnp.zeros((D_OUT,), dtype=jnp.float32)
    return {"x": x, "edge_index": edge_index, "batch": batch,
            "W1": W1, "b1": b1, "W2": W2, "b2": b2,
            "W3": W3, "b3": b3, "Wl": Wl, "bl": bl}


def _gcn_conv(x, edge_index, W, b):
    # torch_geometric GCNConv: add self-loops, symmetric deg^{-1/2} normalization,
    # message = norm * (x W)[src], aggregate = scatter-add by dst, then + bias.
    N = x.shape[0]
    loops = jnp.arange(N, dtype=edge_index.dtype)
    src = jnp.concatenate([edge_index[0], loops])
    dst = jnp.concatenate([edge_index[1], loops])
    h = x @ W
    deg = jax.ops.segment_sum(jnp.ones_like(src, dtype=h.dtype), dst, num_segments=N)
    dis = jnp.where(deg > 0, jax.lax.rsqrt(jnp.maximum(deg, 1e-12)), 0.0)
    norm = dis[src] * dis[dst]
    msgs = h[src] * norm[:, None]
    out = jax.ops.segment_sum(msgs, dst, num_segments=N)
    return out + b


def reference(x, edge_index, batch, W1, b1, W2, b2, W3, b3, Wl, bl):
    h = jax.nn.relu(_gcn_conv(x, edge_index, W1, b1))
    h = jax.nn.relu(_gcn_conv(h, edge_index, W2, b2))
    h = _gcn_conv(h, edge_index, W3, b3)
    # global_mean_pool over batch segment ids
    sums = jax.ops.segment_sum(h, batch, num_segments=NUM_GRAPHS)
    counts = jax.ops.segment_sum(jnp.ones((h.shape[0],), dtype=h.dtype), batch, num_segments=NUM_GRAPHS)
    pooled = sums / jnp.maximum(counts, 1.0)[:, None]
    return pooled @ Wl + bl

if __name__ == "__main__":
    import jax
    _d = setup_inputs()
    print(jax.jit(kernel)(*tuple(_d.values())))

</pallas_src>

<mosaic_0001>
#map = affine_map<(d0, d1) -> (0, 0)>
#map1 = affine_map<(d0, d1) -> (0, 0, 0)>
module attributes {stable_mosaic.version = 14 : i64} {
  func.func @scat(%arg0: i32, %arg1: i32, %arg2: memref<10240x128xf32, #tpu.memory_space<hbm>>, %arg3: memref<10240x128xf32, #tpu.memory_space<hbm>>, %arg4: memref<10240x128xf32, #tpu.memory_space<hbm>>, %arg5: memref<10240x128xf32, #tpu.memory_space<hbm>>, %arg6: memref<32x40x128xi32, #tpu.memory_space<hbm>>, %arg7: memref<32x40x128xi32, #tpu.memory_space<hbm>>, %arg8: memref<2x40960x128xf32, #tpu.memory_space<hbm>>, %arg9: memref<40x128xi32, #tpu.memory_space<vmem>>, %arg10: memref<40x128xi32, #tpu.memory_space<vmem>>, %arg11: memref<128x128xf32, #tpu.memory_space<vmem>>, %arg12: memref<64x128xf32, #tpu.memory_space<vmem>>, %arg13: memref<10240x128xf32, #tpu.memory_space<vmem_shared>>) attributes {dimension_semantics = [#tpu.dimension_semantics<core_parallel>, #tpu.dimension_semantics<subcore_parallel>], iteration_bounds = array<i64: 2, 16>, scalar_prefetch = 0 : i64, scratch_operands = 5 : i64, tpu.core_type = #tpu.core_type<sc_vector_subcore>, window_params = [{transform_indices = #map}, {transform_indices = #map}, {transform_indices = #map}, {transform_indices = #map}, {transform_indices = #map1}, {transform_indices = #map1}, {transform_indices = #map1}]} {
    %mul3A = arith.constant 16 : i32
    %mul3A_0 = arith.muli %arg0, %mul3A : i32
    %add3A = arith.addi %mul3A_0, %arg1 : i32
    %mul3A_1 = arith.constant 640 : i32
    %mul3A_2 = arith.muli %arg1, %mul3A_1 : i32
    %broadcast_in_dim3A = arith.constant 0.000000e+00 : f32
    %broadcast_in_dim3A_3 = vector.broadcast %broadcast_in_dim3A : f32 to vector<16xf32>
    %scan3A = arith.constant 0 : i32
    %scan3A_4 = arith.constant 0 : i32
    %scan3A_5 = arith.constant 512 : i32
    %scan3A_6 = arith.addi %scan3A_4, %scan3A_5 : i32
    %scan3A_7 = arith.constant 1 : i32
    scf.for %scan3A_128 = %scan3A_4 to %scan3A_6 step %scan3A_7  : i32 {
      %jit3A = arith.constant 8 : i32
      %div3A = arith.divsi %scan3A_128, %jit3A : i32
      %sign3A = arith.constant 0 : i32
      %sign3A_129 = arith.cmpi sgt, %scan3A_128, %sign3A : i32
      %sign3A_130 = arith.extui %sign3A_129 : i1 to i32
      %sign3A_131 = arith.constant 0 : i32
      %sign3A_132 = arith.cmpi slt, %scan3A_128, %sign3A_131 : i32
      %sign3A_133 = arith.extui %sign3A_132 : i1 to i32
      %sign3A_134 = arith.subi %sign3A_130, %sign3A_133 : i32
      %sign3A_135 = arith.constant 0 : i32
      %sign3A_136 = arith.cmpi sgt, %jit3A, %sign3A_135 : i32
      %sign3A_137 = arith.extui %sign3A_136 : i1 to i32
      %sign3A_138 = arith.constant 0 : i32
      %sign3A_139 = arith.cmpi slt, %jit3A, %sign3A_138 : i32
      %sign3A_140 = arith.extui %sign3A_139 : i1 to i32
      %sign3A_141 = arith.subi %sign3A_137, %sign3A_140 : i32
      %ne3A = arith.cmpi ne, %sign3A_134, %sign3A_141 : i32
      %rem3A = arith.remsi %scan3A_128, %jit3A : i32
      %ne3A_142 = arith.constant 0 : i32
      %ne3A_143 = arith.cmpi ne, %rem3A, %ne3A_142 : i32
      %and3A = arith.andi %ne3A, %ne3A_143 : i1
      %sub3A = arith.constant 1 : i32
      %sub3A_144 = arith.subi %div3A, %sub3A : i32
      %select_n3A = arith.select %and3A, %sub3A_144, %div3A : i32
      %jit3A_145 = arith.constant 8 : i32
      %eq3A = arith.constant 0 : i32
      %eq3A_146 = arith.cmpi eq, %jit3A_145, %eq3A : i32
      %jit3A_147 = arith.constant 1 : i32
      %select_n3A_148 = arith.select %eq3A_146, %jit3A_147, %jit3A_145 : i32
      %rem3A_149 = arith.remsi %scan3A_128, %select_n3A_148 : i32
      %ne3A_150 = arith.constant 0 : i32
      %ne3A_151 = arith.cmpi ne, %rem3A_149, %ne3A_150 : i32
      %lt3A = arith.constant 0 : i32
      %lt3A_152 = arith.cmpi slt, %rem3A_149, %lt3A : i32
      %lt3A_153 = arith.constant 0 : i32
      %lt3A_154 = arith.cmpi slt, %select_n3A_148, %lt3A_153 : i32
      %ne3A_155 = arith.xori %lt3A_152, %lt3A_154 : i1
      %and3A_156 = arith.andi %ne3A_155, %ne3A_151 : i1
      %add3A_157 = arith.addi %rem3A_149, %select_n3A_148 : i32
      %select_n3A_158 = arith.select %and3A_156, %add3A_157, %rem3A_149 : i32
      %mul3A_159 = arith.constant 16 : i32
      %mul3A_160 = arith.muli %select_n3A_158, %mul3A_159 : i32
      %swap3A = arith.index_cast %select_n3A : i32 to index
      %swap3A_161 = arith.index_cast %mul3A_160 : i32 to index
      %swap3A_162 = tpu.vector_load %arg12[%swap3A, %swap3A_161] {strides = array<i32>} : memref<64x128xf32, #tpu.memory_space<vmem>>, vector<1x16xf32>,
      %swap3A_163 = vector.shape_cast %swap3A_162 : vector<1x16xf32> to vector<16xf32>
      %swap3A_164 = vector.shape_cast %broadcast_in_dim3A_3 : vector<16xf32> to vector<1x16xf32>
      tpu.vector_store %arg12[%swap3A, %swap3A_161], %swap3A_164 {strides = array<i32>} : memref<64x128xf32, #tpu.memory_space<vmem>>, vector<1x16xf32>,
    }
    %scan3A_8 = arith.constant 512 : i32
    "tpu.region"() ({
      %run_scoped3A = tpu.sem_alloc : memref<!tpu.dma_semaphore, #tpu.memory_space<semaphore_mem>>
      %dma_start3A = arith.constant 0 : i32
      %dma_start3A_128 = arith.constant 0 : i32
      %dma_start3A_129 = tpu.memref_slice %arg6[%add3A, %dma_start3A, %dma_start3A_128] : memref<32x40x128xi32, #tpu.memory_space<hbm>> -> memref<1x40x128xi32, #tpu.memory_space<hbm>>
      %dma_start3A_130 = tpu.memref_squeeze %dma_start3A_129 : memref<1x40x128xi32, #tpu.memory_space<hbm>> -> memref<40x128xi32, #tpu.memory_space<hbm>>
      %dma_start3A_131 = arith.constant 0 : i32
      %dma_start3A_132 = arith.constant 0 : i32
      %dma_start3A_133 = tpu.memref_slice %arg6[%add3A, %dma_start3A_131, %dma_start3A_132] : memref<32x40x128xi32, #tpu.memory_space<hbm>> -> memref<1x40x128xi32, #tpu.memory_space<hbm>>
      %dma_start3A_134 = tpu.memref_squeeze %dma_start3A_133 : memref<1x40x128xi32, #tpu.memory_space<hbm>> -> memref<40x128xi32, #tpu.memory_space<hbm>>
      tpu.enqueue_dma source(%dma_start3A_134 : memref<40x128xi32, #tpu.memory_space<hbm>>) target(%arg9 : memref<40x128xi32, #tpu.memory_space<vmem>>) target_semaphore(%run_scoped3A : memref<!tpu.dma_semaphore, #tpu.memory_space<semaphore_mem>>)
      %dma_wait3A = arith.constant 0 : i32
      %dma_wait3A_135 = arith.constant 0 : i32
      %dma_wait3A_136 = tpu.memref_slice %arg6[%add3A, %dma_wait3A, %dma_wait3A_135] : memref<32x40x128xi32, #tpu.memory_space<hbm>> -> memref<1x40x128xi32, #tpu.memory_space<hbm>>
      %dma_wait3A_137 = tpu.memref_squeeze %dma_wait3A_136 : memref<1x40x128xi32, #tpu.memory_space<hbm>> -> memref<40x128xi32, #tpu.memory_space<hbm>>
      %dma_wait3A_138 = arith.constant 0 : i32
      %dma_wait3A_139 = arith.constant 0 : i32
      %dma_wait3A_140 = tpu.memref_slice %arg6[%add3A, %dma_wait3A_138, %dma_wait3A_139] : memref<32x40x128xi32, #tpu.memory_space<hbm>> -> memref<1x40x128xi32, #tpu.memory_space<hbm>>
      %dma_wait3A_141 = tpu.memref_squeeze %dma_wait3A_140 : memref<1x40x128xi32, #tpu.memory_space<hbm>> -> memref<40x128xi32, #tpu.memory_space<hbm>>
      tpu.wait_dma2 semaphore(%run_scoped3A : memref<!tpu.dma_semaphore, #tpu.memory_space<semaphore_mem>>) src(%dma_wait3A_141 : memref<40x128xi32, #tpu.memory_space<hbm>>) dst(%arg9 : memref<40x128xi32, #tpu.memory_space<vmem>>)
      tpu.yield
    }) : () -> ()
    "tpu.region"() ({
      %run_scoped3A = tpu.sem_alloc : memref<!tpu.dma_semaphore, #tpu.memory_space<semaphore_mem>>
      %dma_start3A = arith.constant 0 : i32
      %dma_start3A_128 = arith.constant 0 : i32
      %dma_start3A_129 = tpu.memref_slice %arg7[%add3A, %dma_start3A, %dma_start3A_128] : memref<32x40x128xi32, #tpu.memory_space<hbm>> -> memref<1x40x128xi32, #tpu.memory_space<hbm>>
      %dma_start3A_130 = tpu.memref_squeeze %dma_start3A_129 : memref<1x40x128xi32, #tpu.memory_space<hbm>> -> memref<40x128xi32, #tpu.memory_space<hbm>>
      %dma_start3A_131 = arith.constant 0 : i32
      %dma_start3A_132 = arith.constant 0 : i32
      %dma_start3A_133 = tpu.memref_slice %arg7[%add3A, %dma_start3A_131, %dma_start3A_132] : memref<32x40x128xi32, #tpu.memory_space<hbm>> -> memref<1x40x128xi32, #tpu.memory_space<hbm>>
      %dma_start3A_134 = tpu.memref_squeeze %dma_start3A_133 : memref<1x40x128xi32, #tpu.memory_space<hbm>> -> memref<40x128xi32, #tpu.memory_space<hbm>>
      tpu.enqueue_dma source(%dma_start3A_134 : memref<40x128xi32, #tpu.memory_space<hbm>>) target(%arg10 : memref<40x128xi32, #tpu.memory_space<vmem>>) target_semaphore(%run_scoped3A : memref<!tpu.dma_semaphore, #tpu.memory_space<semaphore_mem>>)
      %dma_wait3A = arith.constant 0 : i32
      %dma_wait3A_135 = arith.constant 0 : i32
      %dma_wait3A_136 = tpu.memref_slice %arg7[%add3A, %dma_wait3A, %dma_wait3A_135] : memref<32x40x128xi32, #tpu.memory_space<hbm>> -> memref<1x40x128xi32, #tpu.memory_space<hbm>>
      %dma_wait3A_137 = tpu.memref_squeeze %dma_wait3A_136 : memref<1x40x128xi32, #tpu.memory_space<hbm>> -> memref<40x128xi32, #tpu.memory_space<hbm>>
      %dma_wait3A_138 = arith.constant 0 : i32
      %dma_wait3A_139 = arith.constant 0 : i32
      %dma_wait3A_140 = tpu.memref_slice %arg7[%add3A, %dma_wait3A_138, %dma_wait3A_139] : memref<32x40x128xi32, #tpu.memory_space<hbm>> -> memref<1x40x128xi32, #tpu.memory_space<hbm>>
      %dma_wait3A_141 = tpu.memref_squeeze %dma_wait3A_140 : memref<1x40x128xi32, #tpu.memory_space<hbm>> -> memref<40x128xi32, #tpu.memory_space<hbm>>
      tpu.wait_dma2 semaphore(%run_scoped3A : memref<!tpu.dma_semaphore, #tpu.memory_space<semaphore_mem>>) src(%dma_wait3A_141 : memref<40x128xi32, #tpu.memory_space<hbm>>) dst(%arg10 : memref<40x128xi32, #tpu.memory_space<vmem>>)
      tpu.yield
    }) : () -> ()
    %add3A_9 = arith.constant 0 : i32
    %add3A_10 = arith.addi %mul3A_2, %add3A_9 : i32
    "tpu.region"() ({
      %run_scoped3A = tpu.sem_alloc : memref<!tpu.dma_semaphore, #tpu.memory_space<semaphore_mem>>
      %dma_start3A = arith.constant 0 : i32
      %dma_start3A_128 = tpu.memref_slice %arg13[%add3A_10, %dma_start3A] : memref<10240x128xf32, #tpu.memory_space<vmem_shared>> -> memref<64x128xf32, #tpu.memory_space<vmem_shared>>
      %dma_start3A_129 = arith.constant 0 : i32
      %dma_start3A_130 = tpu.memref_slice %arg13[%add3A_10, %dma_start3A_129] : memref<10240x128xf32, #tpu.memory_space<vmem_shared>> -> memref<64x128xf32, #tpu.memory_space<vmem_shared>>
      tpu.enqueue_dma source(%arg12 : memref<64x128xf32, #tpu.memory_space<vmem>>) target(%dma_start3A_130 : memref<64x128xf32, #tpu.memory_space<vmem_shared>>) target_semaphore(%run_scoped3A : memref<!tpu.dma_semaphore, #tpu.memory_space<semaphore_mem>>)
      %dma_wait3A = arith.constant 0 : i32
      %dma_wait3A_131 = tpu.memref_slice %arg13[%add3A_10, %dma_wait3A] : memref<10240x128xf32, #tpu.memory_space<vmem_shared>> -> memref<64x128xf32, #tpu.memory_space<vmem_shared>>
      %dma_wait3A_132 = arith.constant 0 : i32
      %dma_wait3A_133 = tpu.memref_slice %arg13[%add3A_10, %dma_wait3A_132] : memref<10240x128xf32, #tpu.memory_space<vmem_shared>> -> memref<64x128xf32, #tpu.memory_space<vmem_shared>>
      tpu.wait_dma2 semaphore(%run_scoped3A : memref<!tpu.dma_semaphore, #tpu.memory_space<semaphore_mem>>) src(%arg12 : memref<64x128xf32, #tpu.memory_space<vmem>>) dst(%dma_wait3A_133 : memref<64x128xf32, #tpu.memory_space<vmem_shared>>)
      tpu.yield
    }) : () -> ()
    %add3A_11 = arith.constant 64 : i32
    %add3A_12 = arith.addi %mul3A_2, %add3A_11 : i32
    "tpu.region"() ({
      %run_scoped3A = tpu.sem_alloc : memref<!tpu.dma_semaphore, #tpu.memory_space<semaphore_mem>>
      %dma_start3A = arith.constant 0 : i32
      %dma_start3A_128 = tpu.memref_slice %arg13[%add3A_12, %dma_start3A] : memref<10240x128xf32, #tpu.memory_space<vmem_shared>> -> memref<64x128xf32, #tpu.memory_space<vmem_shared>>
      %dma_start3A_129 = arith.constant 0 : i32
      %dma_start3A_130 = tpu.memref_slice %arg13[%add3A_12, %dma_start3A_129] : memref<10240x128xf32, #tpu.memory_space<vmem_shared>> -> memref<64x128xf32, #tpu.memory_space<vmem_shared>>
      tpu.enqueue_dma source(%arg12 : memref<64x128xf32, #tpu.memory_space<vmem>>) target(%dma_start3A_130 : memref<64x128xf32, #tpu.memory_space<vmem_shared>>) target_semaphore(%run_scoped3A : memref<!tpu.dma_semaphore, #tpu.memory_space<semaphore_mem>>)
      %dma_wait3A = arith.constant 0 : i32
      %dma_wait3A_131 = tpu.memref_slice %arg13[%add3A_12, %dma_wait3A] : memref<10240x128xf32, #tpu.memory_space<vmem_shared>> -> memref<64x128xf32, #tpu.memory_space<vmem_shared>>
      %dma_wait3A_132 = arith.constant 0 : i32
      %dma_wait3A_133 = tpu.memref_slice %arg13[%add3A_12, %dma_wait3A_132] : memref<10240x128xf32, #tpu.memory_space<vmem_shared>> -> memref<64x128xf32, #tpu.memory_space<vmem_shared>>
      tpu.wait_dma2 semaphore(%run_scoped3A : memref<!tpu.dma_semaphore, #tpu.memory_space<semaphore_mem>>) src(%arg12 : memref<64x128xf32, #tpu.memory_space<vmem>>) dst(%dma_wait3A_133 : memref<64x128xf32, #tpu.memory_space<vmem_shared>>)
      tpu.yield
    }) : () -> ()
    %add3A_13 = arith.constant 128 : i32
    %add3A_14 = arith.addi %mul3A_2, %add3A_13 : i32
    "tpu.region"() ({
      %run_scoped3A = tpu.sem_alloc : memref<!tpu.dma_semaphore, #tpu.memory_space<semaphore_mem>>
      %dma_start3A = arith.constant 0 : i32
      %dma_start3A_128 = tpu.memref_slice %arg13[%add3A_14, %dma_start3A] : memref<10240x128xf32, #tpu.memory_space<vmem_shared>> -> memref<64x128xf32, #tpu.memory_space<vmem_shared>>
      %dma_start3A_129 = arith.constant 0 : i32
      %dma_start3A_130 = tpu.memref_slice %arg13[%add3A_14, %dma_start3A_129] : memref<10240x128xf32, #tpu.memory_space<vmem_shared>> -> memref<64x128xf32, #tpu.memory_space<vmem_shared>>
      tpu.enqueue_dma source(%arg12 : memref<64x128xf32, #tpu.memory_space<vmem>>) target(%dma_start3A_130 : memref<64x128xf32, #tpu.memory_space<vmem_shared>>) target_semaphore(%run_scoped3A : memref<!tpu.dma_semaphore, #tpu.memory_space<semaphore_mem>>)
      %dma_wait3A = arith.constant 0 : i32
      %dma_wait3A_131 = tpu.memref_slice %arg13[%add3A_14, %dma_wait3A] : memref<10240x128xf32, #tpu.memory_space<vmem_shared>> -> memref<64x128xf32, #tpu.memory_space<vmem_shared>>
      %dma_wait3A_132 = arith.constant 0 : i32
      %dma_wait3A_133 = tpu.memref_slice %arg13[%add3A_14, %dma_wait3A_132] : memref<10240x128xf32, #tpu.memory_space<vmem_shared>> -> memref<64x128xf32, #tpu.memory_space<vmem_shared>>
      tpu.wait_dma2 semaphore(%run_scoped3A : memref<!tpu.dma_semaphore, #tpu.memory_space<semaphore_mem>>) src(%arg12 : memref<64x128xf32, #tpu.memory_space<vmem>>) dst(%dma_wait3A_133 : memref<64x128xf32, #tpu.memory_space<vmem_shared>>)
      tpu.yield
    }) : () -> ()
    %add3A_15 = arith.constant 192 : i32
    %add3A_16 = arith.addi %mul3A_2, %add3A_15 : i32
    "tpu.region"() ({
      %run_scoped3A = tpu.sem_alloc : memref<!tpu.dma_semaphore, #tpu.memory_space<semaphore_mem>>
      %dma_start3A = arith.constant 0 : i32
      %dma_start3A_128 = tpu.memref_slice %arg13[%add3A_16, %dma_start3A] : memref<10240x128xf32, #tpu.memory_space<vmem_shared>> -> memref<64x128xf32, #tpu.memory_space<vmem_shared>>
      %dma_start3A_129 = arith.constant 0 : i32
      %dma_start3A_130 = tpu.memref_slice %arg13[%add3A_16, %dma_start3A_129] : memref<10240x128xf32, #tpu.memory_space<vmem_shared>> -> memref<64x128xf32, #tpu.memory_space<vmem_shared>>
      tpu.enqueue_dma source(%arg12 : memref<64x128xf32, #tpu.memory_space<vmem>>) target(%dma_start3A_130 : memref<64x128xf32, #tpu.memory_space<vmem_shared>>) target_semaphore(%run_scoped3A : memref<!tpu.dma_semaphore, #tpu.memory_space<semaphore_mem>>)
      %dma_wait3A = arith.constant 0 : i32
      %dma_wait3A_131 = tpu.memref_slice %arg13[%add3A_16, %dma_wait3A] : memref<10240x128xf32, #tpu.memory_space<vmem_shared>> -> memref<64x128xf32, #tpu.memory_space<vmem_shared>>
      %dma_wait3A_132 = arith.constant 0 : i32
      %dma_wait3A_133 = tpu.memref_slice %arg13[%add3A_16, %dma_wait3A_132] : memref<10240x128xf32, #tpu.memory_space<vmem_shared>> -> memref<64x128xf32, #tpu.memory_space<vmem_shared>>
      tpu.wait_dma2 semaphore(%run_scoped3A : memref<!tpu.dma_semaphore, #tpu.memory_space<semaphore_mem>>) src(%arg12 : memref<64x128xf32, #tpu.memory_space<vmem>>) dst(%dma_wait3A_133 : memref<64x128xf32, #tpu.memory_space<vmem_shared>>)
      tpu.yield
    }) : () -> ()
    %add3A_17 = arith.constant 256 : i32
    %add3A_18 = arith.addi %mul3A_2, %add3A_17 : i32
    "tpu.region"() ({
      %run_scoped3A = tpu.sem_alloc : memref<!tpu.dma_semaphore, #tpu.memory_space<semaphore_mem>>
      %dma_start3A = arith.constant 0 : i32
      %dma_start3A_128 = tpu.memref_slice %arg13[%add3A_18, %dma_start3A] : memref<10240x128xf32, #tpu.memory_space<vmem_shared>> -> memref<64x128xf32, #tpu.memory_space<vmem_shared>>
      %dma_start3A_129 = arith.constant 0 : i32
      %dma_start3A_130 = tpu.memref_slice %arg13[%add3A_18, %dma_start3A_129] : memref<10240x128xf32, #tpu.memory_space<vmem_shared>> -> memref<64x128xf32, #tpu.memory_space<vmem_shared>>
      tpu.enqueue_dma source(%arg12 : memref<64x128xf32, #tpu.memory_space<vmem>>) target(%dma_start3A_130 : memref<64x128xf32, #tpu.memory_space<vmem_shared>>) target_semaphore(%run_scoped3A : memref<!tpu.dma_semaphore, #tpu.memory_space<semaphore_mem>>)
      %dma_wait3A = arith.constant 0 : i32
      %dma_wait3A_131 = tpu.memref_slice %arg13[%add3A_18, %dma_wait3A] : memref<10240x128xf32, #tpu.memory_space<vmem_shared>> -> memref<64x128xf32, #tpu.memory_space<vmem_shared>>
      %dma_wait3A_132 = arith.constant 0 : i32
      %dma_wait3A_133 = tpu.memref_slice %arg13[%add3A_18, %dma_wait3A_132] : memref<10240x128xf32, #tpu.memory_space<vmem_shared>> -> memref<64x128xf32, #tpu.memory_space<vmem_shared>>
      tpu.wait_dma2 semaphore(%run_scoped3A : memref<!tpu.dma_semaphore, #tpu.memory_space<semaphore_mem>>) src(%arg12 : memref<64x128xf32, #tpu.memory_space<vmem>>) dst(%dma_wait3A_133 : memref<64x128xf32, #tpu.memory_space<vmem_shared>>)
      tpu.yield
    }) : () -> ()
    %add3A_19 = arith.constant 320 : i32
    %add3A_20 = arith.addi %mul3A_2, %add3A_19 : i32
    "tpu.region"() ({
      %run_scoped3A = tpu.sem_alloc : memref<!tpu.dma_semaphore, #tpu.memory_space<semaphore_mem>>
      %dma_start3A = arith.constant 0 : i32
      %dma_start3A_128 = tpu.memref_slice %arg13[%add3A_20, %dma_start3A] : memref<10240x128xf32, #tpu.memory_space<vmem_shared>> -> memref<64x128xf32, #tpu.memory_space<vmem_shared>>
      %dma_start3A_129 = arith.constant 0 : i32
      %dma_start3A_130 = tpu.memref_slice %arg13[%add3A_20, %dma_start3A_129] : memref<10240x128xf32, #tpu.memory_space<vmem_shared>> -> memref<64x128xf32, #tpu.memory_space<vmem_shared>>
      tpu.enqueue_dma source(%arg12 : memref<64x128xf32, #tpu.memory_space<vmem>>) target(%dma_start3A_130 : memref<64x128xf32, #tpu.memory_space<vmem_shared>>) target_semaphore(%run_scoped3A : memref<!tpu.dma_semaphore, #tpu.memory_space<semaphore_mem>>)
      %dma_wait3A = arith.constant 0 : i32
      %dma_wait3A_131 = tpu.memref_slice %arg13[%add3A_20, %dma_wait3A] : memref<10240x128xf32, #tpu.memory_space<vmem_shared>> -> memref<64x128xf32, #tpu.memory_space<vmem_shared>>
      %dma_wait3A_132 = arith.constant 0 : i32
      %dma_wait3A_133 = tpu.memref_slice %arg13[%add3A_20, %dma_wait3A_132] : memref<10240x128xf32, #tpu.memory_space<vmem_shared>> -> memref<64x128xf32, #tpu.memory_space<vmem_shared>>
      tpu.wait_dma2 semaphore(%run_scoped3A : memref<!tpu.dma_semaphore, #tpu.memory_space<semaphore_mem>>) src(%arg12 : memref<64x128xf32, #tpu.memory_space<vmem>>) dst(%dma_wait3A_133 : memref<64x128xf32, #tpu.memory_space<vmem_shared>>)
      tpu.yield
    }) : () -> ()
    %add3A_21 = arith.constant 384 : i32
    %add3A_22 = arith.addi %mul3A_2, %add3A_21 : i32
    "tpu.region"() ({
      %run_scoped3A = tpu.sem_alloc : memref<!tpu.dma_semaphore, #tpu.memory_space<semaphore_mem>>
      %dma_start3A = arith.constant 0 : i32
      %dma_start3A_128 = tpu.memref_slice %arg13[%add3A_22, %dma_start3A] : memref<10240x128xf32, #tpu.memory_space<vmem_shared>> -> memref<64x128xf32, #tpu.memory_space<vmem_shared>>
      %dma_start3A_129 = arith.constant 0 : i32
      %dma_start3A_130 = tpu.memref_slice %arg13[%add3A_22, %dma_start3A_129] : memref<10240x128xf32, #tpu.memory_space<vmem_shared>> -> memref<64x128xf32, #tpu.memory_space<vmem_shared>>
      tpu.enqueue_dma source(%arg12 : memref<64x128xf32, #tpu.memory_space<vmem>>) target(%dma_start3A_130 : memref<64x128xf32, #tpu.memory_space<vmem_shared>>) target_semaphore(%run_scoped3A : memref<!tpu.dma_semaphore, #tpu.memory_space<semaphore_mem>>)
      %dma_wait3A = arith.constant 0 : i32
      %dma_wait3A_131 = tpu.memref_slice %arg13[%add3A_22, %dma_wait3A] : memref<10240x128xf32, #tpu.memory_space<vmem_shared>> -> memref<64x128xf32, #tpu.memory_space<vmem_shared>>
      %dma_wait3A_132 = arith.constant 0 : i32
      %dma_wait3A_133 = tpu.memref_slice %arg13[%add3A_22, %dma_wait3A_132] : memref<10240x128xf32, #tpu.memory_space<vmem_shared>> -> memref<64x128xf32, #tpu.memory_space<vmem_shared>>
      tpu.wait_dma2 semaphore(%run_scoped3A : memref<!tpu.dma_semaphore, #tpu.memory_space<semaphore_mem>>) src(%arg12 : memref<64x128xf32, #tpu.memory_space<vmem>>) dst(%dma_wait3A_133 : memref<64x128xf32, #tpu.memory_space<vmem_shared>>)
      tpu.yield
    }) : () -> ()
    %add3A_23 = arith.constant 448 : i32
    %add3A_24 = arith.addi %mul3A_2, %add3A_23 : i32
    "tpu.region"() ({
      %run_scoped3A = tpu.sem_alloc : memref<!tpu.dma_semaphore, #tpu.memory_space<semaphore_mem>>
      %dma_start3A = arith.constant 0 : i32
      %dma_start3A_128 = tpu.memref_slice %arg13[%add3A_24, %dma_start3A] : memref<10240x128xf32, #tpu.memory_space<vmem_shared>> -> memref<64x128xf32, #tpu.memory_space<vmem_shared>>
      %dma_start3A_129 = arith.constant 0 : i32
      %dma_start3A_130 = tpu.memref_slice %arg13[%add3A_24, %dma_start3A_129] : memref<10240x128xf32, #tpu.memory_space<vmem_shared>> -> memref<64x128xf32, #tpu.memory_space<vmem_shared>>
      tpu.enqueue_dma source(%arg12 : memref<64x128xf32, #tpu.memory_space<vmem>>) target(%dma_start3A_130 : memref<64x128xf32, #tpu.memory_space<vmem_shared>>) target_semaphore(%run_scoped3A : memref<!tpu.dma_semaphore, #tpu.memory_space<semaphore_mem>>)
      %dma_wait3A = arith.constant 0 : i32
      %dma_wait3A_131 = tpu.memref_slice %arg13[%add3A_24, %dma_wait3A] : memref<10240x128xf32, #tpu.memory_space<vmem_shared>> -> memref<64x128xf32, #tpu.memory_space<vmem_shared>>
      %dma_wait3A_132 = arith.constant 0 : i32
      %dma_wait3A_133 = tpu.memref_slice %arg13[%add3A_24, %dma_wait3A_132] : memref<10240x128xf32, #tpu.memory_space<vmem_shared>> -> memref<64x128xf32, #tpu.memory_space<vmem_shared>>
      tpu.wait_dma2 semaphore(%run_scoped3A : memref<!tpu.dma_semaphore, #tpu.memory_space<semaphore_mem>>) src(%arg12 : memref<64x128xf32, #tpu.memory_space<vmem>>) dst(%dma_wait3A_133 : memref<64x128xf32, #tpu.memory_space<vmem_shared>>)
      tpu.yield
    }) : () -> ()
    %add3A_25 = arith.constant 512 : i32
    %add3A_26 = arith.addi %mul3A_2, %add3A_25 : i32
    "tpu.region"() ({
      %run_scoped3A = tpu.sem_alloc : memref<!tpu.dma_semaphore, #tpu.memory_space<semaphore_mem>>
      %dma_start3A = arith.constant 0 : i32
      %dma_start3A_128 = tpu.memref_slice %arg13[%add3A_26, %dma_start3A] : memref<10240x128xf32, #tpu.memory_space<vmem_shared>> -> memref<64x128xf32, #tpu.memory_space<vmem_shared>>
      %dma_start3A_129 = arith.constant 0 : i32
      %dma_start3A_130 = tpu.memref_slice %arg13[%add3A_26, %dma_start3A_129] : memref<10240x128xf32, #tpu.memory_space<vmem_shared>> -> memref<64x128xf32, #tpu.memory_space<vmem_shared>>
      tpu.enqueue_dma source(%arg12 : memref<64x128xf32, #tpu.memory_space<vmem>>) target(%dma_start3A_130 : memref<64x128xf32, #tpu.memory_space<vmem_shared>>) target_semaphore(%run_scoped3A : memref<!tpu.dma_semaphore, #tpu.memory_space<semaphore_mem>>)
      %dma_wait3A = arith.constant 0 : i32
      %dma_wait3A_131 = tpu.memref_slice %arg13[%add3A_26, %dma_wait3A] : memref<10240x128xf32, #tpu.memory_space<vmem_shared>> -> memref<64x128xf32, #tpu.memory_space<vmem_shared>>
      %dma_wait3A_132 = arith.constant 0 : i32
      %dma_wait3A_133 = tpu.memref_slice %arg13[%add3A_26, %dma_wait3A_132] : memref<10240x128xf32, #tpu.memory_space<vmem_shared>> -> memref<64x128xf32, #tpu.memory_space<vmem_shared>>
      tpu.wait_dma2 semaphore(%run_scoped3A : memref<!tpu.dma_semaphore, #tpu.memory_space<semaphore_mem>>) src(%arg12 : memref<64x128xf32, #tpu.memory_space<vmem>>) dst(%dma_wait3A_133 : memref<64x128xf32, #tpu.memory_space<vmem_shared>>)
      tpu.yield
    }) : () -> ()
    %add3A_27 = arith.constant 576 : i32
    %add3A_28 = arith.addi %mul3A_2, %add3A_27 : i32
    "tpu.region"() ({
      %run_scoped3A = tpu.sem_alloc : memref<!tpu.dma_semaphore, #tpu.memory_space<semaphore_mem>>
      %dma_start3A = arith.constant 0 : i32
      %dma_start3A_128 = tpu.memref_slice %arg13[%add3A_28, %dma_start3A] : memref<10240x128xf32, #tpu.memory_space<vmem_shared>> -> memref<64x128xf32, #tpu.memory_space<vmem_shared>>
      %dma_start3A_129 = arith.constant 0 : i32
      %dma_start3A_130 = tpu.memref_slice %arg13[%add3A_28, %dma_start3A_129] : memref<10240x128xf32, #tpu.memory_space<vmem_shared>> -> memref<64x128xf32, #tpu.memory_space<vmem_shared>>
      tpu.enqueue_dma source(%arg12 : memref<64x128xf32, #tpu.memory_space<vmem>>) target(%dma_start3A_130 : memref<64x128xf32, #tpu.memory_space<vmem_shared>>) target_semaphore(%run_scoped3A : memref<!tpu.dma_semaphore, #tpu.memory_space<semaphore_mem>>)
      %dma_wait3A = arith.constant 0 : i32
      %dma_wait3A_131 = tpu.memref_slice %arg13[%add3A_28, %dma_wait3A] : memref<10240x128xf32, #tpu.memory_space<vmem_shared>> -> memref<64x128xf32, #tpu.memory_space<vmem_shared>>
      %dma_wait3A_132 = arith.constant 0 : i32
      %dma_wait3A_133 = tpu.memref_slice %arg13[%add3A_28, %dma_wait3A_132] : memref<10240x128xf32, #tpu.memory_space<vmem_shared>> -> memref<64x128xf32, #tpu.memory_space<vmem_shared>>
      tpu.wait_dma2 semaphore(%run_scoped3A : memref<!tpu.dma_semaphore, #tpu.memory_space<semaphore_mem>>) src(%arg12 : memref<64x128xf32, #tpu.memory_space<vmem>>) dst(%dma_wait3A_133 : memref<64x128xf32, #tpu.memory_space<vmem_shared>>)
      tpu.yield
    }) : () -> ()
    %barrier3A = arith.constant 0 : index
    tpu.barrier barrier_id(%barrier3A)
    %scan3A_29 = arith.constant 0 : i32
    %scan3A_30 = arith.constant 0 : i32
    %scan3A_31 = arith.constant 40 : i32
    %scan3A_32 = arith.addi %scan3A_30, %scan3A_31 : i32
    %scan3A_33 = arith.constant 1 : i32
    scf.for %scan3A_128 = %scan3A_30 to %scan3A_32 step %scan3A_33  : i32 {
      "tpu.region"() ({
        %run_scoped3A = tpu.sem_alloc : memref<!tpu.dma_semaphore, #tpu.memory_space<semaphore_mem>>
        %dma_start3A = arith.constant 0 : i32
        %dma_start3A_129 = tpu.memref_slice %arg9[%scan3A_128, %dma_start3A] : memref<40x128xi32, #tpu.memory_space<vmem>> -> memref<1x128xi32, #tpu.memory_space<vmem>>
        %dma_start3A_130 = tpu.memref_squeeze %dma_start3A_129 : memref<1x128xi32, #tpu.memory_space<vmem>> -> memref<128xi32, #tpu.memory_space<vmem>>
        %dma_start3A_131 = arith.constant 0 : i32
        %dma_start3A_132 = arith.constant 0 : i32
        %dma_start3A_133 = tpu.memref_slice %arg2[%dma_start3A_131, %dma_start3A_132] : memref<10240x128xf32, #tpu.memory_space<hbm>> -> memref<10240x128xf32, #tpu.memory_space<hbm>>
        tpu.enqueue_indirect_dma source(%dma_start3A_133 : memref<10240x128xf32, #tpu.memory_space<hbm>>) target(%arg11 : memref<128x128xf32, #tpu.memory_space<vmem>>) offsets(%dma_start3A_130 : memref<128xi32, #tpu.memory_space<vmem>>) semaphore(%run_scoped3A : memref<!tpu.dma_semaphore, #tpu.memory_space<semaphore_mem>>)
        %dma_wait3A = arith.constant 0 : i32
        %dma_wait3A_134 = tpu.memref_slice %arg9[%scan3A_128, %dma_wait3A] : memref<40x128xi32, #tpu.memory_space<vmem>> -> memref<1x128xi32, #tpu.memory_space<vmem>>
        %dma_wait3A_135 = tpu.memref_squeeze %dma_wait3A_134 : memref<1x128xi32, #tpu.memory_space<vmem>> -> memref<128xi32, #tpu.memory_space<vmem>>
        %dma_wait3A_136 = arith.constant 0 : i32
        %dma_wait3A_137 = arith.constant 0 : i32
        %dma_wait3A_138 = tpu.memref_slice %arg2[%dma_wait3A_136, %dma_wait3A_137] : memref<10240x128xf32, #tpu.memory_space<hbm>> -> memref<10240x128xf32, #tpu.memory_space<hbm>>
        tpu.wait_indirect_dma semaphore(%run_scoped3A : memref<!tpu.dma_semaphore, #tpu.memory_space<semaphore_mem>>) src(%dma_wait3A_138 : memref<10240x128xf32, #tpu.memory_space<hbm>>) dst(%arg11 : memref<128x128xf32, #tpu.memory_space<vmem>>)
        tpu.yield
      }) : () -> ()
      "tpu.region"() ({
        %run_scoped3A = tpu.sem_alloc : memref<!tpu.dma_semaphore, #tpu.memory_space<semaphore_mem>>
        %dma_start3A = arith.constant 0 : i32
        %dma_start3A_129 = tpu.memref_slice %arg10[%scan3A_128, %dma_start3A] : memref<40x128xi32, #tpu.memory_space<vmem>> -> memref<1x128xi32, #tpu.memory_space<vmem>>
        %dma_start3A_130 = tpu.memref_squeeze %dma_start3A_129 : memref<1x128xi32, #tpu.memory_space<vmem>> -> memref<128xi32, #tpu.memory_space<vmem>>
        %dma_start3A_131 = arith.constant 0 : i32
        %dma_start3A_132 = arith.constant 0 : i32
        %dma_start3A_133 = tpu.memref_slice %arg13[%dma_start3A_131, %dma_start3A_132] : memref<10240x128xf32, #tpu.memory_space<vmem_shared>> -> memref<10240x128xf32, #tpu.memory_space<vmem_shared>>
        tpu.enqueue_indirect_dma source(%arg11 : memref<128x128xf32, #tpu.memory_space<vmem>>) target(%dma_start3A_133 : memref<10240x128xf32, #tpu.memory_space<vmem_shared>>) offsets(%dma_start3A_130 : memref<128xi32, #tpu.memory_space<vmem>>) semaphore(%run_scoped3A : memref<!tpu.dma_semaphore, #tpu.memory_space<semaphore_mem>>) {add = true}
        %dma_wait3A = arith.constant 0 : i32
        %dma_wait3A_134 = tpu.memref_slice %arg10[%scan3A_128, %dma_wait3A] : memref<40x128xi32, #tpu.memory_space<vmem>> -> memref<1x128xi32, #tpu.memory_space<vmem>>
        %dma_wait3A_135 = tpu.memref_squeeze %dma_wait3A_134 : memref<1x128xi32, #tpu.memory_space<vmem>> -> memref<128xi32, #tpu.memory_space<vmem>>
        %dma_wait3A_136 = arith.constant 0 : i32
        %dma_wait3A_137 = arith.constant 0 : i32
        %dma_wait3A_138 = tpu.memref_slice %arg13[%dma_wait3A_136, %dma_wait3A_137] : memref<10240x128xf32, #tpu.memory_space<vmem_shared>> -> memref<10240x128xf32, #tpu.memory_space<vmem_shared>>
        tpu.wait_indirect_dma semaphore(%run_scoped3A : memref<!tpu.dma_semaphore, #tpu.memory_space<semaphore_mem>>) src(%arg11 : memref<128x128xf32, #tpu.memory_space<vmem>>) dst(%dma_wait3A_138 : memref<10240x128xf32, #tpu.memory_space<vmem_shared>>)
        tpu.yield
      }) : () -> ()
    }
    %scan3A_34 = arith.constant 40 : i32
    %barrier3A_35 = arith.constant 0 : index
    tpu.barrier barrier_id(%barrier3A_35)
    %add3A_36 = arith.constant 0 : i32
    %add3A_37 = arith.addi %add3A_36, %mul3A_2 : i32
    "tpu.region"() ({
      %run_scoped3A = tpu.sem_alloc : memref<!tpu.dma_semaphore, #tpu.memory_space<semaphore_mem>>
      %dma_start3A = arith.constant 0 : i32
      %dma_start3A_128 = tpu.memref_slice %arg8[%arg0, %add3A_37, %dma_start3A] : memref<2x40960x128xf32, #tpu.memory_space<hbm>> -> memref<1x640x128xf32, #tpu.memory_space<hbm>>
      %dma_start3A_129 = tpu.memref_squeeze %dma_start3A_128 : memref<1x640x128xf32, #tpu.memory_space<hbm>> -> memref<640x128xf32, #tpu.memory_space<hbm>>
      %dma_start3A_130 = arith.constant 0 : i32
      %dma_start3A_131 = tpu.memref_slice %arg13[%mul3A_2, %dma_start3A_130] : memref<10240x128xf32, #tpu.memory_space<vmem_shared>> -> memref<640x128xf32, #tpu.memory_space<vmem_shared>>
      tpu.enqueue_dma source(%dma_start3A_131 : memref<640x128xf32, #tpu.memory_space<vmem_shared>>) target(%dma_start3A_129 : memref<640x128xf32, #tpu.memory_space<hbm>>) target_semaphore(%run_scoped3A : memref<!tpu.dma_semaphore, #tpu.memory_space<semaphore_mem>>)
      %dma_wait3A = arith.constant 0 : i32
      %dma_wait3A_132 = tpu.memref_slice %arg8[%arg0, %add3A_37, %dma_wait3A] : memref<2x40960x128xf32, #tpu.memory_space<hbm>> -> memref<1x640x128xf32, #tpu.memory_space<hbm>>
      %dma_wait3A_133 = tpu.memref_squeeze %dma_wait3A_132 : memref<1x640x128xf32, #tpu.memory_space<hbm>> -> memref<640x128xf32, #tpu.memory_space<hbm>>
      %dma_wait3A_134 = arith.constant 0 : i32
      %dma_wait3A_135 = tpu.memref_slice %arg13[%mul3A_2, %dma_wait3A_134] : memref<10240x128xf32, #tpu.memory_space<vmem_shared>> -> memref<640x128xf32, #tpu.memory_space<vmem_shared>>
      tpu.wait_dma2 semaphore(%run_scoped3A : memref<!tpu.dma_semaphore, #tpu.memory_space<semaphore_mem>>) src(%dma_wait3A_135 : memref<640x128xf32, #tpu.memory_space<vmem_shared>>) dst(%dma_wait3A_133 : memref<640x128xf32, #tpu.memory_space<hbm>>)
      tpu.yield
    }) : () -> ()
    %add3A_38 = arith.constant 0 : i32
    %add3A_39 = arith.addi %mul3A_2, %add3A_38 : i32
    "tpu.region"() ({
      %run_scoped3A = tpu.sem_alloc : memref<!tpu.dma_semaphore, #tpu.memory_space<semaphore_mem>>
      %dma_start3A = arith.constant 0 : i32
      %dma_start3A_128 = tpu.memref_slice %arg13[%add3A_39, %dma_start3A] : memref<10240x128xf32, #tpu.memory_space<vmem_shared>> -> memref<64x128xf32, #tpu.memory_space<vmem_shared>>
      %dma_start3A_129 = arith.constant 0 : i32
      %dma_start3A_130 = tpu.memref_slice %arg13[%add3A_39, %dma_start3A_129] : memref<10240x128xf32, #tpu.memory_space<vmem_shared>> -> memref<64x128xf32, #tpu.memory_space<vmem_shared>>
      tpu.enqueue_dma source(%arg12 : memref<64x128xf32, #tpu.memory_space<vmem>>) target(%dma_start3A_130 : memref<64x128xf32, #tpu.memory_space<vmem_shared>>) target_semaphore(%run_scoped3A : memref<!tpu.dma_semaphore, #tpu.memory_space<semaphore_mem>>)
      %dma_wait3A = arith.constant 0 : i32
      %dma_wait3A_131 = tpu.memref_slice %arg13[%add3A_39, %dma_wait3A] : memref<10240x128xf32, #tpu.memory_space<vmem_shared>> -> memref<64x128xf32, #tpu.memory_space<vmem_shared>>
      %dma_wait3A_132 = arith.constant 0 : i32
      %dma_wait3A_133 = tpu.memref_slice %arg13[%add3A_39, %dma_wait3A_132] : memref<10240x128xf32, #tpu.memory_space<vmem_shared>> -> memref<64x128xf32, #tpu.memory_space<vmem_shared>>
      tpu.wait_dma2 semaphore(%run_scoped3A : memref<!tpu.dma_semaphore, #tpu.memory_space<semaphore_mem>>) src(%arg12 : memref<64x128xf32, #tpu.memory_space<vmem>>) dst(%dma_wait3A_133 : memref<64x128xf32, #tpu.memory_space<vmem_shared>>)
      tpu.yield
    }) : () -> ()
    %add3A_40 = arith.constant 64 : i32
    %add3A_41 = arith.addi %mul3A_2, %add3A_40 : i32
    "tpu.region"() ({
      %run_scoped3A = tpu.sem_alloc : memref<!tpu.dma_semaphore, #tpu.memory_space<semaphore_mem>>
      %dma_start3A = arith.constant 0 : i32
      %dma_start3A_128 = tpu.memref_slice %arg13[%add3A_41, %dma_start3A] : memref<10240x128xf32, #tpu.memory_space<vmem_shared>> -> memref<64x128xf32, #tpu.memory_space<vmem_shared>>
      %dma_start3A_129 = arith.constant 0 : i32
      %dma_start3A_130 = tpu.memref_slice %arg13[%add3A_41, %dma_start3A_129] : memref<10240x128xf32, #tpu.memory_space<vmem_shared>> -> memref<64x128xf32, #tpu.memory_space<vmem_shared>>
      tpu.enqueue_dma source(%arg12 : memref<64x128xf32, #tpu.memory_space<vmem>>) target(%dma_start3A_130 : memref<64x128xf32, #tpu.memory_space<vmem_shared>>) target_semaphore(%run_scoped3A : memref<!tpu.dma_semaphore, #tpu.memory_space<semaphore_mem>>)
      %dma_wait3A = arith.constant 0 : i32
      %dma_wait3A_131 = tpu.memref_slice %arg13[%add3A_41, %dma_wait3A] : memref<10240x128xf32, #tpu.memory_space<vmem_shared>> -> memref<64x128xf32, #tpu.memory_space<vmem_shared>>
      %dma_wait3A_132 = arith.constant 0 : i32
      %dma_wait3A_133 = tpu.memref_slice %arg13[%add3A_41, %dma_wait3A_132] : memref<10240x128xf32, #tpu.memory_space<vmem_shared>> -> memref<64x128xf32, #tpu.memory_space<vmem_shared>>
      tpu.wait_dma2 semaphore(%run_scoped3A : memref<!tpu.dma_semaphore, #tpu.memory_space<semaphore_mem>>) src(%arg12 : memref<64x128xf32, #tpu.memory_space<vmem>>) dst(%dma_wait3A_133 : memref<64x128xf32, #tpu.memory_space<vmem_shared>>)
      tpu.yield
    }) : () -> ()
    %add3A_42 = arith.constant 128 : i32
    %add3A_43 = arith.addi %mul3A_2, %add3A_42 : i32
    "tpu.region"() ({
      %run_scoped3A = tpu.sem_alloc : memref<!tpu.dma_semaphore, #tpu.memory_space<semaphore_mem>>
      %dma_start3A = arith.constant 0 : i32
      %dma_start3A_128 = tpu.memref_slice %arg13[%add3A_43, %dma_start3A] : memref<10240x128xf32, #tpu.memory_space<vmem_shared>> -> memref<64x128xf32, #tpu.memory_space<vmem_shared>>
      %dma_start3A_129 = arith.constant 0 : i32
      %dma_start3A_130 = tpu.memref_slice %arg13[%add3A_43, %dma_start3A_129] : memref<10240x128xf32, #tpu.memory_space<vmem_shared>> -> memref<64x128xf32, #tpu.memory_space<vmem_shared>>
      tpu.enqueue_dma source(%arg12 : memref<64x128xf32, #tpu.memory_space<vmem>>) target(%dma_start3A_130 : memref<64x128xf32, #tpu.memory_space<vmem_shared>>) target_semaphore(%run_scoped3A : memref<!tpu.dma_semaphore, #tpu.memory_space<semaphore_mem>>)
      %dma_wait3A = arith.constant 0 : i32
      %dma_wait3A_131 = tpu.memref_slice %arg13[%add3A_43, %dma_wait3A] : memref<10240x128xf32, #tpu.memory_space<vmem_shared>> -> memref<64x128xf32, #tpu.memory_space<vmem_shared>>
      %dma_wait3A_132 = arith.constant 0 : i32
      %dma_wait3A_133 = tpu.memref_slice %arg13[%add3A_43, %dma_wait3A_132] : memref<10240x128xf32, #tpu.memory_space<vmem_shared>> -> memref<64x128xf32, #tpu.memory_space<vmem_shared>>
      tpu.wait_dma2 semaphore(%run_scoped3A : memref<!tpu.dma_semaphore, #tpu.memory_space<semaphore_mem>>) src(%arg12 : memref<64x128xf32, #tpu.memory_space<vmem>>) dst(%dma_wait3A_133 : memref<64x128xf32, #tpu.memory_space<vmem_shared>>)
      tpu.yield
    }) : () -> ()
    %add3A_44 = arith.constant 192 : i32
    %add3A_45 = arith.addi %mul3A_2, %add3A_44 : i32
    "tpu.region"() ({
      %run_scoped3A = tpu.sem_alloc : memref<!tpu.dma_semaphore, #tpu.memory_space<semaphore_mem>>
      %dma_start3A = arith.constant 0 : i32
      %dma_start3A_128 = tpu.memref_slice %arg13[%add3A_45, %dma_start3A] : memref<10240x128xf32, #tpu.memory_space<vmem_shared>> -> memref<64x128xf32, #tpu.memory_space<vmem_shared>>
      %dma_start3A_129 = arith.constant 0 : i32
      %dma_start3A_130 = tpu.memref_slice %arg13[%add3A_45, %dma_start3A_129] : memref<10240x128xf32, #tpu.memory_space<vmem_shared>> -> memref<64x128xf32, #tpu.memory_space<vmem_shared>>
      tpu.enqueue_dma source(%arg12 : memref<64x128xf32, #tpu.memory_space<vmem>>) target(%dma_start3A_130 : memref<64x128xf32, #tpu.memory_space<vmem_shared>>) target_semaphore(%run_scoped3A : memref<!tpu.dma_semaphore, #tpu.memory_space<semaphore_mem>>)
      %dma_wait3A = arith.constant 0 : i32
      %dma_wait3A_131 = tpu.memref_slice %arg13[%add3A_45, %dma_wait3A] : memref<10240x128xf32, #tpu.memory_space<vmem_shared>> -> memref<64x128xf32, #tpu.memory_space<vmem_shared>>
      %dma_wait3A_132 = arith.constant 0 : i32
      %dma_wait3A_133 = tpu.memref_slice %arg13[%add3A_45, %dma_wait3A_132] : memref<10240x128xf32, #tpu.memory_space<vmem_shared>> -> memref<64x128xf32, #tpu.memory_space<vmem_shared>>
      tpu.wait_dma2 semaphore(%run_scoped3A : memref<!tpu.dma_semaphore, #tpu.memory_space<semaphore_mem>>) src(%arg12 : memref<64x128xf32, #tpu.memory_space<vmem>>) dst(%dma_wait3A_133 : memref<64x128xf32, #tpu.memory_space<vmem_shared>>)
      tpu.yield
    }) : () -> ()
    %add3A_46 = arith.constant 256 : i32
    %add3A_47 = arith.addi %mul3A_2, %add3A_46 : i32
    "tpu.region"() ({
      %run_scoped3A = tpu.sem_alloc : memref<!tpu.dma_semaphore, #tpu.memory_space<semaphore_mem>>
      %dma_start3A = arith.constant 0 : i32
      %dma_start3A_128 = tpu.memref_slice %arg13[%add3A_47, %dma_start3A] : memref<10240x128xf32, #tpu.memory_space<vmem_shared>> -> memref<64x128xf32, #tpu.memory_space<vmem_shared>>
      %dma_start3A_129 = arith.constant 0 : i32
      %dma_start3A_130 = tpu.memref_slice %arg13[%add3A_47, %dma_start3A_129] : memref<10240x128xf32, #tpu.memory_space<vmem_shared>> -> memref<64x128xf32, #tpu.memory_space<vmem_shared>>
      tpu.enqueue_dma source(%arg12 : memref<64x128xf32, #tpu.memory_space<vmem>>) target(%dma_start3A_130 : memref<64x128xf32, #tpu.memory_space<vmem_shared>>) target_semaphore(%run_scoped3A : memref<!tpu.dma_semaphore, #tpu.memory_space<semaphore_mem>>)
      %dma_wait3A = arith.constant 0 : i32
      %dma_wait3A_131 = tpu.memref_slice %arg13[%add3A_47, %dma_wait3A] : memref<10240x128xf32, #tpu.memory_space<vmem_shared>> -> memref<64x128xf32, #tpu.memory_space<vmem_shared>>
      %dma_wait3A_132 = arith.constant 0 : i32
      %dma_wait3A_133 = tpu.memref_slice %arg13[%add3A_47, %dma_wait3A_132] : memref<10240x128xf32, #tpu.memory_space<vmem_shared>> -> memref<64x128xf32, #tpu.memory_space<vmem_shared>>
      tpu.wait_dma2 semaphore(%run_scoped3A : memref<!tpu.dma_semaphore, #tpu.memory_space<semaphore_mem>>) src(%arg12 : memref<64x128xf32, #tpu.memory_space<vmem>>) dst(%dma_wait3A_133 : memref<64x128xf32, #tpu.memory_space<vmem_shared>>)
      tpu.yield
    }) : () -> ()
    %add3A_48 = arith.constant 320 : i32
    %add3A_49 = arith.addi %mul3A_2, %add3A_48 : i32
    "tpu.region"() ({
      %run_scoped3A = tpu.sem_alloc : memref<!tpu.dma_semaphore, #tpu.memory_space<semaphore_mem>>
      %dma_start3A = arith.constant 0 : i32
      %dma_start3A_128 = tpu.memref_slice %arg13[%add3A_49, %dma_start3A] : memref<10240x128xf32, #tpu.memory_space<vmem_shared>> -> memref<64x128xf32, #tpu.memory_space<vmem_shared>>
      %dma_start3A_129 = arith.constant 0 : i32
      %dma_start3A_130 = tpu.memref_slice %arg13[%add3A_49, %dma_start3A_129] : memref<10240x128xf32, #tpu.memory_space<vmem_shared>> -> memref<64x128xf32, #tpu.memory_space<vmem_shared>>
      tpu.enqueue_dma source(%arg12 : memref<64x128xf32, #tpu.memory_space<vmem>>) target(%dma_start3A_130 : memref<64x128xf32, #tpu.memory_space<vmem_shared>>) target_semaphore(%run_scoped3A : memref<!tpu.dma_semaphore, #tpu.memory_space<semaphore_mem>>)
      %dma_wait3A = arith.constant 0 : i32
      %dma_wait3A_131 = tpu.memref_slice %arg13[%add3A_49, %dma_wait3A] : memref<10240x128xf32, #tpu.memory_space<vmem_shared>> -> memref<64x128xf32, #tpu.memory_space<vmem_shared>>
      %dma_wait3A_132 = arith.constant 0 : i32
      %dma_wait3A_133 = tpu.memref_slice %arg13[%add3A_49, %dma_wait3A_132] : memref<10240x128xf32, #tpu.memory_space<vmem_shared>> -> memref<64x128xf32, #tpu.memory_space<vmem_shared>>
      tpu.wait_dma2 semaphore(%run_scoped3A : memref<!tpu.dma_semaphore, #tpu.memory_space<semaphore_mem>>) src(%arg12 : memref<64x128xf32, #tpu.memory_space<vmem>>) dst(%dma_wait3A_133 : memref<64x128xf32, #tpu.memory_space<vmem_shared>>)
      tpu.yield
    }) : () -> ()
    %add3A_50 = arith.constant 384 : i32
    %add3A_51 = arith.addi %mul3A_2, %add3A_50 : i32
    "tpu.region"() ({
      %run_scoped3A = tpu.sem_alloc : memref<!tpu.dma_semaphore, #tpu.memory_space<semaphore_mem>>
      %dma_start3A = arith.constant 0 : i32
      %dma_start3A_128 = tpu.memref_slice %arg13[%add3A_51, %dma_start3A] : memref<10240x128xf32, #tpu.memory_space<vmem_shared>> -> memref<64x128xf32, #tpu.memory_space<vmem_shared>>
      %dma_start3A_129 = arith.constant 0 : i32
      %dma_start3A_130 = tpu.memref_slice %arg13[%add3A_51, %dma_start3A_129] : memref<10240x128xf32, #tpu.memory_space<vmem_shared>> -> memref<64x128xf32, #tpu.memory_space<vmem_shared>>
      tpu.enqueue_dma source(%arg12 : memref<64x128xf32, #tpu.memory_space<vmem>>) target(%dma_start3A_130 : memref<64x128xf32, #tpu.memory_space<vmem_shared>>) target_semaphore(%run_scoped3A : memref<!tpu.dma_semaphore, #tpu.memory_space<semaphore_mem>>)
      %dma_wait3A = arith.constant 0 : i32
      %dma_wait3A_131 = tpu.memref_slice %arg13[%add3A_51, %dma_wait3A] : memref<10240x128xf32, #tpu.memory_space<vmem_shared>> -> memref<64x128xf32, #tpu.memory_space<vmem_shared>>
      %dma_wait3A_132 = arith.constant 0 : i32
      %dma_wait3A_133 = tpu.memref_slice %arg13[%add3A_51, %dma_wait3A_132] : memref<10240x128xf32, #tpu.memory_space<vmem_shared>> -> memref<64x128xf32, #tpu.memory_space<vmem_shared>>
      tpu.wait_dma2 semaphore(%run_scoped3A : memref<!tpu.dma_semaphore, #tpu.memory_space<semaphore_mem>>) src(%arg12 : memref<64x128xf32, #tpu.memory_space<vmem>>) dst(%dma_wait3A_133 : memref<64x128xf32, #tpu.memory_space<vmem_shared>>)
      tpu.yield
    }) : () -> ()
    %add3A_52 = arith.constant 448 : i32
    %add3A_53 = arith.addi %mul3A_2, %add3A_52 : i32
    "tpu.region"() ({
      %run_scoped3A = tpu.sem_alloc : memref<!tpu.dma_semaphore, #tpu.memory_space<semaphore_mem>>
      %dma_start3A = arith.constant 0 : i32
      %dma_start3A_128 = tpu.memref_slice %arg13[%add3A_53, %dma_start3A] : memref<10240x128xf32, #tpu.memory_space<vmem_shared>> -> memref<64x128xf32, #tpu.memory_space<vmem_shared>>
      %dma_start3A_129 = arith.constant 0 : i32
      %dma_start3A_130 = tpu.memref_slice %arg13[%add3A_53, %dma_start3A_129] : memref<10240x128xf32, #tpu.memory_space<vmem_shared>> -> memref<64x128xf32, #tpu.memory_space<vmem_shared>>
      tpu.enqueue_dma source(%arg12 : memref<64x128xf32, #tpu.memory_space<vmem>>) target(%dma_start3A_130 : memref<64x128xf32, #tpu.memory_space<vmem_shared>>) target_semaphore(%run_scoped3A : memref<!tpu.dma_semaphore, #tpu.memory_space<semaphore_mem>>)
      %dma_wait3A = arith.constant 0 : i32
      %dma_wait3A_131 = tpu.memref_slice %arg13[%add3A_53, %dma_wait3A] : memref<10240x128xf32, #tpu.memory_space<vmem_shared>> -> memref<64x128xf32, #tpu.memory_space<vmem_shared>>
      %dma_wait3A_132 = arith.constant 0 : i32
      %dma_wait3A_133 = tpu.memref_slice %arg13[%add3A_53, %dma_wait3A_132] : memref<10240x128xf32, #tpu.memory_space<vmem_shared>> -> memref<64x128xf32, #tpu.memory_space<vmem_shared>>
      tpu.wait_dma2 semaphore(%run_scoped3A : memref<!tpu.dma_semaphore, #tpu.memory_space<semaphore_mem>>) src(%arg12 : memref<64x128xf32, #tpu.memory_space<vmem>>) dst(%dma_wait3A_133 : memref<64x128xf32, #tpu.memory_space<vmem_shared>>)
      tpu.yield
    }) : () -> ()
    %add3A_54 = arith.constant 512 : i32
    %add3A_55 = arith.addi %mul3A_2, %add3A_54 : i32
    "tpu.region"() ({
      %run_scoped3A = tpu.sem_alloc : memref<!tpu.dma_semaphore, #tpu.memory_space<semaphore_mem>>
      %dma_start3A = arith.constant 0 : i32
      %dma_start3A_128 = tpu.memref_slice %arg13[%add3A_55, %dma_start3A] : memref<10240x128xf32, #tpu.memory_space<vmem_shared>> -> memref<64x128xf32, #tpu.memory_space<vmem_shared>>
      %dma_start3A_129 = arith.constant 0 : i32
      %dma_start3A_130 = tpu.memref_slice %arg13[%add3A_55, %dma_start3A_129] : memref<10240x128xf32, #tpu.memory_space<vmem_shared>> -> memref<64x128xf32, #tpu.memory_space<vmem_shared>>
      tpu.enqueue_dma source(%arg12 : memref<64x128xf32, #tpu.memory_space<vmem>>) target(%dma_start3A_130 : memref<64x128xf32, #tpu.memory_space<vmem_shared>>) target_semaphore(%run_scoped3A : memref<!tpu.dma_semaphore, #tpu.memory_space<semaphore_mem>>)
      %dma_wait3A = arith.constant 0 : i32
      %dma_wait3A_131 = tpu.memref_slice %arg13[%add3A_55, %dma_wait3A] : memref<10240x128xf32, #tpu.memory_space<vmem_shared>> -> memref<64x128xf32, #tpu.memory_space<vmem_shared>>
      %dma_wait3A_132 = arith.constant 0 : i32
      %dma_wait3A_133 = tpu.memref_slice %arg13[%add3A_55, %dma_wait3A_132] : memref<10240x128xf32, #tpu.memory_space<vmem_shared>> -> memref<64x128xf32, #tpu.memory_space<vmem_shared>>
      tpu.wait_dma2 semaphore(%run_scoped3A : memref<!tpu.dma_semaphore, #tpu.memory_space<semaphore_mem>>) src(%arg12 : memref<64x128xf32, #tpu.memory_space<vmem>>) dst(%dma_wait3A_133 : memref<64x128xf32, #tpu.memory_space<vmem_shared>>)
      tpu.yield
    }) : () -> ()
    %add3A_56 = arith.constant 576 : i32
    %add3A_57 = arith.addi %mul3A_2, %add3A_56 : i32
    "tpu.region"() ({
      %run_scoped3A = tpu.sem_alloc : memref<!tpu.dma_semaphore, #tpu.memory_space<semaphore_mem>>
      %dma_start3A = arith.constant 0 : i32
      %dma_start3A_128 = tpu.memref_slice %arg13[%add3A_57, %dma_start3A] : memref<10240x128xf32, #tpu.memory_space<vmem_shared>> -> memref<64x128xf32, #tpu.memory_space<vmem_shared>>
      %dma_start3A_129 = arith.constant 0 : i32
      %dma_start3A_130 = tpu.memref_slice %arg13[%add3A_57, %dma_start3A_129] : memref<10240x128xf32, #tpu.memory_space<vmem_shared>> -> memref<64x128xf32, #tpu.memory_space<vmem_shared>>
      tpu.enqueue_dma source(%arg12 : memref<64x128xf32, #tpu.memory_space<vmem>>) target(%dma_start3A_130 : memref<64x128xf32, #tpu.memory_space<vmem_shared>>) target_semaphore(%run_scoped3A : memref<!tpu.dma_semaphore, #tpu.memory_space<semaphore_mem>>)
      %dma_wait3A = arith.constant 0 : i32
      %dma_wait3A_131 = tpu.memref_slice %arg13[%add3A_57, %dma_wait3A] : memref<10240x128xf32, #tpu.memory_space<vmem_shared>> -> memref<64x128xf32, #tpu.memory_space<vmem_shared>>
      %dma_wait3A_132 = arith.constant 0 : i32
      %dma_wait3A_133 = tpu.memref_slice %arg13[%add3A_57, %dma_wait3A_132] : memref<10240x128xf32, #tpu.memory_space<vmem_shared>> -> memref<64x128xf32, #tpu.memory_space<vmem_shared>>
      tpu.wait_dma2 semaphore(%run_scoped3A : memref<!tpu.dma_semaphore, #tpu.memory_space<semaphore_mem>>) src(%arg12 : memref<64x128xf32, #tpu.memory_space<vmem>>) dst(%dma_wait3A_133 : memref<64x128xf32, #tpu.memory_space<vmem_shared>>)
      tpu.yield
    }) : () -> ()
    %barrier3A_58 = arith.constant 0 : index
    tpu.barrier barrier_id(%barrier3A_58)
    %scan3A_59 = arith.constant 0 : i32
    %scan3A_60 = arith.constant 0 : i32
    %scan3A_61 = arith.constant 40 : i32
    %scan3A_62 = arith.addi %scan3A_60, %scan3A_61 : i32
    %scan3A_63 = arith.constant 1 : i32
    scf.for %scan3A_128 = %scan3A_60 to %scan3A_62 step %scan3A_63  : i32 {
      "tpu.region"() ({
        %run_scoped3A = tpu.sem_alloc : memref<!tpu.dma_semaphore, #tpu.memory_space<semaphore_mem>>
        %dma_start3A = arith.constant 0 : i32
        %dma_start3A_129 = tpu.memref_slice %arg9[%scan3A_128, %dma_start3A] : memref<40x128xi32, #tpu.memory_space<vmem>> -> memref<1x128xi32, #tpu.memory_space<vmem>>
        %dma_start3A_130 = tpu.memref_squeeze %dma_start3A_129 : memref<1x128xi32, #tpu.memory_space<vmem>> -> memref<128xi32, #tpu.memory_space<vmem>>
        %dma_start3A_131 = arith.constant 0 : i32
        %dma_start3A_132 = arith.constant 0 : i32
        %dma_start3A_133 = tpu.memref_slice %arg3[%dma_start3A_131, %dma_start3A_132] : memref<10240x128xf32, #tpu.memory_space<hbm>> -> memref<10240x128xf32, #tpu.memory_space<hbm>>
        tpu.enqueue_indirect_dma source(%dma_start3A_133 : memref<10240x128xf32, #tpu.memory_space<hbm>>) target(%arg11 : memref<128x128xf32, #tpu.memory_space<vmem>>) offsets(%dma_start3A_130 : memref<128xi32, #tpu.memory_space<vmem>>) semaphore(%run_scoped3A : memref<!tpu.dma_semaphore, #tpu.memory_space<semaphore_mem>>)
        %dma_wait3A = arith.constant 0 : i32
        %dma_wait3A_134 = tpu.memref_slice %arg9[%scan3A_128, %dma_wait3A] : memref<40x128xi32, #tpu.memory_space<vmem>> -> memref<1x128xi32, #tpu.memory_space<vmem>>
        %dma_wait3A_135 = tpu.memref_squeeze %dma_wait3A_134 : memref<1x128xi32, #tpu.memory_space<vmem>> -> memref<128xi32, #tpu.memory_space<vmem>>
        %dma_wait3A_136 = arith.constant 0 : i32
        %dma_wait3A_137 = arith.constant 0 : i32
        %dma_wait3A_138 = tpu.memref_slice %arg3[%dma_wait3A_136, %dma_wait3A_137] : memref<10240x128xf32, #tpu.memory_space<hbm>> -> memref<10240x128xf32, #tpu.memory_space<hbm>>
        tpu.wait_indirect_dma semaphore(%run_scoped3A : memref<!tpu.dma_semaphore, #tpu.memory_space<semaphore_mem>>) src(%dma_wait3A_138 : memref<10240x128xf32, #tpu.memory_space<hbm>>) dst(%arg11 : memref<128x128xf32, #tpu.memory_space<vmem>>)
        tpu.yield
      }) : () -> ()
      "tpu.region"() ({
        %run_scoped3A = tpu.sem_alloc : memref<!tpu.dma_semaphore, #tpu.memory_space<semaphore_mem>>
        %dma_start3A = arith.constant 0 : i32
        %dma_start3A_129 = tpu.memref_slice %arg10[%scan3A_128, %dma_start3A] : memref<40x128xi32, #tpu.memory_space<vmem>> -> memref<1x128xi32, #tpu.memory_space<vmem>>
        %dma_start3A_130 = tpu.memref_squeeze %dma_start3A_129 : memref<1x128xi32, #tpu.memory_space<vmem>> -> memref<128xi32, #tpu.memory_space<vmem>>
        %dma_start3A_131 = arith.constant 0 : i32
        %dma_start3A_132 = arith.constant 0 : i32
        %dma_start3A_133 = tpu.memref_slice %arg13[%dma_start3A_131, %dma_start3A_132] : memref<10240x128xf32, #tpu.memory_space<vmem_shared>> -> memref<10240x128xf32, #tpu.memory_space<vmem_shared>>
        tpu.enqueue_indirect_dma source(%arg11 : memref<128x128xf32, #tpu.memory_space<vmem>>) target(%dma_start3A_133 : memref<10240x128xf32, #tpu.memory_space<vmem_shared>>) offsets(%dma_start3A_130 : memref<128xi32, #tpu.memory_space<vmem>>) semaphore(%run_scoped3A : memref<!tpu.dma_semaphore, #tpu.memory_space<semaphore_mem>>) {add = true}
        %dma_wait3A = arith.constant 0 : i32
        %dma_wait3A_134 = tpu.memref_slice %arg10[%scan3A_128, %dma_wait3A] : memref<40x128xi32, #tpu.memory_space<vmem>> -> memref<1x128xi32, #tpu.memory_space<vmem>>
        %dma_wait3A_135 = tpu.memref_squeeze %dma_wait3A_134 : memref<1x128xi32, #tpu.memory_space<vmem>> -> memref<128xi32, #tpu.memory_space<vmem>>
        %dma_wait3A_136 = arith.constant 0 : i32
        %dma_wait3A_137 = arith.constant 0 : i32
        %dma_wait3A_138 = tpu.memref_slice %arg13[%dma_wait3A_136, %dma_wait3A_137] : memref<10240x128xf32, #tpu.memory_space<vmem_shared>> -> memref<10240x128xf32, #tpu.memory_space<vmem_shared>>
        tpu.wait_indirect_dma semaphore(%run_scoped3A : memref<!tpu.dma_semaphore, #tpu.memory_space<semaphore_mem>>) src(%arg11 : memref<128x128xf32, #tpu.memory_space<vmem>>) dst(%dma_wait3A_138 : memref<10240x128xf32, #tpu.memory_space<vmem_shared>>)
        tpu.yield
      }) : () -> ()
    }
    %scan3A_64 = arith.constant 40 : i32
    %barrier3A_65 = arith.constant 0 : index
    tpu.barrier barrier_id(%barrier3A_65)
    %add3A_66 = arith.constant 10240 : i32
    %add3A_67 = arith.addi %add3A_66, %mul3A_2 : i32
    "tpu.region"() ({
      %run_scoped3A = tpu.sem_alloc : memref<!tpu.dma_semaphore, #tpu.memory_space<semaphore_mem>>
      %dma_start3A = arith.constant 0 : i32
      %dma_start3A_128 = tpu.memref_slice %arg8[%arg0, %add3A_67, %dma_start3A] : memref<2x40960x128xf32, #tpu.memory_space<hbm>> -> memref<1x640x128xf32, #tpu.memory_space<hbm>>
      %dma_start3A_129 = tpu.memref_squeeze %dma_start3A_128 : memref<1x640x128xf32, #tpu.memory_space<hbm>> -> memref<640x128xf32, #tpu.memory_space<hbm>>
      %dma_start3A_130 = arith.constant 0 : i32
      %dma_start3A_131 = tpu.memref_slice %arg13[%mul3A_2, %dma_start3A_130] : memref<10240x128xf32, #tpu.memory_space<vmem_shared>> -> memref<640x128xf32, #tpu.memory_space<vmem_shared>>
      tpu.enqueue_dma source(%dma_start3A_131 : memref<640x128xf32, #tpu.memory_space<vmem_shared>>) target(%dma_start3A_129 : memref<640x128xf32, #tpu.memory_space<hbm>>) target_semaphore(%run_scoped3A : memref<!tpu.dma_semaphore, #tpu.memory_space<semaphore_mem>>)
      %dma_wait3A = arith.constant 0 : i32
      %dma_wait3A_132 = tpu.memref_slice %arg8[%arg0, %add3A_67, %dma_wait3A] : memref<2x40960x128xf32, #tpu.memory_space<hbm>> -> memref<1x640x128xf32, #tpu.memory_space<hbm>>
      %dma_wait3A_133 = tpu.memref_squeeze %dma_wait3A_132 : memref<1x640x128xf32, #tpu.memory_space<hbm>> -> memref<640x128xf32, #tpu.memory_space<hbm>>
      %dma_wait3A_134 = arith.constant 0 : i32
      %dma_wait3A_135 = tpu.memref_slice %arg13[%mul3A_2, %dma_wait3A_134] : memref<10240x128xf32, #tpu.memory_space<vmem_shared>> -> memref<640x128xf32, #tpu.memory_space<vmem_shared>>
      tpu.wait_dma2 semaphore(%run_scoped3A : memref<!tpu.dma_semaphore, #tpu.memory_space<semaphore_mem>>) src(%dma_wait3A_135 : memref<640x128xf32, #tpu.memory_space<vmem_shared>>) dst(%dma_wait3A_133 : memref<640x128xf32, #tpu.memory_space<hbm>>)
      tpu.yield
    }) : () -> ()
    %add3A_68 = arith.constant 0 : i32
    %add3A_69 = arith.addi %mul3A_2, %add3A_68 : i32
    "tpu.region"() ({
      %run_scoped3A = tpu.sem_alloc : memref<!tpu.dma_semaphore, #tpu.memory_space<semaphore_mem>>
      %dma_start3A = arith.constant 0 : i32
      %dma_start3A_128 = tpu.memref_slice %arg13[%add3A_69, %dma_start3A] : memref<10240x128xf32, #tpu.memory_space<vmem_shared>> -> memref<64x128xf32, #tpu.memory_space<vmem_shared>>
      %dma_start3A_129 = arith.constant 0 : i32
      %dma_start3A_130 = tpu.memref_slice %arg13[%add3A_69, %dma_start3A_129] : memref<10240x128xf32, #tpu.memory_space<vmem_shared>> -> memref<64x128xf32, #tpu.memory_space<vmem_shared>>
      tpu.enqueue_dma source(%arg12 : memref<64x128xf32, #tpu.memory_space<vmem>>) target(%dma_start3A_130 : memref<64x128xf32, #tpu.memory_space<vmem_shared>>) target_semaphore(%run_scoped3A : memref<!tpu.dma_semaphore, #tpu.memory_space<semaphore_mem>>)
      %dma_wait3A = arith.constant 0 : i32
      %dma_wait3A_131 = tpu.memref_slice %arg13[%add3A_69, %dma_wait3A] : memref<10240x128xf32, #tpu.memory_space<vmem_shared>> -> memref<64x128xf32, #tpu.memory_space<vmem_shared>>
      %dma_wait3A_132 = arith.constant 0 : i32
      %dma_wait3A_133 = tpu.memref_slice %arg13[%add3A_69, %dma_wait3A_132] : memref<10240x128xf32, #tpu.memory_space<vmem_shared>> -> memref<64x128xf32, #tpu.memory_space<vmem_shared>>
      tpu.wait_dma2 semaphore(%run_scoped3A : memref<!tpu.dma_semaphore, #tpu.memory_space<semaphore_mem>>) src(%arg12 : memref<64x128xf32, #tpu.memory_space<vmem>>) dst(%dma_wait3A_133 : memref<64x128xf32, #tpu.memory_space<vmem_shared>>)
      tpu.yield
    }) : () -> ()
    %add3A_70 = arith.constant 64 : i32
    %add3A_71 = arith.addi %mul3A_2, %add3A_70 : i32
    "tpu.region"() ({
      %run_scoped3A = tpu.sem_alloc : memref<!tpu.dma_semaphore, #tpu.memory_space<semaphore_mem>>
      %dma_start3A = arith.constant 0 : i32
      %dma_start3A_128 = tpu.memref_slice %arg13[%add3A_71, %dma_start3A] : memref<10240x128xf32, #tpu.memory_space<vmem_shared>> -> memref<64x128xf32, #tpu.memory_space<vmem_shared>>
      %dma_start3A_129 = arith.constant 0 : i32
      %dma_start3A_130 = tpu.memref_slice %arg13[%add3A_71, %dma_start3A_129] : memref<10240x128xf32, #tpu.memory_space<vmem_shared>> -> memref<64x128xf32, #tpu.memory_space<vmem_shared>>
      tpu.enqueue_dma source(%arg12 : memref<64x128xf32, #tpu.memory_space<vmem>>) target(%dma_start3A_130 : memref<64x128xf32, #tpu.memory_space<vmem_shared>>) target_semaphore(%run_scoped3A : memref<!tpu.dma_semaphore, #tpu.memory_space<semaphore_mem>>)
      %dma_wait3A = arith.constant 0 : i32
      %dma_wait3A_131 = tpu.memref_slice %arg13[%add3A_71, %dma_wait3A] : memref<10240x128xf32, #tpu.memory_space<vmem_shared>> -> memref<64x128xf32, #tpu.memory_space<vmem_shared>>
      %dma_wait3A_132 = arith.constant 0 : i32
      %dma_wait3A_133 = tpu.memref_slice %arg13[%add3A_71, %dma_wait3A_132] : memref<10240x128xf32, #tpu.memory_space<vmem_shared>> -> memref<64x128xf32, #tpu.memory_space<vmem_shared>>
      tpu.wait_dma2 semaphore(%run_scoped3A : memref<!tpu.dma_semaphore, #tpu.memory_space<semaphore_mem>>) src(%arg12 : memref<64x128xf32, #tpu.memory_space<vmem>>) dst(%dma_wait3A_133 : memref<64x128xf32, #tpu.memory_space<vmem_shared>>)
      tpu.yield
    }) : () -> ()
    %add3A_72 = arith.constant 128 : i32
    %add3A_73 = arith.addi %mul3A_2, %add3A_72 : i32
    "tpu.region"() ({
      %run_scoped3A = tpu.sem_alloc : memref<!tpu.dma_semaphore, #tpu.memory_space<semaphore_mem>>
      %dma_start3A = arith.constant 0 : i32
      %dma_start3A_128 = tpu.memref_slice %arg13[%add3A_73, %dma_start3A] : memref<10240x128xf32, #tpu.memory_space<vmem_shared>> -> memref<64x128xf32, #tpu.memory_space<vmem_shared>>
      %dma_start3A_129 = arith.constant 0 : i32
      %dma_start3A_130 = tpu.memref_slice %arg13[%add3A_73, %dma_start3A_129] : memref<10240x128xf32, #tpu.memory_space<vmem_shared>> -> memref<64x128xf32, #tpu.memory_space<vmem_shared>>
      tpu.enqueue_dma source(%arg12 : memref<64x128xf32, #tpu.memory_space<vmem>>) target(%dma_start3A_130 : memref<64x128xf32, #tpu.memory_space<vmem_shared>>) target_semaphore(%run_scoped3A : memref<!tpu.dma_semaphore, #tpu.memory_space<semaphore_mem>>)
      %dma_wait3A = arith.constant 0 : i32
      %dma_wait3A_131 = tpu.memref_slice %arg13[%add3A_73, %dma_wait3A] : memref<10240x128xf32, #tpu.memory_space<vmem_shared>> -> memref<64x128xf32, #tpu.memory_space<vmem_shared>>
      %dma_wait3A_132 = arith.constant 0 : i32
      %dma_wait3A_133 = tpu.memref_slice %arg13[%add3A_73, %dma_wait3A_132] : memref<10240x128xf32, #tpu.memory_space<vmem_shared>> -> memref<64x128xf32, #tpu.memory_space<vmem_shared>>
      tpu.wait_dma2 semaphore(%run_scoped3A : memref<!tpu.dma_semaphore, #tpu.memory_space<semaphore_mem>>) src(%arg12 : memref<64x128xf32, #tpu.memory_space<vmem>>) dst(%dma_wait3A_133 : memref<64x128xf32, #tpu.memory_space<vmem_shared>>)
      tpu.yield
    }) : () -> ()
    %add3A_74 = arith.constant 192 : i32
    %add3A_75 = arith.addi %mul3A_2, %add3A_74 : i32
    "tpu.region"() ({
      %run_scoped3A = tpu.sem_alloc : memref<!tpu.dma_semaphore, #tpu.memory_space<semaphore_mem>>
      %dma_start3A = arith.constant 0 : i32
      %dma_start3A_128 = tpu.memref_slice %arg13[%add3A_75, %dma_start3A] : memref<10240x128xf32, #tpu.memory_space<vmem_shared>> -> memref<64x128xf32, #tpu.memory_space<vmem_shared>>
      %dma_start3A_129 = arith.constant 0 : i32
      %dma_start3A_130 = tpu.memref_slice %arg13[%add3A_75, %dma_start3A_129] : memref<10240x128xf32, #tpu.memory_space<vmem_shared>> -> memref<64x128xf32, #tpu.memory_space<vmem_shared>>
      tpu.enqueue_dma source(%arg12 : memref<64x128xf32, #tpu.memory_space<vmem>>) target(%dma_start3A_130 : memref<64x128xf32, #tpu.memory_space<vmem_shared>>) target_semaphore(%run_scoped3A : memref<!tpu.dma_semaphore, #tpu.memory_space<semaphore_mem>>)
      %dma_wait3A = arith.constant 0 : i32
      %dma_wait3A_131 = tpu.memref_slice %arg13[%add3A_75, %dma_wait3A] : memref<10240x128xf32, #tpu.memory_space<vmem_shared>> -> memref<64x128xf32, #tpu.memory_space<vmem_shared>>
      %dma_wait3A_132 = arith.constant 0 : i32
      %dma_wait3A_133 = tpu.memref_slice %arg13[%add3A_75, %dma_wait3A_132] : memref<10240x128xf32, #tpu.memory_space<vmem_shared>> -> memref<64x128xf32, #tpu.memory_space<vmem_shared>>
      tpu.wait_dma2 semaphore(%run_scoped3A : memref<!tpu.dma_semaphore, #tpu.memory_space<semaphore_mem>>) src(%arg12 : memref<64x128xf32, #tpu.memory_space<vmem>>) dst(%dma_wait3A_133 : memref<64x128xf32, #tpu.memory_space<vmem_shared>>)
      tpu.yield
    }) : () -> ()
    %add3A_76 = arith.constant 256 : i32
    %add3A_77 = arith.addi %mul3A_2, %add3A_76 : i32
    "tpu.region"() ({
      %run_scoped3A = tpu.sem_alloc : memref<!tpu.dma_semaphore, #tpu.memory_space<semaphore_mem>>
      %dma_start3A = arith.constant 0 : i32
      %dma_start3A_128 = tpu.memref_slice %arg13[%add3A_77, %dma_start3A] : memref<10240x128xf32, #tpu.memory_space<vmem_shared>> -> memref<64x128xf32, #tpu.memory_space<vmem_shared>>
      %dma_start3A_129 = arith.constant 0 : i32
      %dma_start3A_130 = tpu.memref_slice %arg13[%add3A_77, %dma_start3A_129] : memref<10240x128xf32, #tpu.memory_space<vmem_shared>> -> memref<64x128xf32, #tpu.memory_space<vmem_shared>>
      tpu.enqueue_dma source(%arg12 : memref<64x128xf32, #tpu.memory_space<vmem>>) target(%dma_start3A_130 : memref<64x128xf32, #tpu.memory_space<vmem_shared>>) target_semaphore(%run_scoped3A : memref<!tpu.dma_semaphore, #tpu.memory_space<semaphore_mem>>)
      %dma_wait3A = arith.constant 0 : i32
      %dma_wait3A_131 = tpu.memref_slice %arg13[%add3A_77, %dma_wait3A] : memref<10240x128xf32, #tpu.memory_space<vmem_shared>> -> memref<64x128xf32, #tpu.memory_space<vmem_shared>>
      %dma_wait3A_132 = arith.constant 0 : i32
      %dma_wait3A_133 = tpu.memref_slice %arg13[%add3A_77, %dma_wait3A_132] : memref<10240x128xf32, #tpu.memory_space<vmem_shared>> -> memref<64x128xf32, #tpu.memory_space<vmem_shared>>
      tpu.wait_dma2 semaphore(%run_scoped3A : memref<!tpu.dma_semaphore, #tpu.memory_space<semaphore_mem>>) src(%arg12 : memref<64x128xf32, #tpu.memory_space<vmem>>) dst(%dma_wait3A_133 : memref<64x128xf32, #tpu.memory_space<vmem_shared>>)
      tpu.yield
    }) : () -> ()
    %add3A_78 = arith.constant 320 : i32
    %add3A_79 = arith.addi %mul3A_2, %add3A_78 : i32
    "tpu.region"() ({
      %run_scoped3A = tpu.sem_alloc : memref<!tpu.dma_semaphore, #tpu.memory_space<semaphore_mem>>
      %dma_start3A = arith.constant 0 : i32
      %dma_start3A_128 = tpu.memref_slice %arg13[%add3A_79, %dma_start3A] : memref<10240x128xf32, #tpu.memory_space<vmem_shared>> -> memref<64x128xf32, #tpu.memory_space<vmem_shared>>
      %dma_start3A_129 = arith.constant 0 : i32
      %dma_start3A_130 = tpu.memref_slice %arg13[%add3A_79, %dma_start3A_129] : memref<10240x128xf32, #tpu.memory_space<vmem_shared>> -> memref<64x128xf32, #tpu.memory_space<vmem_shared>>
      tpu.enqueue_dma source(%arg12 : memref<64x128xf32, #tpu.memory_space<vmem>>) target(%dma_start3A_130 : memref<64x128xf32, #tpu.memory_space<vmem_shared>>) target_semaphore(%run_scoped3A : memref<!tpu.dma_semaphore, #tpu.memory_space<semaphore_mem>>)
      %dma_wait3A = arith.constant 0 : i32
      %dma_wait3A_131 = tpu.memref_slice %arg13[%add3A_79, %dma_wait3A] : memref<10240x128xf32, #tpu.memory_space<vmem_shared>> -> memref<64x128xf32, #tpu.memory_space<vmem_shared>>
      %dma_wait3A_132 = arith.constant 0 : i32
      %dma_wait3A_133 = tpu.memref_slice %arg13[%add3A_79, %dma_wait3A_132] : memref<10240x128xf32, #tpu.memory_space<vmem_shared>> -> memref<64x128xf32, #tpu.memory_space<vmem_shared>>
      tpu.wait_dma2 semaphore(%run_scoped3A : memref<!tpu.dma_semaphore, #tpu.memory_space<semaphore_mem>>) src(%arg12 : memref<64x128xf32, #tpu.memory_space<vmem>>) dst(%dma_wait3A_133 : memref<64x128xf32, #tpu.memory_space<vmem_shared>>)
      tpu.yield
    }) : () -> ()
    %add3A_80 = arith.constant 384 : i32
    %add3A_81 = arith.addi %mul3A_2, %add3A_80 : i32
    "tpu.region"() ({
      %run_scoped3A = tpu.sem_alloc : memref<!tpu.dma_semaphore, #tpu.memory_space<semaphore_mem>>
      %dma_start3A = arith.constant 0 : i32
      %dma_start3A_128 = tpu.memref_slice %arg13[%add3A_81, %dma_start3A] : memref<10240x128xf32, #tpu.memory_space<vmem_shared>> -> memref<64x128xf32, #tpu.memory_space<vmem_shared>>
      %dma_start3A_129 = arith.constant 0 : i32
      %dma_start3A_130 = tpu.memref_slice %arg13[%add3A_81, %dma_start3A_129] : memref<10240x128xf32, #tpu.memory_space<vmem_shared>> -> memref<64x128xf32, #tpu.memory_space<vmem_shared>>
      tpu.enqueue_dma source(%arg12 : memref<64x128xf32, #tpu.memory_space<vmem>>) target(%dma_start3A_130 : memref<64x128xf32, #tpu.memory_space<vmem_shared>>) target_semaphore(%run_scoped3A : memref<!tpu.dma_semaphore, #tpu.memory_space<semaphore_mem>>)
      %dma_wait3A = arith.constant 0 : i32
      %dma_wait3A_131 = tpu.memref_slice %arg13[%add3A_81, %dma_wait3A] : memref<10240x128xf32, #tpu.memory_space<vmem_shared>> -> memref<64x128xf32, #tpu.memory_space<vmem_shared>>
      %dma_wait3A_132 = arith.constant 0 : i32
      %dma_wait3A_133 = tpu.memref_slice %arg13[%add3A_81, %dma_wait3A_132] : memref<10240x128xf32, #tpu.memory_space<vmem_shared>> -> memref<64x128xf32, #tpu.memory_space<vmem_shared>>
      tpu.wait_dma2 semaphore(%run_scoped3A : memref<!tpu.dma_semaphore, #tpu.memory_space<semaphore_mem>>) src(%arg12 : memref<64x128xf32, #tpu.memory_space<vmem>>) dst(%dma_wait3A_133 : memref<64x128xf32, #tpu.memory_space<vmem_shared>>)
      tpu.yield
    }) : () -> ()
    %add3A_82 = arith.constant 448 : i32
    %add3A_83 = arith.addi %mul3A_2, %add3A_82 : i32
    "tpu.region"() ({
      %run_scoped3A = tpu.sem_alloc : memref<!tpu.dma_semaphore, #tpu.memory_space<semaphore_mem>>
      %dma_start3A = arith.constant 0 : i32
      %dma_start3A_128 = tpu.memref_slice %arg13[%add3A_83, %dma_start3A] : memref<10240x128xf32, #tpu.memory_space<vmem_shared>> -> memref<64x128xf32, #tpu.memory_space<vmem_shared>>
      %dma_start3A_129 = arith.constant 0 : i32
      %dma_start3A_130 = tpu.memref_slice %arg13[%add3A_83, %dma_start3A_129] : memref<10240x128xf32, #tpu.memory_space<vmem_shared>> -> memref<64x128xf32, #tpu.memory_space<vmem_shared>>
      tpu.enqueue_dma source(%arg12 : memref<64x128xf32, #tpu.memory_space<vmem>>) target(%dma_start3A_130 : memref<64x128xf32, #tpu.memory_space<vmem_shared>>) target_semaphore(%run_scoped3A : memref<!tpu.dma_semaphore, #tpu.memory_space<semaphore_mem>>)
      %dma_wait3A = arith.constant 0 : i32
      %dma_wait3A_131 = tpu.memref_slice %arg13[%add3A_83, %dma_wait3A] : memref<10240x128xf32, #tpu.memory_space<vmem_shared>> -> memref<64x128xf32, #tpu.memory_space<vmem_shared>>
      %dma_wait3A_132 = arith.constant 0 : i32
      %dma_wait3A_133 = tpu.memref_slice %arg13[%add3A_83, %dma_wait3A_132] : memref<10240x128xf32, #tpu.memory_space<vmem_shared>> -> memref<64x128xf32, #tpu.memory_space<vmem_shared>>
      tpu.wait_dma2 semaphore(%run_scoped3A : memref<!tpu.dma_semaphore, #tpu.memory_space<semaphore_mem>>) src(%arg12 : memref<64x128xf32, #tpu.memory_space<vmem>>) dst(%dma_wait3A_133 : memref<64x128xf32, #tpu.memory_space<vmem_shared>>)
      tpu.yield
    }) : () -> ()
    %add3A_84 = arith.constant 512 : i32
    %add3A_85 = arith.addi %mul3A_2, %add3A_84 : i32
    "tpu.region"() ({
      %run_scoped3A = tpu.sem_alloc : memref<!tpu.dma_semaphore, #tpu.memory_space<semaphore_mem>>
      %dma_start3A = arith.constant 0 : i32
      %dma_start3A_128 = tpu.memref_slice %arg13[%add3A_85, %dma_start3A] : memref<10240x128xf32, #tpu.memory_space<vmem_shared>> -> memref<64x128xf32, #tpu.memory_space<vmem_shared>>
      %dma_start3A_129 = arith.constant 0 : i32
      %dma_start3A_130 = tpu.memref_slice %arg13[%add3A_85, %dma_start3A_129] : memref<10240x128xf32, #tpu.memory_space<vmem_shared>> -> memref<64x128xf32, #tpu.memory_space<vmem_shared>>
      tpu.enqueue_dma source(%arg12 : memref<64x128xf32, #tpu.memory_space<vmem>>) target(%dma_start3A_130 : memref<64x128xf32, #tpu.memory_space<vmem_shared>>) target_semaphore(%run_scoped3A : memref<!tpu.dma_semaphore, #tpu.memory_space<semaphore_mem>>)
      %dma_wait3A = arith.constant 0 : i32
      %dma_wait3A_131 = tpu.memref_slice %arg13[%add3A_85, %dma_wait3A] : memref<10240x128xf32, #tpu.memory_space<vmem_shared>> -> memref<64x128xf32, #tpu.memory_space<vmem_shared>>
      %dma_wait3A_132 = arith.constant 0 : i32
      %dma_wait3A_133 = tpu.memref_slice %arg13[%add3A_85, %dma_wait3A_132] : memref<10240x128xf32, #tpu.memory_space<vmem_shared>> -> memref<64x128xf32, #tpu.memory_space<vmem_shared>>
      tpu.wait_dma2 semaphore(%run_scoped3A : memref<!tpu.dma_semaphore, #tpu.memory_space<semaphore_mem>>) src(%arg12 : memref<64x128xf32, #tpu.memory_space<vmem>>) dst(%dma_wait3A_133 : memref<64x128xf32, #tpu.memory_space<vmem_shared>>)
      tpu.yield
    }) : () -> ()
    %add3A_86 = arith.constant 576 : i32
    %add3A_87 = arith.addi %mul3A_2, %add3A_86 : i32
    "tpu.region"() ({
      %run_scoped3A = tpu.sem_alloc : memref<!tpu.dma_semaphore, #tpu.memory_space<semaphore_mem>>
      %dma_start3A = arith.constant 0 : i32
      %dma_start3A_128 = tpu.memref_slice %arg13[%add3A_87, %dma_start3A] : memref<10240x128xf32, #tpu.memory_space<vmem_shared>> -> memref<64x128xf32, #tpu.memory_space<vmem_shared>>
      %dma_start3A_129 = arith.constant 0 : i32
      %dma_start3A_130 = tpu.memref_slice %arg13[%add3A_87, %dma_start3A_129] : memref<10240x128xf32, #tpu.memory_space<vmem_shared>> -> memref<64x128xf32, #tpu.memory_space<vmem_shared>>
      tpu.enqueue_dma source(%arg12 : memref<64x128xf32, #tpu.memory_space<vmem>>) target(%dma_start3A_130 : memref<64x128xf32, #tpu.memory_space<vmem_shared>>) target_semaphore(%run_scoped3A : memref<!tpu.dma_semaphore, #tpu.memory_space<semaphore_mem>>)
      %dma_wait3A = arith.constant 0 : i32
      %dma_wait3A_131 = tpu.memref_slice %arg13[%add3A_87, %dma_wait3A] : memref<10240x128xf32, #tpu.memory_space<vmem_shared>> -> memref<64x128xf32, #tpu.memory_space<vmem_shared>>
      %dma_wait3A_132 = arith.constant 0 : i32
      %dma_wait3A_133 = tpu.memref_slice %arg13[%add3A_87, %dma_wait3A_132] : memref<10240x128xf32, #tpu.memory_space<vmem_shared>> -> memref<64x128xf32, #tpu.memory_space<vmem_shared>>
      tpu.wait_dma2 semaphore(%run_scoped3A : memref<!tpu.dma_semaphore, #tpu.memory_space<semaphore_mem>>) src(%arg12 : memref<64x128xf32, #tpu.memory_space<vmem>>) dst(%dma_wait3A_133 : memref<64x128xf32, #tpu.memory_space<vmem_shared>>)
      tpu.yield
    }) : () -> ()
    %barrier3A_88 = arith.constant 0 : index
    tpu.barrier barrier_id(%barrier3A_88)
    %scan3A_89 = arith.constant 0 : i32
    %scan3A_90 = arith.constant 0 : i32
    %scan3A_91 = arith.constant 40 : i32
    %scan3A_92 = arith.addi %scan3A_90, %scan3A_91 : i32
    %scan3A_93 = arith.constant 1 : i32
    scf.for %scan3A_128 = %scan3A_90 to %scan3A_92 step %scan3A_93  : i32 {
      "tpu.region"() ({
        %run_scoped3A = tpu.sem_alloc : memref<!tpu.dma_semaphore, #tpu.memory_space<semaphore_mem>>
        %dma_start3A = arith.constant 0 : i32
        %dma_start3A_129 = tpu.memref_slice %arg9[%scan3A_128, %dma_start3A] : memref<40x128xi32, #tpu.memory_space<vmem>> -> memref<1x128xi32, #tpu.memory_space<vmem>>
        %dma_start3A_130 = tpu.memref_squeeze %dma_start3A_129 : memref<1x128xi32, #tpu.memory_space<vmem>> -> memref<128xi32, #tpu.memory_space<vmem>>
        %dma_start3A_131 = arith.constant 0 : i32
        %dma_start3A_132 = arith.constant 0 : i32
        %dma_start3A_133 = tpu.memref_slice %arg4[%dma_start3A_131, %dma_start3A_132] : memref<10240x128xf32, #tpu.memory_space<hbm>> -> memref<10240x128xf32, #tpu.memory_space<hbm>>
        tpu.enqueue_indirect_dma source(%dma_start3A_133 : memref<10240x128xf32, #tpu.memory_space<hbm>>) target(%arg11 : memref<128x128xf32, #tpu.memory_space<vmem>>) offsets(%dma_start3A_130 : memref<128xi32, #tpu.memory_space<vmem>>) semaphore(%run_scoped3A : memref<!tpu.dma_semaphore, #tpu.memory_space<semaphore_mem>>)
        %dma_wait3A = arith.constant 0 : i32
        %dma_wait3A_134 = tpu.memref_slice %arg9[%scan3A_128, %dma_wait3A] : memref<40x128xi32, #tpu.memory_space<vmem>> -> memref<1x128xi32, #tpu.memory_space<vmem>>
        %dma_wait3A_135 = tpu.memref_squeeze %dma_wait3A_134 : memref<1x128xi32, #tpu.memory_space<vmem>> -> memref<128xi32, #tpu.memory_space<vmem>>
        %dma_wait3A_136 = arith.constant 0 : i32
        %dma_wait3A_137 = arith.constant 0 : i32
        %dma_wait3A_138 = tpu.memref_slice %arg4[%dma_wait3A_136, %dma_wait3A_137] : memref<10240x128xf32, #tpu.memory_space<hbm>> -> memref<10240x128xf32, #tpu.memory_space<hbm>>
        tpu.wait_indirect_dma semaphore(%run_scoped3A : memref<!tpu.dma_semaphore, #tpu.memory_space<semaphore_mem>>) src(%dma_wait3A_138 : memref<10240x128xf32, #tpu.memory_space<hbm>>) dst(%arg11 : memref<128x128xf32, #tpu.memory_space<vmem>>)
        tpu.yield
      }) : () -> ()
      "tpu.region"() ({
        %run_scoped3A = tpu.sem_alloc : memref<!tpu.dma_semaphore, #tpu.memory_space<semaphore_mem>>
        %dma_start3A = arith.constant 0 : i32
        %dma_start3A_129 = tpu.memref_slice %arg10[%scan3A_128, %dma_start3A] : memref<40x128xi32, #tpu.memory_space<vmem>> -> memref<1x128xi32, #tpu.memory_space<vmem>>
        %dma_start3A_130 = tpu.memref_squeeze %dma_start3A_129 : memref<1x128xi32, #tpu.memory_space<vmem>> -> memref<128xi32, #tpu.memory_space<vmem>>
        %dma_start3A_131 = arith.constant 0 : i32
        %dma_start3A_132 = arith.constant 0 : i32
        %dma_start3A_133 = tpu.memref_slice %arg13[%dma_start3A_131, %dma_start3A_132] : memref<10240x128xf32, #tpu.memory_space<vmem_shared>> -> memref<10240x128xf32, #tpu.memory_space<vmem_shared>>
        tpu.enqueue_indirect_dma source(%arg11 : memref<128x128xf32, #tpu.memory_space<vmem>>) target(%dma_start3A_133 : memref<10240x128xf32, #tpu.memory_space<vmem_shared>>) offsets(%dma_start3A_130 : memref<128xi32, #tpu.memory_space<vmem>>) semaphore(%run_scoped3A : memref<!tpu.dma_semaphore, #tpu.memory_space<semaphore_mem>>) {add = true}
        %dma_wait3A = arith.constant 0 : i32
        %dma_wait3A_134 = tpu.memref_slice %arg10[%scan3A_128, %dma_wait3A] : memref<40x128xi32, #tpu.memory_space<vmem>> -> memref<1x128xi32, #tpu.memory_space<vmem>>
        %dma_wait3A_135 = tpu.memref_squeeze %dma_wait3A_134 : memref<1x128xi32, #tpu.memory_space<vmem>> -> memref<128xi32, #tpu.memory_space<vmem>>
        %dma_wait3A_136 = arith.constant 0 : i32
        %dma_wait3A_137 = arith.constant 0 : i32
        %dma_wait3A_138 = tpu.memref_slice %arg13[%dma_wait3A_136, %dma_wait3A_137] : memref<10240x128xf32, #tpu.memory_space<vmem_shared>> -> memref<10240x128xf32, #tpu.memory_space<vmem_shared>>
        tpu.wait_indirect_dma semaphore(%run_scoped3A : memref<!tpu.dma_semaphore, #tpu.memory_space<semaphore_mem>>) src(%arg11 : memref<128x128xf32, #tpu.memory_space<vmem>>) dst(%dma_wait3A_138 : memref<10240x128xf32, #tpu.memory_space<vmem_shared>>)
        tpu.yield
      }) : () -> ()
    }
    %scan3A_94 = arith.constant 40 : i32
    %barrier3A_95 = arith.constant 0 : index
    tpu.barrier barrier_id(%barrier3A_95)
    %add3A_96 = arith.constant 20480 : i32
    %add3A_97 = arith.addi %add3A_96, %mul3A_2 : i32
    "tpu.region"() ({
      %run_scoped3A = tpu.sem_alloc : memref<!tpu.dma_semaphore, #tpu.memory_space<semaphore_mem>>
      %dma_start3A = arith.constant 0 : i32
      %dma_start3A_128 = tpu.memref_slice %arg8[%arg0, %add3A_97, %dma_start3A] : memref<2x40960x128xf32, #tpu.memory_space<hbm>> -> memref<1x640x128xf32, #tpu.memory_space<hbm>>
      %dma_start3A_129 = tpu.memref_squeeze %dma_start3A_128 : memref<1x640x128xf32, #tpu.memory_space<hbm>> -> memref<640x128xf32, #tpu.memory_space<hbm>>
      %dma_start3A_130 = arith.constant 0 : i32
      %dma_start3A_131 = tpu.memref_slice %arg13[%mul3A_2, %dma_start3A_130] : memref<10240x128xf32, #tpu.memory_space<vmem_shared>> -> memref<640x128xf32, #tpu.memory_space<vmem_shared>>
      tpu.enqueue_dma source(%dma_start3A_131 : memref<640x128xf32, #tpu.memory_space<vmem_shared>>) target(%dma_start3A_129 : memref<640x128xf32, #tpu.memory_space<hbm>>) target_semaphore(%run_scoped3A : memref<!tpu.dma_semaphore, #tpu.memory_space<semaphore_mem>>)
      %dma_wait3A = arith.constant 0 : i32
      %dma_wait3A_132 = tpu.memref_slice %arg8[%arg0, %add3A_97, %dma_wait3A] : memref<2x40960x128xf32, #tpu.memory_space<hbm>> -> memref<1x640x128xf32, #tpu.memory_space<hbm>>
      %dma_wait3A_133 = tpu.memref_squeeze %dma_wait3A_132 : memref<1x640x128xf32, #tpu.memory_space<hbm>> -> memref<640x128xf32, #tpu.memory_space<hbm>>
      %dma_wait3A_134 = arith.constant 0 : i32
      %dma_wait3A_135 = tpu.memref_slice %arg13[%mul3A_2, %dma_wait3A_134] : memref<10240x128xf32, #tpu.memory_space<vmem_shared>> -> memref<640x128xf32, #tpu.memory_space<vmem_shared>>
      tpu.wait_dma2 semaphore(%run_scoped3A : memref<!tpu.dma_semaphore, #tpu.memory_space<semaphore_mem>>) src(%dma_wait3A_135 : memref<640x128xf32, #tpu.memory_space<vmem_shared>>) dst(%dma_wait3A_133 : memref<640x128xf32, #tpu.memory_space<hbm>>)
      tpu.yield
    }) : () -> ()
    %add3A_98 = arith.constant 0 : i32
    %add3A_99 = arith.addi %mul3A_2, %add3A_98 : i32
    "tpu.region"() ({
      %run_scoped3A = tpu.sem_alloc : memref<!tpu.dma_semaphore, #tpu.memory_space<semaphore_mem>>
      %dma_start3A = arith.constant 0 : i32
      %dma_start3A_128 = tpu.memref_slice %arg13[%add3A_99, %dma_start3A] : memref<10240x128xf32, #tpu.memory_space<vmem_shared>> -> memref<64x128xf32, #tpu.memory_space<vmem_shared>>
      %dma_start3A_129 = arith.constant 0 : i32
      %dma_start3A_130 = tpu.memref_slice %arg13[%add3A_99, %dma_start3A_129] : memref<10240x128xf32, #tpu.memory_space<vmem_shared>> -> memref<64x128xf32, #tpu.memory_space<vmem_shared>>
      tpu.enqueue_dma source(%arg12 : memref<64x128xf32, #tpu.memory_space<vmem>>) target(%dma_start3A_130 : memref<64x128xf32, #tpu.memory_space<vmem_shared>>) target_semaphore(%run_scoped3A : memref<!tpu.dma_semaphore, #tpu.memory_space<semaphore_mem>>)
      %dma_wait3A = arith.constant 0 : i32
      %dma_wait3A_131 = tpu.memref_slice %arg13[%add3A_99, %dma_wait3A] : memref<10240x128xf32, #tpu.memory_space<vmem_shared>> -> memref<64x128xf32, #tpu.memory_space<vmem_shared>>
      %dma_wait3A_132 = arith.constant 0 : i32
      %dma_wait3A_133 = tpu.memref_slice %arg13[%add3A_99, %dma_wait3A_132] : memref<10240x128xf32, #tpu.memory_space<vmem_shared>> -> memref<64x128xf32, #tpu.memory_space<vmem_shared>>
      tpu.wait_dma2 semaphore(%run_scoped3A : memref<!tpu.dma_semaphore, #tpu.memory_space<semaphore_mem>>) src(%arg12 : memref<64x128xf32, #tpu.memory_space<vmem>>) dst(%dma_wait3A_133 : memref<64x128xf32, #tpu.memory_space<vmem_shared>>)
      tpu.yield
    }) : () -> ()
    %add3A_100 = arith.constant 64 : i32
    %add3A_101 = arith.addi %mul3A_2, %add3A_100 : i32
    "tpu.region"() ({
      %run_scoped3A = tpu.sem_alloc : memref<!tpu.dma_semaphore, #tpu.memory_space<semaphore_mem>>
      %dma_start3A = arith.constant 0 : i32
      %dma_start3A_128 = tpu.memref_slice %arg13[%add3A_101, %dma_start3A] : memref<10240x128xf32, #tpu.memory_space<vmem_shared>> -> memref<64x128xf32, #tpu.memory_space<vmem_shared>>
      %dma_start3A_129 = arith.constant 0 : i32
      %dma_start3A_130 = tpu.memref_slice %arg13[%add3A_101, %dma_start3A_129] : memref<10240x128xf32, #tpu.memory_space<vmem_shared>> -> memref<64x128xf32, #tpu.memory_space<vmem_shared>>
      tpu.enqueue_dma source(%arg12 : memref<64x128xf32, #tpu.memory_space<vmem>>) target(%dma_start3A_130 : memref<64x128xf32, #tpu.memory_space<vmem_shared>>) target_semaphore(%run_scoped3A : memref<!tpu.dma_semaphore, #tpu.memory_space<semaphore_mem>>)
      %dma_wait3A = arith.constant 0 : i32
      %dma_wait3A_131 = tpu.memref_slice %arg13[%add3A_101, %dma_wait3A] : memref<10240x128xf32, #tpu.memory_space<vmem_shared>> -> memref<64x128xf32, #tpu.memory_space<vmem_shared>>
      %dma_wait3A_132 = arith.constant 0 : i32
      %dma_wait3A_133 = tpu.memref_slice %arg13[%add3A_101, %dma_wait3A_132] : memref<10240x128xf32, #tpu.memory_space<vmem_shared>> -> memref<64x128xf32, #tpu.memory_space<vmem_shared>>
      tpu.wait_dma2 semaphore(%run_scoped3A : memref<!tpu.dma_semaphore, #tpu.memory_space<semaphore_mem>>) src(%arg12 : memref<64x128xf32, #tpu.memory_space<vmem>>) dst(%dma_wait3A_133 : memref<64x128xf32, #tpu.memory_space<vmem_shared>>)
      tpu.yield
    }) : () -> ()
    %add3A_102 = arith.constant 128 : i32
    %add3A_103 = arith.addi %mul3A_2, %add3A_102 : i32
    "tpu.region"() ({
      %run_scoped3A = tpu.sem_alloc : memref<!tpu.dma_semaphore, #tpu.memory_space<semaphore_mem>>
      %dma_start3A = arith.constant 0 : i32
      %dma_start3A_128 = tpu.memref_slice %arg13[%add3A_103, %dma_start3A] : memref<10240x128xf32, #tpu.memory_space<vmem_shared>> -> memref<64x128xf32, #tpu.memory_space<vmem_shared>>
      %dma_start3A_129 = arith.constant 0 : i32
      %dma_start3A_130 = tpu.memref_slice %arg13[%add3A_103, %dma_start3A_129] : memref<10240x128xf32, #tpu.memory_space<vmem_shared>> -> memref<64x128xf32, #tpu.memory_space<vmem_shared>>
      tpu.enqueue_dma source(%arg12 : memref<64x128xf32, #tpu.memory_space<vmem>>) target(%dma_start3A_130 : memref<64x128xf32, #tpu.memory_space<vmem_shared>>) target_semaphore(%run_scoped3A : memref<!tpu.dma_semaphore, #tpu.memory_space<semaphore_mem>>)
      %dma_wait3A = arith.constant 0 : i32
      %dma_wait3A_131 = tpu.memref_slice %arg13[%add3A_103, %dma_wait3A] : memref<10240x128xf32, #tpu.memory_space<vmem_shared>> -> memref<64x128xf32, #tpu.memory_space<vmem_shared>>
      %dma_wait3A_132 = arith.constant 0 : i32
      %dma_wait3A_133 = tpu.memref_slice %arg13[%add3A_103, %dma_wait3A_132] : memref<10240x128xf32, #tpu.memory_space<vmem_shared>> -> memref<64x128xf32, #tpu.memory_space<vmem_shared>>
      tpu.wait_dma2 semaphore(%run_scoped3A : memref<!tpu.dma_semaphore, #tpu.memory_space<semaphore_mem>>) src(%arg12 : memref<64x128xf32, #tpu.memory_space<vmem>>) dst(%dma_wait3A_133 : memref<64x128xf32, #tpu.memory_space<vmem_shared>>)
      tpu.yield
    }) : () -> ()
    %add3A_104 = arith.constant 192 : i32
    %add3A_105 = arith.addi %mul3A_2, %add3A_104 : i32
    "tpu.region"() ({
      %run_scoped3A = tpu.sem_alloc : memref<!tpu.dma_semaphore, #tpu.memory_space<semaphore_mem>>
      %dma_start3A = arith.constant 0 : i32
      %dma_start3A_128 = tpu.memref_slice %arg13[%add3A_105, %dma_start3A] : memref<10240x128xf32, #tpu.memory_space<vmem_shared>> -> memref<64x128xf32, #tpu.memory_space<vmem_shared>>
      %dma_start3A_129 = arith.constant 0 : i32
      %dma_start3A_130 = tpu.memref_slice %arg13[%add3A_105, %dma_start3A_129] : memref<10240x128xf32, #tpu.memory_space<vmem_shared>> -> memref<64x128xf32, #tpu.memory_space<vmem_shared>>
      tpu.enqueue_dma source(%arg12 : memref<64x128xf32, #tpu.memory_space<vmem>>) target(%dma_start3A_130 : memref<64x128xf32, #tpu.memory_space<vmem_shared>>) target_semaphore(%run_scoped3A : memref<!tpu.dma_semaphore, #tpu.memory_space<semaphore_mem>>)
      %dma_wait3A = arith.constant 0 : i32
      %dma_wait3A_131 = tpu.memref_slice %arg13[%add3A_105, %dma_wait3A] : memref<10240x128xf32, #tpu.memory_space<vmem_shared>> -> memref<64x128xf32, #tpu.memory_space<vmem_shared>>
      %dma_wait3A_132 = arith.constant 0 : i32
      %dma_wait3A_133 = tpu.memref_slice %arg13[%add3A_105, %dma_wait3A_132] : memref<10240x128xf32, #tpu.memory_space<vmem_shared>> -> memref<64x128xf32, #tpu.memory_space<vmem_shared>>
      tpu.wait_dma2 semaphore(%run_scoped3A : memref<!tpu.dma_semaphore, #tpu.memory_space<semaphore_mem>>) src(%arg12 : memref<64x128xf32, #tpu.memory_space<vmem>>) dst(%dma_wait3A_133 : memref<64x128xf32, #tpu.memory_space<vmem_shared>>)
      tpu.yield
    }) : () -> ()
    %add3A_106 = arith.constant 256 : i32
    %add3A_107 = arith.addi %mul3A_2, %add3A_106 : i32
    "tpu.region"() ({
      %run_scoped3A = tpu.sem_alloc : memref<!tpu.dma_semaphore, #tpu.memory_space<semaphore_mem>>
      %dma_start3A = arith.constant 0 : i32
      %dma_start3A_128 = tpu.memref_slice %arg13[%add3A_107, %dma_start3A] : memref<10240x128xf32, #tpu.memory_space<vmem_shared>> -> memref<64x128xf32, #tpu.memory_space<vmem_shared>>
      %dma_start3A_129 = arith.constant 0 : i32
      %dma_start3A_130 = tpu.memref_slice %arg13[%add3A_107, %dma_start3A_129] : memref<10240x128xf32, #tpu.memory_space<vmem_shared>> -> memref<64x128xf32, #tpu.memory_space<vmem_shared>>
      tpu.enqueue_dma source(%arg12 : memref<64x128xf32, #tpu.memory_space<vmem>>) target(%dma_start3A_130 : memref<64x128xf32, #tpu.memory_space<vmem_shared>>) target_semaphore(%run_scoped3A : memref<!tpu.dma_semaphore, #tpu.memory_space<semaphore_mem>>)
      %dma_wait3A = arith.constant 0 : i32
      %dma_wait3A_131 = tpu.memref_slice %arg13[%add3A_107, %dma_wait3A] : memref<10240x128xf32, #tpu.memory_space<vmem_shared>> -> memref<64x128xf32, #tpu.memory_space<vmem_shared>>
      %dma_wait3A_132 = arith.constant 0 : i32
      %dma_wait3A_133 = tpu.memref_slice %arg13[%add3A_107, %dma_wait3A_132] : memref<10240x128xf32, #tpu.memory_space<vmem_shared>> -> memref<64x128xf32, #tpu.memory_space<vmem_shared>>
      tpu.wait_dma2 semaphore(%run_scoped3A : memref<!tpu.dma_semaphore, #tpu.memory_space<semaphore_mem>>) src(%arg12 : memref<64x128xf32, #tpu.memory_space<vmem>>) dst(%dma_wait3A_133 : memref<64x128xf32, #tpu.memory_space<vmem_shared>>)
      tpu.yield
    }) : () -> ()
    %add3A_108 = arith.constant 320 : i32
    %add3A_109 = arith.addi %mul3A_2, %add3A_108 : i32
    "tpu.region"() ({
      %run_scoped3A = tpu.sem_alloc : memref<!tpu.dma_semaphore, #tpu.memory_space<semaphore_mem>>
      %dma_start3A = arith.constant 0 : i32
      %dma_start3A_128 = tpu.memref_slice %arg13[%add3A_109, %dma_start3A] : memref<10240x128xf32, #tpu.memory_space<vmem_shared>> -> memref<64x128xf32, #tpu.memory_space<vmem_shared>>
      %dma_start3A_129 = arith.constant 0 : i32
      %dma_start3A_130 = tpu.memref_slice %arg13[%add3A_109, %dma_start3A_129] : memref<10240x128xf32, #tpu.memory_space<vmem_shared>> -> memref<64x128xf32, #tpu.memory_space<vmem_shared>>
      tpu.enqueue_dma source(%arg12 : memref<64x128xf32, #tpu.memory_space<vmem>>) target(%dma_start3A_130 : memref<64x128xf32, #tpu.memory_space<vmem_shared>>) target_semaphore(%run_scoped3A : memref<!tpu.dma_semaphore, #tpu.memory_space<semaphore_mem>>)
      %dma_wait3A = arith.constant 0 : i32
      %dma_wait3A_131 = tpu.memref_slice %arg13[%add3A_109, %dma_wait3A] : memref<10240x128xf32, #tpu.memory_space<vmem_shared>> -> memref<64x128xf32, #tpu.memory_space<vmem_shared>>
      %dma_wait3A_132 = arith.constant 0 : i32
      %dma_wait3A_133 = tpu.memref_slice %arg13[%add3A_109, %dma_wait3A_132] : memref<10240x128xf32, #tpu.memory_space<vmem_shared>> -> memref<64x128xf32, #tpu.memory_space<vmem_shared>>
      tpu.wait_dma2 semaphore(%run_scoped3A : memref<!tpu.dma_semaphore, #tpu.memory_space<semaphore_mem>>) src(%arg12 : memref<64x128xf32, #tpu.memory_space<vmem>>) dst(%dma_wait3A_133 : memref<64x128xf32, #tpu.memory_space<vmem_shared>>)
      tpu.yield
    }) : () -> ()
    %add3A_110 = arith.constant 384 : i32
    %add3A_111 = arith.addi %mul3A_2, %add3A_110 : i32
    "tpu.region"() ({
      %run_scoped3A = tpu.sem_alloc : memref<!tpu.dma_semaphore, #tpu.memory_space<semaphore_mem>>
      %dma_start3A = arith.constant 0 : i32
      %dma_start3A_128 = tpu.memref_slice %arg13[%add3A_111, %dma_start3A] : memref<10240x128xf32, #tpu.memory_space<vmem_shared>> -> memref<64x128xf32, #tpu.memory_space<vmem_shared>>
      %dma_start3A_129 = arith.constant 0 : i32
      %dma_start3A_130 = tpu.memref_slice %arg13[%add3A_111, %dma_start3A_129] : memref<10240x128xf32, #tpu.memory_space<vmem_shared>> -> memref<64x128xf32, #tpu.memory_space<vmem_shared>>
      tpu.enqueue_dma source(%arg12 : memref<64x128xf32, #tpu.memory_space<vmem>>) target(%dma_start3A_130 : memref<64x128xf32, #tpu.memory_space<vmem_shared>>) target_semaphore(%run_scoped3A : memref<!tpu.dma_semaphore, #tpu.memory_space<semaphore_mem>>)
      %dma_wait3A = arith.constant 0 : i32
      %dma_wait3A_131 = tpu.memref_slice %arg13[%add3A_111, %dma_wait3A] : memref<10240x128xf32, #tpu.memory_space<vmem_shared>> -> memref<64x128xf32, #tpu.memory_space<vmem_shared>>
      %dma_wait3A_132 = arith.constant 0 : i32
      %dma_wait3A_133 = tpu.memref_slice %arg13[%add3A_111, %dma_wait3A_132] : memref<10240x128xf32, #tpu.memory_space<vmem_shared>> -> memref<64x128xf32, #tpu.memory_space<vmem_shared>>
      tpu.wait_dma2 semaphore(%run_scoped3A : memref<!tpu.dma_semaphore, #tpu.memory_space<semaphore_mem>>) src(%arg12 : memref<64x128xf32, #tpu.memory_space<vmem>>) dst(%dma_wait3A_133 : memref<64x128xf32, #tpu.memory_space<vmem_shared>>)
      tpu.yield
    }) : () -> ()
    %add3A_112 = arith.constant 448 : i32
    %add3A_113 = arith.addi %mul3A_2, %add3A_112 : i32
    "tpu.region"() ({
      %run_scoped3A = tpu.sem_alloc : memref<!tpu.dma_semaphore, #tpu.memory_space<semaphore_mem>>
      %dma_start3A = arith.constant 0 : i32
      %dma_start3A_128 = tpu.memref_slice %arg13[%add3A_113, %dma_start3A] : memref<10240x128xf32, #tpu.memory_space<vmem_shared>> -> memref<64x128xf32, #tpu.memory_space<vmem_shared>>
      %dma_start3A_129 = arith.constant 0 : i32
      %dma_start3A_130 = tpu.memref_slice %arg13[%add3A_113, %dma_start3A_129] : memref<10240x128xf32, #tpu.memory_space<vmem_shared>> -> memref<64x128xf32, #tpu.memory_space<vmem_shared>>
      tpu.enqueue_dma source(%arg12 : memref<64x128xf32, #tpu.memory_space<vmem>>) target(%dma_start3A_130 : memref<64x128xf32, #tpu.memory_space<vmem_shared>>) target_semaphore(%run_scoped3A : memref<!tpu.dma_semaphore, #tpu.memory_space<semaphore_mem>>)
      %dma_wait3A = arith.constant 0 : i32
      %dma_wait3A_131 = tpu.memref_slice %arg13[%add3A_113, %dma_wait3A] : memref<10240x128xf32, #tpu.memory_space<vmem_shared>> -> memref<64x128xf32, #tpu.memory_space<vmem_shared>>
      %dma_wait3A_132 = arith.constant 0 : i32
      %dma_wait3A_133 = tpu.memref_slice %arg13[%add3A_113, %dma_wait3A_132] : memref<10240x128xf32, #tpu.memory_space<vmem_shared>> -> memref<64x128xf32, #tpu.memory_space<vmem_shared>>
      tpu.wait_dma2 semaphore(%run_scoped3A : memref<!tpu.dma_semaphore, #tpu.memory_space<semaphore_mem>>) src(%arg12 : memref<64x128xf32, #tpu.memory_space<vmem>>) dst(%dma_wait3A_133 : memref<64x128xf32, #tpu.memory_space<vmem_shared>>)
      tpu.yield
    }) : () -> ()
    %add3A_114 = arith.constant 512 : i32
    %add3A_115 = arith.addi %mul3A_2, %add3A_114 : i32
    "tpu.region"() ({
      %run_scoped3A = tpu.sem_alloc : memref<!tpu.dma_semaphore, #tpu.memory_space<semaphore_mem>>
      %dma_start3A = arith.constant 0 : i32
      %dma_start3A_128 = tpu.memref_slice %arg13[%add3A_115, %dma_start3A] : memref<10240x128xf32, #tpu.memory_space<vmem_shared>> -> memref<64x128xf32, #tpu.memory_space<vmem_shared>>
      %dma_start3A_129 = arith.constant 0 : i32
      %dma_start3A_130 = tpu.memref_slice %arg13[%add3A_115, %dma_start3A_129] : memref<10240x128xf32, #tpu.memory_space<vmem_shared>> -> memref<64x128xf32, #tpu.memory_space<vmem_shared>>
      tpu.enqueue_dma source(%arg12 : memref<64x128xf32, #tpu.memory_space<vmem>>) target(%dma_start3A_130 : memref<64x128xf32, #tpu.memory_space<vmem_shared>>) target_semaphore(%run_scoped3A : memref<!tpu.dma_semaphore, #tpu.memory_space<semaphore_mem>>)
      %dma_wait3A = arith.constant 0 : i32
      %dma_wait3A_131 = tpu.memref_slice %arg13[%add3A_115, %dma_wait3A] : memref<10240x128xf32, #tpu.memory_space<vmem_shared>> -> memref<64x128xf32, #tpu.memory_space<vmem_shared>>
      %dma_wait3A_132 = arith.constant 0 : i32
      %dma_wait3A_133 = tpu.memref_slice %arg13[%add3A_115, %dma_wait3A_132] : memref<10240x128xf32, #tpu.memory_space<vmem_shared>> -> memref<64x128xf32, #tpu.memory_space<vmem_shared>>
      tpu.wait_dma2 semaphore(%run_scoped3A : memref<!tpu.dma_semaphore, #tpu.memory_space<semaphore_mem>>) src(%arg12 : memref<64x128xf32, #tpu.memory_space<vmem>>) dst(%dma_wait3A_133 : memref<64x128xf32, #tpu.memory_space<vmem_shared>>)
      tpu.yield
    }) : () -> ()
    %add3A_116 = arith.constant 576 : i32
    %add3A_117 = arith.addi %mul3A_2, %add3A_116 : i32
    "tpu.region"() ({
      %run_scoped3A = tpu.sem_alloc : memref<!tpu.dma_semaphore, #tpu.memory_space<semaphore_mem>>
      %dma_start3A = arith.constant 0 : i32
      %dma_start3A_128 = tpu.memref_slice %arg13[%add3A_117, %dma_start3A] : memref<10240x128xf32, #tpu.memory_space<vmem_shared>> -> memref<64x128xf32, #tpu.memory_space<vmem_shared>>
      %dma_start3A_129 = arith.constant 0 : i32
      %dma_start3A_130 = tpu.memref_slice %arg13[%add3A_117, %dma_start3A_129] : memref<10240x128xf32, #tpu.memory_space<vmem_shared>> -> memref<64x128xf32, #tpu.memory_space<vmem_shared>>
      tpu.enqueue_dma source(%arg12 : memref<64x128xf32, #tpu.memory_space<vmem>>) target(%dma_start3A_130 : memref<64x128xf32, #tpu.memory_space<vmem_shared>>) target_semaphore(%run_scoped3A : memref<!tpu.dma_semaphore, #tpu.memory_space<semaphore_mem>>)
      %dma_wait3A = arith.constant 0 : i32
      %dma_wait3A_131 = tpu.memref_slice %arg13[%add3A_117, %dma_wait3A] : memref<10240x128xf32, #tpu.memory_space<vmem_shared>> -> memref<64x128xf32, #tpu.memory_space<vmem_shared>>
      %dma_wait3A_132 = arith.constant 0 : i32
      %dma_wait3A_133 = tpu.memref_slice %arg13[%add3A_117, %dma_wait3A_132] : memref<10240x128xf32, #tpu.memory_space<vmem_shared>> -> memref<64x128xf32, #tpu.memory_space<vmem_shared>>
      tpu.wait_dma2 semaphore(%run_scoped3A : memref<!tpu.dma_semaphore, #tpu.memory_space<semaphore_mem>>) src(%arg12 : memref<64x128xf32, #tpu.memory_space<vmem>>) dst(%dma_wait3A_133 : memref<64x128xf32, #tpu.memory_space<vmem_shared>>)
      tpu.yield
    }) : () -> ()
    %barrier3A_118 = arith.constant 0 : index
    tpu.barrier barrier_id(%barrier3A_118)
    %scan3A_119 = arith.constant 0 : i32
    %scan3A_120 = arith.constant 0 : i32
    %scan3A_121 = arith.constant 40 : i32
    %scan3A_122 = arith.addi %scan3A_120, %scan3A_121 : i32
    %scan3A_123 = arith.constant 1 : i32
    scf.for %scan3A_128 = %scan3A_120 to %scan3A_122 step %scan3A_123  : i32 {
      "tpu.region"() ({
        %run_scoped3A = tpu.sem_alloc : memref<!tpu.dma_semaphore, #tpu.memory_space<semaphore_mem>>
        %dma_start3A = arith.constant 0 : i32
        %dma_start3A_129 = tpu.memref_slice %arg9[%scan3A_128, %dma_start3A] : memref<40x128xi32, #tpu.memory_space<vmem>> -> memref<1x128xi32, #tpu.memory_space<vmem>>
        %dma_start3A_130 = tpu.memref_squeeze %dma_start3A_129 : memref<1x128xi32, #tpu.memory_space<vmem>> -> memref<128xi32, #tpu.memory_space<vmem>>
        %dma_start3A_131 = arith.constant 0 : i32
        %dma_start3A_132 = arith.constant 0 : i32
        %dma_start3A_133 = tpu.memref_slice %arg5[%dma_start3A_131, %dma_start3A_132] : memref<10240x128xf32, #tpu.memory_space<hbm>> -> memref<10240x128xf32, #tpu.memory_space<hbm>>
        tpu.enqueue_indirect_dma source(%dma_start3A_133 : memref<10240x128xf32, #tpu.memory_space<hbm>>) target(%arg11 : memref<128x128xf32, #tpu.memory_space<vmem>>) offsets(%dma_start3A_130 : memref<128xi32, #tpu.memory_space<vmem>>) semaphore(%run_scoped3A : memref<!tpu.dma_semaphore, #tpu.memory_space<semaphore_mem>>)
        %dma_wait3A = arith.constant 0 : i32
        %dma_wait3A_134 = tpu.memref_slice %arg9[%scan3A_128, %dma_wait3A] : memref<40x128xi32, #tpu.memory_space<vmem>> -> memref<1x128xi32, #tpu.memory_space<vmem>>
        %dma_wait3A_135 = tpu.memref_squeeze %dma_wait3A_134 : memref<1x128xi32, #tpu.memory_space<vmem>> -> memref<128xi32, #tpu.memory_space<vmem>>
        %dma_wait3A_136 = arith.constant 0 : i32
        %dma_wait3A_137 = arith.constant 0 : i32
        %dma_wait3A_138 = tpu.memref_slice %arg5[%dma_wait3A_136, %dma_wait3A_137] : memref<10240x128xf32, #tpu.memory_space<hbm>> -> memref<10240x128xf32, #tpu.memory_space<hbm>>
        tpu.wait_indirect_dma semaphore(%run_scoped3A : memref<!tpu.dma_semaphore, #tpu.memory_space<semaphore_mem>>) src(%dma_wait3A_138 : memref<10240x128xf32, #tpu.memory_space<hbm>>) dst(%arg11 : memref<128x128xf32, #tpu.memory_space<vmem>>)
        tpu.yield
      }) : () -> ()
      "tpu.region"() ({
        %run_scoped3A = tpu.sem_alloc : memref<!tpu.dma_semaphore, #tpu.memory_space<semaphore_mem>>
        %dma_start3A = arith.constant 0 : i32
        %dma_start3A_129 = tpu.memref_slice %arg10[%scan3A_128, %dma_start3A] : memref<40x128xi32, #tpu.memory_space<vmem>> -> memref<1x128xi32, #tpu.memory_space<vmem>>
        %dma_start3A_130 = tpu.memref_squeeze %dma_start3A_129 : memref<1x128xi32, #tpu.memory_space<vmem>> -> memref<128xi32, #tpu.memory_space<vmem>>
        %dma_start3A_131 = arith.constant 0 : i32
        %dma_start3A_132 = arith.constant 0 : i32
        %dma_start3A_133 = tpu.memref_slice %arg13[%dma_start3A_131, %dma_start3A_132] : memref<10240x128xf32, #tpu.memory_space<vmem_shared>> -> memref<10240x128xf32, #tpu.memory_space<vmem_shared>>
        tpu.enqueue_indirect_dma source(%arg11 : memref<128x128xf32, #tpu.memory_space<vmem>>) target(%dma_start3A_133 : memref<10240x128xf32, #tpu.memory_space<vmem_shared>>) offsets(%dma_start3A_130 : memref<128xi32, #tpu.memory_space<vmem>>) semaphore(%run_scoped3A : memref<!tpu.dma_semaphore, #tpu.memory_space<semaphore_mem>>) {add = true}
        %dma_wait3A = arith.constant 0 : i32
        %dma_wait3A_134 = tpu.memref_slice %arg10[%scan3A_128, %dma_wait3A] : memref<40x128xi32, #tpu.memory_space<vmem>> -> memref<1x128xi32, #tpu.memory_space<vmem>>
        %dma_wait3A_135 = tpu.memref_squeeze %dma_wait3A_134 : memref<1x128xi32, #tpu.memory_space<vmem>> -> memref<128xi32, #tpu.memory_space<vmem>>
        %dma_wait3A_136 = arith.constant 0 : i32
        %dma_wait3A_137 = arith.constant 0 : i32
        %dma_wait3A_138 = tpu.memref_slice %arg13[%dma_wait3A_136, %dma_wait3A_137] : memref<10240x128xf32, #tpu.memory_space<vmem_shared>> -> memref<10240x128xf32, #tpu.memory_space<vmem_shared>>
        tpu.wait_indirect_dma semaphore(%run_scoped3A : memref<!tpu.dma_semaphore, #tpu.memory_space<semaphore_mem>>) src(%arg11 : memref<128x128xf32, #tpu.memory_space<vmem>>) dst(%dma_wait3A_138 : memref<10240x128xf32, #tpu.memory_space<vmem_shared>>)
        tpu.yield
      }) : () -> ()
    }
    %scan3A_124 = arith.constant 40 : i32
    %barrier3A_125 = arith.constant 0 : index
    tpu.barrier barrier_id(%barrier3A_125)
    %add3A_126 = arith.constant 30720 : i32
    %add3A_127 = arith.addi %add3A_126, %mul3A_2 : i32
    "tpu.region"() ({
      %run_scoped3A = tpu.sem_alloc : memref<!tpu.dma_semaphore, #tpu.memory_space<semaphore_mem>>
      %dma_start3A = arith.constant 0 : i32
      %dma_start3A_128 = tpu.memref_slice %arg8[%arg0, %add3A_127, %dma_start3A] : memref<2x40960x128xf32, #tpu.memory_space<hbm>> -> memref<1x640x128xf32, #tpu.memory_space<hbm>>
      %dma_start3A_129 = tpu.memref_squeeze %dma_start3A_128 : memref<1x640x128xf32, #tpu.memory_space<hbm>> -> memref<640x128xf32, #tpu.memory_space<hbm>>
      %dma_start3A_130 = arith.constant 0 : i32
      %dma_start3A_131 = tpu.memref_slice %arg13[%mul3A_2, %dma_start3A_130] : memref<10240x128xf32, #tpu.memory_space<vmem_shared>> -> memref<640x128xf32, #tpu.memory_space<vmem_shared>>
      tpu.enqueue_dma source(%dma_start3A_131 : memref<640x128xf32, #tpu.memory_space<vmem_shared>>) target(%dma_start3A_129 : memref<640x128xf32, #tpu.memory_space<hbm>>) target_semaphore(%run_scoped3A : memref<!tpu.dma_semaphore, #tpu.memory_space<semaphore_mem>>)
      %dma_wait3A = arith.constant 0 : i32
      %dma_wait3A_132 = tpu.memref_slice %arg8[%arg0, %add3A_127, %dma_wait3A] : memref<2x40960x128xf32, #tpu.memory_space<hbm>> -> memref<1x640x128xf32, #tpu.memory_space<hbm>>
      %dma_wait3A_133 = tpu.memref_squeeze %dma_wait3A_132 : memref<1x640x128xf32, #tpu.memory_space<hbm>> -> memref<640x128xf32, #tpu.memory_space<hbm>>
      %dma_wait3A_134 = arith.constant 0 : i32
      %dma_wait3A_135 = tpu.memref_slice %arg13[%mul3A_2, %dma_wait3A_134] : memref<10240x128xf32, #tpu.memory_space<vmem_shared>> -> memref<640x128xf32, #tpu.memory_space<vmem_shared>>
      tpu.wait_dma2 semaphore(%run_scoped3A : memref<!tpu.dma_semaphore, #tpu.memory_space<semaphore_mem>>) src(%dma_wait3A_135 : memref<640x128xf32, #tpu.memory_space<vmem_shared>>) dst(%dma_wait3A_133 : memref<640x128xf32, #tpu.memory_space<hbm>>)
      tpu.yield
    }) : () -> ()
    return
  }
}

#map = affine_map<(d0, d1) -> (0, 0, 0)>
module attributes {stable_mosaic.version = 14 : i64} {
  func.func @deg(%arg0: i32, %arg1: i32, %arg2: memref<32x40x128xi32, #tpu.memory_space<hbm>>, %arg3: memref<2x10240x128xf32, #tpu.memory_space<hbm>>, %arg4: memref<40x128xi32, #tpu.memory_space<vmem>>, %arg5: memref<128x128xf32, #tpu.memory_space<vmem>>, %arg6: memref<64x128xf32, #tpu.memory_space<vmem>>, %arg7: memref<10240x128xf32, #tpu.memory_space<vmem_shared>>) attributes {dimension_semantics = [#tpu.dimension_semantics<core_parallel>, #tpu.dimension_semantics<subcore_parallel>], iteration_bounds = array<i64: 2, 16>, scalar_prefetch = 0 : i64, scratch_operands = 4 : i64, tpu.core_type = #tpu.core_type<sc_vector_subcore>, window_params = [{transform_indices = #map}, {transform_indices = #map}]} {
    %mul3A = arith.constant 16 : i32
    %mul3A_0 = arith.muli %arg0, %mul3A : i32
    %add3A = arith.addi %mul3A_0, %arg1 : i32
    %mul3A_1 = arith.constant 640 : i32
    %mul3A_2 = arith.muli %arg1, %mul3A_1 : i32
    %broadcast_in_dim3A = arith.constant 1.000000e+00 : f32
    %broadcast_in_dim3A_3 = vector.broadcast %broadcast_in_dim3A : f32 to vector<16xf32>
    %scan3A = arith.constant 0 : i32
    %scan3A_4 = arith.constant 0 : i32
    %scan3A_5 = arith.constant 1024 : i32
    %scan3A_6 = arith.addi %scan3A_4, %scan3A_5 : i32
    %scan3A_7 = arith.constant 1 : i32
    scf.for %scan3A_44 = %scan3A_4 to %scan3A_6 step %scan3A_7  : i32 {
      %jit3A = arith.constant 8 : i32
      %div3A = arith.divsi %scan3A_44, %jit3A : i32
      %sign3A = arith.constant 0 : i32
      %sign3A_45 = arith.cmpi sgt, %scan3A_44, %sign3A : i32
      %sign3A_46 = arith.extui %sign3A_45 : i1 to i32
      %sign3A_47 = arith.constant 0 : i32
      %sign3A_48 = arith.cmpi slt, %scan3A_44, %sign3A_47 : i32
      %sign3A_49 = arith.extui %sign3A_48 : i1 to i32
      %sign3A_50 = arith.subi %sign3A_46, %sign3A_49 : i32
      %sign3A_51 = arith.constant 0 : i32
      %sign3A_52 = arith.cmpi sgt, %jit3A, %sign3A_51 : i32
      %sign3A_53 = arith.extui %sign3A_52 : i1 to i32
      %sign3A_54 = arith.constant 0 : i32
      %sign3A_55 = arith.cmpi slt, %jit3A, %sign3A_54 : i32
      %sign3A_56 = arith.extui %sign3A_55 : i1 to i32
      %sign3A_57 = arith.subi %sign3A_53, %sign3A_56 : i32
      %ne3A = arith.cmpi ne, %sign3A_50, %sign3A_57 : i32
      %rem3A = arith.remsi %scan3A_44, %jit3A : i32
      %ne3A_58 = arith.constant 0 : i32
      %ne3A_59 = arith.cmpi ne, %rem3A, %ne3A_58 : i32
      %and3A = arith.andi %ne3A, %ne3A_59 : i1
      %sub3A = arith.constant 1 : i32
      %sub3A_60 = arith.subi %div3A, %sub3A : i32
      %select_n3A = arith.select %and3A, %sub3A_60, %div3A : i32
      %jit3A_61 = arith.constant 8 : i32
      %eq3A = arith.constant 0 : i32
      %eq3A_62 = arith.cmpi eq, %jit3A_61, %eq3A : i32
      %jit3A_63 = arith.constant 1 : i32
      %select_n3A_64 = arith.select %eq3A_62, %jit3A_63, %jit3A_61 : i32
      %rem3A_65 = arith.remsi %scan3A_44, %select_n3A_64 : i32
      %ne3A_66 = arith.constant 0 : i32
      %ne3A_67 = arith.cmpi ne, %rem3A_65, %ne3A_66 : i32
      %lt3A = arith.constant 0 : i32
      %lt3A_68 = arith.cmpi slt, %rem3A_65, %lt3A : i32
      %lt3A_69 = arith.constant 0 : i32
      %lt3A_70 = arith.cmpi slt, %select_n3A_64, %lt3A_69 : i32
      %ne3A_71 = arith.xori %lt3A_68, %lt3A_70 : i1
      %and3A_72 = arith.andi %ne3A_71, %ne3A_67 : i1
      %add3A_73 = arith.addi %rem3A_65, %select_n3A_64 : i32
      %select_n3A_74 = arith.select %and3A_72, %add3A_73, %rem3A_65 : i32
      %mul3A_75 = arith.constant 16 : i32
      %mul3A_76 = arith.muli %select_n3A_74, %mul3A_75 : i32
      %swap3A = arith.index_cast %select_n3A : i32 to index
      %swap3A_77 = arith.index_cast %mul3A_76 : i32 to index
      %swap3A_78 = tpu.vector_load %arg5[%swap3A, %swap3A_77] {strides = array<i32>} : memref<128x128xf32, #tpu.memory_space<vmem>>, vector<1x16xf32>,
      %swap3A_79 = vector.shape_cast %swap3A_78 : vector<1x16xf32> to vector<16xf32>
      %swap3A_80 = vector.shape_cast %broadcast_in_dim3A_3 : vector<16xf32> to vector<1x16xf32>
      tpu.vector_store %arg5[%swap3A, %swap3A_77], %swap3A_80 {strides = array<i32>} : memref<128x128xf32, #tpu.memory_space<vmem>>, vector<1x16xf32>,
    }
    %scan3A_8 = arith.constant 1024 : i32
    %broadcast_in_dim3A_9 = arith.constant 0.000000e+00 : f32
    %broadcast_in_dim3A_10 = vector.broadcast %broadcast_in_dim3A_9 : f32 to vector<16xf32>
    %scan3A_11 = arith.constant 0 : i32
    %scan3A_12 = arith.constant 0 : i32
    %scan3A_13 = arith.constant 512 : i32
    %scan3A_14 = arith.addi %scan3A_12, %scan3A_13 : i32
    %scan3A_15 = arith.constant 1 : i32
    scf.for %scan3A_44 = %scan3A_12 to %scan3A_14 step %scan3A_15  : i32 {
      %jit3A = arith.constant 8 : i32
      %div3A = arith.divsi %scan3A_44, %jit3A : i32
      %sign3A = arith.constant 0 : i32
      %sign3A_45 = arith.cmpi sgt, %scan3A_44, %sign3A : i32
      %sign3A_46 = arith.extui %sign3A_45 : i1 to i32
      %sign3A_47 = arith.constant 0 : i32
      %sign3A_48 = arith.cmpi slt, %scan3A_44, %sign3A_47 : i32
      %sign3A_49 = arith.extui %sign3A_48 : i1 to i32
      %sign3A_50 = arith.subi %sign3A_46, %sign3A_49 : i32
      %sign3A_51 = arith.constant 0 : i32
      %sign3A_52 = arith.cmpi sgt, %jit3A, %sign3A_51 : i32
      %sign3A_53 = arith.extui %sign3A_52 : i1 to i32
      %sign3A_54 = arith.constant 0 : i32
      %sign3A_55 = arith.cmpi slt, %jit3A, %sign3A_54 : i32
      %sign3A_56 = arith.extui %sign3A_55 : i1 to i32
      %sign3A_57 = arith.subi %sign3A_53, %sign3A_56 : i32
      %ne3A = arith.cmpi ne, %sign3A_50, %sign3A_57 : i32
      %rem3A = arith.remsi %scan3A_44, %jit3A : i32
      %ne3A_58 = arith.constant 0 : i32
      %ne3A_59 = arith.cmpi ne, %rem3A, %ne3A_58 : i32
      %and3A = arith.andi %ne3A, %ne3A_59 : i1
      %sub3A = arith.constant 1 : i32
      %sub3A_60 = arith.subi %div3A, %sub3A : i32
      %select_n3A = arith.select %and3A, %sub3A_60, %div3A : i32
      %jit3A_61 = arith.constant 8 : i32
      %eq3A = arith.constant 0 : i32
      %eq3A_62 = arith.cmpi eq, %jit3A_61, %eq3A : i32
      %jit3A_63 = arith.constant 1 : i32
      %select_n3A_64 = arith.select %eq3A_62, %jit3A_63, %jit3A_61 : i32
      %rem3A_65 = arith.remsi %scan3A_44, %select_n3A_64 : i32
      %ne3A_66 = arith.constant 0 : i32
      %ne3A_67 = arith.cmpi ne, %rem3A_65, %ne3A_66 : i32
      %lt3A = arith.constant 0 : i32
      %lt3A_68 = arith.cmpi slt, %rem3A_65, %lt3A : i32
      %lt3A_69 = arith.constant 0 : i32
      %lt3A_70 = arith.cmpi slt, %select_n3A_64, %lt3A_69 : i32
      %ne3A_71 = arith.xori %lt3A_68, %lt3A_70 : i1
      %and3A_72 = arith.andi %ne3A_71, %ne3A_67 : i1
      %add3A_73 = arith.addi %rem3A_65, %select_n3A_64 : i32
      %select_n3A_74 = arith.select %and3A_72, %add3A_73, %rem3A_65 : i32
      %mul3A_75 = arith.constant 16 : i32
      %mul3A_76 = arith.muli %select_n3A_74, %mul3A_75 : i32
      %swap3A = arith.index_cast %select_n3A : i32 to index
      %swap3A_77 = arith.index_cast %mul3A_76 : i32 to index
      %swap3A_78 = tpu.vector_load %arg6[%swap3A, %swap3A_77] {strides = array<i32>} : memref<64x128xf32, #tpu.memory_space<vmem>>, vector<1x16xf32>,
      %swap3A_79 = vector.shape_cast %swap3A_78 : vector<1x16xf32> to vector<16xf32>
      %swap3A_80 = vector.shape_cast %broadcast_in_dim3A_10 : vector<16xf32> to vector<1x16xf32>
      tpu.vector_store %arg6[%swap3A, %swap3A_77], %swap3A_80 {strides = array<i32>} : memref<64x128xf32, #tpu.memory_space<vmem>>, vector<1x16xf32>,
    }
    %scan3A_16 = arith.constant 512 : i32
    "tpu.region"() ({
      %run_scoped3A = tpu.sem_alloc : memref<!tpu.dma_semaphore, #tpu.memory_space<semaphore_mem>>
      %dma_start3A = arith.constant 0 : i32
      %dma_start3A_44 = arith.constant 0 : i32
      %dma_start3A_45 = tpu.memref_slice %arg2[%add3A, %dma_start3A, %dma_start3A_44] : memref<32x40x128xi32, #tpu.memory_space<hbm>> -> memref<1x40x128xi32, #tpu.memory_space<hbm>>
      %dma_start3A_46 = tpu.memref_squeeze %dma_start3A_45 : memref<1x40x128xi32, #tpu.memory_space<hbm>> -> memref<40x128xi32, #tpu.memory_space<hbm>>
      %dma_start3A_47 = arith.constant 0 : i32
      %dma_start3A_48 = arith.constant 0 : i32
      %dma_start3A_49 = tpu.memref_slice %arg2[%add3A, %dma_start3A_47, %dma_start3A_48] : memref<32x40x128xi32, #tpu.memory_space<hbm>> -> memref<1x40x128xi32, #tpu.memory_space<hbm>>
      %dma_start3A_50 = tpu.memref_squeeze %dma_start3A_49 : memref<1x40x128xi32, #tpu.memory_space<hbm>> -> memref<40x128xi32, #tpu.memory_space<hbm>>
      tpu.enqueue_dma source(%dma_start3A_50 : memref<40x128xi32, #tpu.memory_space<hbm>>) target(%arg4 : memref<40x128xi32, #tpu.memory_space<vmem>>) target_semaphore(%run_scoped3A : memref<!tpu.dma_semaphore, #tpu.memory_space<semaphore_mem>>)
      %dma_wait3A = arith.constant 0 : i32
      %dma_wait3A_51 = arith.constant 0 : i32
      %dma_wait3A_52 = tpu.memref_slice %arg2[%add3A, %dma_wait3A, %dma_wait3A_51] : memref<32x40x128xi32, #tpu.memory_space<hbm>> -> memref<1x40x128xi32, #tpu.memory_space<hbm>>
      %dma_wait3A_53 = tpu.memref_squeeze %dma_wait3A_52 : memref<1x40x128xi32, #tpu.memory_space<hbm>> -> memref<40x128xi32, #tpu.memory_space<hbm>>
      %dma_wait3A_54 = arith.constant 0 : i32
      %dma_wait3A_55 = arith.constant 0 : i32
      %dma_wait3A_56 = tpu.memref_slice %arg2[%add3A, %dma_wait3A_54, %dma_wait3A_55] : memref<32x40x128xi32, #tpu.memory_space<hbm>> -> memref<1x40x128xi32, #tpu.memory_space<hbm>>
      %dma_wait3A_57 = tpu.memref_squeeze %dma_wait3A_56 : memref<1x40x128xi32, #tpu.memory_space<hbm>> -> memref<40x128xi32, #tpu.memory_space<hbm>>
      tpu.wait_dma2 semaphore(%run_scoped3A : memref<!tpu.dma_semaphore, #tpu.memory_space<semaphore_mem>>) src(%dma_wait3A_57 : memref<40x128xi32, #tpu.memory_space<hbm>>) dst(%arg4 : memref<40x128xi32, #tpu.memory_space<vmem>>)
      tpu.yield
    }) : () -> ()
    %add3A_17 = arith.constant 0 : i32
    %add3A_18 = arith.addi %mul3A_2, %add3A_17 : i32
    "tpu.region"() ({
      %run_scoped3A = tpu.sem_alloc : memref<!tpu.dma_semaphore, #tpu.memory_space<semaphore_mem>>
      %dma_start3A = arith.constant 0 : i32
      %dma_start3A_44 = tpu.memref_slice %arg7[%add3A_18, %dma_start3A] : memref<10240x128xf32, #tpu.memory_space<vmem_shared>> -> memref<64x128xf32, #tpu.memory_space<vmem_shared>>
      %dma_start3A_45 = arith.constant 0 : i32
      %dma_start3A_46 = tpu.memref_slice %arg7[%add3A_18, %dma_start3A_45] : memref<10240x128xf32, #tpu.memory_space<vmem_shared>> -> memref<64x128xf32, #tpu.memory_space<vmem_shared>>
      tpu.enqueue_dma source(%arg6 : memref<64x128xf32, #tpu.memory_space<vmem>>) target(%dma_start3A_46 : memref<64x128xf32, #tpu.memory_space<vmem_shared>>) target_semaphore(%run_scoped3A : memref<!tpu.dma_semaphore, #tpu.memory_space<semaphore_mem>>)
      %dma_wait3A = arith.constant 0 : i32
      %dma_wait3A_47 = tpu.memref_slice %arg7[%add3A_18, %dma_wait3A] : memref<10240x128xf32, #tpu.memory_space<vmem_shared>> -> memref<64x128xf32, #tpu.memory_space<vmem_shared>>
      %dma_wait3A_48 = arith.constant 0 : i32
      %dma_wait3A_49 = tpu.memref_slice %arg7[%add3A_18, %dma_wait3A_48] : memref<10240x128xf32, #tpu.memory_space<vmem_shared>> -> memref<64x128xf32, #tpu.memory_space<vmem_shared>>
      tpu.wait_dma2 semaphore(%run_scoped3A : memref<!tpu.dma_semaphore, #tpu.memory_space<semaphore_mem>>) src(%arg6 : memref<64x128xf32, #tpu.memory_space<vmem>>) dst(%dma_wait3A_49 : memref<64x128xf32, #tpu.memory_space<vmem_shared>>)
      tpu.yield
    }) : () -> ()
    %add3A_19 = arith.constant 64 : i32
    %add3A_20 = arith.addi %mul3A_2, %add3A_19 : i32
    "tpu.region"() ({
      %run_scoped3A = tpu.sem_alloc : memref<!tpu.dma_semaphore, #tpu.memory_space<semaphore_mem>>
      %dma_start3A = arith.constant 0 : i32
      %dma_start3A_44 = tpu.memref_slice %arg7[%add3A_20, %dma_start3A] : memref<10240x128xf32, #tpu.memory_space<vmem_shared>> -> memref<64x128xf32, #tpu.memory_space<vmem_shared>>
      %dma_start3A_45 = arith.constant 0 : i32
      %dma_start3A_46 = tpu.memref_slice %arg7[%add3A_20, %dma_start3A_45] : memref<10240x128xf32, #tpu.memory_space<vmem_shared>> -> memref<64x128xf32, #tpu.memory_space<vmem_shared>>
      tpu.enqueue_dma source(%arg6 : memref<64x128xf32, #tpu.memory_space<vmem>>) target(%dma_start3A_46 : memref<64x128xf32, #tpu.memory_space<vmem_shared>>) target_semaphore(%run_scoped3A : memref<!tpu.dma_semaphore, #tpu.memory_space<semaphore_mem>>)
      %dma_wait3A = arith.constant 0 : i32
      %dma_wait3A_47 = tpu.memref_slice %arg7[%add3A_20, %dma_wait3A] : memref<10240x128xf32, #tpu.memory_space<vmem_shared>> -> memref<64x128xf32, #tpu.memory_space<vmem_shared>>
      %dma_wait3A_48 = arith.constant 0 : i32
      %dma_wait3A_49 = tpu.memref_slice %arg7[%add3A_20, %dma_wait3A_48] : memref<10240x128xf32, #tpu.memory_space<vmem_shared>> -> memref<64x128xf32, #tpu.memory_space<vmem_shared>>
      tpu.wait_dma2 semaphore(%run_scoped3A : memref<!tpu.dma_semaphore, #tpu.memory_space<semaphore_mem>>) src(%arg6 : memref<64x128xf32, #tpu.memory_space<vmem>>) dst(%dma_wait3A_49 : memref<64x128xf32, #tpu.memory_space<vmem_shared>>)
      tpu.yield
    }) : () -> ()
    %add3A_21 = arith.constant 128 : i32
    %add3A_22 = arith.addi %mul3A_2, %add3A_21 : i32
    "tpu.region"() ({
      %run_scoped3A = tpu.sem_alloc : memref<!tpu.dma_semaphore, #tpu.memory_space<semaphore_mem>>
      %dma_start3A = arith.constant 0 : i32
      %dma_start3A_44 = tpu.memref_slice %arg7[%add3A_22, %dma_start3A] : memref<10240x128xf32, #tpu.memory_space<vmem_shared>> -> memref<64x128xf32, #tpu.memory_space<vmem_shared>>
      %dma_start3A_45 = arith.constant 0 : i32
      %dma_start3A_46 = tpu.memref_slice %arg7[%add3A_22, %dma_start3A_45] : memref<10240x128xf32, #tpu.memory_space<vmem_shared>> -> memref<64x128xf32, #tpu.memory_space<vmem_shared>>
      tpu.enqueue_dma source(%arg6 : memref<64x128xf32, #tpu.memory_space<vmem>>) target(%dma_start3A_46 : memref<64x128xf32, #tpu.memory_space<vmem_shared>>) target_semaphore(%run_scoped3A : memref<!tpu.dma_semaphore, #tpu.memory_space<semaphore_mem>>)
      %dma_wait3A = arith.constant 0 : i32
      %dma_wait3A_47 = tpu.memref_slice %arg7[%add3A_22, %dma_wait3A] : memref<10240x128xf32, #tpu.memory_space<vmem_shared>> -> memref<64x128xf32, #tpu.memory_space<vmem_shared>>
      %dma_wait3A_48 = arith.constant 0 : i32
      %dma_wait3A_49 = tpu.memref_slice %arg7[%add3A_22, %dma_wait3A_48] : memref<10240x128xf32, #tpu.memory_space<vmem_shared>> -> memref<64x128xf32, #tpu.memory_space<vmem_shared>>
      tpu.wait_dma2 semaphore(%run_scoped3A : memref<!tpu.dma_semaphore, #tpu.memory_space<semaphore_mem>>) src(%arg6 : memref<64x128xf32, #tpu.memory_space<vmem>>) dst(%dma_wait3A_49 : memref<64x128xf32, #tpu.memory_space<vmem_shared>>)
      tpu.yield
    }) : () -> ()
    %add3A_23 = arith.constant 192 : i32
    %add3A_24 = arith.addi %mul3A_2, %add3A_23 : i32
    "tpu.region"() ({
      %run_scoped3A = tpu.sem_alloc : memref<!tpu.dma_semaphore, #tpu.memory_space<semaphore_mem>>
      %dma_start3A = arith.constant 0 : i32
      %dma_start3A_44 = tpu.memref_slice %arg7[%add3A_24, %dma_start3A] : memref<10240x128xf32, #tpu.memory_space<vmem_shared>> -> memref<64x128xf32, #tpu.memory_space<vmem_shared>>
      %dma_start3A_45 = arith.constant 0 : i32
      %dma_start3A_46 = tpu.memref_slice %arg7[%add3A_24, %dma_start3A_45] : memref<10240x128xf32, #tpu.memory_space<vmem_shared>> -> memref<64x128xf32, #tpu.memory_space<vmem_shared>>
      tpu.enqueue_dma source(%arg6 : memref<64x128xf32, #tpu.memory_space<vmem>>) target(%dma_start3A_46 : memref<64x128xf32, #tpu.memory_space<vmem_shared>>) target_semaphore(%run_scoped3A : memref<!tpu.dma_semaphore, #tpu.memory_space<semaphore_mem>>)
      %dma_wait3A = arith.constant 0 : i32
      %dma_wait3A_47 = tpu.memref_slice %arg7[%add3A_24, %dma_wait3A] : memref<10240x128xf32, #tpu.memory_space<vmem_shared>> -> memref<64x128xf32, #tpu.memory_space<vmem_shared>>
      %dma_wait3A_48 = arith.constant 0 : i32
      %dma_wait3A_49 = tpu.memref_slice %arg7[%add3A_24, %dma_wait3A_48] : memref<10240x128xf32, #tpu.memory_space<vmem_shared>> -> memref<64x128xf32, #tpu.memory_space<vmem_shared>>
      tpu.wait_dma2 semaphore(%run_scoped3A : memref<!tpu.dma_semaphore, #tpu.memory_space<semaphore_mem>>) src(%arg6 : memref<64x128xf32, #tpu.memory_space<vmem>>) dst(%dma_wait3A_49 : memref<64x128xf32, #tpu.memory_space<vmem_shared>>)
      tpu.yield
    }) : () -> ()
    %add3A_25 = arith.constant 256 : i32
    %add3A_26 = arith.addi %mul3A_2, %add3A_25 : i32
    "tpu.region"() ({
      %run_scoped3A = tpu.sem_alloc : memref<!tpu.dma_semaphore, #tpu.memory_space<semaphore_mem>>
      %dma_start3A = arith.constant 0 : i32
      %dma_start3A_44 = tpu.memref_slice %arg7[%add3A_26, %dma_start3A] : memref<10240x128xf32, #tpu.memory_space<vmem_shared>> -> memref<64x128xf32, #tpu.memory_space<vmem_shared>>
      %dma_start3A_45 = arith.constant 0 : i32
      %dma_start3A_46 = tpu.memref_slice %arg7[%add3A_26, %dma_start3A_45] : memref<10240x128xf32, #tpu.memory_space<vmem_shared>> -> memref<64x128xf32, #tpu.memory_space<vmem_shared>>
      tpu.enqueue_dma source(%arg6 : memref<64x128xf32, #tpu.memory_space<vmem>>) target(%dma_start3A_46 : memref<64x128xf32, #tpu.memory_space<vmem_shared>>) target_semaphore(%run_scoped3A : memref<!tpu.dma_semaphore, #tpu.memory_space<semaphore_mem>>)
      %dma_wait3A = arith.constant 0 : i32
      %dma_wait3A_47 = tpu.memref_slice %arg7[%add3A_26, %dma_wait3A] : memref<10240x128xf32, #tpu.memory_space<vmem_shared>> -> memref<64x128xf32, #tpu.memory_space<vmem_shared>>
      %dma_wait3A_48 = arith.constant 0 : i32
      %dma_wait3A_49 = tpu.memref_slice %arg7[%add3A_26, %dma_wait3A_48] : memref<10240x128xf32, #tpu.memory_space<vmem_shared>> -> memref<64x128xf32, #tpu.memory_space<vmem_shared>>
      tpu.wait_dma2 semaphore(%run_scoped3A : memref<!tpu.dma_semaphore, #tpu.memory_space<semaphore_mem>>) src(%arg6 : memref<64x128xf32, #tpu.memory_space<vmem>>) dst(%dma_wait3A_49 : memref<64x128xf32, #tpu.memory_space<vmem_shared>>)
      tpu.yield
    }) : () -> ()
    %add3A_27 = arith.constant 320 : i32
    %add3A_28 = arith.addi %mul3A_2, %add3A_27 : i32
    "tpu.region"() ({
      %run_scoped3A = tpu.sem_alloc : memref<!tpu.dma_semaphore, #tpu.memory_space<semaphore_mem>>
      %dma_start3A = arith.constant 0 : i32
      %dma_start3A_44 = tpu.memref_slice %arg7[%add3A_28, %dma_start3A] : memref<10240x128xf32, #tpu.memory_space<vmem_shared>> -> memref<64x128xf32, #tpu.memory_space<vmem_shared>>
      %dma_start3A_45 = arith.constant 0 : i32
      %dma_start3A_46 = tpu.memref_slice %arg7[%add3A_28, %dma_start3A_45] : memref<10240x128xf32, #tpu.memory_space<vmem_shared>> -> memref<64x128xf32, #tpu.memory_space<vmem_shared>>
      tpu.enqueue_dma source(%arg6 : memref<64x128xf32, #tpu.memory_space<vmem>>) target(%dma_start3A_46 : memref<64x128xf32, #tpu.memory_space<vmem_shared>>) target_semaphore(%run_scoped3A : memref<!tpu.dma_semaphore, #tpu.memory_space<semaphore_mem>>)
      %dma_wait3A = arith.constant 0 : i32
      %dma_wait3A_47 = tpu.memref_slice %arg7[%add3A_28, %dma_wait3A] : memref<10240x128xf32, #tpu.memory_space<vmem_shared>> -> memref<64x128xf32, #tpu.memory_space<vmem_shared>>
      %dma_wait3A_48 = arith.constant 0 : i32
      %dma_wait3A_49 = tpu.memref_slice %arg7[%add3A_28, %dma_wait3A_48] : memref<10240x128xf32, #tpu.memory_space<vmem_shared>> -> memref<64x128xf32, #tpu.memory_space<vmem_shared>>
      tpu.wait_dma2 semaphore(%run_scoped3A : memref<!tpu.dma_semaphore, #tpu.memory_space<semaphore_mem>>) src(%arg6 : memref<64x128xf32, #tpu.memory_space<vmem>>) dst(%dma_wait3A_49 : memref<64x128xf32, #tpu.memory_space<vmem_shared>>)
      tpu.yield
    }) : () -> ()
    %add3A_29 = arith.constant 384 : i32
    %add3A_30 = arith.addi %mul3A_2, %add3A_29 : i32
    "tpu.region"() ({
      %run_scoped3A = tpu.sem_alloc : memref<!tpu.dma_semaphore, #tpu.memory_space<semaphore_mem>>
      %dma_start3A = arith.constant 0 : i32
      %dma_start3A_44 = tpu.memref_slice %arg7[%add3A_30, %dma_start3A] : memref<10240x128xf32, #tpu.memory_space<vmem_shared>> -> memref<64x128xf32, #tpu.memory_space<vmem_shared>>
      %dma_start3A_45 = arith.constant 0 : i32
      %dma_start3A_46 = tpu.memref_slice %arg7[%add3A_30, %dma_start3A_45] : memref<10240x128xf32, #tpu.memory_space<vmem_shared>> -> memref<64x128xf32, #tpu.memory_space<vmem_shared>>
      tpu.enqueue_dma source(%arg6 : memref<64x128xf32, #tpu.memory_space<vmem>>) target(%dma_start3A_46 : memref<64x128xf32, #tpu.memory_space<vmem_shared>>) target_semaphore(%run_scoped3A : memref<!tpu.dma_semaphore, #tpu.memory_space<semaphore_mem>>)
      %dma_wait3A = arith.constant 0 : i32
      %dma_wait3A_47 = tpu.memref_slice %arg7[%add3A_30, %dma_wait3A] : memref<10240x128xf32, #tpu.memory_space<vmem_shared>> -> memref<64x128xf32, #tpu.memory_space<vmem_shared>>
      %dma_wait3A_48 = arith.constant 0 : i32
      %dma_wait3A_49 = tpu.memref_slice %arg7[%add3A_30, %dma_wait3A_48] : memref<10240x128xf32, #tpu.memory_space<vmem_shared>> -> memref<64x128xf32, #tpu.memory_space<vmem_shared>>
      tpu.wait_dma2 semaphore(%run_scoped3A : memref<!tpu.dma_semaphore, #tpu.memory_space<semaphore_mem>>) src(%arg6 : memref<64x128xf32, #tpu.memory_space<vmem>>) dst(%dma_wait3A_49 : memref<64x128xf32, #tpu.memory_space<vmem_shared>>)
      tpu.yield
    }) : () -> ()
    %add3A_31 = arith.constant 448 : i32
    %add3A_32 = arith.addi %mul3A_2, %add3A_31 : i32
    "tpu.region"() ({
      %run_scoped3A = tpu.sem_alloc : memref<!tpu.dma_semaphore, #tpu.memory_space<semaphore_mem>>
      %dma_start3A = arith.constant 0 : i32
      %dma_start3A_44 = tpu.memref_slice %arg7[%add3A_32, %dma_start3A] : memref<10240x128xf32, #tpu.memory_space<vmem_shared>> -> memref<64x128xf32, #tpu.memory_space<vmem_shared>>
      %dma_start3A_45 = arith.constant 0 : i32
      %dma_start3A_46 = tpu.memref_slice %arg7[%add3A_32, %dma_start3A_45] : memref<10240x128xf32, #tpu.memory_space<vmem_shared>> -> memref<64x128xf32, #tpu.memory_space<vmem_shared>>
      tpu.enqueue_dma source(%arg6 : memref<64x128xf32, #tpu.memory_space<vmem>>) target(%dma_start3A_46 : memref<64x128xf32, #tpu.memory_space<vmem_shared>>) target_semaphore(%run_scoped3A : memref<!tpu.dma_semaphore, #tpu.memory_space<semaphore_mem>>)
      %dma_wait3A = arith.constant 0 : i32
      %dma_wait3A_47 = tpu.memref_slice %arg7[%add3A_32, %dma_wait3A] : memref<10240x128xf32, #tpu.memory_space<vmem_shared>> -> memref<64x128xf32, #tpu.memory_space<vmem_shared>>
      %dma_wait3A_48 = arith.constant 0 : i32
      %dma_wait3A_49 = tpu.memref_slice %arg7[%add3A_32, %dma_wait3A_48] : memref<10240x128xf32, #tpu.memory_space<vmem_shared>> -> memref<64x128xf32, #tpu.memory_space<vmem_shared>>
      tpu.wait_dma2 semaphore(%run_scoped3A : memref<!tpu.dma_semaphore, #tpu.memory_space<semaphore_mem>>) src(%arg6 : memref<64x128xf32, #tpu.memory_space<vmem>>) dst(%dma_wait3A_49 : memref<64x128xf32, #tpu.memory_space<vmem_shared>>)
      tpu.yield
    }) : () -> ()
    %add3A_33 = arith.constant 512 : i32
    %add3A_34 = arith.addi %mul3A_2, %add3A_33 : i32
    "tpu.region"() ({
      %run_scoped3A = tpu.sem_alloc : memref<!tpu.dma_semaphore, #tpu.memory_space<semaphore_mem>>
      %dma_start3A = arith.constant 0 : i32
      %dma_start3A_44 = tpu.memref_slice %arg7[%add3A_34, %dma_start3A] : memref<10240x128xf32, #tpu.memory_space<vmem_shared>> -> memref<64x128xf32, #tpu.memory_space<vmem_shared>>
      %dma_start3A_45 = arith.constant 0 : i32
      %dma_start3A_46 = tpu.memref_slice %arg7[%add3A_34, %dma_start3A_45] : memref<10240x128xf32, #tpu.memory_space<vmem_shared>> -> memref<64x128xf32, #tpu.memory_space<vmem_shared>>
      tpu.enqueue_dma source(%arg6 : memref<64x128xf32, #tpu.memory_space<vmem>>) target(%dma_start3A_46 : memref<64x128xf32, #tpu.memory_space<vmem_shared>>) target_semaphore(%run_scoped3A : memref<!tpu.dma_semaphore, #tpu.memory_space<semaphore_mem>>)
      %dma_wait3A = arith.constant 0 : i32
      %dma_wait3A_47 = tpu.memref_slice %arg7[%add3A_34, %dma_wait3A] : memref<10240x128xf32, #tpu.memory_space<vmem_shared>> -> memref<64x128xf32, #tpu.memory_space<vmem_shared>>
      %dma_wait3A_48 = arith.constant 0 : i32
      %dma_wait3A_49 = tpu.memref_slice %arg7[%add3A_34, %dma_wait3A_48] : memref<10240x128xf32, #tpu.memory_space<vmem_shared>> -> memref<64x128xf32, #tpu.memory_space<vmem_shared>>
      tpu.wait_dma2 semaphore(%run_scoped3A : memref<!tpu.dma_semaphore, #tpu.memory_space<semaphore_mem>>) src(%arg6 : memref<64x128xf32, #tpu.memory_space<vmem>>) dst(%dma_wait3A_49 : memref<64x128xf32, #tpu.memory_space<vmem_shared>>)
      tpu.yield
    }) : () -> ()
    %add3A_35 = arith.constant 576 : i32
    %add3A_36 = arith.addi %mul3A_2, %add3A_35 : i32
    "tpu.region"() ({
      %run_scoped3A = tpu.sem_alloc : memref<!tpu.dma_semaphore, #tpu.memory_space<semaphore_mem>>
      %dma_start3A = arith.constant 0 : i32
      %dma_start3A_44 = tpu.memref_slice %arg7[%add3A_36, %dma_start3A] : memref<10240x128xf32, #tpu.memory_space<vmem_shared>> -> memref<64x128xf32, #tpu.memory_space<vmem_shared>>
      %dma_start3A_45 = arith.constant 0 : i32
      %dma_start3A_46 = tpu.memref_slice %arg7[%add3A_36, %dma_start3A_45] : memref<10240x128xf32, #tpu.memory_space<vmem_shared>> -> memref<64x128xf32, #tpu.memory_space<vmem_shared>>
      tpu.enqueue_dma source(%arg6 : memref<64x128xf32, #tpu.memory_space<vmem>>) target(%dma_start3A_46 : memref<64x128xf32, #tpu.memory_space<vmem_shared>>) target_semaphore(%run_scoped3A : memref<!tpu.dma_semaphore, #tpu.memory_space<semaphore_mem>>)
      %dma_wait3A = arith.constant 0 : i32
      %dma_wait3A_47 = tpu.memref_slice %arg7[%add3A_36, %dma_wait3A] : memref<10240x128xf32, #tpu.memory_space<vmem_shared>> -> memref<64x128xf32, #tpu.memory_space<vmem_shared>>
      %dma_wait3A_48 = arith.constant 0 : i32
      %dma_wait3A_49 = tpu.memref_slice %arg7[%add3A_36, %dma_wait3A_48] : memref<10240x128xf32, #tpu.memory_space<vmem_shared>> -> memref<64x128xf32, #tpu.memory_space<vmem_shared>>
      tpu.wait_dma2 semaphore(%run_scoped3A : memref<!tpu.dma_semaphore, #tpu.memory_space<semaphore_mem>>) src(%arg6 : memref<64x128xf32, #tpu.memory_space<vmem>>) dst(%dma_wait3A_49 : memref<64x128xf32, #tpu.memory_space<vmem_shared>>)
      tpu.yield
    }) : () -> ()
    %barrier3A = arith.constant 0 : index
    tpu.barrier barrier_id(%barrier3A)
    %scan3A_37 = arith.constant 0 : i32
    %scan3A_38 = arith.constant 0 : i32
    %scan3A_39 = arith.constant 40 : i32
    %scan3A_40 = arith.addi %scan3A_38, %scan3A_39 : i32
    %scan3A_41 = arith.constant 1 : i32
    scf.for %scan3A_44 = %scan3A_38 to %scan3A_40 step %scan3A_41  : i32 {
      "tpu.region"() ({
        %run_scoped3A = tpu.sem_alloc : memref<!tpu.dma_semaphore, #tpu.memory_space<semaphore_mem>>
        %dma_start3A = arith.constant 0 : i32
        %dma_start3A_45 = tpu.memref_slice %arg4[%scan3A_44, %dma_start3A] : memref<40x128xi32, #tpu.memory_space<vmem>> -> memref<1x128xi32, #tpu.memory_space<vmem>>
        %dma_start3A_46 = tpu.memref_squeeze %dma_start3A_45 : memref<1x128xi32, #tpu.memory_space<vmem>> -> memref<128xi32, #tpu.memory_space<vmem>>
        %dma_start3A_47 = arith.constant 0 : i32
        %dma_start3A_48 = arith.constant 0 : i32
        %dma_start3A_49 = tpu.memref_slice %arg7[%dma_start3A_47, %dma_start3A_48] : memref<10240x128xf32, #tpu.memory_space<vmem_shared>> -> memref<10240x128xf32, #tpu.memory_space<vmem_shared>>
        tpu.enqueue_indirect_dma source(%arg5 : memref<128x128xf32, #tpu.memory_space<vmem>>) target(%dma_start3A_49 : memref<10240x128xf32, #tpu.memory_space<vmem_shared>>) offsets(%dma_start3A_46 : memref<128xi32, #tpu.memory_space<vmem>>) semaphore(%run_scoped3A : memref<!tpu.dma_semaphore, #tpu.memory_space<semaphore_mem>>) {add = true}
        %dma_wait3A = arith.constant 0 : i32
        %dma_wait3A_50 = tpu.memref_slice %arg4[%scan3A_44, %dma_wait3A] : memref<40x128xi32, #tpu.memory_space<vmem>> -> memref<1x128xi32, #tpu.memory_space<vmem>>
        %dma_wait3A_51 = tpu.memref_squeeze %dma_wait3A_50 : memref<1x128xi32, #tpu.memory_space<vmem>> -> memref<128xi32, #tpu.memory_space<vmem>>
        %dma_wait3A_52 = arith.constant 0 : i32
        %dma_wait3A_53 = arith.constant 0 : i32
        %dma_wait3A_54 = tpu.memref_slice %arg7[%dma_wait3A_52, %dma_wait3A_53] : memref<10240x128xf32, #tpu.memory_space<vmem_shared>> -> memref<10240x128xf32, #tpu.memory_space<vmem_shared>>
        tpu.wait_indirect_dma semaphore(%run_scoped3A : memref<!tpu.dma_semaphore, #tpu.memory_space<semaphore_mem>>) src(%arg5 : memref<128x128xf32, #tpu.memory_space<vmem>>) dst(%dma_wait3A_54 : memref<10240x128xf32, #tpu.memory_space<vmem_shared>>)
        tpu.yield
      }) : () -> ()
    }
    %scan3A_42 = arith.constant 40 : i32
    %barrier3A_43 = arith.constant 0 : index
    tpu.barrier barrier_id(%barrier3A_43)
    "tpu.region"() ({
      %run_scoped3A = tpu.sem_alloc : memref<!tpu.dma_semaphore, #tpu.memory_space<semaphore_mem>>
      %dma_start3A = arith.constant 0 : i32
      %dma_start3A_44 = tpu.memref_slice %arg3[%arg0, %mul3A_2, %dma_start3A] : memref<2x10240x128xf32, #tpu.memory_space<hbm>> -> memref<1x640x128xf32, #tpu.memory_space<hbm>>
      %dma_start3A_45 = tpu.memref_squeeze %dma_start3A_44 : memref<1x640x128xf32, #tpu.memory_space<hbm>> -> memref<640x128xf32, #tpu.memory_space<hbm>>
      %dma_start3A_46 = arith.constant 0 : i32
      %dma_start3A_47 = tpu.memref_slice %arg7[%mul3A_2, %dma_start3A_46] : memref<10240x128xf32, #tpu.memory_space<vmem_shared>> -> memref<640x128xf32, #tpu.memory_space<vmem_shared>>
      tpu.enqueue_dma source(%dma_start3A_47 : memref<640x128xf32, #tpu.memory_space<vmem_shared>>) target(%dma_start3A_45 : memref<640x128xf32, #tpu.memory_space<hbm>>) target_semaphore(%run_scoped3A : memref<!tpu.dma_semaphore, #tpu.memory_space<semaphore_mem>>)
      %dma_wait3A = arith.constant 0 : i32
      %dma_wait3A_48 = tpu.memref_slice %arg3[%arg0, %mul3A_2, %dma_wait3A] : memref<2x10240x128xf32, #tpu.memory_space<hbm>> -> memref<1x640x128xf32, #tpu.memory_space<hbm>>
      %dma_wait3A_49 = tpu.memref_squeeze %dma_wait3A_48 : memref<1x640x128xf32, #tpu.memory_space<hbm>> -> memref<640x128xf32, #tpu.memory_space<hbm>>
      %dma_wait3A_50 = arith.constant 0 : i32
      %dma_wait3A_51 = tpu.memref_slice %arg7[%mul3A_2, %dma_wait3A_50] : memref<10240x128xf32, #tpu.memory_space<vmem_shared>> -> memref<640x128xf32, #tpu.memory_space<vmem_shared>>
      tpu.wait_dma2 semaphore(%run_scoped3A : memref<!tpu.dma_semaphore, #tpu.memory_space<semaphore_mem>>) src(%dma_wait3A_51 : memref<640x128xf32, #tpu.memory_space<vmem_shared>>) dst(%dma_wait3A_49 : memref<640x128xf32, #tpu.memory_space<hbm>>)
      tpu.yield
    }) : () -> ()
    return
  }
}

#map = affine_map<(d0, d1) -> (0, 0)>
#map1 = affine_map<(d0, d1) -> (0, 0, 0)>
module attributes {stable_mosaic.version = 14 : i64} {
  func.func @scat(%arg0: i32, %arg1: i32, %arg2: memref<10240x128xf32, #tpu.memory_space<hbm>>, %arg3: memref<10240x128xf32, #tpu.memory_space<hbm>>, %arg4: memref<10240x128xf32, #tpu.memory_space<hbm>>, %arg5: memref<10240x128xf32, #tpu.memory_space<hbm>>, %arg6: memref<32x40x128xi32, #tpu.memory_space<hbm>>, %arg7: memref<32x40x128xi32, #tpu.memory_space<hbm>>, %arg8: memref<2x40960x128xf32, #tpu.memory_space<hbm>>, %arg9: memref<40x128xi32, #tpu.memory_space<vmem>>, %arg10: memref<40x128xi32, #tpu.memory_space<vmem>>, %arg11: memref<128x128xf32, #tpu.memory_space<vmem>>, %arg12: memref<64x128xf32, #tpu.memory_space<vmem>>, %arg13: memref<10240x128xf32, #tpu.memory_space<vmem_shared>>) attributes {dimension_semantics = [#tpu.dimension_semantics<core_parallel>, #tpu.dimension_semantics<subcore_parallel>], iteration_bounds = array<i64: 2, 16>, scalar_prefetch = 0 : i64, scratch_operands = 5 : i64, tpu.core_type = #tpu.core_type<sc_vector_subcore>, window_params = [{transform_indices = #map}, {transform_indices = #map}, {transform_indices = #map}, {transform_indices = #map}, {transform_indices = #map1}, {transform_indices = #map1}, {transform_indices = #map1}]} {
    %mul3A = arith.constant 16 : i32
    %mul3A_0 = arith.muli %arg0, %mul3A : i32
    %add3A = arith.addi %mul3A_0, %arg1 : i32
    %mul3A_1 = arith.constant 640 : i32
    %mul3A_2 = arith.muli %arg1, %mul3A_1 : i32
    %broadcast_in_dim3A = arith.constant 0.000000e+00 : f32
    %broadcast_in_dim3A_3 = vector.broadcast %broadcast_in_dim3A : f32 to vector<16xf32>
    %scan3A = arith.constant 0 : i32
    %scan3A_4 = arith.constant 0 : i32
    %scan3A_5 = arith.constant 512 : i32
    %scan3A_6 = arith.addi %scan3A_4, %scan3A_5 : i32
    %scan3A_7 = arith.constant 1 : i32
    scf.for %scan3A_128 = %scan3A_4 to %scan3A_6 step %scan3A_7  : i32 {
      %jit3A = arith.constant 8 : i32
      %div3A = arith.divsi %scan3A_128, %jit3A : i32
      %sign3A = arith.constant 0 : i32
      %sign3A_129 = arith.cmpi sgt, %scan3A_128, %sign3A : i32
      %sign3A_130 = arith.extui %sign3A_129 : i1 to i32
      %sign3A_131 = arith.constant 0 : i32
      %sign3A_132 = arith.cmpi slt, %scan3A_128, %sign3A_131 : i32
      %sign3A_133 = arith.extui %sign3A_132 : i1 to i32
      %sign3A_134 = arith.subi %sign3A_130, %sign3A_133 : i32
      %sign3A_135 = arith.constant 0 : i32
      %sign3A_136 = arith.cmpi sgt, %jit3A, %sign3A_135 : i32
      %sign3A_137 = arith.extui %sign3A_136 : i1 to i32
      %sign3A_138 = arith.constant 0 : i32
      %sign3A_139 = arith.cmpi slt, %jit3A, %sign3A_138 : i32
      %sign3A_140 = arith.extui %sign3A_139 : i1 to i32
      %sign3A_141 = arith.subi %sign3A_137, %sign3A_140 : i32
      %ne3A = arith.cmpi ne, %sign3A_134, %sign3A_141 : i32
      %rem3A = arith.remsi %scan3A_128, %jit3A : i32
      %ne3A_142 = arith.constant 0 : i32
      %ne3A_143 = arith.cmpi ne, %rem3A, %ne3A_142 : i32
      %and3A = arith.andi %ne3A, %ne3A_143 : i1
      %sub3A = arith.constant 1 : i32
      %sub3A_144 = arith.subi %div3A, %sub3A : i32
      %select_n3A = arith.select %and3A, %sub3A_144, %div3A : i32
      %jit3A_145 = arith.constant 8 : i32
      %eq3A = arith.constant 0 : i32
      %eq3A_146 = arith.cmpi eq, %jit3A_145, %eq3A : i32
      %jit3A_147 = arith.constant 1 : i32
      %select_n3A_148 = arith.select %eq3A_146, %jit3A_147, %jit3A_145 : i32
      %rem3A_149 = arith.remsi %scan3A_128, %select_n3A_148 : i32
      %ne3A_150 = arith.constant 0 : i32
      %ne3A_151 = arith.cmpi ne, %rem3A_149, %ne3A_150 : i32
      %lt3A = arith.constant 0 : i32
      %lt3A_152 = arith.cmpi slt, %rem3A_149, %lt3A : i32
      %lt3A_153 = arith.constant 0 : i32
      %lt3A_154 = arith.cmpi slt, %select_n3A_148, %lt3A_153 : i32
      %ne3A_155 = arith.xori %lt3A_152, %lt3A_154 : i1
      %and3A_156 = arith.andi %ne3A_155, %ne3A_151 : i1
      %add3A_157 = arith.addi %rem3A_149, %select_n3A_148 : i32
      %select_n3A_158 = arith.select %and3A_156, %add3A_157, %rem3A_149 : i32
      %mul3A_159 = arith.constant 16 : i32
      %mul3A_160 = arith.muli %select_n3A_158, %mul3A_159 : i32
      %swap3A = arith.index_cast %select_n3A : i32 to index
      %swap3A_161 = arith.index_cast %mul3A_160 : i32 to index
      %swap3A_162 = tpu.vector_load %arg12[%swap3A, %swap3A_161] {strides = array<i32>} : memref<64x128xf32, #tpu.memory_space<vmem>>, vector<1x16xf32>,
      %swap3A_163 = vector.shape_cast %swap3A_162 : vector<1x16xf32> to vector<16xf32>
      %swap3A_164 = vector.shape_cast %broadcast_in_dim3A_3 : vector<16xf32> to vector<1x16xf32>
      tpu.vector_store %arg12[%swap3A, %swap3A_161], %swap3A_164 {strides = array<i32>} : memref<64x128xf32, #tpu.memory_space<vmem>>, vector<1x16xf32>,
    }
    %scan3A_8 = arith.constant 512 : i32
    "tpu.region"() ({
      %run_scoped3A = tpu.sem_alloc : memref<!tpu.dma_semaphore, #tpu.memory_space<semaphore_mem>>
      %dma_start3A = arith.constant 0 : i32
      %dma_start3A_128 = arith.constant 0 : i32
      %dma_start3A_129 = tpu.memref_slice %arg6[%add3A, %dma_start3A, %dma_start3A_128] : memref<32x40x128xi32, #tpu.memory_space<hbm>> -> memref<1x40x128xi32, #tpu.memory_space<hbm>>
      %dma_start3A_130 = tpu.memref_squeeze %dma_start3A_129 : memref<1x40x128xi32, #tpu.memory_space<hbm>> -> memref<40x128xi32, #tpu.memory_space<hbm>>
      %dma_start3A_131 = arith.constant 0 : i32
      %dma_start3A_132 = arith.constant 0 : i32
      %dma_start3A_133 = tpu.memref_slice %arg6[%add3A, %dma_start3A_131, %dma_start3A_132] : memref<32x40x128xi32, #tpu.memory_space<hbm>> -> memref<1x40x128xi32, #tpu.memory_space<hbm>>
      %dma_start3A_134 = tpu.memref_squeeze %dma_start3A_133 : memref<1x40x128xi32, #tpu.memory_space<hbm>> -> memref<40x128xi32, #tpu.memory_space<hbm>>
      tpu.enqueue_dma source(%dma_start3A_134 : memref<40x128xi32, #tpu.memory_space<hbm>>) target(%arg9 : memref<40x128xi32, #tpu.memory_space<vmem>>) target_semaphore(%run_scoped3A : memref<!tpu.dma_semaphore, #tpu.memory_space<semaphore_mem>>)
      %dma_wait3A = arith.constant 0 : i32
      %dma_wait3A_135 = arith.constant 0 : i32
      %dma_wait3A_136 = tpu.memref_slice %arg6[%add3A, %dma_wait3A, %dma_wait3A_135] : memref<32x40x128xi32, #tpu.memory_space<hbm>> -> memref<1x40x128xi32, #tpu.memory_space<hbm>>
      %dma_wait3A_137 = tpu.memref_squeeze %dma_wait3A_136 : memref<1x40x128xi32, #tpu.memory_space<hbm>> -> memref<40x128xi32, #tpu.memory_space<hbm>>
      %dma_wait3A_138 = arith.constant 0 : i32
      %dma_wait3A_139 = arith.constant 0 : i32
      %dma_wait3A_140 = tpu.memref_slice %arg6[%add3A, %dma_wait3A_138, %dma_wait3A_139] : memref<32x40x128xi32, #tpu.memory_space<hbm>> -> memref<1x40x128xi32, #tpu.memory_space<hbm>>
      %dma_wait3A_141 = tpu.memref_squeeze %dma_wait3A_140 : memref<1x40x128xi32, #tpu.memory_space<hbm>> -> memref<40x128xi32, #tpu.memory_space<hbm>>
      tpu.wait_dma2 semaphore(%run_scoped3A : memref<!tpu.dma_semaphore, #tpu.memory_space<semaphore_mem>>) src(%dma_wait3A_141 : memref<40x128xi32, #tpu.memory_space<hbm>>) dst(%arg9 : memref<40x128xi32, #tpu.memory_space<vmem>>)
      tpu.yield
    }) : () -> ()
    "tpu.region"() ({
      %run_scoped3A = tpu.sem_alloc : memref<!tpu.dma_semaphore, #tpu.memory_space<semaphore_mem>>
      %dma_start3A = arith.constant 0 : i32
      %dma_start3A_128 = arith.constant 0 : i32
      %dma_start3A_129 = tpu.memref_slice %arg7[%add3A, %dma_start3A, %dma_start3A_128] : memref<32x40x128xi32, #tpu.memory_space<hbm>> -> memref<1x40x128xi32, #tpu.memory_space<hbm>>
      %dma_start3A_130 = tpu.memref_squeeze %dma_start3A_129 : memref<1x40x128xi32, #tpu.memory_space<hbm>> -> memref<40x128xi32, #tpu.memory_space<hbm>>
      %dma_start3A_131 = arith.constant 0 : i32
      %dma_start3A_132 = arith.constant 0 : i32
      %dma_start3A_133 = tpu.memref_slice %arg7[%add3A, %dma_start3A_131, %dma_start3A_132] : memref<32x40x128xi32, #tpu.memory_space<hbm>> -> memref<1x40x128xi32, #tpu.memory_space<hbm>>
      %dma_start3A_134 = tpu.memref_squeeze %dma_start3A_133 : memref<1x40x128xi32, #tpu.memory_space<hbm>> -> memref<40x128xi32, #tpu.memory_space<hbm>>
      tpu.enqueue_dma source(%dma_start3A_134 : memref<40x128xi32, #tpu.memory_space<hbm>>) target(%arg10 : memref<40x128xi32, #tpu.memory_space<vmem>>) target_semaphore(%run_scoped3A : memref<!tpu.dma_semaphore, #tpu.memory_space<semaphore_mem>>)
      %dma_wait3A = arith.constant 0 : i32
      %dma_wait3A_135 = arith.constant 0 : i32
      %dma_wait3A_136 = tpu.memref_slice %arg7[%add3A, %dma_wait3A, %dma_wait3A_135] : memref<32x40x128xi32, #tpu.memory_space<hbm>> -> memref<1x40x128xi32, #tpu.memory_space<hbm>>
      %dma_wait3A_137 = tpu.memref_squeeze %dma_wait3A_136 : memref<1x40x128xi32, #tpu.memory_space<hbm>> -> memref<40x128xi32, #tpu.memory_space<hbm>>
      %dma_wait3A_138 = arith.constant 0 : i32
      %dma_wait3A_139 = arith.constant 0 : i32
      %dma_wait3A_140 = tpu.memref_slice %arg7[%add3A, %dma_wait3A_138, %dma_wait3A_139] : memref<32x40x128xi32, #tpu.memory_space<hbm>> -> memref<1x40x128xi32, #tpu.memory_space<hbm>>
      %dma_wait3A_141 = tpu.memref_squeeze %dma_wait3A_140 : memref<1x40x128xi32, #tpu.memory_space<hbm>> -> memref<40x128xi32, #tpu.memory_space<hbm>>
      tpu.wait_dma2 semaphore(%run_scoped3A : memref<!tpu.dma_semaphore, #tpu.memory_space<semaphore_mem>>) src(%dma_wait3A_141 : memref<40x128xi32, #tpu.memory_space<hbm>>) dst(%arg10 : memref<40x128xi32, #tpu.memory_space<vmem>>)
      tpu.yield
    }) : () -> ()
    %add3A_9 = arith.constant 0 : i32
    %add3A_10 = arith.addi %mul3A_2, %add3A_9 : i32
    "tpu.region"() ({
      %run_scoped3A = tpu.sem_alloc : memref<!tpu.dma_semaphore, #tpu.memory_space<semaphore_mem>>
      %dma_start3A = arith.constant 0 : i32
      %dma_start3A_128 = tpu.memref_slice %arg13[%add3A_10, %dma_start3A] : memref<10240x128xf32, #tpu.memory_space<vmem_shared>> -> memref<64x128xf32, #tpu.memory_space<vmem_shared>>
      %dma_start3A_129 = arith.constant 0 : i32
      %dma_start3A_130 = tpu.memref_slice %arg13[%add3A_10, %dma_start3A_129] : memref<10240x128xf32, #tpu.memory_space<vmem_shared>> -> memref<64x128xf32, #tpu.memory_space<vmem_shared>>
      tpu.enqueue_dma source(%arg12 : memref<64x128xf32, #tpu.memory_space<vmem>>) target(%dma_start3A_130 : memref<64x128xf32, #tpu.memory_space<vmem_shared>>) target_semaphore(%run_scoped3A : memref<!tpu.dma_semaphore, #tpu.memory_space<semaphore_mem>>)
      %dma_wait3A = arith.constant 0 : i32
      %dma_wait3A_131 = tpu.memref_slice %arg13[%add3A_10, %dma_wait3A] : memref<10240x128xf32, #tpu.memory_space<vmem_shared>> -> memref<64x128xf32, #tpu.memory_space<vmem_shared>>
      %dma_wait3A_132 = arith.constant 0 : i32
      %dma_wait3A_133 = tpu.memref_slice %arg13[%add3A_10, %dma_wait3A_132] : memref<10240x128xf32, #tpu.memory_space<vmem_shared>> -> memref<64x128xf32, #tpu.memory_space<vmem_shared>>
      tpu.wait_dma2 semaphore(%run_scoped3A : memref<!tpu.dma_semaphore, #tpu.memory_space<semaphore_mem>>) src(%arg12 : memref<64x128xf32, #tpu.memory_space<vmem>>) dst(%dma_wait3A_133 : memref<64x128xf32, #tpu.memory_space<vmem_shared>>)
      tpu.yield
    }) : () -> ()
    %add3A_11 = arith.constant 64 : i32
    %add3A_12 = arith.addi %mul3A_2, %add3A_11 : i32
    "tpu.region"() ({
      %run_scoped3A = tpu.sem_alloc : memref<!tpu.dma_semaphore, #tpu.memory_space<semaphore_mem>>
      %dma_start3A = arith.constant 0 : i32
      %dma_start3A_128 = tpu.memref_slice %arg13[%add3A_12, %dma_start3A] : memref<10240x128xf32, #tpu.memory_space<vmem_shared>> -> memref<64x128xf32, #tpu.memory_space<vmem_shared>>
      %dma_start3A_129 = arith.constant 0 : i32
      %dma_start3A_130 = tpu.memref_slice %arg13[%add3A_12, %dma_start3A_129] : memref<10240x128xf32, #tpu.memory_space<vmem_shared>> -> memref<64x128xf32, #tpu.memory_space<vmem_shared>>
      tpu.enqueue_dma source(%arg12 : memref<64x128xf32, #tpu.memory_space<vmem>>) target(%dma_start3A_130 : memref<64x128xf32, #tpu.memory_space<vmem_shared>>) target_semaphore(%run_scoped3A : memref<!tpu.dma_semaphore, #tpu.memory_space<semaphore_mem>>)
      %dma_wait3A = arith.constant 0 : i32
      %dma_wait3A_131 = tpu.memref_slice %arg13[%add3A_12, %dma_wait3A] : memref<10240x128xf32, #tpu.memory_space<vmem_shared>> -> memref<64x128xf32, #tpu.memory_space<vmem_shared>>
      %dma_wait3A_132 = arith.constant 0 : i32
      %dma_wait3A_133 = tpu.memref_slice %arg13[%add3A_12, %dma_wait3A_132] : memref<10240x128xf32, #tpu.memory_space<vmem_shared>> -> memref<64x128xf32, #tpu.memory_space<vmem_shared>>
      tpu.wait_dma2 semaphore(%run_scoped3A : memref<!tpu.dma_semaphore, #tpu.memory_space<semaphore_mem>>) src(%arg12 : memref<64x128xf32, #tpu.memory_space<vmem>>) dst(%dma_wait3A_133 : memref<64x128xf32, #tpu.memory_space<vmem_shared>>)
      tpu.yield
    }) : () -> ()
    %add3A_13 = arith.constant 128 : i32
    %add3A_14 = arith.addi %mul3A_2, %add3A_13 : i32
    "tpu.region"() ({
      %run_scoped3A = tpu.sem_alloc : memref<!tpu.dma_semaphore, #tpu.memory_space<semaphore_mem>>
      %dma_start3A = arith.constant 0 : i32
      %dma_start3A_128 = tpu.memref_slice %arg13[%add3A_14, %dma_start3A] : memref<10240x128xf32, #tpu.memory_space<vmem_shared>> -> memref<64x128xf32, #tpu.memory_space<vmem_shared>>
      %dma_start3A_129 = arith.constant 0 : i32
      %dma_start3A_130 = tpu.memref_slice %arg13[%add3A_14, %dma_start3A_129] : memref<10240x128xf32, #tpu.memory_space<vmem_shared>> -> memref<64x128xf32, #tpu.memory_space<vmem_shared>>
      tpu.enqueue_dma source(%arg12 : memref<64x128xf32, #tpu.memory_space<vmem>>) target(%dma_start3A_130 : memref<64x128xf32, #tpu.memory_space<vmem_shared>>) target_semaphore(%run_scoped3A : memref<!tpu.dma_semaphore, #tpu.memory_space<semaphore_mem>>)
      %dma_wait3A = arith.constant 0 : i32
      %dma_wait3A_131 = tpu.memref_slice %arg13[%add3A_14, %dma_wait3A] : memref<10240x128xf32, #tpu.memory_space<vmem_shared>> -> memref<64x128xf32, #tpu.memory_space<vmem_shared>>
      %dma_wait3A_132 = arith.constant 0 : i32
      %dma_wait3A_133 = tpu.memref_slice %arg13[%add3A_14, %dma_wait3A_132] : memref<10240x128xf32, #tpu.memory_space<vmem_shared>> -> memref<64x128xf32, #tpu.memory_space<vmem_shared>>
      tpu.wait_dma2 semaphore(%run_scoped3A : memref<!tpu.dma_semaphore, #tpu.memory_space<semaphore_mem>>) src(%arg12 : memref<64x128xf32, #tpu.memory_space<vmem>>) dst(%dma_wait3A_133 : memref<64x128xf32, #tpu.memory_space<vmem_shared>>)
      tpu.yield
    }) : () -> ()
    %add3A_15 = arith.constant 192 : i32
    %add3A_16 = arith.addi %mul3A_2, %add3A_15 : i32
    "tpu.region"() ({
      %run_scoped3A = tpu.sem_alloc : memref<!tpu.dma_semaphore, #tpu.memory_space<semaphore_mem>>
      %dma_start3A = arith.constant 0 : i32
      %dma_start3A_128 = tpu.memref_slice %arg13[%add3A_16, %dma_start3A] : memref<10240x128xf32, #tpu.memory_space<vmem_shared>> -> memref<64x128xf32, #tpu.memory_space<vmem_shared>>
      %dma_start3A_129 = arith.constant 0 : i32
      %dma_start3A_130 = tpu.memref_slice %arg13[%add3A_16, %dma_start3A_129] : memref<10240x128xf32, #tpu.memory_space<vmem_shared>> -> memref<64x128xf32, #tpu.memory_space<vmem_shared>>
      tpu.enqueue_dma source(%arg12 : memref<64x128xf32, #tpu.memory_space<vmem>>) target(%dma_start3A_130 : memref<64x128xf32, #tpu.memory_space<vmem_shared>>) target_semaphore(%run_scoped3A : memref<!tpu.dma_semaphore, #tpu.memory_space<semaphore_mem>>)
      %dma_wait3A = arith.constant 0 : i32
      %dma_wait3A_131 = tpu.memref_slice %arg13[%add3A_16, %dma_wait3A] : memref<10240x128xf32, #tpu.memory_space<vmem_shared>> -> memref<64x128xf32, #tpu.memory_space<vmem_shared>>
      %dma_wait3A_132 = arith.constant 0 : i32
      %dma_wait3A_133 = tpu.memref_slice %arg13[%add3A_16, %dma_wait3A_132] : memref<10240x128xf32, #tpu.memory_space<vmem_shared>> -> memref<64x128xf32, #tpu.memory_space<vmem_shared>>
      tpu.wait_dma2 semaphore(%run_scoped3A : memref<!tpu.dma_semaphore, #tpu.memory_space<semaphore_mem>>) src(%arg12 : memref<64x128xf32, #tpu.memory_space<vmem>>) dst(%dma_wait3A_133 : memref<64x128xf32, #tpu.memory_space<vmem_shared>>)
      tpu.yield
    }) : () -> ()
    %add3A_17 = arith.constant 256 : i32
    %add3A_18 = arith.addi %mul3A_2, %add3A_17 : i32
    "tpu.region"() ({
      %run_scoped3A = tpu.sem_alloc : memref<!tpu.dma_semaphore, #tpu.memory_space<semaphore_mem>>
      %dma_start3A = arith.constant 0 : i32
      %dma_start3A_128 = tpu.memref_slice %arg13[%add3A_18, %dma_start3A] : memref<10240x128xf32, #tpu.memory_space<vmem_shared>> -> memref<64x128xf32, #tpu.memory_space<vmem_shared>>
      %dma_start3A_129 = arith.constant 0 : i32
      %dma_start3A_130 = tpu.memref_slice %arg13[%add3A_18, %dma_start3A_129] : memref<10240x128xf32, #tpu.memory_space<vmem_shared>> -> memref<64x128xf32, #tpu.memory_space<vmem_shared>>
      tpu.enqueue_dma source(%arg12 : memref<64x128xf32, #tpu.memory_space<vmem>>) target(%dma_start3A_130 : memref<64x128xf32, #tpu.memory_space<vmem_shared>>) target_semaphore(%run_scoped3A : memref<!tpu.dma_semaphore, #tpu.memory_space<semaphore_mem>>)
      %dma_wait3A = arith.constant 0 : i32
      %dma_wait3A_131 = tpu.memref_slice %arg13[%add3A_18, %dma_wait3A] : memref<10240x128xf32, #tpu.memory_space<vmem_shared>> -> memref<64x128xf32, #tpu.memory_space<vmem_shared>>
      %dma_wait3A_132 = arith.constant 0 : i32
      %dma_wait3A_133 = tpu.memref_slice %arg13[%add3A_18, %dma_wait3A_132] : memref<10240x128xf32, #tpu.memory_space<vmem_shared>> -> memref<64x128xf32, #tpu.memory_space<vmem_shared>>
      tpu.wait_dma2 semaphore(%run_scoped3A : memref<!tpu.dma_semaphore, #tpu.memory_space<semaphore_mem>>) src(%arg12 : memref<64x128xf32, #tpu.memory_space<vmem>>) dst(%dma_wait3A_133 : memref<64x128xf32, #tpu.memory_space<vmem_shared>>)
      tpu.yield
    }) : () -> ()
    %add3A_19 = arith.constant 320 : i32
    %add3A_20 = arith.addi %mul3A_2, %add3A_19 : i32
    "tpu.region"() ({
      %run_scoped3A = tpu.sem_alloc : memref<!tpu.dma_semaphore, #tpu.memory_space<semaphore_mem>>
      %dma_start3A = arith.constant 0 : i32
      %dma_start3A_128 = tpu.memref_slice %arg13[%add3A_20, %dma_start3A] : memref<10240x128xf32, #tpu.memory_space<vmem_shared>> -> memref<64x128xf32, #tpu.memory_space<vmem_shared>>
      %dma_start3A_129 = arith.constant 0 : i32
      %dma_start3A_130 = tpu.memref_slice %arg13[%add3A_20, %dma_start3A_129] : memref<10240x128xf32, #tpu.memory_space<vmem_shared>> -> memref<64x128xf32, #tpu.memory_space<vmem_shared>>
      tpu.enqueue_dma source(%arg12 : memref<64x128xf32, #tpu.memory_space<vmem>>) target(%dma_start3A_130 : memref<64x128xf32, #tpu.memory_space<vmem_shared>>) target_semaphore(%run_scoped3A : memref<!tpu.dma_semaphore, #tpu.memory_space<semaphore_mem>>)
      %dma_wait3A = arith.constant 0 : i32
      %dma_wait3A_131 = tpu.memref_slice %arg13[%add3A_20, %dma_wait3A] : memref<10240x128xf32, #tpu.memory_space<vmem_shared>> -> memref<64x128xf32, #tpu.memory_space<vmem_shared>>
      %dma_wait3A_132 = arith.constant 0 : i32
      %dma_wait3A_133 = tpu.memref_slice %arg13[%add3A_20, %dma_wait3A_132] : memref<10240x128xf32, #tpu.memory_space<vmem_shared>> -> memref<64x128xf32, #tpu.memory_space<vmem_shared>>
      tpu.wait_dma2 semaphore(%run_scoped3A : memref<!tpu.dma_semaphore, #tpu.memory_space<semaphore_mem>>) src(%arg12 : memref<64x128xf32, #tpu.memory_space<vmem>>) dst(%dma_wait3A_133 : memref<64x128xf32, #tpu.memory_space<vmem_shared>>)
      tpu.yield
    }) : () -> ()
    %add3A_21 = arith.constant 384 : i32
    %add3A_22 = arith.addi %mul3A_2, %add3A_21 : i32
    "tpu.region"() ({
      %run_scoped3A = tpu.sem_alloc : memref<!tpu.dma_semaphore, #tpu.memory_space<semaphore_mem>>
      %dma_start3A = arith.constant 0 : i32
      %dma_start3A_128 = tpu.memref_slice %arg13[%add3A_22, %dma_start3A] : memref<10240x128xf32, #tpu.memory_space<vmem_shared>> -> memref<64x128xf32, #tpu.memory_space<vmem_shared>>
      %dma_start3A_129 = arith.constant 0 : i32
      %dma_start3A_130 = tpu.memref_slice %arg13[%add3A_22, %dma_start3A_129] : memref<10240x128xf32, #tpu.memory_space<vmem_shared>> -> memref<64x128xf32, #tpu.memory_space<vmem_shared>>
      tpu.enqueue_dma source(%arg12 : memref<64x128xf32, #tpu.memory_space<vmem>>) target(%dma_start3A_130 : memref<64x128xf32, #tpu.memory_space<vmem_shared>>) target_semaphore(%run_scoped3A : memref<!tpu.dma_semaphore, #tpu.memory_space<semaphore_mem>>)
      %dma_wait3A = arith.constant 0 : i32
      %dma_wait3A_131 = tpu.memref_slice %arg13[%add3A_22, %dma_wait3A] : memref<10240x128xf32, #tpu.memory_space<vmem_shared>> -> memref<64x128xf32, #tpu.memory_space<vmem_shared>>
      %dma_wait3A_132 = arith.constant 0 : i32
      %dma_wait3A_133 = tpu.memref_slice %arg13[%add3A_22, %dma_wait3A_132] : memref<10240x128xf32, #tpu.memory_space<vmem_shared>> -> memref<64x128xf32, #tpu.memory_space<vmem_shared>>
      tpu.wait_dma2 semaphore(%run_scoped3A : memref<!tpu.dma_semaphore, #tpu.memory_space<semaphore_mem>>) src(%arg12 : memref<64x128xf32, #tpu.memory_space<vmem>>) dst(%dma_wait3A_133 : memref<64x128xf32, #tpu.memory_space<vmem_shared>>)
      tpu.yield
    }) : () -> ()
    %add3A_23 = arith.constant 448 : i32
    %add3A_24 = arith.addi %mul3A_2, %add3A_23 : i32
    "tpu.region"() ({
      %run_scoped3A = tpu.sem_alloc : memref<!tpu.dma_semaphore, #tpu.memory_space<semaphore_mem>>
      %dma_start3A = arith.constant 0 : i32
      %dma_start3A_128 = tpu.memref_slice %arg13[%add3A_24, %dma_start3A] : memref<10240x128xf32, #tpu.memory_space<vmem_shared>> -> memref<64x128xf32, #tpu.memory_space<vmem_shared>>
      %dma_start3A_129 = arith.constant 0 : i32
      %dma_start3A_130 = tpu.memref_slice %arg13[%add3A_24, %dma_start3A_129] : memref<10240x128xf32, #tpu.memory_space<vmem_shared>> -> memref<64x128xf32, #tpu.memory_space<vmem_shared>>
      tpu.enqueue_dma source(%arg12 : memref<64x128xf32, #tpu.memory_space<vmem>>) target(%dma_start3A_130 : memref<64x128xf32, #tpu.memory_space<vmem_shared>>) target_semaphore(%run_scoped3A : memref<!tpu.dma_semaphore, #tpu.memory_space<semaphore_mem>>)
      %dma_wait3A = arith.constant 0 : i32
      %dma_wait3A_131 = tpu.memref_slice %arg13[%add3A_24, %dma_wait3A] : memref<10240x128xf32, #tpu.memory_space<vmem_shared>> -> memref<64x128xf32, #tpu.memory_space<vmem_shared>>
      %dma_wait3A_132 = arith.constant 0 : i32
      %dma_wait3A_133 = tpu.memref_slice %arg13[%add3A_24, %dma_wait3A_132] : memref<10240x128xf32, #tpu.memory_space<vmem_shared>> -> memref<64x128xf32, #tpu.memory_space<vmem_shared>>
      tpu.wait_dma2 semaphore(%run_scoped3A : memref<!tpu.dma_semaphore, #tpu.memory_space<semaphore_mem>>) src(%arg12 : memref<64x128xf32, #tpu.memory_space<vmem>>) dst(%dma_wait3A_133 : memref<64x128xf32, #tpu.memory_space<vmem_shared>>)
      tpu.yield
    }) : () -> ()
    %add3A_25 = arith.constant 512 : i32
    %add3A_26 = arith.addi %mul3A_2, %add3A_25 : i32
    "tpu.region"() ({
      %run_scoped3A = tpu.sem_alloc : memref<!tpu.dma_semaphore, #tpu.memory_space<semaphore_mem>>
      %dma_start3A = arith.constant 0 : i32
      %dma_start3A_128 = tpu.memref_slice %arg13[%add3A_26, %dma_start3A] : memref<10240x128xf32, #tpu.memory_space<vmem_shared>> -> memref<64x128xf32, #tpu.memory_space<vmem_shared>>
      %dma_start3A_129 = arith.constant 0 : i32
      %dma_start3A_130 = tpu.memref_slice %arg13[%add3A_26, %dma_start3A_129] : memref<10240x128xf32, #tpu.memory_space<vmem_shared>> -> memref<64x128xf32, #tpu.memory_space<vmem_shared>>
      tpu.enqueue_dma source(%arg12 : memref<64x128xf32, #tpu.memory_space<vmem>>) target(%dma_start3A_130 : memref<64x128xf32, #tpu.memory_space<vmem_shared>>) target_semaphore(%run_scoped3A : memref<!tpu.dma_semaphore, #tpu.memory_space<semaphore_mem>>)
      %dma_wait3A = arith.constant 0 : i32
      %dma_wait3A_131 = tpu.memref_slice %arg13[%add3A_26, %dma_wait3A] : memref<10240x128xf32, #tpu.memory_space<vmem_shared>> -> memref<64x128xf32, #tpu.memory_space<vmem_shared>>
      %dma_wait3A_132 = arith.constant 0 : i32
      %dma_wait3A_133 = tpu.memref_slice %arg13[%add3A_26, %dma_wait3A_132] : memref<10240x128xf32, #tpu.memory_space<vmem_shared>> -> memref<64x128xf32, #tpu.memory_space<vmem_shared>>
      tpu.wait_dma2 semaphore(%run_scoped3A : memref<!tpu.dma_semaphore, #tpu.memory_space<semaphore_mem>>) src(%arg12 : memref<64x128xf32, #tpu.memory_space<vmem>>) dst(%dma_wait3A_133 : memref<64x128xf32, #tpu.memory_space<vmem_shared>>)
      tpu.yield
    }) : () -> ()
    %add3A_27 = arith.constant 576 : i32
    %add3A_28 = arith.addi %mul3A_2, %add3A_27 : i32
    "tpu.region"() ({
      %run_scoped3A = tpu.sem_alloc : memref<!tpu.dma_semaphore, #tpu.memory_space<semaphore_mem>>
      %dma_start3A = arith.constant 0 : i32
      %dma_start3A_128 = tpu.memref_slice %arg13[%add3A_28, %dma_start3A] : memref<10240x128xf32, #tpu.memory_space<vmem_shared>> -> memref<64x128xf32, #tpu.memory_space<vmem_shared>>
      %dma_start3A_129 = arith.constant 0 : i32
      %dma_start3A_130 = tpu.memref_slice %arg13[%add3A_28, %dma_start3A_129] : memref<10240x128xf32, #tpu.memory_space<vmem_shared>> -> memref<64x128xf32, #tpu.memory_space<vmem_shared>>
      tpu.enqueue_dma source(%arg12 : memref<64x128xf32, #tpu.memory_space<vmem>>) target(%dma_start3A_130 : memref<64x128xf32, #tpu.memory_space<vmem_shared>>) target_semaphore(%run_scoped3A : memref<!tpu.dma_semaphore, #tpu.memory_space<semaphore_mem>>)
      %dma_wait3A = arith.constant 0 : i32
      %dma_wait3A_131 = tpu.memref_slice %arg13[%add3A_28, %dma_wait3A] : memref<10240x128xf32, #tpu.memory_space<vmem_shared>> -> memref<64x128xf32, #tpu.memory_space<vmem_shared>>
      %dma_wait3A_132 = arith.constant 0 : i32
      %dma_wait3A_133 = tpu.memref_slice %arg13[%add3A_28, %dma_wait3A_132] : memref<10240x128xf32, #tpu.memory_space<vmem_shared>> -> memref<64x128xf32, #tpu.memory_space<vmem_shared>>
      tpu.wait_dma2 semaphore(%run_scoped3A : memref<!tpu.dma_semaphore, #tpu.memory_space<semaphore_mem>>) src(%arg12 : memref<64x128xf32, #tpu.memory_space<vmem>>) dst(%dma_wait3A_133 : memref<64x128xf32, #tpu.memory_space<vmem_shared>>)
      tpu.yield
    }) : () -> ()
    %barrier3A = arith.constant 0 : index
    tpu.barrier barrier_id(%barrier3A)
    %scan3A_29 = arith.constant 0 : i32
    %scan3A_30 = arith.constant 0 : i32
    %scan3A_31 = arith.constant 40 : i32
    %scan3A_32 = arith.addi %scan3A_30, %scan3A_31 : i32
    %scan3A_33 = arith.constant 1 : i32
    scf.for %scan3A_128 = %scan3A_30 to %scan3A_32 step %scan3A_33  : i32 {
      "tpu.region"() ({
        %run_scoped3A = tpu.sem_alloc : memref<!tpu.dma_semaphore, #tpu.memory_space<semaphore_mem>>
        %dma_start3A = arith.constant 0 : i32
        %dma_start3A_129 = tpu.memref_slice %arg9[%scan3A_128, %dma_start3A] : memref<40x128xi32, #tpu.memory_space<vmem>> -> memref<1x128xi32, #tpu.memory_space<vmem>>
        %dma_start3A_130 = tpu.memref_squeeze %dma_start3A_129 : memref<1x128xi32, #tpu.memory_space<vmem>> -> memref<128xi32, #tpu.memory_space<vmem>>
        %dma_start3A_131 = arith.constant 0 : i32
        %dma_start3A_132 = arith.constant 0 : i32
        %dma_start3A_133 = tpu.memref_slice %arg2[%dma_start3A_131, %dma_start3A_132] : memref<10240x128xf32, #tpu.memory_space<hbm>> -> memref<10240x128xf32, #tpu.memory_space<hbm>>
        tpu.enqueue_indirect_dma source(%dma_start3A_133 : memref<10240x128xf32, #tpu.memory_space<hbm>>) target(%arg11 : memref<128x128xf32, #tpu.memory_space<vmem>>) offsets(%dma_start3A_130 : memref<128xi32, #tpu.memory_space<vmem>>) semaphore(%run_scoped3A : memref<!tpu.dma_semaphore, #tpu.memory_space<semaphore_mem>>)
        %dma_wait3A = arith.constant 0 : i32
        %dma_wait3A_134 = tpu.memref_slice %arg9[%scan3A_128, %dma_wait3A] : memref<40x128xi32, #tpu.memory_space<vmem>> -> memref<1x128xi32, #tpu.memory_space<vmem>>
        %dma_wait3A_135 = tpu.memref_squeeze %dma_wait3A_134 : memref<1x128xi32, #tpu.memory_space<vmem>> -> memref<128xi32, #tpu.memory_space<vmem>>
        %dma_wait3A_136 = arith.constant 0 : i32
        %dma_wait3A_137 = arith.constant 0 : i32
        %dma_wait3A_138 = tpu.memref_slice %arg2[%dma_wait3A_136, %dma_wait3A_137] : memref<10240x128xf32, #tpu.memory_space<hbm>> -> memref<10240x128xf32, #tpu.memory_space<hbm>>
        tpu.wait_indirect_dma semaphore(%run_scoped3A : memref<!tpu.dma_semaphore, #tpu.memory_space<semaphore_mem>>) src(%dma_wait3A_138 : memref<10240x128xf32, #tpu.memory_space<hbm>>) dst(%arg11 : memref<128x128xf32, #tpu.memory_space<vmem>>)
        tpu.yield
      }) : () -> ()
      "tpu.region"() ({
        %run_scoped3A = tpu.sem_alloc : memref<!tpu.dma_semaphore, #tpu.memory_space<semaphore_mem>>
        %dma_start3A = arith.constant 0 : i32
        %dma_start3A_129 = tpu.memref_slice %arg10[%scan3A_128, %dma_start3A] : memref<40x128xi32, #tpu.memory_space<vmem>> -> memref<1x128xi32, #tpu.memory_space<vmem>>
        %dma_start3A_130 = tpu.memref_squeeze %dma_start3A_129 : memref<1x128xi32, #tpu.memory_space<vmem>> -> memref<128xi32, #tpu.memory_space<vmem>>
        %dma_start3A_131 = arith.constant 0 : i32
        %dma_start3A_132 = arith.constant 0 : i32
        %dma_start3A_133 = tpu.memref_slice %arg13[%dma_start3A_131, %dma_start3A_132] : memref<10240x128xf32, #tpu.memory_space<vmem_shared>> -> memref<10240x128xf32, #tpu.memory_space<vmem_shared>>
        tpu.enqueue_indirect_dma source(%arg11 : memref<128x128xf32, #tpu.memory_space<vmem>>) target(%dma_start3A_133 : memref<10240x128xf32, #tpu.memory_space<vmem_shared>>) offsets(%dma_start3A_130 : memref<128xi32, #tpu.memory_space<vmem>>) semaphore(%run_scoped3A : memref<!tpu.dma_semaphore, #tpu.memory_space<semaphore_mem>>) {add = true}
        %dma_wait3A = arith.constant 0 : i32
        %dma_wait3A_134 = tpu.memref_slice %arg10[%scan3A_128, %dma_wait3A] : memref<40x128xi32, #tpu.memory_space<vmem>> -> memref<1x128xi32, #tpu.memory_space<vmem>>
        %dma_wait3A_135 = tpu.memref_squeeze %dma_wait3A_134 : memref<1x128xi32, #tpu.memory_space<vmem>> -> memref<128xi32, #tpu.memory_space<vmem>>
        %dma_wait3A_136 = arith.constant 0 : i32
        %dma_wait3A_137 = arith.constant 0 : i32
        %dma_wait3A_138 = tpu.memref_slice %arg13[%dma_wait3A_136, %dma_wait3A_137] : memref<10240x128xf32, #tpu.memory_space<vmem_shared>> -> memref<10240x128xf32, #tpu.memory_space<vmem_shared>>
        tpu.wait_indirect_dma semaphore(%run_scoped3A : memref<!tpu.dma_semaphore, #tpu.memory_space<semaphore_mem>>) src(%arg11 : memref<128x128xf32, #tpu.memory_space<vmem>>) dst(%dma_wait3A_138 : memref<10240x128xf32, #tpu.memory_space<vmem_shared>>)
        tpu.yield
      }) : () -> ()
    }
    %scan3A_34 = arith.constant 40 : i32
    %barrier3A_35 = arith.constant 0 : index
    tpu.barrier barrier_id(%barrier3A_35)
    %add3A_36 = arith.constant 0 : i32
    %add3A_37 = arith.addi %add3A_36, %mul3A_2 : i32
    "tpu.region"() ({
      %run_scoped3A = tpu.sem_alloc : memref<!tpu.dma_semaphore, #tpu.memory_space<semaphore_mem>>
      %dma_start3A = arith.constant 0 : i32
      %dma_start3A_128 = tpu.memref_slice %arg8[%arg0, %add3A_37, %dma_start3A] : memref<2x40960x128xf32, #tpu.memory_space<hbm>> -> memref<1x640x128xf32, #tpu.memory_space<hbm>>
      %dma_start3A_129 = tpu.memref_squeeze %dma_start3A_128 : memref<1x640x128xf32, #tpu.memory_space<hbm>> -> memref<640x128xf32, #tpu.memory_space<hbm>>
      %dma_start3A_130 = arith.constant 0 : i32
      %dma_start3A_131 = tpu.memref_slice %arg13[%mul3A_2, %dma_start3A_130] : memref<10240x128xf32, #tpu.memory_space<vmem_shared>> -> memref<640x128xf32, #tpu.memory_space<vmem_shared>>
      tpu.enqueue_dma source(%dma_start3A_131 : memref<640x128xf32, #tpu.memory_space<vmem_shared>>) target(%dma_start3A_129 : memref<640x128xf32, #tpu.memory_space<hbm>>) target_semaphore(%run_scoped3A : memref<!tpu.dma_semaphore, #tpu.memory_space<semaphore_mem>>)
      %dma_wait3A = arith.constant 0 : i32
      %dma_wait3A_132 = tpu.memref_slice %arg8[%arg0, %add3A_37, %dma_wait3A] : memref<2x40960x128xf32, #tpu.memory_space<hbm>> -> memref<1x640x128xf32, #tpu.memory_space<hbm>>
      %dma_wait3A_133 = tpu.memref_squeeze %dma_wait3A_132 : memref<1x640x128xf32, #tpu.memory_space<hbm>> -> memref<640x128xf32, #tpu.memory_space<hbm>>
      %dma_wait3A_134 = arith.constant 0 : i32
      %dma_wait3A_135 = tpu.memref_slice %arg13[%mul3A_2, %dma_wait3A_134] : memref<10240x128xf32, #tpu.memory_space<vmem_shared>> -> memref<640x128xf32, #tpu.memory_space<vmem_shared>>
      tpu.wait_dma2 semaphore(%run_scoped3A : memref<!tpu.dma_semaphore, #tpu.memory_space<semaphore_mem>>) src(%dma_wait3A_135 : memref<640x128xf32, #tpu.memory_space<vmem_shared>>) dst(%dma_wait3A_133 : memref<640x128xf32, #tpu.memory_space<hbm>>)
      tpu.yield
    }) : () -> ()
    %add3A_38 = arith.constant 0 : i32
    %add3A_39 = arith.addi %mul3A_2, %add3A_38 : i32
    "tpu.region"() ({
      %run_scoped3A = tpu.sem_alloc : memref<!tpu.dma_semaphore, #tpu.memory_space<semaphore_mem>>
      %dma_start3A = arith.constant 0 : i32
      %dma_start3A_128 = tpu.memref_slice %arg13[%add3A_39, %dma_start3A] : memref<10240x128xf32, #tpu.memory_space<vmem_shared>> -> memref<64x128xf32, #tpu.memory_space<vmem_shared>>
      %dma_start3A_129 = arith.constant 0 : i32
      %dma_start3A_130 = tpu.memref_slice %arg13[%add3A_39, %dma_start3A_129] : memref<10240x128xf32, #tpu.memory_space<vmem_shared>> -> memref<64x128xf32, #tpu.memory_space<vmem_shared>>
      tpu.enqueue_dma source(%arg12 : memref<64x128xf32, #tpu.memory_space<vmem>>) target(%dma_start3A_130 : memref<64x128xf32, #tpu.memory_space<vmem_shared>>) target_semaphore(%run_scoped3A : memref<!tpu.dma_semaphore, #tpu.memory_space<semaphore_mem>>)
      %dma_wait3A = arith.constant 0 : i32
      %dma_wait3A_131 = tpu.memref_slice %arg13[%add3A_39, %dma_wait3A] : memref<10240x128xf32, #tpu.memory_space<vmem_shared>> -> memref<64x128xf32, #tpu.memory_space<vmem_shared>>
      %dma_wait3A_132 = arith.constant 0 : i32
      %dma_wait3A_133 = tpu.memref_slice %arg13[%add3A_39, %dma_wait3A_132] : memref<10240x128xf32, #tpu.memory_space<vmem_shared>> -> memref<64x128xf32, #tpu.memory_space<vmem_shared>>
      tpu.wait_dma2 semaphore(%run_scoped3A : memref<!tpu.dma_semaphore, #tpu.memory_space<semaphore_mem>>) src(%arg12 : memref<64x128xf32, #tpu.memory_space<vmem>>) dst(%dma_wait3A_133 : memref<64x128xf32, #tpu.memory_space<vmem_shared>>)
      tpu.yield
    }) : () -> ()
    %add3A_40 = arith.constant 64 : i32
    %add3A_41 = arith.addi %mul3A_2, %add3A_40 : i32
    "tpu.region"() ({
      %run_scoped3A = tpu.sem_alloc : memref<!tpu.dma_semaphore, #tpu.memory_space<semaphore_mem>>
      %dma_start3A = arith.constant 0 : i32
      %dma_start3A_128 = tpu.memref_slice %arg13[%add3A_41, %dma_start3A] : memref<10240x128xf32, #tpu.memory_space<vmem_shared>> -> memref<64x128xf32, #tpu.memory_space<vmem_shared>>
      %dma_start3A_129 = arith.constant 0 : i32
      %dma_start3A_130 = tpu.memref_slice %arg13[%add3A_41, %dma_start3A_129] : memref<10240x128xf32, #tpu.memory_space<vmem_shared>> -> memref<64x128xf32, #tpu.memory_space<vmem_shared>>
      tpu.enqueue_dma source(%arg12 : memref<64x128xf32, #tpu.memory_space<vmem>>) target(%dma_start3A_130 : memref<64x128xf32, #tpu.memory_space<vmem_shared>>) target_semaphore(%run_scoped3A : memref<!tpu.dma_semaphore, #tpu.memory_space<semaphore_mem>>)
      %dma_wait3A = arith.constant 0 : i32
      %dma_wait3A_131 = tpu.memref_slice %arg13[%add3A_41, %dma_wait3A] : memref<10240x128xf32, #tpu.memory_space<vmem_shared>> -> memref<64x128xf32, #tpu.memory_space<vmem_shared>>
      %dma_wait3A_132 = arith.constant 0 : i32
      %dma_wait3A_133 = tpu.memref_slice %arg13[%add3A_41, %dma_wait3A_132] : memref<10240x128xf32, #tpu.memory_space<vmem_shared>> -> memref<64x128xf32, #tpu.memory_space<vmem_shared>>
      tpu.wait_dma2 semaphore(%run_scoped3A : memref<!tpu.dma_semaphore, #tpu.memory_space<semaphore_mem>>) src(%arg12 : memref<64x128xf32, #tpu.memory_space<vmem>>) dst(%dma_wait3A_133 : memref<64x128xf32, #tpu.memory_space<vmem_shared>>)
      tpu.yield
    }) : () -> ()
    %add3A_42 = arith.constant 128 : i32
    %add3A_43 = arith.addi %mul3A_2, %add3A_42 : i32
    "tpu.region"() ({
      %run_scoped3A = tpu.sem_alloc : memref<!tpu.dma_semaphore, #tpu.memory_space<semaphore_mem>>
      %dma_start3A = arith.constant 0 : i32
      %dma_start3A_128 = tpu.memref_slice %arg13[%add3A_43, %dma_start3A] : memref<10240x128xf32, #tpu.memory_space<vmem_shared>> -> memref<64x128xf32, #tpu.memory_space<vmem_shared>>
      %dma_start3A_129 = arith.constant 0 : i32
      %dma_start3A_130 = tpu.memref_slice %arg13[%add3A_43, %dma_start3A_129] : memref<10240x128xf32, #tpu.memory_space<vmem_shared>> -> memref<64x128xf32, #tpu.memory_space<vmem_shared>>
      tpu.enqueue_dma source(%arg12 : memref<64x128xf32, #tpu.memory_space<vmem>>) target(%dma_start3A_130 : memref<64x128xf32, #tpu.memory_space<vmem_shared>>) target_semaphore(%run_scoped3A : memref<!tpu.dma_semaphore, #tpu.memory_space<semaphore_mem>>)
      %dma_wait3A = arith.constant 0 : i32
      %dma_wait3A_131 = tpu.memref_slice %arg13[%add3A_43, %dma_wait3A] : memref<10240x128xf32, #tpu.memory_space<vmem_shared>> -> memref<64x128xf32, #tpu.memory_space<vmem_shared>>
      %dma_wait3A_132 = arith.constant 0 : i32
      %dma_wait3A_133 = tpu.memref_slice %arg13[%add3A_43, %dma_wait3A_132] : memref<10240x128xf32, #tpu.memory_space<vmem_shared>> -> memref<64x128xf32, #tpu.memory_space<vmem_shared>>
      tpu.wait_dma2 semaphore(%run_scoped3A : memref<!tpu.dma_semaphore, #tpu.memory_space<semaphore_mem>>) src(%arg12 : memref<64x128xf32, #tpu.memory_space<vmem>>) dst(%dma_wait3A_133 : memref<64x128xf32, #tpu.memory_space<vmem_shared>>)
      tpu.yield
    }) : () -> ()
    %add3A_44 = arith.constant 192 : i32
    %add3A_45 = arith.addi %mul3A_2, %add3A_44 : i32
    "tpu.region"() ({
      %run_scoped3A = tpu.sem_alloc : memref<!tpu.dma_semaphore, #tpu.memory_space<semaphore_mem>>
      %dma_start3A = arith.constant 0 : i32
      %dma_start3A_128 = tpu.memref_slice %arg13[%add3A_45, %dma_start3A] : memref<10240x128xf32, #tpu.memory_space<vmem_shared>> -> memref<64x128xf32, #tpu.memory_space<vmem_shared>>
      %dma_start3A_129 = arith.constant 0 : i32
      %dma_start3A_130 = tpu.memref_slice %arg13[%add3A_45, %dma_start3A_129] : memref<10240x128xf32, #tpu.memory_space<vmem_shared>> -> memref<64x128xf32, #tpu.memory_space<vmem_shared>>
      tpu.enqueue_dma source(%arg12 : memref<64x128xf32, #tpu.memory_space<vmem>>) target(%dma_start3A_130 : memref<64x128xf32, #tpu.memory_space<vmem_shared>>) target_semaphore(%run_scoped3A : memref<!tpu.dma_semaphore, #tpu.memory_space<semaphore_mem>>)
      %dma_wait3A = arith.constant 0 : i32
      %dma_wait3A_131 = tpu.memref_slice %arg13[%add3A_45, %dma_wait3A] : memref<10240x128xf32, #tpu.memory_space<vmem_shared>> -> memref<64x128xf32, #tpu.memory_space<vmem_shared>>
      %dma_wait3A_132 = arith.constant 0 : i32
      %dma_wait3A_133 = tpu.memref_slice %arg13[%add3A_45, %dma_wait3A_132] : memref<10240x128xf32, #tpu.memory_space<vmem_shared>> -> memref<64x128xf32, #tpu.memory_space<vmem_shared>>
      tpu.wait_dma2 semaphore(%run_scoped3A : memref<!tpu.dma_semaphore, #tpu.memory_space<semaphore_mem>>) src(%arg12 : memref<64x128xf32, #tpu.memory_space<vmem>>) dst(%dma_wait3A_133 : memref<64x128xf32, #tpu.memory_space<vmem_shared>>)
      tpu.yield
    }) : () -> ()
    %add3A_46 = arith.constant 256 : i32
    %add3A_47 = arith.addi %mul3A_2, %add3A_46 : i32
    "tpu.region"() ({
      %run_scoped3A = tpu.sem_alloc : memref<!tpu.dma_semaphore, #tpu.memory_space<semaphore_mem>>
      %dma_start3A = arith.constant 0 : i32
      %dma_start3A_128 = tpu.memref_slice %arg13[%add3A_47, %dma_start3A] : memref<10240x128xf32, #tpu.memory_space<vmem_shared>> -> memref<64x128xf32, #tpu.memory_space<vmem_shared>>
      %dma_start3A_129 = arith.constant 0 : i32
      %dma_start3A_130 = tpu.memref_slice %arg13[%add3A_47, %dma_start3A_129] : memref<10240x128xf32, #tpu.memory_space<vmem_shared>> -> memref<64x128xf32, #tpu.memory_space<vmem_shared>>
      tpu.enqueue_dma source(%arg12 : memref<64x128xf32, #tpu.memory_space<vmem>>) target(%dma_start3A_130 : memref<64x128xf32, #tpu.memory_space<vmem_shared>>) target_semaphore(%run_scoped3A : memref<!tpu.dma_semaphore, #tpu.memory_space<semaphore_mem>>)
      %dma_wait3A = arith.constant 0 : i32
      %dma_wait3A_131 = tpu.memref_slice %arg13[%add3A_47, %dma_wait3A] : memref<10240x128xf32, #tpu.memory_space<vmem_shared>> -> memref<64x128xf32, #tpu.memory_space<vmem_shared>>
      %dma_wait3A_132 = arith.constant 0 : i32
      %dma_wait3A_133 = tpu.memref_slice %arg13[%add3A_47, %dma_wait3A_132] : memref<10240x128xf32, #tpu.memory_space<vmem_shared>> -> memref<64x128xf32, #tpu.memory_space<vmem_shared>>
      tpu.wait_dma2 semaphore(%run_scoped3A : memref<!tpu.dma_semaphore, #tpu.memory_space<semaphore_mem>>) src(%arg12 : memref<64x128xf32, #tpu.memory_space<vmem>>) dst(%dma_wait3A_133 : memref<64x128xf32, #tpu.memory_space<vmem_shared>>)
      tpu.yield
    }) : () -> ()
    %add3A_48 = arith.constant 320 : i32
    %add3A_49 = arith.addi %mul3A_2, %add3A_48 : i32
    "tpu.region"() ({
      %run_scoped3A = tpu.sem_alloc : memref<!tpu.dma_semaphore, #tpu.memory_space<semaphore_mem>>
      %dma_start3A = arith.constant 0 : i32
      %dma_start3A_128 = tpu.memref_slice %arg13[%add3A_49, %dma_start3A] : memref<10240x128xf32, #tpu.memory_space<vmem_shared>> -> memref<64x128xf32, #tpu.memory_space<vmem_shared>>
      %dma_start3A_129 = arith.constant 0 : i32
      %dma_start3A_130 = tpu.memref_slice %arg13[%add3A_49, %dma_start3A_129] : memref<10240x128xf32, #tpu.memory_space<vmem_shared>> -> memref<64x128xf32, #tpu.memory_space<vmem_shared>>
      tpu.enqueue_dma source(%arg12 : memref<64x128xf32, #tpu.memory_space<vmem>>) target(%dma_start3A_130 : memref<64x128xf32, #tpu.memory_space<vmem_shared>>) target_semaphore(%run_scoped3A : memref<!tpu.dma_semaphore, #tpu.memory_space<semaphore_mem>>)
      %dma_wait3A = arith.constant 0 : i32
      %dma_wait3A_131 = tpu.memref_slice %arg13[%add3A_49, %dma_wait3A] : memref<10240x128xf32, #tpu.memory_space<vmem_shared>> -> memref<64x128xf32, #tpu.memory_space<vmem_shared>>
      %dma_wait3A_132 = arith.constant 0 : i32
      %dma_wait3A_133 = tpu.memref_slice %arg13[%add3A_49, %dma_wait3A_132] : memref<10240x128xf32, #tpu.memory_space<vmem_shared>> -> memref<64x128xf32, #tpu.memory_space<vmem_shared>>
      tpu.wait_dma2 semaphore(%run_scoped3A : memref<!tpu.dma_semaphore, #tpu.memory_space<semaphore_mem>>) src(%arg12 : memref<64x128xf32, #tpu.memory_space<vmem>>) dst(%dma_wait3A_133 : memref<64x128xf32, #tpu.memory_space<vmem_shared>>)
      tpu.yield
    }) : () -> ()
    %add3A_50 = arith.constant 384 : i32
    %add3A_51 = arith.addi %mul3A_2, %add3A_50 : i32
    "tpu.region"() ({
      %run_scoped3A = tpu.sem_alloc : memref<!tpu.dma_semaphore, #tpu.memory_space<semaphore_mem>>
      %dma_start3A = arith.constant 0 : i32
      %dma_start3A_128 = tpu.memref_slice %arg13[%add3A_51, %dma_start3A] : memref<10240x128xf32, #tpu.memory_space<vmem_shared>> -> memref<64x128xf32, #tpu.memory_space<vmem_shared>>
      %dma_start3A_129 = arith.constant 0 : i32
      %dma_start3A_130 = tpu.memref_slice %arg13[%add3A_51, %dma_start3A_129] : memref<10240x128xf32, #tpu.memory_space<vmem_shared>> -> memref<64x128xf32, #tpu.memory_space<vmem_shared>>
      tpu.enqueue_dma source(%arg12 : memref<64x128xf32, #tpu.memory_space<vmem>>) target(%dma_start3A_130 : memref<64x128xf32, #tpu.memory_space<vmem_shared>>) target_semaphore(%run_scoped3A : memref<!tpu.dma_semaphore, #tpu.memory_space<semaphore_mem>>)
      %dma_wait3A = arith.constant 0 : i32
      %dma_wait3A_131 = tpu.memref_slice %arg13[%add3A_51, %dma_wait3A] : memref<10240x128xf32, #tpu.memory_space<vmem_shared>> -> memref<64x128xf32, #tpu.memory_space<vmem_shared>>
      %dma_wait3A_132 = arith.constant 0 : i32
      %dma_wait3A_133 = tpu.memref_slice %arg13[%add3A_51, %dma_wait3A_132] : memref<10240x128xf32, #tpu.memory_space<vmem_shared>> -> memref<64x128xf32, #tpu.memory_space<vmem_shared>>
      tpu.wait_dma2 semaphore(%run_scoped3A : memref<!tpu.dma_semaphore, #tpu.memory_space<semaphore_mem>>) src(%arg12 : memref<64x128xf32, #tpu.memory_space<vmem>>) dst(%dma_wait3A_133 : memref<64x128xf32, #tpu.memory_space<vmem_shared>>)
      tpu.yield
    }) : () -> ()
    %add3A_52 = arith.constant 448 : i32
    %add3A_53 = arith.addi %mul3A_2, %add3A_52 : i32
    "tpu.region"() ({
      %run_scoped3A = tpu.sem_alloc : memref<!tpu.dma_semaphore, #tpu.memory_space<semaphore_mem>>
      %dma_start3A = arith.constant 0 : i32
      %dma_start3A_128 = tpu.memref_slice %arg13[%add3A_53, %dma_start3A] : memref<10240x128xf32, #tpu.memory_space<vmem_shared>> -> memref<64x128xf32, #tpu.memory_space<vmem_shared>>
      %dma_start3A_129 = arith.constant 0 : i32
      %dma_start3A_130 = tpu.memref_slice %arg13[%add3A_53, %dma_start3A_129] : memref<10240x128xf32, #tpu.memory_space<vmem_shared>> -> memref<64x128xf32, #tpu.memory_space<vmem_shared>>
      tpu.enqueue_dma source(%arg12 : memref<64x128xf32, #tpu.memory_space<vmem>>) target(%dma_start3A_130 : memref<64x128xf32, #tpu.memory_space<vmem_shared>>) target_semaphore(%run_scoped3A : memref<!tpu.dma_semaphore, #tpu.memory_space<semaphore_mem>>)
      %dma_wait3A = arith.constant 0 : i32
      %dma_wait3A_131 = tpu.memref_slice %arg13[%add3A_53, %dma_wait3A] : memref<10240x128xf32, #tpu.memory_space<vmem_shared>> -> memref<64x128xf32, #tpu.memory_space<vmem_shared>>
      %dma_wait3A_132 = arith.constant 0 : i32
      %dma_wait3A_133 = tpu.memref_slice %arg13[%add3A_53, %dma_wait3A_132] : memref<10240x128xf32, #tpu.memory_space<vmem_shared>> -> memref<64x128xf32, #tpu.memory_space<vmem_shared>>
      tpu.wait_dma2 semaphore(%run_scoped3A : memref<!tpu.dma_semaphore, #tpu.memory_space<semaphore_mem>>) src(%arg12 : memref<64x128xf32, #tpu.memory_space<vmem>>) dst(%dma_wait3A_133 : memref<64x128xf32, #tpu.memory_space<vmem_shared>>)
      tpu.yield
    }) : () -> ()
    %add3A_54 = arith.constant 512 : i32
    %add3A_55 = arith.addi %mul3A_2, %add3A_54 : i32
    "tpu.region"() ({
      %run_scoped3A = tpu.sem_alloc : memref<!tpu.dma_semaphore, #tpu.memory_space<semaphore_mem>>
      %dma_start3A = arith.constant 0 : i32
      %dma_start3A_128 = tpu.memref_slice %arg13[%add3A_55, %dma_start3A] : memref<10240x128xf32, #tpu.memory_space<vmem_shared>> -> memref<64x128xf32, #tpu.memory_space<vmem_shared>>
      %dma_start3A_129 = arith.constant 0 : i32
      %dma_start3A_130 = tpu.memref_slice %arg13[%add3A_55, %dma_start3A_129] : memref<10240x128xf32, #tpu.memory_space<vmem_shared>> -> memref<64x128xf32, #tpu.memory_space<vmem_shared>>
      tpu.enqueue_dma source(%arg12 : memref<64x128xf32, #tpu.memory_space<vmem>>) target(%dma_start3A_130 : memref<64x128xf32, #tpu.memory_space<vmem_shared>>) target_semaphore(%run_scoped3A : memref<!tpu.dma_semaphore, #tpu.memory_space<semaphore_mem>>)
      %dma_wait3A = arith.constant 0 : i32
      %dma_wait3A_131 = tpu.memref_slice %arg13[%add3A_55, %dma_wait3A] : memref<10240x128xf32, #tpu.memory_space<vmem_shared>> -> memref<64x128xf32, #tpu.memory_space<vmem_shared>>
      %dma_wait3A_132 = arith.constant 0 : i32
      %dma_wait3A_133 = tpu.memref_slice %arg13[%add3A_55, %dma_wait3A_132] : memref<10240x128xf32, #tpu.memory_space<vmem_shared>> -> memref<64x128xf32, #tpu.memory_space<vmem_shared>>
      tpu.wait_dma2 semaphore(%run_scoped3A : memref<!tpu.dma_semaphore, #tpu.memory_space<semaphore_mem>>) src(%arg12 : memref<64x128xf32, #tpu.memory_space<vmem>>) dst(%dma_wait3A_133 : memref<64x128xf32, #tpu.memory_space<vmem_shared>>)
      tpu.yield
    }) : () -> ()
    %add3A_56 = arith.constant 576 : i32
    %add3A_57 = arith.addi %mul3A_2, %add3A_56 : i32
    "tpu.region"() ({
      %run_scoped3A = tpu.sem_alloc : memref<!tpu.dma_semaphore, #tpu.memory_space<semaphore_mem>>
      %dma_start3A = arith.constant 0 : i32
      %dma_start3A_128 = tpu.memref_slice %arg13[%add3A_57, %dma_start3A] : memref<10240x128xf32, #tpu.memory_space<vmem_shared>> -> memref<64x128xf32, #tpu.memory_space<vmem_shared>>
      %dma_start3A_129 = arith.constant 0 : i32
      %dma_start3A_130 = tpu.memref_slice %arg13[%add3A_57, %dma_start3A_129] : memref<10240x128xf32, #tpu.memory_space<vmem_shared>> -> memref<64x128xf32, #tpu.memory_space<vmem_shared>>
      tpu.enqueue_dma source(%arg12 : memref<64x128xf32, #tpu.memory_space<vmem>>) target(%dma_start3A_130 : memref<64x128xf32, #tpu.memory_space<vmem_shared>>) target_semaphore(%run_scoped3A : memref<!tpu.dma_semaphore, #tpu.memory_space<semaphore_mem>>)
      %dma_wait3A = arith.constant 0 : i32
      %dma_wait3A_131 = tpu.memref_slice %arg13[%add3A_57, %dma_wait3A] : memref<10240x128xf32, #tpu.memory_space<vmem_shared>> -> memref<64x128xf32, #tpu.memory_space<vmem_shared>>
      %dma_wait3A_132 = arith.constant 0 : i32
      %dma_wait3A_133 = tpu.memref_slice %arg13[%add3A_57, %dma_wait3A_132] : memref<10240x128xf32, #tpu.memory_space<vmem_shared>> -> memref<64x128xf32, #tpu.memory_space<vmem_shared>>
      tpu.wait_dma2 semaphore(%run_scoped3A : memref<!tpu.dma_semaphore, #tpu.memory_space<semaphore_mem>>) src(%arg12 : memref<64x128xf32, #tpu.memory_space<vmem>>) dst(%dma_wait3A_133 : memref<64x128xf32, #tpu.memory_space<vmem_shared>>)
      tpu.yield
    }) : () -> ()
    %barrier3A_58 = arith.constant 0 : index
    tpu.barrier barrier_id(%barrier3A_58)
    %scan3A_59 = arith.constant 0 : i32
    %scan3A_60 = arith.constant 0 : i32
    %scan3A_61 = arith.constant 40 : i32
    %scan3A_62 = arith.addi %scan3A_60, %scan3A_61 : i32
    %scan3A_63 = arith.constant 1 : i32
    scf.for %scan3A_128 = %scan3A_60 to %scan3A_62 step %scan3A_63  : i32 {
      "tpu.region"() ({
        %run_scoped3A = tpu.sem_alloc : memref<!tpu.dma_semaphore, #tpu.memory_space<semaphore_mem>>
        %dma_start3A = arith.constant 0 : i32
        %dma_start3A_129 = tpu.memref_slice %arg9[%scan3A_128, %dma_start3A] : memref<40x128xi32, #tpu.memory_space<vmem>> -> memref<1x128xi32, #tpu.memory_space<vmem>>
        %dma_start3A_130 = tpu.memref_squeeze %dma_start3A_129 : memref<1x128xi32, #tpu.memory_space<vmem>> -> memref<128xi32, #tpu.memory_space<vmem>>
        %dma_start3A_131 = arith.constant 0 : i32
        %dma_start3A_132 = arith.constant 0 : i32
        %dma_start3A_133 = tpu.memref_slice %arg3[%dma_start3A_131, %dma_start3A_132] : memref<10240x128xf32, #tpu.memory_space<hbm>> -> memref<10240x128xf32, #tpu.memory_space<hbm>>
        tpu.enqueue_indirect_dma source(%dma_start3A_133 : memref<10240x128xf32, #tpu.memory_space<hbm>>) target(%arg11 : memref<128x128xf32, #tpu.memory_space<vmem>>) offsets(%dma_start3A_130 : memref<128xi32, #tpu.memory_space<vmem>>) semaphore(%run_scoped3A : memref<!tpu.dma_semaphore, #tpu.memory_space<semaphore_mem>>)
        %dma_wait3A = arith.constant 0 : i32
        %dma_wait3A_134 = tpu.memref_slice %arg9[%scan3A_128, %dma_wait3A] : memref<40x128xi32, #tpu.memory_space<vmem>> -> memref<1x128xi32, #tpu.memory_space<vmem>>
        %dma_wait3A_135 = tpu.memref_squeeze %dma_wait3A_134 : memref<1x128xi32, #tpu.memory_space<vmem>> -> memref<128xi32, #tpu.memory_space<vmem>>
        %dma_wait3A_136 = arith.constant 0 : i32
        %dma_wait3A_137 = arith.constant 0 : i32
        %dma_wait3A_138 = tpu.memref_slice %arg3[%dma_wait3A_136, %dma_wait3A_137] : memref<10240x128xf32, #tpu.memory_space<hbm>> -> memref<10240x128xf32, #tpu.memory_space<hbm>>
        tpu.wait_indirect_dma semaphore(%run_scoped3A : memref<!tpu.dma_semaphore, #tpu.memory_space<semaphore_mem>>) src(%dma_wait3A_138 : memref<10240x128xf32, #tpu.memory_space<hbm>>) dst(%arg11 : memref<128x128xf32, #tpu.memory_space<vmem>>)
        tpu.yield
      }) : () -> ()
      "tpu.region"() ({
        %run_scoped3A = tpu.sem_alloc : memref<!tpu.dma_semaphore, #tpu.memory_space<semaphore_mem>>
        %dma_start3A = arith.constant 0 : i32
        %dma_start3A_129 = tpu.memref_slice %arg10[%scan3A_128, %dma_start3A] : memref<40x128xi32, #tpu.memory_space<vmem>> -> memref<1x128xi32, #tpu.memory_space<vmem>>
        %dma_start3A_130 = tpu.memref_squeeze %dma_start3A_129 : memref<1x128xi32, #tpu.memory_space<vmem>> -> memref<128xi32, #tpu.memory_space<vmem>>
        %dma_start3A_131 = arith.constant 0 : i32
        %dma_start3A_132 = arith.constant 0 : i32
        %dma_start3A_133 = tpu.memref_slice %arg13[%dma_start3A_131, %dma_start3A_132] : memref<10240x128xf32, #tpu.memory_space<vmem_shared>> -> memref<10240x128xf32, #tpu.memory_space<vmem_shared>>
        tpu.enqueue_indirect_dma source(%arg11 : memref<128x128xf32, #tpu.memory_space<vmem>>) target(%dma_start3A_133 : memref<10240x128xf32, #tpu.memory_space<vmem_shared>>) offsets(%dma_start3A_130 : memref<128xi32, #tpu.memory_space<vmem>>) semaphore(%run_scoped3A : memref<!tpu.dma_semaphore, #tpu.memory_space<semaphore_mem>>) {add = true}
        %dma_wait3A = arith.constant 0 : i32
        %dma_wait3A_134 = tpu.memref_slice %arg10[%scan3A_128, %dma_wait3A] : memref<40x128xi32, #tpu.memory_space<vmem>> -> memref<1x128xi32, #tpu.memory_space<vmem>>
        %dma_wait3A_135 = tpu.memref_squeeze %dma_wait3A_134 : memref<1x128xi32, #tpu.memory_space<vmem>> -> memref<128xi32, #tpu.memory_space<vmem>>
        %dma_wait3A_136 = arith.constant 0 : i32
        %dma_wait3A_137 = arith.constant 0 : i32
        %dma_wait3A_138 = tpu.memref_slice %arg13[%dma_wait3A_136, %dma_wait3A_137] : memref<10240x128xf32, #tpu.memory_space<vmem_shared>> -> memref<10240x128xf32, #tpu.memory_space<vmem_shared>>
        tpu.wait_indirect_dma semaphore(%run_scoped3A : memref<!tpu.dma_semaphore, #tpu.memory_space<semaphore_mem>>) src(%arg11 : memref<128x128xf32, #tpu.memory_space<vmem>>) dst(%dma_wait3A_138 : memref<10240x128xf32, #tpu.memory_space<vmem_shared>>)
        tpu.yield
      }) : () -> ()
    }
    %scan3A_64 = arith.constant 40 : i32
    %barrier3A_65 = arith.constant 0 : index
    tpu.barrier barrier_id(%barrier3A_65)
    %add3A_66 = arith.constant 10240 : i32
    %add3A_67 = arith.addi %add3A_66, %mul3A_2 : i32
    "tpu.region"() ({
      %run_scoped3A = tpu.sem_alloc : memref<!tpu.dma_semaphore, #tpu.memory_space<semaphore_mem>>
      %dma_start3A = arith.constant 0 : i32
      %dma_start3A_128 = tpu.memref_slice %arg8[%arg0, %add3A_67, %dma_start3A] : memref<2x40960x128xf32, #tpu.memory_space<hbm>> -> memref<1x640x128xf32, #tpu.memory_space<hbm>>
      %dma_start3A_129 = tpu.memref_squeeze %dma_start3A_128 : memref<1x640x128xf32, #tpu.memory_space<hbm>> -> memref<640x128xf32, #tpu.memory_space<hbm>>
      %dma_start3A_130 = arith.constant 0 : i32
      %dma_start3A_131 = tpu.memref_slice %arg13[%mul3A_2, %dma_start3A_130] : memref<10240x128xf32, #tpu.memory_space<vmem_shared>> -> memref<640x128xf32, #tpu.memory_space<vmem_shared>>
      tpu.enqueue_dma source(%dma_start3A_131 : memref<640x128xf32, #tpu.memory_space<vmem_shared>>) target(%dma_start3A_129 : memref<640x128xf32, #tpu.memory_space<hbm>>) target_semaphore(%run_scoped3A : memref<!tpu.dma_semaphore, #tpu.memory_space<semaphore_mem>>)
      %dma_wait3A = arith.constant 0 : i32
      %dma_wait3A_132 = tpu.memref_slice %arg8[%arg0, %add3A_67, %dma_wait3A] : memref<2x40960x128xf32, #tpu.memory_space<hbm>> -> memref<1x640x128xf32, #tpu.memory_space<hbm>>
      %dma_wait3A_133 = tpu.memref_squeeze %dma_wait3A_132 : memref<1x640x128xf32, #tpu.memory_space<hbm>> -> memref<640x128xf32, #tpu.memory_space<hbm>>
      %dma_wait3A_134 = arith.constant 0 : i32
      %dma_wait3A_135 = tpu.memref_slice %arg13[%mul3A_2, %dma_wait3A_134] : memref<10240x128xf32, #tpu.memory_space<vmem_shared>> -> memref<640x128xf32, #tpu.memory_space<vmem_shared>>
      tpu.wait_dma2 semaphore(%run_scoped3A : memref<!tpu.dma_semaphore, #tpu.memory_space<semaphore_mem>>) src(%dma_wait3A_135 : memref<640x128xf32, #tpu.memory_space<vmem_shared>>) dst(%dma_wait3A_133 : memref<640x128xf32, #tpu.memory_space<hbm>>)
      tpu.yield
    }) : () -> ()
    %add3A_68 = arith.constant 0 : i32
    %add3A_69 = arith.addi %mul3A_2, %add3A_68 : i32
    "tpu.region"() ({
      %run_scoped3A = tpu.sem_alloc : memref<!tpu.dma_semaphore, #tpu.memory_space<semaphore_mem>>
      %dma_start3A = arith.constant 0 : i32
      %dma_start3A_128 = tpu.memref_slice %arg13[%add3A_69, %dma_start3A] : memref<10240x128xf32, #tpu.memory_space<vmem_shared>> -> memref<64x128xf32, #tpu.memory_space<vmem_shared>>
      %dma_start3A_129 = arith.constant 0 : i32
      %dma_start3A_130 = tpu.memref_slice %arg13[%add3A_69, %dma_start3A_129] : memref<10240x128xf32, #tpu.memory_space<vmem_shared>> -> memref<64x128xf32, #tpu.memory_space<vmem_shared>>
      tpu.enqueue_dma source(%arg12 : memref<64x128xf32, #tpu.memory_space<vmem>>) target(%dma_start3A_130 : memref<64x128xf32, #tpu.memory_space<vmem_shared>>) target_semaphore(%run_scoped3A : memref<!tpu.dma_semaphore, #tpu.memory_space<semaphore_mem>>)
      %dma_wait3A = arith.constant 0 : i32
      %dma_wait3A_131 = tpu.memref_slice %arg13[%add3A_69, %dma_wait3A] : memref<10240x128xf32, #tpu.memory_space<vmem_shared>> -> memref<64x128xf32, #tpu.memory_space<vmem_shared>>
      %dma_wait3A_132 = arith.constant 0 : i32
      %dma_wait3A_133 = tpu.memref_slice %arg13[%add3A_69, %dma_wait3A_132] : memref<10240x128xf32, #tpu.memory_space<vmem_shared>> -> memref<64x128xf32, #tpu.memory_space<vmem_shared>>
      tpu.wait_dma2 semaphore(%run_scoped3A : memref<!tpu.dma_semaphore, #tpu.memory_space<semaphore_mem>>) src(%arg12 : memref<64x128xf32, #tpu.memory_space<vmem>>) dst(%dma_wait3A_133 : memref<64x128xf32, #tpu.memory_space<vmem_shared>>)
      tpu.yield
    }) : () -> ()
    %add3A_70 = arith.constant 64 : i32
    %add3A_71 = arith.addi %mul3A_2, %add3A_70 : i32
    "tpu.region"() ({
      %run_scoped3A = tpu.sem_alloc : memref<!tpu.dma_semaphore, #tpu.memory_space<semaphore_mem>>
      %dma_start3A = arith.constant 0 : i32
      %dma_start3A_128 = tpu.memref_slice %arg13[%add3A_71, %dma_start3A] : memref<10240x128xf32, #tpu.memory_space<vmem_shared>> -> memref<64x128xf32, #tpu.memory_space<vmem_shared>>
      %dma_start3A_129 = arith.constant 0 : i32
      %dma_start3A_130 = tpu.memref_slice %arg13[%add3A_71, %dma_start3A_129] : memref<10240x128xf32, #tpu.memory_space<vmem_shared>> -> memref<64x128xf32, #tpu.memory_space<vmem_shared>>
      tpu.enqueue_dma source(%arg12 : memref<64x128xf32, #tpu.memory_space<vmem>>) target(%dma_start3A_130 : memref<64x128xf32, #tpu.memory_space<vmem_shared>>) target_semaphore(%run_scoped3A : memref<!tpu.dma_semaphore, #tpu.memory_space<semaphore_mem>>)
      %dma_wait3A = arith.constant 0 : i32
      %dma_wait3A_131 = tpu.memref_slice %arg13[%add3A_71, %dma_wait3A] : memref<10240x128xf32, #tpu.memory_space<vmem_shared>> -> memref<64x128xf32, #tpu.memory_space<vmem_shared>>
      %dma_wait3A_132 = arith.constant 0 : i32
      %dma_wait3A_133 = tpu.memref_slice %arg13[%add3A_71, %dma_wait3A_132] : memref<10240x128xf32, #tpu.memory_space<vmem_shared>> -> memref<64x128xf32, #tpu.memory_space<vmem_shared>>
      tpu.wait_dma2 semaphore(%run_scoped3A : memref<!tpu.dma_semaphore, #tpu.memory_space<semaphore_mem>>) src(%arg12 : memref<64x128xf32, #tpu.memory_space<vmem>>) dst(%dma_wait3A_133 : memref<64x128xf32, #tpu.memory_space<vmem_shared>>)
      tpu.yield
    }) : () -> ()
    %add3A_72 = arith.constant 128 : i32
    %add3A_73 = arith.addi %mul3A_2, %add3A_72 : i32
    "tpu.region"() ({
      %run_scoped3A = tpu.sem_alloc : memref<!tpu.dma_semaphore, #tpu.memory_space<semaphore_mem>>
      %dma_start3A = arith.constant 0 : i32
      %dma_start3A_128 = tpu.memref_slice %arg13[%add3A_73, %dma_start3A] : memref<10240x128xf32, #tpu.memory_space<vmem_shared>> -> memref<64x128xf32, #tpu.memory_space<vmem_shared>>
      %dma_start3A_129 = arith.constant 0 : i32
      %dma_start3A_130 = tpu.memref_slice %arg13[%add3A_73, %dma_start3A_129] : memref<10240x128xf32, #tpu.memory_space<vmem_shared>> -> memref<64x128xf32, #tpu.memory_space<vmem_shared>>
      tpu.enqueue_dma source(%arg12 : memref<64x128xf32, #tpu.memory_space<vmem>>) target(%dma_start3A_130 : memref<64x128xf32, #tpu.memory_space<vmem_shared>>) target_semaphore(%run_scoped3A : memref<!tpu.dma_semaphore, #tpu.memory_space<semaphore_mem>>)
      %dma_wait3A = arith.constant 0 : i32
      %dma_wait3A_131 = tpu.memref_slice %arg13[%add3A_73, %dma_wait3A] : memref<10240x128xf32, #tpu.memory_space<vmem_shared>> -> memref<64x128xf32, #tpu.memory_space<vmem_shared>>
      %dma_wait3A_132 = arith.constant 0 : i32
      %dma_wait3A_133 = tpu.memref_slice %arg13[%add3A_73, %dma_wait3A_132] : memref<10240x128xf32, #tpu.memory_space<vmem_shared>> -> memref<64x128xf32, #tpu.memory_space<vmem_shared>>
      tpu.wait_dma2 semaphore(%run_scoped3A : memref<!tpu.dma_semaphore, #tpu.memory_space<semaphore_mem>>) src(%arg12 : memref<64x128xf32, #tpu.memory_space<vmem>>) dst(%dma_wait3A_133 : memref<64x128xf32, #tpu.memory_space<vmem_shared>>)
      tpu.yield
    }) : () -> ()
    %add3A_74 = arith.constant 192 : i32
    %add3A_75 = arith.addi %mul3A_2, %add3A_74 : i32
    "tpu.region"() ({
      %run_scoped3A = tpu.sem_alloc : memref<!tpu.dma_semaphore, #tpu.memory_space<semaphore_mem>>
      %dma_start3A = arith.constant 0 : i32
      %dma_start3A_128 = tpu.memref_slice %arg13[%add3A_75, %dma_start3A] : memref<10240x128xf32, #tpu.memory_space<vmem_shared>> -> memref<64x128xf32, #tpu.memory_space<vmem_shared>>
      %dma_start3A_129 = arith.constant 0 : i32
      %dma_start3A_130 = tpu.memref_slice %arg13[%add3A_75, %dma_start3A_129] : memref<10240x128xf32, #tpu.memory_space<vmem_shared>> -> memref<64x128xf32, #tpu.memory_space<vmem_shared>>
      tpu.enqueue_dma source(%arg12 : memref<64x128xf32, #tpu.memory_space<vmem>>) target(%dma_start3A_130 : memref<64x128xf32, #tpu.memory_space<vmem_shared>>) target_semaphore(%run_scoped3A : memref<!tpu.dma_semaphore, #tpu.memory_space<semaphore_mem>>)
      %dma_wait3A = arith.constant 0 : i32
      %dma_wait3A_131 = tpu.memref_slice %arg13[%add3A_75, %dma_wait3A] : memref<10240x128xf32, #tpu.memory_space<vmem_shared>> -> memref<64x128xf32, #tpu.memory_space<vmem_shared>>
      %dma_wait3A_132 = arith.constant 0 : i32
      %dma_wait3A_133 = tpu.memref_slice %arg13[%add3A_75, %dma_wait3A_132] : memref<10240x128xf32, #tpu.memory_space<vmem_shared>> -> memref<64x128xf32, #tpu.memory_space<vmem_shared>>
      tpu.wait_dma2 semaphore(%run_scoped3A : memref<!tpu.dma_semaphore, #tpu.memory_space<semaphore_mem>>) src(%arg12 : memref<64x128xf32, #tpu.memory_space<vmem>>) dst(%dma_wait3A_133 : memref<64x128xf32, #tpu.memory_space<vmem_shared>>)
      tpu.yield
    }) : () -> ()
    %add3A_76 = arith.constant 256 : i32
    %add3A_77 = arith.addi %mul3A_2, %add3A_76 : i32
    "tpu.region"() ({
      %run_scoped3A = tpu.sem_alloc : memref<!tpu.dma_semaphore, #tpu.memory_space<semaphore_mem>>
      %dma_start3A = arith.constant 0 : i32
      %dma_start3A_128 = tpu.memref_slice %arg13[%add3A_77, %dma_start3A] : memref<10240x128xf32, #tpu.memory_space<vmem_shared>> -> memref<64x128xf32, #tpu.memory_space<vmem_shared>>
      %dma_start3A_129 = arith.constant 0 : i32
      %dma_start3A_130 = tpu.memref_slice %arg13[%add3A_77, %dma_start3A_129] : memref<10240x128xf32, #tpu.memory_space<vmem_shared>> -> memref<64x128xf32, #tpu.memory_space<vmem_shared>>
      tpu.enqueue_dma source(%arg12 : memref<64x128xf32, #tpu.memory_space<vmem>>) target(%dma_start3A_130 : memref<64x128xf32, #tpu.memory_space<vmem_shared>>) target_semaphore(%run_scoped3A : memref<!tpu.dma_semaphore, #tpu.memory_space<semaphore_mem>>)
      %dma_wait3A = arith.constant 0 : i32
      %dma_wait3A_131 = tpu.memref_slice %arg13[%add3A_77, %dma_wait3A] : memref<10240x128xf32, #tpu.memory_space<vmem_shared>> -> memref<64x128xf32, #tpu.memory_space<vmem_shared>>
      %dma_wait3A_132 = arith.constant 0 : i32
      %dma_wait3A_133 = tpu.memref_slice %arg13[%add3A_77, %dma_wait3A_132] : memref<10240x128xf32, #tpu.memory_space<vmem_shared>> -> memref<64x128xf32, #tpu.memory_space<vmem_shared>>
      tpu.wait_dma2 semaphore(%run_scoped3A : memref<!tpu.dma_semaphore, #tpu.memory_space<semaphore_mem>>) src(%arg12 : memref<64x128xf32, #tpu.memory_space<vmem>>) dst(%dma_wait3A_133 : memref<64x128xf32, #tpu.memory_space<vmem_shared>>)
      tpu.yield
    }) : () -> ()
    %add3A_78 = arith.constant 320 : i32
    %add3A_79 = arith.addi %mul3A_2, %add3A_78 : i32
    "tpu.region"() ({
      %run_scoped3A = tpu.sem_alloc : memref<!tpu.dma_semaphore, #tpu.memory_space<semaphore_mem>>
      %dma_start3A = arith.constant 0 : i32
      %dma_start3A_128 = tpu.memref_slice %arg13[%add3A_79, %dma_start3A] : memref<10240x128xf32, #tpu.memory_space<vmem_shared>> -> memref<64x128xf32, #tpu.memory_space<vmem_shared>>
      %dma_start3A_129 = arith.constant 0 : i32
      %dma_start3A_130 = tpu.memref_slice %arg13[%add3A_79, %dma_start3A_129] : memref<10240x128xf32, #tpu.memory_space<vmem_shared>> -> memref<64x128xf32, #tpu.memory_space<vmem_shared>>
      tpu.enqueue_dma source(%arg12 : memref<64x128xf32, #tpu.memory_space<vmem>>) target(%dma_start3A_130 : memref<64x128xf32, #tpu.memory_space<vmem_shared>>) target_semaphore(%run_scoped3A : memref<!tpu.dma_semaphore, #tpu.memory_space<semaphore_mem>>)
      %dma_wait3A = arith.constant 0 : i32
      %dma_wait3A_131 = tpu.memref_slice %arg13[%add3A_79, %dma_wait3A] : memref<10240x128xf32, #tpu.memory_space<vmem_shared>> -> memref<64x128xf32, #tpu.memory_space<vmem_shared>>
      %dma_wait3A_132 = arith.constant 0 : i32
      %dma_wait3A_133 = tpu.memref_slice %arg13[%add3A_79, %dma_wait3A_132] : memref<10240x128xf32, #tpu.memory_space<vmem_shared>> -> memref<64x128xf32, #tpu.memory_space<vmem_shared>>
      tpu.wait_dma2 semaphore(%run_scoped3A : memref<!tpu.dma_semaphore, #tpu.memory_space<semaphore_mem>>) src(%arg12 : memref<64x128xf32, #tpu.memory_space<vmem>>) dst(%dma_wait3A_133 : memref<64x128xf32, #tpu.memory_space<vmem_shared>>)
      tpu.yield
    }) : () -> ()
    %add3A_80 = arith.constant 384 : i32
    %add3A_81 = arith.addi %mul3A_2, %add3A_80 : i32
    "tpu.region"() ({
      %run_scoped3A = tpu.sem_alloc : memref<!tpu.dma_semaphore, #tpu.memory_space<semaphore_mem>>
      %dma_start3A = arith.constant 0 : i32
      %dma_start3A_128 = tpu.memref_slice %arg13[%add3A_81, %dma_start3A] : memref<10240x128xf32, #tpu.memory_space<vmem_shared>> -> memref<64x128xf32, #tpu.memory_space<vmem_shared>>
      %dma_start3A_129 = arith.constant 0 : i32
      %dma_start3A_130 = tpu.memref_slice %arg13[%add3A_81, %dma_start3A_129] : memref<10240x128xf32, #tpu.memory_space<vmem_shared>> -> memref<64x128xf32, #tpu.memory_space<vmem_shared>>
      tpu.enqueue_dma source(%arg12 : memref<64x128xf32, #tpu.memory_space<vmem>>) target(%dma_start3A_130 : memref<64x128xf32, #tpu.memory_space<vmem_shared>>) target_semaphore(%run_scoped3A : memref<!tpu.dma_semaphore, #tpu.memory_space<semaphore_mem>>)
      %dma_wait3A = arith.constant 0 : i32
      %dma_wait3A_131 = tpu.memref_slice %arg13[%add3A_81, %dma_wait3A] : memref<10240x128xf32, #tpu.memory_space<vmem_shared>> -> memref<64x128xf32, #tpu.memory_space<vmem_shared>>
      %dma_wait3A_132 = arith.constant 0 : i32
      %dma_wait3A_133 = tpu.memref_slice %arg13[%add3A_81, %dma_wait3A_132] : memref<10240x128xf32, #tpu.memory_space<vmem_shared>> -> memref<64x128xf32, #tpu.memory_space<vmem_shared>>
      tpu.wait_dma2 semaphore(%run_scoped3A : memref<!tpu.dma_semaphore, #tpu.memory_space<semaphore_mem>>) src(%arg12 : memref<64x128xf32, #tpu.memory_space<vmem>>) dst(%dma_wait3A_133 : memref<64x128xf32, #tpu.memory_space<vmem_shared>>)
      tpu.yield
    }) : () -> ()
    %add3A_82 = arith.constant 448 : i32
    %add3A_83 = arith.addi %mul3A_2, %add3A_82 : i32
    "tpu.region"() ({
      %run_scoped3A = tpu.sem_alloc : memref<!tpu.dma_semaphore, #tpu.memory_space<semaphore_mem>>
      %dma_start3A = arith.constant 0 : i32
      %dma_start3A_128 = tpu.memref_slice %arg13[%add3A_83, %dma_start3A] : memref<10240x128xf32, #tpu.memory_space<vmem_shared>> -> memref<64x128xf32, #tpu.memory_space<vmem_shared>>
      %dma_start3A_129 = arith.constant 0 : i32
      %dma_start3A_130 = tpu.memref_slice %arg13[%add3A_83, %dma_start3A_129] : memref<10240x128xf32, #tpu.memory_space<vmem_shared>> -> memref<64x128xf32, #tpu.memory_space<vmem_shared>>
      tpu.enqueue_dma source(%arg12 : memref<64x128xf32, #tpu.memory_space<vmem>>) target(%dma_start3A_130 : memref<64x128xf32, #tpu.memory_space<vmem_shared>>) target_semaphore(%run_scoped3A : memref<!tpu.dma_semaphore, #tpu.memory_space<semaphore_mem>>)
      %dma_wait3A = arith.constant 0 : i32
      %dma_wait3A_131 = tpu.memref_slice %arg13[%add3A_83, %dma_wait3A] : memref<10240x128xf32, #tpu.memory_space<vmem_shared>> -> memref<64x128xf32, #tpu.memory_space<vmem_shared>>
      %dma_wait3A_132 = arith.constant 0 : i32
      %dma_wait3A_133 = tpu.memref_slice %arg13[%add3A_83, %dma_wait3A_132] : memref<10240x128xf32, #tpu.memory_space<vmem_shared>> -> memref<64x128xf32, #tpu.memory_space<vmem_shared>>
      tpu.wait_dma2 semaphore(%run_scoped3A : memref<!tpu.dma_semaphore, #tpu.memory_space<semaphore_mem>>) src(%arg12 : memref<64x128xf32, #tpu.memory_space<vmem>>) dst(%dma_wait3A_133 : memref<64x128xf32, #tpu.memory_space<vmem_shared>>)
      tpu.yield
    }) : () -> ()
    %add3A_84 = arith.constant 512 : i32
    %add3A_85 = arith.addi %mul3A_2, %add3A_84 : i32
    "tpu.region"() ({
      %run_scoped3A = tpu.sem_alloc : memref<!tpu.dma_semaphore, #tpu.memory_space<semaphore_mem>>
      %dma_start3A = arith.constant 0 : i32
      %dma_start3A_128 = tpu.memref_slice %arg13[%add3A_85, %dma_start3A] : memref<10240x128xf32, #tpu.memory_space<vmem_shared>> -> memref<64x128xf32, #tpu.memory_space<vmem_shared>>
      %dma_start3A_129 = arith.constant 0 : i32
      %dma_start3A_130 = tpu.memref_slice %arg13[%add3A_85, %dma_start3A_129] : memref<10240x128xf32, #tpu.memory_space<vmem_shared>> -> memref<64x128xf32, #tpu.memory_space<vmem_shared>>
      tpu.enqueue_dma source(%arg12 : memref<64x128xf32, #tpu.memory_space<vmem>>) target(%dma_start3A_130 : memref<64x128xf32, #tpu.memory_space<vmem_shared>>) target_semaphore(%run_scoped3A : memref<!tpu.dma_semaphore, #tpu.memory_space<semaphore_mem>>)
      %dma_wait3A = arith.constant 0 : i32
      %dma_wait3A_131 = tpu.memref_slice %arg13[%add3A_85, %dma_wait3A] : memref<10240x128xf32, #tpu.memory_space<vmem_shared>> -> memref<64x128xf32, #tpu.memory_space<vmem_shared>>
      %dma_wait3A_132 = arith.constant 0 : i32
      %dma_wait3A_133 = tpu.memref_slice %arg13[%add3A_85, %dma_wait3A_132] : memref<10240x128xf32, #tpu.memory_space<vmem_shared>> -> memref<64x128xf32, #tpu.memory_space<vmem_shared>>
      tpu.wait_dma2 semaphore(%run_scoped3A : memref<!tpu.dma_semaphore, #tpu.memory_space<semaphore_mem>>) src(%arg12 : memref<64x128xf32, #tpu.memory_space<vmem>>) dst(%dma_wait3A_133 : memref<64x128xf32, #tpu.memory_space<vmem_shared>>)
      tpu.yield
    }) : () -> ()
    %add3A_86 = arith.constant 576 : i32
    %add3A_87 = arith.addi %mul3A_2, %add3A_86 : i32
    "tpu.region"() ({
      %run_scoped3A = tpu.sem_alloc : memref<!tpu.dma_semaphore, #tpu.memory_space<semaphore_mem>>
      %dma_start3A = arith.constant 0 : i32
      %dma_start3A_128 = tpu.memref_slice %arg13[%add3A_87, %dma_start3A] : memref<10240x128xf32, #tpu.memory_space<vmem_shared>> -> memref<64x128xf32, #tpu.memory_space<vmem_shared>>
      %dma_start3A_129 = arith.constant 0 : i32
      %dma_start3A_130 = tpu.memref_slice %arg13[%add3A_87, %dma_start3A_129] : memref<10240x128xf32, #tpu.memory_space<vmem_shared>> -> memref<64x128xf32, #tpu.memory_space<vmem_shared>>
      tpu.enqueue_dma source(%arg12 : memref<64x128xf32, #tpu.memory_space<vmem>>) target(%dma_start3A_130 : memref<64x128xf32, #tpu.memory_space<vmem_shared>>) target_semaphore(%run_scoped3A : memref<!tpu.dma_semaphore, #tpu.memory_space<semaphore_mem>>)
      %dma_wait3A = arith.constant 0 : i32
      %dma_wait3A_131 = tpu.memref_slice %arg13[%add3A_87, %dma_wait3A] : memref<10240x128xf32, #tpu.memory_space<vmem_shared>> -> memref<64x128xf32, #tpu.memory_space<vmem_shared>>
      %dma_wait3A_132 = arith.constant 0 : i32
      %dma_wait3A_133 = tpu.memref_slice %arg13[%add3A_87, %dma_wait3A_132] : memref<10240x128xf32, #tpu.memory_space<vmem_shared>> -> memref<64x128xf32, #tpu.memory_space<vmem_shared>>
      tpu.wait_dma2 semaphore(%run_scoped3A : memref<!tpu.dma_semaphore, #tpu.memory_space<semaphore_mem>>) src(%arg12 : memref<64x128xf32, #tpu.memory_space<vmem>>) dst(%dma_wait3A_133 : memref<64x128xf32, #tpu.memory_space<vmem_shared>>)
      tpu.yield
    }) : () -> ()
    %barrier3A_88 = arith.constant 0 : index
    tpu.barrier barrier_id(%barrier3A_88)
    %scan3A_89 = arith.constant 0 : i32
    %scan3A_90 = arith.constant 0 : i32
    %scan3A_91 = arith.constant 40 : i32
    %scan3A_92 = arith.addi %scan3A_90, %scan3A_91 : i32
    %scan3A_93 = arith.constant 1 : i32
    scf.for %scan3A_128 = %scan3A_90 to %scan3A_92 step %scan3A_93  : i32 {
      "tpu.region"() ({
        %run_scoped3A = tpu.sem_alloc : memref<!tpu.dma_semaphore, #tpu.memory_space<semaphore_mem>>
        %dma_start3A = arith.constant 0 : i32
        %dma_start3A_129 = tpu.memref_slice %arg9[%scan3A_128, %dma_start3A] : memref<40x128xi32, #tpu.memory_space<vmem>> -> memref<1x128xi32, #tpu.memory_space<vmem>>
        %dma_start3A_130 = tpu.memref_squeeze %dma_start3A_129 : memref<1x128xi32, #tpu.memory_space<vmem>> -> memref<128xi32, #tpu.memory_space<vmem>>
        %dma_start3A_131 = arith.constant 0 : i32
        %dma_start3A_132 = arith.constant 0 : i32
        %dma_start3A_133 = tpu.memref_slice %arg4[%dma_start3A_131, %dma_start3A_132] : memref<10240x128xf32, #tpu.memory_space<hbm>> -> memref<10240x128xf32, #tpu.memory_space<hbm>>
        tpu.enqueue_indirect_dma source(%dma_start3A_133 : memref<10240x128xf32, #tpu.memory_space<hbm>>) target(%arg11 : memref<128x128xf32, #tpu.memory_space<vmem>>) offsets(%dma_start3A_130 : memref<128xi32, #tpu.memory_space<vmem>>) semaphore(%run_scoped3A : memref<!tpu.dma_semaphore, #tpu.memory_space<semaphore_mem>>)
        %dma_wait3A = arith.constant 0 : i32
        %dma_wait3A_134 = tpu.memref_slice %arg9[%scan3A_128, %dma_wait3A] : memref<40x128xi32, #tpu.memory_space<vmem>> -> memref<1x128xi32, #tpu.memory_space<vmem>>
        %dma_wait3A_135 = tpu.memref_squeeze %dma_wait3A_134 : memref<1x128xi32, #tpu.memory_space<vmem>> -> memref<128xi32, #tpu.memory_space<vmem>>
        %dma_wait3A_136 = arith.constant 0 : i32
        %dma_wait3A_137 = arith.constant 0 : i32
        %dma_wait3A_138 = tpu.memref_slice %arg4[%dma_wait3A_136, %dma_wait3A_137] : memref<10240x128xf32, #tpu.memory_space<hbm>> -> memref<10240x128xf32, #tpu.memory_space<hbm>>
        tpu.wait_indirect_dma semaphore(%run_scoped3A : memref<!tpu.dma_semaphore, #tpu.memory_space<semaphore_mem>>) src(%dma_wait3A_138 : memref<10240x128xf32, #tpu.memory_space<hbm>>) dst(%arg11 : memref<128x128xf32, #tpu.memory_space<vmem>>)
        tpu.yield
      }) : () -> ()
      "tpu.region"() ({
        %run_scoped3A = tpu.sem_alloc : memref<!tpu.dma_semaphore, #tpu.memory_space<semaphore_mem>>
        %dma_start3A = arith.constant 0 : i32
        %dma_start3A_129 = tpu.memref_slice %arg10[%scan3A_128, %dma_start3A] : memref<40x128xi32, #tpu.memory_space<vmem>> -> memref<1x128xi32, #tpu.memory_space<vmem>>
        %dma_start3A_130 = tpu.memref_squeeze %dma_start3A_129 : memref<1x128xi32, #tpu.memory_space<vmem>> -> memref<128xi32, #tpu.memory_space<vmem>>
        %dma_start3A_131 = arith.constant 0 : i32
        %dma_start3A_132 = arith.constant 0 : i32
        %dma_start3A_133 = tpu.memref_slice %arg13[%dma_start3A_131, %dma_start3A_132] : memref<10240x128xf32, #tpu.memory_space<vmem_shared>> -> memref<10240x128xf32, #tpu.memory_space<vmem_shared>>
        tpu.enqueue_indirect_dma source(%arg11 : memref<128x128xf32, #tpu.memory_space<vmem>>) target(%dma_start3A_133 : memref<10240x128xf32, #tpu.memory_space<vmem_shared>>) offsets(%dma_start3A_130 : memref<128xi32, #tpu.memory_space<vmem>>) semaphore(%run_scoped3A : memref<!tpu.dma_semaphore, #tpu.memory_space<semaphore_mem>>) {add = true}
        %dma_wait3A = arith.constant 0 : i32
        %dma_wait3A_134 = tpu.memref_slice %arg10[%scan3A_128, %dma_wait3A] : memref<40x128xi32, #tpu.memory_space<vmem>> -> memref<1x128xi32, #tpu.memory_space<vmem>>
        %dma_wait3A_135 = tpu.memref_squeeze %dma_wait3A_134 : memref<1x128xi32, #tpu.memory_space<vmem>> -> memref<128xi32, #tpu.memory_space<vmem>>
        %dma_wait3A_136 = arith.constant 0 : i32
        %dma_wait3A_137 = arith.constant 0 : i32
        %dma_wait3A_138 = tpu.memref_slice %arg13[%dma_wait3A_136, %dma_wait3A_137] : memref<10240x128xf32, #tpu.memory_space<vmem_shared>> -> memref<10240x128xf32, #tpu.memory_space<vmem_shared>>
        tpu.wait_indirect_dma semaphore(%run_scoped3A : memref<!tpu.dma_semaphore, #tpu.memory_space<semaphore_mem>>) src(%arg11 : memref<128x128xf32, #tpu.memory_space<vmem>>) dst(%dma_wait3A_138 : memref<10240x128xf32, #tpu.memory_space<vmem_shared>>)
        tpu.yield
      }) : () -> ()
    }
    %scan3A_94 = arith.constant 40 : i32
    %barrier3A_95 = arith.constant 0 : index
    tpu.barrier barrier_id(%barrier3A_95)
    %add3A_96 = arith.constant 20480 : i32
    %add3A_97 = arith.addi %add3A_96, %mul3A_2 : i32
    "tpu.region"() ({
      %run_scoped3A = tpu.sem_alloc : memref<!tpu.dma_semaphore, #tpu.memory_space<semaphore_mem>>
      %dma_start3A = arith.constant 0 : i32
      %dma_start3A_128 = tpu.memref_slice %arg8[%arg0, %add3A_97, %dma_start3A] : memref<2x40960x128xf32, #tpu.memory_space<hbm>> -> memref<1x640x128xf32, #tpu.memory_space<hbm>>
      %dma_start3A_129 = tpu.memref_squeeze %dma_start3A_128 : memref<1x640x128xf32, #tpu.memory_space<hbm>> -> memref<640x128xf32, #tpu.memory_space<hbm>>
      %dma_start3A_130 = arith.constant 0 : i32
      %dma_start3A_131 = tpu.memref_slice %arg13[%mul3A_2, %dma_start3A_130] : memref<10240x128xf32, #tpu.memory_space<vmem_shared>> -> memref<640x128xf32, #tpu.memory_space<vmem_shared>>
      tpu.enqueue_dma source(%dma_start3A_131 : memref<640x128xf32, #tpu.memory_space<vmem_shared>>) target(%dma_start3A_129 : memref<640x128xf32, #tpu.memory_space<hbm>>) target_semaphore(%run_scoped3A : memref<!tpu.dma_semaphore, #tpu.memory_space<semaphore_mem>>)
      %dma_wait3A = arith.constant 0 : i32
      %dma_wait3A_132 = tpu.memref_slice %arg8[%arg0, %add3A_97, %dma_wait3A] : memref<2x40960x128xf32, #tpu.memory_space<hbm>> -> memref<1x640x128xf32, #tpu.memory_space<hbm>>
      %dma_wait3A_133 = tpu.memref_squeeze %dma_wait3A_132 : memref<1x640x128xf32, #tpu.memory_space<hbm>> -> memref<640x128xf32, #tpu.memory_space<hbm>>
      %dma_wait3A_134 = arith.constant 0 : i32
      %dma_wait3A_135 = tpu.memref_slice %arg13[%mul3A_2, %dma_wait3A_134] : memref<10240x128xf32, #tpu.memory_space<vmem_shared>> -> memref<640x128xf32, #tpu.memory_space<vmem_shared>>
      tpu.wait_dma2 semaphore(%run_scoped3A : memref<!tpu.dma_semaphore, #tpu.memory_space<semaphore_mem>>) src(%dma_wait3A_135 : memref<640x128xf32, #tpu.memory_space<vmem_shared>>) dst(%dma_wait3A_133 : memref<640x128xf32, #tpu.memory_space<hbm>>)
      tpu.yield
    }) : () -> ()
    %add3A_98 = arith.constant 0 : i32
    %add3A_99 = arith.addi %mul3A_2, %add3A_98 : i32
    "tpu.region"() ({
      %run_scoped3A = tpu.sem_alloc : memref<!tpu.dma_semaphore, #tpu.memory_space<semaphore_mem>>
      %dma_start3A = arith.constant 0 : i32
      %dma_start3A_128 = tpu.memref_slice %arg13[%add3A_99, %dma_start3A] : memref<10240x128xf32, #tpu.memory_space<vmem_shared>> -> memref<64x128xf32, #tpu.memory_space<vmem_shared>>
      %dma_start3A_129 = arith.constant 0 : i32
      %dma_start3A_130 = tpu.memref_slice %arg13[%add3A_99, %dma_start3A_129] : memref<10240x128xf32, #tpu.memory_space<vmem_shared>> -> memref<64x128xf32, #tpu.memory_space<vmem_shared>>
      tpu.enqueue_dma source(%arg12 : memref<64x128xf32, #tpu.memory_space<vmem>>) target(%dma_start3A_130 : memref<64x128xf32, #tpu.memory_space<vmem_shared>>) target_semaphore(%run_scoped3A : memref<!tpu.dma_semaphore, #tpu.memory_space<semaphore_mem>>)
      %dma_wait3A = arith.constant 0 : i32
      %dma_wait3A_131 = tpu.memref_slice %arg13[%add3A_99, %dma_wait3A] : memref<10240x128xf32, #tpu.memory_space<vmem_shared>> -> memref<64x128xf32, #tpu.memory_space<vmem_shared>>
      %dma_wait3A_132 = arith.constant 0 : i32
      %dma_wait3A_133 = tpu.memref_slice %arg13[%add3A_99, %dma_wait3A_132] : memref<10240x128xf32, #tpu.memory_space<vmem_shared>> -> memref<64x128xf32, #tpu.memory_space<vmem_shared>>
      tpu.wait_dma2 semaphore(%run_scoped3A : memref<!tpu.dma_semaphore, #tpu.memory_space<semaphore_mem>>) src(%arg12 : memref<64x128xf32, #tpu.memory_space<vmem>>) dst(%dma_wait3A_133 : memref<64x128xf32, #tpu.memory_space<vmem_shared>>)
      tpu.yield
    }) : () -> ()
    %add3A_100 = arith.constant 64 : i32
    %add3A_101 = arith.addi %mul3A_2, %add3A_100 : i32
    "tpu.region"() ({
      %run_scoped3A = tpu.sem_alloc : memref<!tpu.dma_semaphore, #tpu.memory_space<semaphore_mem>>
      %dma_start3A = arith.constant 0 : i32
      %dma_start3A_128 = tpu.memref_slice %arg13[%add3A_101, %dma_start3A] : memref<10240x128xf32, #tpu.memory_space<vmem_shared>> -> memref<64x128xf32, #tpu.memory_space<vmem_shared>>
      %dma_start3A_129 = arith.constant 0 : i32
      %dma_start3A_130 = tpu.memref_slice %arg13[%add3A_101, %dma_start3A_129] : memref<10240x128xf32, #tpu.memory_space<vmem_shared>> -> memref<64x128xf32, #tpu.memory_space<vmem_shared>>
      tpu.enqueue_dma source(%arg12 : memref<64x128xf32, #tpu.memory_space<vmem>>) target(%dma_start3A_130 : memref<64x128xf32, #tpu.memory_space<vmem_shared>>) target_semaphore(%run_scoped3A : memref<!tpu.dma_semaphore, #tpu.memory_space<semaphore_mem>>)
      %dma_wait3A = arith.constant 0 : i32
      %dma_wait3A_131 = tpu.memref_slice %arg13[%add3A_101, %dma_wait3A] : memref<10240x128xf32, #tpu.memory_space<vmem_shared>> -> memref<64x128xf32, #tpu.memory_space<vmem_shared>>
      %dma_wait3A_132 = arith.constant 0 : i32
      %dma_wait3A_133 = tpu.memref_slice %arg13[%add3A_101, %dma_wait3A_132] : memref<10240x128xf32, #tpu.memory_space<vmem_shared>> -> memref<64x128xf32, #tpu.memory_space<vmem_shared>>
      tpu.wait_dma2 semaphore(%run_scoped3A : memref<!tpu.dma_semaphore, #tpu.memory_space<semaphore_mem>>) src(%arg12 : memref<64x128xf32, #tpu.memory_space<vmem>>) dst(%dma_wait3A_133 : memref<64x128xf32, #tpu.memory_space<vmem_shared>>)
      tpu.yield
    }) : () -> ()
    %add3A_102 = arith.constant 128 : i32
    %add3A_103 = arith.addi %mul3A_2, %add3A_102 : i32
    "tpu.region"() ({
      %run_scoped3A = tpu.sem_alloc : memref<!tpu.dma_semaphore, #tpu.memory_space<semaphore_mem>>
      %dma_start3A = arith.constant 0 : i32
      %dma_start3A_128 = tpu.memref_slice %arg13[%add3A_103, %dma_start3A] : memref<10240x128xf32, #tpu.memory_space<vmem_shared>> -> memref<64x128xf32, #tpu.memory_space<vmem_shared>>
      %dma_start3A_129 = arith.constant 0 : i32
      %dma_start3A_130 = tpu.memref_slice %arg13[%add3A_103, %dma_start3A_129] : memref<10240x128xf32, #tpu.memory_space<vmem_shared>> -> memref<64x128xf32, #tpu.memory_space<vmem_shared>>
      tpu.enqueue_dma source(%arg12 : memref<64x128xf32, #tpu.memory_space<vmem>>) target(%dma_start3A_130 : memref<64x128xf32, #tpu.memory_space<vmem_shared>>) target_semaphore(%run_scoped3A : memref<!tpu.dma_semaphore, #tpu.memory_space<semaphore_mem>>)
      %dma_wait3A = arith.constant 0 : i32
      %dma_wait3A_131 = tpu.memref_slice %arg13[%add3A_103, %dma_wait3A] : memref<10240x128xf32, #tpu.memory_space<vmem_shared>> -> memref<64x128xf32, #tpu.memory_space<vmem_shared>>
      %dma_wait3A_132 = arith.constant 0 : i32
      %dma_wait3A_133 = tpu.memref_slice %arg13[%add3A_103, %dma_wait3A_132] : memref<10240x128xf32, #tpu.memory_space<vmem_shared>> -> memref<64x128xf32, #tpu.memory_space<vmem_shared>>
      tpu.wait_dma2 semaphore(%run_scoped3A : memref<!tpu.dma_semaphore, #tpu.memory_space<semaphore_mem>>) src(%arg12 : memref<64x128xf32, #tpu.memory_space<vmem>>) dst(%dma_wait3A_133 : memref<64x128xf32, #tpu.memory_space<vmem_shared>>)
      tpu.yield
    }) : () -> ()
    %add3A_104 = arith.constant 192 : i32
    %add3A_105 = arith.addi %mul3A_2, %add3A_104 : i32
    "tpu.region"() ({
      %run_scoped3A = tpu.sem_alloc : memref<!tpu.dma_semaphore, #tpu.memory_space<semaphore_mem>>
      %dma_start3A = arith.constant 0 : i32
      %dma_start3A_128 = tpu.memref_slice %arg13[%add3A_105, %dma_start3A] : memref<10240x128xf32, #tpu.memory_space<vmem_shared>> -> memref<64x128xf32, #tpu.memory_space<vmem_shared>>
      %dma_start3A_129 = arith.constant 0 : i32
      %dma_start3A_130 = tpu.memref_slice %arg13[%add3A_105, %dma_start3A_129] : memref<10240x128xf32, #tpu.memory_space<vmem_shared>> -> memref<64x128xf32, #tpu.memory_space<vmem_shared>>
      tpu.enqueue_dma source(%arg12 : memref<64x128xf32, #tpu.memory_space<vmem>>) target(%dma_start3A_130 : memref<64x128xf32, #tpu.memory_space<vmem_shared>>) target_semaphore(%run_scoped3A : memref<!tpu.dma_semaphore, #tpu.memory_space<semaphore_mem>>)
      %dma_wait3A = arith.constant 0 : i32
      %dma_wait3A_131 = tpu.memref_slice %arg13[%add3A_105, %dma_wait3A] : memref<10240x128xf32, #tpu.memory_space<vmem_shared>> -> memref<64x128xf32, #tpu.memory_space<vmem_shared>>
      %dma_wait3A_132 = arith.constant 0 : i32
      %dma_wait3A_133 = tpu.memref_slice %arg13[%add3A_105, %dma_wait3A_132] : memref<10240x128xf32, #tpu.memory_space<vmem_shared>> -> memref<64x128xf32, #tpu.memory_space<vmem_shared>>
      tpu.wait_dma2 semaphore(%run_scoped3A : memref<!tpu.dma_semaphore, #tpu.memory_space<semaphore_mem>>) src(%arg12 : memref<64x128xf32, #tpu.memory_space<vmem>>) dst(%dma_wait3A_133 : memref<64x128xf32, #tpu.memory_space<vmem_shared>>)
      tpu.yield
    }) : () -> ()
    %add3A_106 = arith.constant 256 : i32
    %add3A_107 = arith.addi %mul3A_2, %add3A_106 : i32
    "tpu.region"() ({
      %run_scoped3A = tpu.sem_alloc : memref<!tpu.dma_semaphore, #tpu.memory_space<semaphore_mem>>
      %dma_start3A = arith.constant 0 : i32
      %dma_start3A_128 = tpu.memref_slice %arg13[%add3A_107, %dma_start3A] : memref<10240x128xf32, #tpu.memory_space<vmem_shared>> -> memref<64x128xf32, #tpu.memory_space<vmem_shared>>
      %dma_start3A_129 = arith.constant 0 : i32
      %dma_start3A_130 = tpu.memref_slice %arg13[%add3A_107, %dma_start3A_129] : memref<10240x128xf32, #tpu.memory_space<vmem_shared>> -> memref<64x128xf32, #tpu.memory_space<vmem_shared>>
      tpu.enqueue_dma source(%arg12 : memref<64x128xf32, #tpu.memory_space<vmem>>) target(%dma_start3A_130 : memref<64x128xf32, #tpu.memory_space<vmem_shared>>) target_semaphore(%run_scoped3A : memref<!tpu.dma_semaphore, #tpu.memory_space<semaphore_mem>>)
      %dma_wait3A = arith.constant 0 : i32
      %dma_wait3A_131 = tpu.memref_slice %arg13[%add3A_107, %dma_wait3A] : memref<10240x128xf32, #tpu.memory_space<vmem_shared>> -> memref<64x128xf32, #tpu.memory_space<vmem_shared>>
      %dma_wait3A_132 = arith.constant 0 : i32
      %dma_wait3A_133 = tpu.memref_slice %arg13[%add3A_107, %dma_wait3A_132] : memref<10240x128xf32, #tpu.memory_space<vmem_shared>> -> memref<64x128xf32, #tpu.memory_space<vmem_shared>>
      tpu.wait_dma2 semaphore(%run_scoped3A : memref<!tpu.dma_semaphore, #tpu.memory_space<semaphore_mem>>) src(%arg12 : memref<64x128xf32, #tpu.memory_space<vmem>>) dst(%dma_wait3A_133 : memref<64x128xf32, #tpu.memory_space<vmem_shared>>)
      tpu.yield
    }) : () -> ()
    %add3A_108 = arith.constant 320 : i32
    %add3A_109 = arith.addi %mul3A_2, %add3A_108 : i32
    "tpu.region"() ({
      %run_scoped3A = tpu.sem_alloc : memref<!tpu.dma_semaphore, #tpu.memory_space<semaphore_mem>>
      %dma_start3A = arith.constant 0 : i32
      %dma_start3A_128 = tpu.memref_slice %arg13[%add3A_109, %dma_start3A] : memref<10240x128xf32, #tpu.memory_space<vmem_shared>> -> memref<64x128xf32, #tpu.memory_space<vmem_shared>>
      %dma_start3A_129 = arith.constant 0 : i32
      %dma_start3A_130 = tpu.memref_slice %arg13[%add3A_109, %dma_start3A_129] : memref<10240x128xf32, #tpu.memory_space<vmem_shared>> -> memref<64x128xf32, #tpu.memory_space<vmem_shared>>
      tpu.enqueue_dma source(%arg12 : memref<64x128xf32, #tpu.memory_space<vmem>>) target(%dma_start3A_130 : memref<64x128xf32, #tpu.memory_space<vmem_shared>>) target_semaphore(%run_scoped3A : memref<!tpu.dma_semaphore, #tpu.memory_space<semaphore_mem>>)
      %dma_wait3A = arith.constant 0 : i32
      %dma_wait3A_131 = tpu.memref_slice %arg13[%add3A_109, %dma_wait3A] : memref<10240x128xf32, #tpu.memory_space<vmem_shared>> -> memref<64x128xf32, #tpu.memory_space<vmem_shared>>
      %dma_wait3A_132 = arith.constant 0 : i32
      %dma_wait3A_133 = tpu.memref_slice %arg13[%add3A_109, %dma_wait3A_132] : memref<10240x128xf32, #tpu.memory_space<vmem_shared>> -> memref<64x128xf32, #tpu.memory_space<vmem_shared>>
      tpu.wait_dma2 semaphore(%run_scoped3A : memref<!tpu.dma_semaphore, #tpu.memory_space<semaphore_mem>>) src(%arg12 : memref<64x128xf32, #tpu.memory_space<vmem>>) dst(%dma_wait3A_133 : memref<64x128xf32, #tpu.memory_space<vmem_shared>>)
      tpu.yield
    }) : () -> ()
    %add3A_110 = arith.constant 384 : i32
    %add3A_111 = arith.addi %mul3A_2, %add3A_110 : i32
    "tpu.region"() ({
      %run_scoped3A = tpu.sem_alloc : memref<!tpu.dma_semaphore, #tpu.memory_space<semaphore_mem>>
      %dma_start3A = arith.constant 0 : i32
      %dma_start3A_128 = tpu.memref_slice %arg13[%add3A_111, %dma_start3A] : memref<10240x128xf32, #tpu.memory_space<vmem_shared>> -> memref<64x128xf32, #tpu.memory_space<vmem_shared>>
      %dma_start3A_129 = arith.constant 0 : i32
      %dma_start3A_130 = tpu.memref_slice %arg13[%add3A_111, %dma_start3A_129] : memref<10240x128xf32, #tpu.memory_space<vmem_shared>> -> memref<64x128xf32, #tpu.memory_space<vmem_shared>>
      tpu.enqueue_dma source(%arg12 : memref<64x128xf32, #tpu.memory_space<vmem>>) target(%dma_start3A_130 : memref<64x128xf32, #tpu.memory_space<vmem_shared>>) target_semaphore(%run_scoped3A : memref<!tpu.dma_semaphore, #tpu.memory_space<semaphore_mem>>)
      %dma_wait3A = arith.constant 0 : i32
      %dma_wait3A_131 = tpu.memref_slice %arg13[%add3A_111, %dma_wait3A] : memref<10240x128xf32, #tpu.memory_space<vmem_shared>> -> memref<64x128xf32, #tpu.memory_space<vmem_shared>>
      %dma_wait3A_132 = arith.constant 0 : i32
      %dma_wait3A_133 = tpu.memref_slice %arg13[%add3A_111, %dma_wait3A_132] : memref<10240x128xf32, #tpu.memory_space<vmem_shared>> -> memref<64x128xf32, #tpu.memory_space<vmem_shared>>
      tpu.wait_dma2 semaphore(%run_scoped3A : memref<!tpu.dma_semaphore, #tpu.memory_space<semaphore_mem>>) src(%arg12 : memref<64x128xf32, #tpu.memory_space<vmem>>) dst(%dma_wait3A_133 : memref<64x128xf32, #tpu.memory_space<vmem_shared>>)
      tpu.yield
    }) : () -> ()
    %add3A_112 = arith.constant 448 : i32
    %add3A_113 = arith.addi %mul3A_2, %add3A_112 : i32
    "tpu.region"() ({
      %run_scoped3A = tpu.sem_alloc : memref<!tpu.dma_semaphore, #tpu.memory_space<semaphore_mem>>
      %dma_start3A = arith.constant 0 : i32
      %dma_start3A_128 = tpu.memref_slice %arg13[%add3A_113, %dma_start3A] : memref<10240x128xf32, #tpu.memory_space<vmem_shared>> -> memref<64x128xf32, #tpu.memory_space<vmem_shared>>
      %dma_start3A_129 = arith.constant 0 : i32
      %dma_start3A_130 = tpu.memref_slice %arg13[%add3A_113, %dma_start3A_129] : memref<10240x128xf32, #tpu.memory_space<vmem_shared>> -> memref<64x128xf32, #tpu.memory_space<vmem_shared>>
      tpu.enqueue_dma source(%arg12 : memref<64x128xf32, #tpu.memory_space<vmem>>) target(%dma_start3A_130 : memref<64x128xf32, #tpu.memory_space<vmem_shared>>) target_semaphore(%run_scoped3A : memref<!tpu.dma_semaphore, #tpu.memory_space<semaphore_mem>>)
      %dma_wait3A = arith.constant 0 : i32
      %dma_wait3A_131 = tpu.memref_slice %arg13[%add3A_113, %dma_wait3A] : memref<10240x128xf32, #tpu.memory_space<vmem_shared>> -> memref<64x128xf32, #tpu.memory_space<vmem_shared>>
      %dma_wait3A_132 = arith.constant 0 : i32
      %dma_wait3A_133 = tpu.memref_slice %arg13[%add3A_113, %dma_wait3A_132] : memref<10240x128xf32, #tpu.memory_space<vmem_shared>> -> memref<64x128xf32, #tpu.memory_space<vmem_shared>>
      tpu.wait_dma2 semaphore(%run_scoped3A : memref<!tpu.dma_semaphore, #tpu.memory_space<semaphore_mem>>) src(%arg12 : memref<64x128xf32, #tpu.memory_space<vmem>>) dst(%dma_wait3A_133 : memref<64x128xf32, #tpu.memory_space<vmem_shared>>)
      tpu.yield
    }) : () -> ()
    %add3A_114 = arith.constant 512 : i32
    %add3A_115 = arith.addi %mul3A_2, %add3A_114 : i32
    "tpu.region"() ({
      %run_scoped3A = tpu.sem_alloc : memref<!tpu.dma_semaphore, #tpu.memory_space<semaphore_mem>>
      %dma_start3A = arith.constant 0 : i32
      %dma_start3A_128 = tpu.memref_slice %arg13[%add3A_115, %dma_start3A] : memref<10240x128xf32, #tpu.memory_space<vmem_shared>> -> memref<64x128xf32, #tpu.memory_space<vmem_shared>>
      %dma_start3A_129 = arith.constant 0 : i32
      %dma_start3A_130 = tpu.memref_slice %arg13[%add3A_115, %dma_start3A_129] : memref<10240x128xf32, #tpu.memory_space<vmem_shared>> -> memref<64x128xf32, #tpu.memory_space<vmem_shared>>
      tpu.enqueue_dma source(%arg12 : memref<64x128xf32, #tpu.memory_space<vmem>>) target(%dma_start3A_130 : memref<64x128xf32, #tpu.memory_space<vmem_shared>>) target_semaphore(%run_scoped3A : memref<!tpu.dma_semaphore, #tpu.memory_space<semaphore_mem>>)
      %dma_wait3A = arith.constant 0 : i32
      %dma_wait3A_131 = tpu.memref_slice %arg13[%add3A_115, %dma_wait3A] : memref<10240x128xf32, #tpu.memory_space<vmem_shared>> -> memref<64x128xf32, #tpu.memory_space<vmem_shared>>
      %dma_wait3A_132 = arith.constant 0 : i32
      %dma_wait3A_133 = tpu.memref_slice %arg13[%add3A_115, %dma_wait3A_132] : memref<10240x128xf32, #tpu.memory_space<vmem_shared>> -> memref<64x128xf32, #tpu.memory_space<vmem_shared>>
      tpu.wait_dma2 semaphore(%run_scoped3A : memref<!tpu.dma_semaphore, #tpu.memory_space<semaphore_mem>>) src(%arg12 : memref<64x128xf32, #tpu.memory_space<vmem>>) dst(%dma_wait3A_133 : memref<64x128xf32, #tpu.memory_space<vmem_shared>>)
      tpu.yield
    }) : () -> ()
    %add3A_116 = arith.constant 576 : i32
    %add3A_117 = arith.addi %mul3A_2, %add3A_116 : i32
    "tpu.region"() ({
      %run_scoped3A = tpu.sem_alloc : memref<!tpu.dma_semaphore, #tpu.memory_space<semaphore_mem>>
      %dma_start3A = arith.constant 0 : i32
      %dma_start3A_128 = tpu.memref_slice %arg13[%add3A_117, %dma_start3A] : memref<10240x128xf32, #tpu.memory_space<vmem_shared>> -> memref<64x128xf32, #tpu.memory_space<vmem_shared>>
      %dma_start3A_129 = arith.constant 0 : i32
      %dma_start3A_130 = tpu.memref_slice %arg13[%add3A_117, %dma_start3A_129] : memref<10240x128xf32, #tpu.memory_space<vmem_shared>> -> memref<64x128xf32, #tpu.memory_space<vmem_shared>>
      tpu.enqueue_dma source(%arg12 : memref<64x128xf32, #tpu.memory_space<vmem>>) target(%dma_start3A_130 : memref<64x128xf32, #tpu.memory_space<vmem_shared>>) target_semaphore(%run_scoped3A : memref<!tpu.dma_semaphore, #tpu.memory_space<semaphore_mem>>)
      %dma_wait3A = arith.constant 0 : i32
      %dma_wait3A_131 = tpu.memref_slice %arg13[%add3A_117, %dma_wait3A] : memref<10240x128xf32, #tpu.memory_space<vmem_shared>> -> memref<64x128xf32, #tpu.memory_space<vmem_shared>>
      %dma_wait3A_132 = arith.constant 0 : i32
      %dma_wait3A_133 = tpu.memref_slice %arg13[%add3A_117, %dma_wait3A_132] : memref<10240x128xf32, #tpu.memory_space<vmem_shared>> -> memref<64x128xf32, #tpu.memory_space<vmem_shared>>
      tpu.wait_dma2 semaphore(%run_scoped3A : memref<!tpu.dma_semaphore, #tpu.memory_space<semaphore_mem>>) src(%arg12 : memref<64x128xf32, #tpu.memory_space<vmem>>) dst(%dma_wait3A_133 : memref<64x128xf32, #tpu.memory_space<vmem_shared>>)
      tpu.yield
    }) : () -> ()
    %barrier3A_118 = arith.constant 0 : index
    tpu.barrier barrier_id(%barrier3A_118)
    %scan3A_119 = arith.constant 0 : i32
    %scan3A_120 = arith.constant 0 : i32
    %scan3A_121 = arith.constant 40 : i32
    %scan3A_122 = arith.addi %scan3A_120, %scan3A_121 : i32
    %scan3A_123 = arith.constant 1 : i32
    scf.for %scan3A_128 = %scan3A_120 to %scan3A_122 step %scan3A_123  : i32 {
      "tpu.region"() ({
        %run_scoped3A = tpu.sem_alloc : memref<!tpu.dma_semaphore, #tpu.memory_space<semaphore_mem>>
        %dma_start3A = arith.constant 0 : i32
        %dma_start3A_129 = tpu.memref_slice %arg9[%scan3A_128, %dma_start3A] : memref<40x128xi32, #tpu.memory_space<vmem>> -> memref<1x128xi32, #tpu.memory_space<vmem>>
        %dma_start3A_130 = tpu.memref_squeeze %dma_start3A_129 : memref<1x128xi32, #tpu.memory_space<vmem>> -> memref<128xi32, #tpu.memory_space<vmem>>
        %dma_start3A_131 = arith.constant 0 : i32
        %dma_start3A_132 = arith.constant 0 : i32
        %dma_start3A_133 = tpu.memref_slice %arg5[%dma_start3A_131, %dma_start3A_132] : memref<10240x128xf32, #tpu.memory_space<hbm>> -> memref<10240x128xf32, #tpu.memory_space<hbm>>
        tpu.enqueue_indirect_dma source(%dma_start3A_133 : memref<10240x128xf32, #tpu.memory_space<hbm>>) target(%arg11 : memref<128x128xf32, #tpu.memory_space<vmem>>) offsets(%dma_start3A_130 : memref<128xi32, #tpu.memory_space<vmem>>) semaphore(%run_scoped3A : memref<!tpu.dma_semaphore, #tpu.memory_space<semaphore_mem>>)
        %dma_wait3A = arith.constant 0 : i32
        %dma_wait3A_134 = tpu.memref_slice %arg9[%scan3A_128, %dma_wait3A] : memref<40x128xi32, #tpu.memory_space<vmem>> -> memref<1x128xi32, #tpu.memory_space<vmem>>
        %dma_wait3A_135 = tpu.memref_squeeze %dma_wait3A_134 : memref<1x128xi32, #tpu.memory_space<vmem>> -> memref<128xi32, #tpu.memory_space<vmem>>
        %dma_wait3A_136 = arith.constant 0 : i32
        %dma_wait3A_137 = arith.constant 0 : i32
        %dma_wait3A_138 = tpu.memref_slice %arg5[%dma_wait3A_136, %dma_wait3A_137] : memref<10240x128xf32, #tpu.memory_space<hbm>> -> memref<10240x128xf32, #tpu.memory_space<hbm>>
        tpu.wait_indirect_dma semaphore(%run_scoped3A : memref<!tpu.dma_semaphore, #tpu.memory_space<semaphore_mem>>) src(%dma_wait3A_138 : memref<10240x128xf32, #tpu.memory_space<hbm>>) dst(%arg11 : memref<128x128xf32, #tpu.memory_space<vmem>>)
        tpu.yield
      }) : () -> ()
      "tpu.region"() ({
        %run_scoped3A = tpu.sem_alloc : memref<!tpu.dma_semaphore, #tpu.memory_space<semaphore_mem>>
        %dma_start3A = arith.constant 0 : i32
        %dma_start3A_129 = tpu.memref_slice %arg10[%scan3A_128, %dma_start3A] : memref<40x128xi32, #tpu.memory_space<vmem>> -> memref<1x128xi32, #tpu.memory_space<vmem>>
        %dma_start3A_130 = tpu.memref_squeeze %dma_start3A_129 : memref<1x128xi32, #tpu.memory_space<vmem>> -> memref<128xi32, #tpu.memory_space<vmem>>
        %dma_start3A_131 = arith.constant 0 : i32
        %dma_start3A_132 = arith.constant 0 : i32
        %dma_start3A_133 = tpu.memref_slice %arg13[%dma_start3A_131, %dma_start3A_132] : memref<10240x128xf32, #tpu.memory_space<vmem_shared>> -> memref<10240x128xf32, #tpu.memory_space<vmem_shared>>
        tpu.enqueue_indirect_dma source(%arg11 : memref<128x128xf32, #tpu.memory_space<vmem>>) target(%dma_start3A_133 : memref<10240x128xf32, #tpu.memory_space<vmem_shared>>) offsets(%dma_start3A_130 : memref<128xi32, #tpu.memory_space<vmem>>) semaphore(%run_scoped3A : memref<!tpu.dma_semaphore, #tpu.memory_space<semaphore_mem>>) {add = true}
        %dma_wait3A = arith.constant 0 : i32
        %dma_wait3A_134 = tpu.memref_slice %arg10[%scan3A_128, %dma_wait3A] : memref<40x128xi32, #tpu.memory_space<vmem>> -> memref<1x128xi32, #tpu.memory_space<vmem>>
        %dma_wait3A_135 = tpu.memref_squeeze %dma_wait3A_134 : memref<1x128xi32, #tpu.memory_space<vmem>> -> memref<128xi32, #tpu.memory_space<vmem>>
        %dma_wait3A_136 = arith.constant 0 : i32
        %dma_wait3A_137 = arith.constant 0 : i32
        %dma_wait3A_138 = tpu.memref_slice %arg13[%dma_wait3A_136, %dma_wait3A_137] : memref<10240x128xf32, #tpu.memory_space<vmem_shared>> -> memref<10240x128xf32, #tpu.memory_space<vmem_shared>>
        tpu.wait_indirect_dma semaphore(%run_scoped3A : memref<!tpu.dma_semaphore, #tpu.memory_space<semaphore_mem>>) src(%arg11 : memref<128x128xf32, #tpu.memory_space<vmem>>) dst(%dma_wait3A_138 : memref<10240x128xf32, #tpu.memory_space<vmem_shared>>)
        tpu.yield
      }) : () -> ()
    }
    %scan3A_124 = arith.constant 40 : i32
    %barrier3A_125 = arith.constant 0 : index
    tpu.barrier barrier_id(%barrier3A_125)
    %add3A_126 = arith.constant 30720 : i32
    %add3A_127 = arith.addi %add3A_126, %mul3A_2 : i32
    "tpu.region"() ({
      %run_scoped3A = tpu.sem_alloc : memref<!tpu.dma_semaphore, #tpu.memory_space<semaphore_mem>>
      %dma_start3A = arith.constant 0 : i32
      %dma_start3A_128 = tpu.memref_slice %arg8[%arg0, %add3A_127, %dma_start3A] : memref<2x40960x128xf32, #tpu.memory_space<hbm>> -> memref<1x640x128xf32, #tpu.memory_space<hbm>>
      %dma_start3A_129 = tpu.memref_squeeze %dma_start3A_128 : memref<1x640x128xf32, #tpu.memory_space<hbm>> -> memref<640x128xf32, #tpu.memory_space<hbm>>
      %dma_start3A_130 = arith.constant 0 : i32
      %dma_start3A_131 = tpu.memref_slice %arg13[%mul3A_2, %dma_start3A_130] : memref<10240x128xf32, #tpu.memory_space<vmem_shared>> -> memref<640x128xf32, #tpu.memory_space<vmem_shared>>
      tpu.enqueue_dma source(%dma_start3A_131 : memref<640x128xf32, #tpu.memory_space<vmem_shared>>) target(%dma_start3A_129 : memref<640x128xf32, #tpu.memory_space<hbm>>) target_semaphore(%run_scoped3A : memref<!tpu.dma_semaphore, #tpu.memory_space<semaphore_mem>>)
      %dma_wait3A = arith.constant 0 : i32
      %dma_wait3A_132 = tpu.memref_slice %arg8[%arg0, %add3A_127, %dma_wait3A] : memref<2x40960x128xf32, #tpu.memory_space<hbm>> -> memref<1x640x128xf32, #tpu.memory_space<hbm>>
      %dma_wait3A_133 = tpu.memref_squeeze %dma_wait3A_132 : memref<1x640x128xf32, #tpu.memory_space<hbm>> -> memref<640x128xf32, #tpu.memory_space<hbm>>
      %dma_wait3A_134 = arith.constant 0 : i32
      %dma_wait3A_135 = tpu.memref_slice %arg13[%mul3A_2, %dma_wait3A_134] : memref<10240x128xf32, #tpu.memory_space<vmem_shared>> -> memref<640x128xf32, #tpu.memory_space<vmem_shared>>
      tpu.wait_dma2 semaphore(%run_scoped3A : memref<!tpu.dma_semaphore, #tpu.memory_space<semaphore_mem>>) src(%dma_wait3A_135 : memref<640x128xf32, #tpu.memory_space<vmem_shared>>) dst(%dma_wait3A_133 : memref<640x128xf32, #tpu.memory_space<hbm>>)
      tpu.yield
    }) : () -> ()
    return
  }
}

#map = affine_map<(d0, d1) -> (0, 0)>
#map1 = affine_map<(d0, d1) -> (0, 0, 0)>
module attributes {stable_mosaic.version = 14 : i64} {
  func.func @scat(%arg0: i32, %arg1: i32, %arg2: memref<10240x128xf32, #tpu.memory_space<hbm>>, %arg3: memref<10240x128xf32, #tpu.memory_space<hbm>>, %arg4: memref<32x40x128xi32, #tpu.memory_space<hbm>>, %arg5: memref<32x40x128xi32, #tpu.memory_space<hbm>>, %arg6: memref<2x20480x128xf32, #tpu.memory_space<hbm>>, %arg7: memref<40x128xi32, #tpu.memory_space<vmem>>, %arg8: memref<40x128xi32, #tpu.memory_space<vmem>>, %arg9: memref<128x128xf32, #tpu.memory_space<vmem>>, %arg10: memref<64x128xf32, #tpu.memory_space<vmem>>, %arg11: memref<10240x128xf32, #tpu.memory_space<vmem_shared>>) attributes {dimension_semantics = [#tpu.dimension_semantics<core_parallel>, #tpu.dimension_semantics<subcore_parallel>], iteration_bounds = array<i64: 2, 16>, scalar_prefetch = 0 : i64, scratch_operands = 5 : i64, tpu.core_type = #tpu.core_type<sc_vector_subcore>, window_params = [{transform_indices = #map}, {transform_indices = #map}, {transform_indices = #map1}, {transform_indices = #map1}, {transform_indices = #map1}]} {
    %mul3A = arith.constant 16 : i32
    %mul3A_0 = arith.muli %arg0, %mul3A : i32
    %add3A = arith.addi %mul3A_0, %arg1 : i32
    %mul3A_1 = arith.constant 640 : i32
    %mul3A_2 = arith.muli %arg1, %mul3A_1 : i32
    %broadcast_in_dim3A = arith.constant 0.000000e+00 : f32
    %broadcast_in_dim3A_3 = vector.broadcast %broadcast_in_dim3A : f32 to vector<16xf32>
    %scan3A = arith.constant 0 : i32
    %scan3A_4 = arith.constant 0 : i32
    %scan3A_5 = arith.constant 512 : i32
    %scan3A_6 = arith.addi %scan3A_4, %scan3A_5 : i32
    %scan3A_7 = arith.constant 1 : i32
    scf.for %scan3A_68 = %scan3A_4 to %scan3A_6 step %scan3A_7  : i32 {
      %jit3A = arith.constant 8 : i32
      %div3A = arith.divsi %scan3A_68, %jit3A : i32
      %sign3A = arith.constant 0 : i32
      %sign3A_69 = arith.cmpi sgt, %scan3A_68, %sign3A : i32
      %sign3A_70 = arith.extui %sign3A_69 : i1 to i32
      %sign3A_71 = arith.constant 0 : i32
      %sign3A_72 = arith.cmpi slt, %scan3A_68, %sign3A_71 : i32
      %sign3A_73 = arith.extui %sign3A_72 : i1 to i32
      %sign3A_74 = arith.subi %sign3A_70, %sign3A_73 : i32
      %sign3A_75 = arith.constant 0 : i32
      %sign3A_76 = arith.cmpi sgt, %jit3A, %sign3A_75 : i32
      %sign3A_77 = arith.extui %sign3A_76 : i1 to i32
      %sign3A_78 = arith.constant 0 : i32
      %sign3A_79 = arith.cmpi slt, %jit3A, %sign3A_78 : i32
      %sign3A_80 = arith.extui %sign3A_79 : i1 to i32
      %sign3A_81 = arith.subi %sign3A_77, %sign3A_80 : i32
      %ne3A = arith.cmpi ne, %sign3A_74, %sign3A_81 : i32
      %rem3A = arith.remsi %scan3A_68, %jit3A : i32
      %ne3A_82 = arith.constant 0 : i32
      %ne3A_83 = arith.cmpi ne, %rem3A, %ne3A_82 : i32
      %and3A = arith.andi %ne3A, %ne3A_83 : i1
      %sub3A = arith.constant 1 : i32
      %sub3A_84 = arith.subi %div3A, %sub3A : i32
      %select_n3A = arith.select %and3A, %sub3A_84, %div3A : i32
      %jit3A_85 = arith.constant 8 : i32
      %eq3A = arith.constant 0 : i32
      %eq3A_86 = arith.cmpi eq, %jit3A_85, %eq3A : i32
      %jit3A_87 = arith.constant 1 : i32
      %select_n3A_88 = arith.select %eq3A_86, %jit3A_87, %jit3A_85 : i32
      %rem3A_89 = arith.remsi %scan3A_68, %select_n3A_88 : i32
      %ne3A_90 = arith.constant 0 : i32
      %ne3A_91 = arith.cmpi ne, %rem3A_89, %ne3A_90 : i32
      %lt3A = arith.constant 0 : i32
      %lt3A_92 = arith.cmpi slt, %rem3A_89, %lt3A : i32
      %lt3A_93 = arith.constant 0 : i32
      %lt3A_94 = arith.cmpi slt, %select_n3A_88, %lt3A_93 : i32
      %ne3A_95 = arith.xori %lt3A_92, %lt3A_94 : i1
      %and3A_96 = arith.andi %ne3A_95, %ne3A_91 : i1
      %add3A_97 = arith.addi %rem3A_89, %select_n3A_88 : i32
      %select_n3A_98 = arith.select %and3A_96, %add3A_97, %rem3A_89 : i32
      %mul3A_99 = arith.constant 16 : i32
      %mul3A_100 = arith.muli %select_n3A_98, %mul3A_99 : i32
      %swap3A = arith.index_cast %select_n3A : i32 to index
      %swap3A_101 = arith.index_cast %mul3A_100 : i32 to index
      %swap3A_102 = tpu.vector_load %arg10[%swap3A, %swap3A_101] {strides = array<i32>} : memref<64x128xf32, #tpu.memory_space<vmem>>, vector<1x16xf32>,
      %swap3A_103 = vector.shape_cast %swap3A_102 : vector<1x16xf32> to vector<16xf32>
      %swap3A_104 = vector.shape_cast %broadcast_in_dim3A_3 : vector<16xf32> to vector<1x16xf32>
      tpu.vector_store %arg10[%swap3A, %swap3A_101], %swap3A_104 {strides = array<i32>} : memref<64x128xf32, #tpu.memory_space<vmem>>, vector<1x16xf32>,
    }
    %scan3A_8 = arith.constant 512 : i32
    "tpu.region"() ({
      %run_scoped3A = tpu.sem_alloc : memref<!tpu.dma_semaphore, #tpu.memory_space<semaphore_mem>>
      %dma_start3A = arith.constant 0 : i32
      %dma_start3A_68 = arith.constant 0 : i32
      %dma_start3A_69 = tpu.memref_slice %arg4[%add3A, %dma_start3A, %dma_start3A_68] : memref<32x40x128xi32, #tpu.memory_space<hbm>> -> memref<1x40x128xi32, #tpu.memory_space<hbm>>
      %dma_start3A_70 = tpu.memref_squeeze %dma_start3A_69 : memref<1x40x128xi32, #tpu.memory_space<hbm>> -> memref<40x128xi32, #tpu.memory_space<hbm>>
      %dma_start3A_71 = arith.constant 0 : i32
      %dma_start3A_72 = arith.constant 0 : i32
      %dma_start3A_73 = tpu.memref_slice %arg4[%add3A, %dma_start3A_71, %dma_start3A_72] : memref<32x40x128xi32, #tpu.memory_space<hbm>> -> memref<1x40x128xi32, #tpu.memory_space<hbm>>
      %dma_start3A_74 = tpu.memref_squeeze %dma_start3A_73 : memref<1x40x128xi32, #tpu.memory_space<hbm>> -> memref<40x128xi32, #tpu.memory_space<hbm>>
      tpu.enqueue_dma source(%dma_start3A_74 : memref<40x128xi32, #tpu.memory_space<hbm>>) target(%arg7 : memref<40x128xi32, #tpu.memory_space<vmem>>) target_semaphore(%run_scoped3A : memref<!tpu.dma_semaphore, #tpu.memory_space<semaphore_mem>>)
      %dma_wait3A = arith.constant 0 : i32
      %dma_wait3A_75 = arith.constant 0 : i32
      %dma_wait3A_76 = tpu.memref_slice %arg4[%add3A, %dma_wait3A, %dma_wait3A_75] : memref<32x40x128xi32, #tpu.memory_space<hbm>> -> memref<1x40x128xi32, #tpu.memory_space<hbm>>
      %dma_wait3A_77 = tpu.memref_squeeze %dma_wait3A_76 : memref<1x40x128xi32, #tpu.memory_space<hbm>> -> memref<40x128xi32, #tpu.memory_space<hbm>>
      %dma_wait3A_78 = arith.constant 0 : i32
      %dma_wait3A_79 = arith.constant 0 : i32
      %dma_wait3A_80 = tpu.memref_slice %arg4[%add3A, %dma_wait3A_78, %dma_wait3A_79] : memref<32x40x128xi32, #tpu.memory_space<hbm>> -> memref<1x40x128xi32, #tpu.memory_space<hbm>>
      %dma_wait3A_81 = tpu.memref_squeeze %dma_wait3A_80 : memref<1x40x128xi32, #tpu.memory_space<hbm>> -> memref<40x128xi32, #tpu.memory_space<hbm>>
      tpu.wait_dma2 semaphore(%run_scoped3A : memref<!tpu.dma_semaphore, #tpu.memory_space<semaphore_mem>>) src(%dma_wait3A_81 : memref<40x128xi32, #tpu.memory_space<hbm>>) dst(%arg7 : memref<40x128xi32, #tpu.memory_space<vmem>>)
      tpu.yield
    }) : () -> ()
    "tpu.region"() ({
      %run_scoped3A = tpu.sem_alloc : memref<!tpu.dma_semaphore, #tpu.memory_space<semaphore_mem>>
      %dma_start3A = arith.constant 0 : i32
      %dma_start3A_68 = arith.constant 0 : i32
      %dma_start3A_69 = tpu.memref_slice %arg5[%add3A, %dma_start3A, %dma_start3A_68] : memref<32x40x128xi32, #tpu.memory_space<hbm>> -> memref<1x40x128xi32, #tpu.memory_space<hbm>>
      %dma_start3A_70 = tpu.memref_squeeze %dma_start3A_69 : memref<1x40x128xi32, #tpu.memory_space<hbm>> -> memref<40x128xi32, #tpu.memory_space<hbm>>
      %dma_start3A_71 = arith.constant 0 : i32
      %dma_start3A_72 = arith.constant 0 : i32
      %dma_start3A_73 = tpu.memref_slice %arg5[%add3A, %dma_start3A_71, %dma_start3A_72] : memref<32x40x128xi32, #tpu.memory_space<hbm>> -> memref<1x40x128xi32, #tpu.memory_space<hbm>>
      %dma_start3A_74 = tpu.memref_squeeze %dma_start3A_73 : memref<1x40x128xi32, #tpu.memory_space<hbm>> -> memref<40x128xi32, #tpu.memory_space<hbm>>
      tpu.enqueue_dma source(%dma_start3A_74 : memref<40x128xi32, #tpu.memory_space<hbm>>) target(%arg8 : memref<40x128xi32, #tpu.memory_space<vmem>>) target_semaphore(%run_scoped3A : memref<!tpu.dma_semaphore, #tpu.memory_space<semaphore_mem>>)
      %dma_wait3A = arith.constant 0 : i32
      %dma_wait3A_75 = arith.constant 0 : i32
      %dma_wait3A_76 = tpu.memref_slice %arg5[%add3A, %dma_wait3A, %dma_wait3A_75] : memref<32x40x128xi32, #tpu.memory_space<hbm>> -> memref<1x40x128xi32, #tpu.memory_space<hbm>>
      %dma_wait3A_77 = tpu.memref_squeeze %dma_wait3A_76 : memref<1x40x128xi32, #tpu.memory_space<hbm>> -> memref<40x128xi32, #tpu.memory_space<hbm>>
      %dma_wait3A_78 = arith.constant 0 : i32
      %dma_wait3A_79 = arith.constant 0 : i32
      %dma_wait3A_80 = tpu.memref_slice %arg5[%add3A, %dma_wait3A_78, %dma_wait3A_79] : memref<32x40x128xi32, #tpu.memory_space<hbm>> -> memref<1x40x128xi32, #tpu.memory_space<hbm>>
      %dma_wait3A_81 = tpu.memref_squeeze %dma_wait3A_80 : memref<1x40x128xi32, #tpu.memory_space<hbm>> -> memref<40x128xi32, #tpu.memory_space<hbm>>
      tpu.wait_dma2 semaphore(%run_scoped3A : memref<!tpu.dma_semaphore, #tpu.memory_space<semaphore_mem>>) src(%dma_wait3A_81 : memref<40x128xi32, #tpu.memory_space<hbm>>) dst(%arg8 : memref<40x128xi32, #tpu.memory_space<vmem>>)
      tpu.yield
    }) : () -> ()
    %add3A_9 = arith.constant 0 : i32
    %add3A_10 = arith.addi %mul3A_2, %add3A_9 : i32
    "tpu.region"() ({
      %run_scoped3A = tpu.sem_alloc : memref<!tpu.dma_semaphore, #tpu.memory_space<semaphore_mem>>
      %dma_start3A = arith.constant 0 : i32
      %dma_start3A_68 = tpu.memref_slice %arg11[%add3A_10, %dma_start3A] : memref<10240x128xf32, #tpu.memory_space<vmem_shared>> -> memref<64x128xf32, #tpu.memory_space<vmem_shared>>
      %dma_start3A_69 = arith.constant 0 : i32
      %dma_start3A_70 = tpu.memref_slice %arg11[%add3A_10, %dma_start3A_69] : memref<10240x128xf32, #tpu.memory_space<vmem_shared>> -> memref<64x128xf32, #tpu.memory_space<vmem_shared>>
      tpu.enqueue_dma source(%arg10 : memref<64x128xf32, #tpu.memory_space<vmem>>) target(%dma_start3A_70 : memref<64x128xf32, #tpu.memory_space<vmem_shared>>) target_semaphore(%run_scoped3A : memref<!tpu.dma_semaphore, #tpu.memory_space<semaphore_mem>>)
      %dma_wait3A = arith.constant 0 : i32
      %dma_wait3A_71 = tpu.memref_slice %arg11[%add3A_10, %dma_wait3A] : memref<10240x128xf32, #tpu.memory_space<vmem_shared>> -> memref<64x128xf32, #tpu.memory_space<vmem_shared>>
      %dma_wait3A_72 = arith.constant 0 : i32
      %dma_wait3A_73 = tpu.memref_slice %arg11[%add3A_10, %dma_wait3A_72] : memref<10240x128xf32, #tpu.memory_space<vmem_shared>> -> memref<64x128xf32, #tpu.memory_space<vmem_shared>>
      tpu.wait_dma2 semaphore(%run_scoped3A : memref<!tpu.dma_semaphore, #tpu.memory_space<semaphore_mem>>) src(%arg10 : memref<64x128xf32, #tpu.memory_space<vmem>>) dst(%dma_wait3A_73 : memref<64x128xf32, #tpu.memory_space<vmem_shared>>)
      tpu.yield
    }) : () -> ()
    %add3A_11 = arith.constant 64 : i32
    %add3A_12 = arith.addi %mul3A_2, %add3A_11 : i32
    "tpu.region"() ({
      %run_scoped3A = tpu.sem_alloc : memref<!tpu.dma_semaphore, #tpu.memory_space<semaphore_mem>>
      %dma_start3A = arith.constant 0 : i32
      %dma_start3A_68 = tpu.memref_slice %arg11[%add3A_12, %dma_start3A] : memref<10240x128xf32, #tpu.memory_space<vmem_shared>> -> memref<64x128xf32, #tpu.memory_space<vmem_shared>>
      %dma_start3A_69 = arith.constant 0 : i32
      %dma_start3A_70 = tpu.memref_slice %arg11[%add3A_12, %dma_start3A_69] : memref<10240x128xf32, #tpu.memory_space<vmem_shared>> -> memref<64x128xf32, #tpu.memory_space<vmem_shared>>
      tpu.enqueue_dma source(%arg10 : memref<64x128xf32, #tpu.memory_space<vmem>>) target(%dma_start3A_70 : memref<64x128xf32, #tpu.memory_space<vmem_shared>>) target_semaphore(%run_scoped3A : memref<!tpu.dma_semaphore, #tpu.memory_space<semaphore_mem>>)
      %dma_wait3A = arith.constant 0 : i32
      %dma_wait3A_71 = tpu.memref_slice %arg11[%add3A_12, %dma_wait3A] : memref<10240x128xf32, #tpu.memory_space<vmem_shared>> -> memref<64x128xf32, #tpu.memory_space<vmem_shared>>
      %dma_wait3A_72 = arith.constant 0 : i32
      %dma_wait3A_73 = tpu.memref_slice %arg11[%add3A_12, %dma_wait3A_72] : memref<10240x128xf32, #tpu.memory_space<vmem_shared>> -> memref<64x128xf32, #tpu.memory_space<vmem_shared>>
      tpu.wait_dma2 semaphore(%run_scoped3A : memref<!tpu.dma_semaphore, #tpu.memory_space<semaphore_mem>>) src(%arg10 : memref<64x128xf32, #tpu.memory_space<vmem>>) dst(%dma_wait3A_73 : memref<64x128xf32, #tpu.memory_space<vmem_shared>>)
      tpu.yield
    }) : () -> ()
    %add3A_13 = arith.constant 128 : i32
    %add3A_14 = arith.addi %mul3A_2, %add3A_13 : i32
    "tpu.region"() ({
      %run_scoped3A = tpu.sem_alloc : memref<!tpu.dma_semaphore, #tpu.memory_space<semaphore_mem>>
      %dma_start3A = arith.constant 0 : i32
      %dma_start3A_68 = tpu.memref_slice %arg11[%add3A_14, %dma_start3A] : memref<10240x128xf32, #tpu.memory_space<vmem_shared>> -> memref<64x128xf32, #tpu.memory_space<vmem_shared>>
      %dma_start3A_69 = arith.constant 0 : i32
      %dma_start3A_70 = tpu.memref_slice %arg11[%add3A_14, %dma_start3A_69] : memref<10240x128xf32, #tpu.memory_space<vmem_shared>> -> memref<64x128xf32, #tpu.memory_space<vmem_shared>>
      tpu.enqueue_dma source(%arg10 : memref<64x128xf32, #tpu.memory_space<vmem>>) target(%dma_start3A_70 : memref<64x128xf32, #tpu.memory_space<vmem_shared>>) target_semaphore(%run_scoped3A : memref<!tpu.dma_semaphore, #tpu.memory_space<semaphore_mem>>)
      %dma_wait3A = arith.constant 0 : i32
      %dma_wait3A_71 = tpu.memref_slice %arg11[%add3A_14, %dma_wait3A] : memref<10240x128xf32, #tpu.memory_space<vmem_shared>> -> memref<64x128xf32, #tpu.memory_space<vmem_shared>>
      %dma_wait3A_72 = arith.constant 0 : i32
      %dma_wait3A_73 = tpu.memref_slice %arg11[%add3A_14, %dma_wait3A_72] : memref<10240x128xf32, #tpu.memory_space<vmem_shared>> -> memref<64x128xf32, #tpu.memory_space<vmem_shared>>
      tpu.wait_dma2 semaphore(%run_scoped3A : memref<!tpu.dma_semaphore, #tpu.memory_space<semaphore_mem>>) src(%arg10 : memref<64x128xf32, #tpu.memory_space<vmem>>) dst(%dma_wait3A_73 : memref<64x128xf32, #tpu.memory_space<vmem_shared>>)
      tpu.yield
    }) : () -> ()
    %add3A_15 = arith.constant 192 : i32
    %add3A_16 = arith.addi %mul3A_2, %add3A_15 : i32
    "tpu.region"() ({
      %run_scoped3A = tpu.sem_alloc : memref<!tpu.dma_semaphore, #tpu.memory_space<semaphore_mem>>
      %dma_start3A = arith.constant 0 : i32
      %dma_start3A_68 = tpu.memref_slice %arg11[%add3A_16, %dma_start3A] : memref<10240x128xf32, #tpu.memory_space<vmem_shared>> -> memref<64x128xf32, #tpu.memory_space<vmem_shared>>
      %dma_start3A_69 = arith.constant 0 : i32
      %dma_start3A_70 = tpu.memref_slice %arg11[%add3A_16, %dma_start3A_69] : memref<10240x128xf32, #tpu.memory_space<vmem_shared>> -> memref<64x128xf32, #tpu.memory_space<vmem_shared>>
      tpu.enqueue_dma source(%arg10 : memref<64x128xf32, #tpu.memory_space<vmem>>) target(%dma_start3A_70 : memref<64x128xf32, #tpu.memory_space<vmem_shared>>) target_semaphore(%run_scoped3A : memref<!tpu.dma_semaphore, #tpu.memory_space<semaphore_mem>>)
      %dma_wait3A = arith.constant 0 : i32
      %dma_wait3A_71 = tpu.memref_slice %arg11[%add3A_16, %dma_wait3A] : memref<10240x128xf32, #tpu.memory_space<vmem_shared>> -> memref<64x128xf32, #tpu.memory_space<vmem_shared>>
      %dma_wait3A_72 = arith.constant 0 : i32
      %dma_wait3A_73 = tpu.memref_slice %arg11[%add3A_16, %dma_wait3A_72] : memref<10240x128xf32, #tpu.memory_space<vmem_shared>> -> memref<64x128xf32, #tpu.memory_space<vmem_shared>>
      tpu.wait_dma2 semaphore(%run_scoped3A : memref<!tpu.dma_semaphore, #tpu.memory_space<semaphore_mem>>) src(%arg10 : memref<64x128xf32, #tpu.memory_space<vmem>>) dst(%dma_wait3A_73 : memref<64x128xf32, #tpu.memory_space<vmem_shared>>)
      tpu.yield
    }) : () -> ()
    %add3A_17 = arith.constant 256 : i32
    %add3A_18 = arith.addi %mul3A_2, %add3A_17 : i32
    "tpu.region"() ({
      %run_scoped3A = tpu.sem_alloc : memref<!tpu.dma_semaphore, #tpu.memory_space<semaphore_mem>>
      %dma_start3A = arith.constant 0 : i32
      %dma_start3A_68 = tpu.memref_slice %arg11[%add3A_18, %dma_start3A] : memref<10240x128xf32, #tpu.memory_space<vmem_shared>> -> memref<64x128xf32, #tpu.memory_space<vmem_shared>>
      %dma_start3A_69 = arith.constant 0 : i32
      %dma_start3A_70 = tpu.memref_slice %arg11[%add3A_18, %dma_start3A_69] : memref<10240x128xf32, #tpu.memory_space<vmem_shared>> -> memref<64x128xf32, #tpu.memory_space<vmem_shared>>
      tpu.enqueue_dma source(%arg10 : memref<64x128xf32, #tpu.memory_space<vmem>>) target(%dma_start3A_70 : memref<64x128xf32, #tpu.memory_space<vmem_shared>>) target_semaphore(%run_scoped3A : memref<!tpu.dma_semaphore, #tpu.memory_space<semaphore_mem>>)
      %dma_wait3A = arith.constant 0 : i32
      %dma_wait3A_71 = tpu.memref_slice %arg11[%add3A_18, %dma_wait3A] : memref<10240x128xf32, #tpu.memory_space<vmem_shared>> -> memref<64x128xf32, #tpu.memory_space<vmem_shared>>
      %dma_wait3A_72 = arith.constant 0 : i32
      %dma_wait3A_73 = tpu.memref_slice %arg11[%add3A_18, %dma_wait3A_72] : memref<10240x128xf32, #tpu.memory_space<vmem_shared>> -> memref<64x128xf32, #tpu.memory_space<vmem_shared>>
      tpu.wait_dma2 semaphore(%run_scoped3A : memref<!tpu.dma_semaphore, #tpu.memory_space<semaphore_mem>>) src(%arg10 : memref<64x128xf32, #tpu.memory_space<vmem>>) dst(%dma_wait3A_73 : memref<64x128xf32, #tpu.memory_space<vmem_shared>>)
      tpu.yield
    }) : () -> ()
    %add3A_19 = arith.constant 320 : i32
    %add3A_20 = arith.addi %mul3A_2, %add3A_19 : i32
    "tpu.region"() ({
      %run_scoped3A = tpu.sem_alloc : memref<!tpu.dma_semaphore, #tpu.memory_space<semaphore_mem>>
      %dma_start3A = arith.constant 0 : i32
      %dma_start3A_68 = tpu.memref_slice %arg11[%add3A_20, %dma_start3A] : memref<10240x128xf32, #tpu.memory_space<vmem_shared>> -> memref<64x128xf32, #tpu.memory_space<vmem_shared>>
      %dma_start3A_69 = arith.constant 0 : i32
      %dma_start3A_70 = tpu.memref_slice %arg11[%add3A_20, %dma_start3A_69] : memref<10240x128xf32, #tpu.memory_space<vmem_shared>> -> memref<64x128xf32, #tpu.memory_space<vmem_shared>>
      tpu.enqueue_dma source(%arg10 : memref<64x128xf32, #tpu.memory_space<vmem>>) target(%dma_start3A_70 : memref<64x128xf32, #tpu.memory_space<vmem_shared>>) target_semaphore(%run_scoped3A : memref<!tpu.dma_semaphore, #tpu.memory_space<semaphore_mem>>)
      %dma_wait3A = arith.constant 0 : i32
      %dma_wait3A_71 = tpu.memref_slice %arg11[%add3A_20, %dma_wait3A] : memref<10240x128xf32, #tpu.memory_space<vmem_shared>> -> memref<64x128xf32, #tpu.memory_space<vmem_shared>>
      %dma_wait3A_72 = arith.constant 0 : i32
      %dma_wait3A_73 = tpu.memref_slice %arg11[%add3A_20, %dma_wait3A_72] : memref<10240x128xf32, #tpu.memory_space<vmem_shared>> -> memref<64x128xf32, #tpu.memory_space<vmem_shared>>
      tpu.wait_dma2 semaphore(%run_scoped3A : memref<!tpu.dma_semaphore, #tpu.memory_space<semaphore_mem>>) src(%arg10 : memref<64x128xf32, #tpu.memory_space<vmem>>) dst(%dma_wait3A_73 : memref<64x128xf32, #tpu.memory_space<vmem_shared>>)
      tpu.yield
    }) : () -> ()
    %add3A_21 = arith.constant 384 : i32
    %add3A_22 = arith.addi %mul3A_2, %add3A_21 : i32
    "tpu.region"() ({
      %run_scoped3A = tpu.sem_alloc : memref<!tpu.dma_semaphore, #tpu.memory_space<semaphore_mem>>
      %dma_start3A = arith.constant 0 : i32
      %dma_start3A_68 = tpu.memref_slice %arg11[%add3A_22, %dma_start3A] : memref<10240x128xf32, #tpu.memory_space<vmem_shared>> -> memref<64x128xf32, #tpu.memory_space<vmem_shared>>
      %dma_start3A_69 = arith.constant 0 : i32
      %dma_start3A_70 = tpu.memref_slice %arg11[%add3A_22, %dma_start3A_69] : memref<10240x128xf32, #tpu.memory_space<vmem_shared>> -> memref<64x128xf32, #tpu.memory_space<vmem_shared>>
      tpu.enqueue_dma source(%arg10 : memref<64x128xf32, #tpu.memory_space<vmem>>) target(%dma_start3A_70 : memref<64x128xf32, #tpu.memory_space<vmem_shared>>) target_semaphore(%run_scoped3A : memref<!tpu.dma_semaphore, #tpu.memory_space<semaphore_mem>>)
      %dma_wait3A = arith.constant 0 : i32
      %dma_wait3A_71 = tpu.memref_slice %arg11[%add3A_22, %dma_wait3A] : memref<10240x128xf32, #tpu.memory_space<vmem_shared>> -> memref<64x128xf32, #tpu.memory_space<vmem_shared>>
      %dma_wait3A_72 = arith.constant 0 : i32
      %dma_wait3A_73 = tpu.memref_slice %arg11[%add3A_22, %dma_wait3A_72] : memref<10240x128xf32, #tpu.memory_space<vmem_shared>> -> memref<64x128xf32, #tpu.memory_space<vmem_shared>>
      tpu.wait_dma2 semaphore(%run_scoped3A : memref<!tpu.dma_semaphore, #tpu.memory_space<semaphore_mem>>) src(%arg10 : memref<64x128xf32, #tpu.memory_space<vmem>>) dst(%dma_wait3A_73 : memref<64x128xf32, #tpu.memory_space<vmem_shared>>)
      tpu.yield
    }) : () -> ()
    %add3A_23 = arith.constant 448 : i32
    %add3A_24 = arith.addi %mul3A_2, %add3A_23 : i32
    "tpu.region"() ({
      %run_scoped3A = tpu.sem_alloc : memref<!tpu.dma_semaphore, #tpu.memory_space<semaphore_mem>>
      %dma_start3A = arith.constant 0 : i32
      %dma_start3A_68 = tpu.memref_slice %arg11[%add3A_24, %dma_start3A] : memref<10240x128xf32, #tpu.memory_space<vmem_shared>> -> memref<64x128xf32, #tpu.memory_space<vmem_shared>>
      %dma_start3A_69 = arith.constant 0 : i32
      %dma_start3A_70 = tpu.memref_slice %arg11[%add3A_24, %dma_start3A_69] : memref<10240x128xf32, #tpu.memory_space<vmem_shared>> -> memref<64x128xf32, #tpu.memory_space<vmem_shared>>
      tpu.enqueue_dma source(%arg10 : memref<64x128xf32, #tpu.memory_space<vmem>>) target(%dma_start3A_70 : memref<64x128xf32, #tpu.memory_space<vmem_shared>>) target_semaphore(%run_scoped3A : memref<!tpu.dma_semaphore, #tpu.memory_space<semaphore_mem>>)
      %dma_wait3A = arith.constant 0 : i32
      %dma_wait3A_71 = tpu.memref_slice %arg11[%add3A_24, %dma_wait3A] : memref<10240x128xf32, #tpu.memory_space<vmem_shared>> -> memref<64x128xf32, #tpu.memory_space<vmem_shared>>
      %dma_wait3A_72 = arith.constant 0 : i32
      %dma_wait3A_73 = tpu.memref_slice %arg11[%add3A_24, %dma_wait3A_72] : memref<10240x128xf32, #tpu.memory_space<vmem_shared>> -> memref<64x128xf32, #tpu.memory_space<vmem_shared>>
      tpu.wait_dma2 semaphore(%run_scoped3A : memref<!tpu.dma_semaphore, #tpu.memory_space<semaphore_mem>>) src(%arg10 : memref<64x128xf32, #tpu.memory_space<vmem>>) dst(%dma_wait3A_73 : memref<64x128xf32, #tpu.memory_space<vmem_shared>>)
      tpu.yield
    }) : () -> ()
    %add3A_25 = arith.constant 512 : i32
    %add3A_26 = arith.addi %mul3A_2, %add3A_25 : i32
    "tpu.region"() ({
      %run_scoped3A = tpu.sem_alloc : memref<!tpu.dma_semaphore, #tpu.memory_space<semaphore_mem>>
      %dma_start3A = arith.constant 0 : i32
      %dma_start3A_68 = tpu.memref_slice %arg11[%add3A_26, %dma_start3A] : memref<10240x128xf32, #tpu.memory_space<vmem_shared>> -> memref<64x128xf32, #tpu.memory_space<vmem_shared>>
      %dma_start3A_69 = arith.constant 0 : i32
      %dma_start3A_70 = tpu.memref_slice %arg11[%add3A_26, %dma_start3A_69] : memref<10240x128xf32, #tpu.memory_space<vmem_shared>> -> memref<64x128xf32, #tpu.memory_space<vmem_shared>>
      tpu.enqueue_dma source(%arg10 : memref<64x128xf32, #tpu.memory_space<vmem>>) target(%dma_start3A_70 : memref<64x128xf32, #tpu.memory_space<vmem_shared>>) target_semaphore(%run_scoped3A : memref<!tpu.dma_semaphore, #tpu.memory_space<semaphore_mem>>)
      %dma_wait3A = arith.constant 0 : i32
      %dma_wait3A_71 = tpu.memref_slice %arg11[%add3A_26, %dma_wait3A] : memref<10240x128xf32, #tpu.memory_space<vmem_shared>> -> memref<64x128xf32, #tpu.memory_space<vmem_shared>>
      %dma_wait3A_72 = arith.constant 0 : i32
      %dma_wait3A_73 = tpu.memref_slice %arg11[%add3A_26, %dma_wait3A_72] : memref<10240x128xf32, #tpu.memory_space<vmem_shared>> -> memref<64x128xf32, #tpu.memory_space<vmem_shared>>
      tpu.wait_dma2 semaphore(%run_scoped3A : memref<!tpu.dma_semaphore, #tpu.memory_space<semaphore_mem>>) src(%arg10 : memref<64x128xf32, #tpu.memory_space<vmem>>) dst(%dma_wait3A_73 : memref<64x128xf32, #tpu.memory_space<vmem_shared>>)
      tpu.yield
    }) : () -> ()
    %add3A_27 = arith.constant 576 : i32
    %add3A_28 = arith.addi %mul3A_2, %add3A_27 : i32
    "tpu.region"() ({
      %run_scoped3A = tpu.sem_alloc : memref<!tpu.dma_semaphore, #tpu.memory_space<semaphore_mem>>
      %dma_start3A = arith.constant 0 : i32
      %dma_start3A_68 = tpu.memref_slice %arg11[%add3A_28, %dma_start3A] : memref<10240x128xf32, #tpu.memory_space<vmem_shared>> -> memref<64x128xf32, #tpu.memory_space<vmem_shared>>
      %dma_start3A_69 = arith.constant 0 : i32
      %dma_start3A_70 = tpu.memref_slice %arg11[%add3A_28, %dma_start3A_69] : memref<10240x128xf32, #tpu.memory_space<vmem_shared>> -> memref<64x128xf32, #tpu.memory_space<vmem_shared>>
      tpu.enqueue_dma source(%arg10 : memref<64x128xf32, #tpu.memory_space<vmem>>) target(%dma_start3A_70 : memref<64x128xf32, #tpu.memory_space<vmem_shared>>) target_semaphore(%run_scoped3A : memref<!tpu.dma_semaphore, #tpu.memory_space<semaphore_mem>>)
      %dma_wait3A = arith.constant 0 : i32
      %dma_wait3A_71 = tpu.memref_slice %arg11[%add3A_28, %dma_wait3A] : memref<10240x128xf32, #tpu.memory_space<vmem_shared>> -> memref<64x128xf32, #tpu.memory_space<vmem_shared>>
      %dma_wait3A_72 = arith.constant 0 : i32
      %dma_wait3A_73 = tpu.memref_slice %arg11[%add3A_28, %dma_wait3A_72] : memref<10240x128xf32, #tpu.memory_space<vmem_shared>> -> memref<64x128xf32, #tpu.memory_space<vmem_shared>>
      tpu.wait_dma2 semaphore(%run_scoped3A : memref<!tpu.dma_semaphore, #tpu.memory_space<semaphore_mem>>) src(%arg10 : memref<64x128xf32, #tpu.memory_space<vmem>>) dst(%dma_wait3A_73 : memref<64x128xf32, #tpu.memory_space<vmem_shared>>)
      tpu.yield
    }) : () -> ()
    %barrier3A = arith.constant 0 : index
    tpu.barrier barrier_id(%barrier3A)
    %scan3A_29 = arith.constant 0 : i32
    %scan3A_30 = arith.constant 0 : i32
    %scan3A_31 = arith.constant 40 : i32
    %scan3A_32 = arith.addi %scan3A_30, %scan3A_31 : i32
    %scan3A_33 = arith.constant 1 : i32
    scf.for %scan3A_68 = %scan3A_30 to %scan3A_32 step %scan3A_33  : i32 {
      "tpu.region"() ({
        %run_scoped3A = tpu.sem_alloc : memref<!tpu.dma_semaphore, #tpu.memory_space<semaphore_mem>>
        %dma_start3A = arith.constant 0 : i32
        %dma_start3A_69 = tpu.memref_slice %arg7[%scan3A_68, %dma_start3A] : memref<40x128xi32, #tpu.memory_space<vmem>> -> memref<1x128xi32, #tpu.memory_space<vmem>>
        %dma_start3A_70 = tpu.memref_squeeze %dma_start3A_69 : memref<1x128xi32, #tpu.memory_space<vmem>> -> memref<128xi32, #tpu.memory_space<vmem>>
        %dma_start3A_71 = arith.constant 0 : i32
        %dma_start3A_72 = arith.constant 0 : i32
        %dma_start3A_73 = tpu.memref_slice %arg2[%dma_start3A_71, %dma_start3A_72] : memref<10240x128xf32, #tpu.memory_space<hbm>> -> memref<10240x128xf32, #tpu.memory_space<hbm>>
        tpu.enqueue_indirect_dma source(%dma_start3A_73 : memref<10240x128xf32, #tpu.memory_space<hbm>>) target(%arg9 : memref<128x128xf32, #tpu.memory_space<vmem>>) offsets(%dma_start3A_70 : memref<128xi32, #tpu.memory_space<vmem>>) semaphore(%run_scoped3A : memref<!tpu.dma_semaphore, #tpu.memory_space<semaphore_mem>>)
        %dma_wait3A = arith.constant 0 : i32
        %dma_wait3A_74 = tpu.memref_slice %arg7[%scan3A_68, %dma_wait3A] : memref<40x128xi32, #tpu.memory_space<vmem>> -> memref<1x128xi32, #tpu.memory_space<vmem>>
        %dma_wait3A_75 = tpu.memref_squeeze %dma_wait3A_74 : memref<1x128xi32, #tpu.memory_space<vmem>> -> memref<128xi32, #tpu.memory_space<vmem>>
        %dma_wait3A_76 = arith.constant 0 : i32
        %dma_wait3A_77 = arith.constant 0 : i32
        %dma_wait3A_78 = tpu.memref_slice %arg2[%dma_wait3A_76, %dma_wait3A_77] : memref<10240x128xf32, #tpu.memory_space<hbm>> -> memref<10240x128xf32, #tpu.memory_space<hbm>>
        tpu.wait_indirect_dma semaphore(%run_scoped3A : memref<!tpu.dma_semaphore, #tpu.memory_space<semaphore_mem>>) src(%dma_wait3A_78 : memref<10240x128xf32, #tpu.memory_space<hbm>>) dst(%arg9 : memref<128x128xf32, #tpu.memory_space<vmem>>)
        tpu.yield
      }) : () -> ()
      "tpu.region"() ({
        %run_scoped3A = tpu.sem_alloc : memref<!tpu.dma_semaphore, #tpu.memory_space<semaphore_mem>>
        %dma_start3A = arith.constant 0 : i32
        %dma_start3A_69 = tpu.memref_slice %arg8[%scan3A_68, %dma_start3A] : memref<40x128xi32, #tpu.memory_space<vmem>> -> memref<1x128xi32, #tpu.memory_space<vmem>>
        %dma_start3A_70 = tpu.memref_squeeze %dma_start3A_69 : memref<1x128xi32, #tpu.memory_space<vmem>> -> memref<128xi32, #tpu.memory_space<vmem>>
        %dma_start3A_71 = arith.constant 0 : i32
        %dma_start3A_72 = arith.constant 0 : i32
        %dma_start3A_73 = tpu.memref_slice %arg11[%dma_start3A_71, %dma_start3A_72] : memref<10240x128xf32, #tpu.memory_space<vmem_shared>> -> memref<10240x128xf32, #tpu.memory_space<vmem_shared>>
        tpu.enqueue_indirect_dma source(%arg9 : memref<128x128xf32, #tpu.memory_space<vmem>>) target(%dma_start3A_73 : memref<10240x128xf32, #tpu.memory_space<vmem_shared>>) offsets(%dma_start3A_70 : memref<128xi32, #tpu.memory_space<vmem>>) semaphore(%run_scoped3A : memref<!tpu.dma_semaphore, #tpu.memory_space<semaphore_mem>>) {add = true}
        %dma_wait3A = arith.constant 0 : i32
        %dma_wait3A_74 = tpu.memref_slice %arg8[%scan3A_68, %dma_wait3A] : memref<40x128xi32, #tpu.memory_space<vmem>> -> memref<1x128xi32, #tpu.memory_space<vmem>>
        %dma_wait3A_75 = tpu.memref_squeeze %dma_wait3A_74 : memref<1x128xi32, #tpu.memory_space<vmem>> -> memref<128xi32, #tpu.memory_space<vmem>>
        %dma_wait3A_76 = arith.constant 0 : i32
        %dma_wait3A_77 = arith.constant 0 : i32
        %dma_wait3A_78 = tpu.memref_slice %arg11[%dma_wait3A_76, %dma_wait3A_77] : memref<10240x128xf32, #tpu.memory_space<vmem_shared>> -> memref<10240x128xf32, #tpu.memory_space<vmem_shared>>
        tpu.wait_indirect_dma semaphore(%run_scoped3A : memref<!tpu.dma_semaphore, #tpu.memory_space<semaphore_mem>>) src(%arg9 : memref<128x128xf32, #tpu.memory_space<vmem>>) dst(%dma_wait3A_78 : memref<10240x128xf32, #tpu.memory_space<vmem_shared>>)
        tpu.yield
      }) : () -> ()
    }
    %scan3A_34 = arith.constant 40 : i32
    %barrier3A_35 = arith.constant 0 : index
    tpu.barrier barrier_id(%barrier3A_35)
    %add3A_36 = arith.constant 0 : i32
    %add3A_37 = arith.addi %add3A_36, %mul3A_2 : i32
    "tpu.region"() ({
      %run_scoped3A = tpu.sem_alloc : memref<!tpu.dma_semaphore, #tpu.memory_space<semaphore_mem>>
      %dma_start3A = arith.constant 0 : i32
      %dma_start3A_68 = tpu.memref_slice %arg6[%arg0, %add3A_37, %dma_start3A] : memref<2x20480x128xf32, #tpu.memory_space<hbm>> -> memref<1x640x128xf32, #tpu.memory_space<hbm>>
      %dma_start3A_69 = tpu.memref_squeeze %dma_start3A_68 : memref<1x640x128xf32, #tpu.memory_space<hbm>> -> memref<640x128xf32, #tpu.memory_space<hbm>>
      %dma_start3A_70 = arith.constant 0 : i32
      %dma_start3A_71 = tpu.memref_slice %arg11[%mul3A_2, %dma_start3A_70] : memref<10240x128xf32, #tpu.memory_space<vmem_shared>> -> memref<640x128xf32, #tpu.memory_space<vmem_shared>>
      tpu.enqueue_dma source(%dma_start3A_71 : memref<640x128xf32, #tpu.memory_space<vmem_shared>>) target(%dma_start3A_69 : memref<640x128xf32, #tpu.memory_space<hbm>>) target_semaphore(%run_scoped3A : memref<!tpu.dma_semaphore, #tpu.memory_space<semaphore_mem>>)
      %dma_wait3A = arith.constant 0 : i32
      %dma_wait3A_72 = tpu.memref_slice %arg6[%arg0, %add3A_37, %dma_wait3A] : memref<2x20480x128xf32, #tpu.memory_space<hbm>> -> memref<1x640x128xf32, #tpu.memory_space<hbm>>
      %dma_wait3A_73 = tpu.memref_squeeze %dma_wait3A_72 : memref<1x640x128xf32, #tpu.memory_space<hbm>> -> memref<640x128xf32, #tpu.memory_space<hbm>>
      %dma_wait3A_74 = arith.constant 0 : i32
      %dma_wait3A_75 = tpu.memref_slice %arg11[%mul3A_2, %dma_wait3A_74] : memref<10240x128xf32, #tpu.memory_space<vmem_shared>> -> memref<640x128xf32, #tpu.memory_space<vmem_shared>>
      tpu.wait_dma2 semaphore(%run_scoped3A : memref<!tpu.dma_semaphore, #tpu.memory_space<semaphore_mem>>) src(%dma_wait3A_75 : memref<640x128xf32, #tpu.memory_space<vmem_shared>>) dst(%dma_wait3A_73 : memref<640x128xf32, #tpu.memory_space<hbm>>)
      tpu.yield
    }) : () -> ()
    %add3A_38 = arith.constant 0 : i32
    %add3A_39 = arith.addi %mul3A_2, %add3A_38 : i32
    "tpu.region"() ({
      %run_scoped3A = tpu.sem_alloc : memref<!tpu.dma_semaphore, #tpu.memory_space<semaphore_mem>>
      %dma_start3A = arith.constant 0 : i32
      %dma_start3A_68 = tpu.memref_slice %arg11[%add3A_39, %dma_start3A] : memref<10240x128xf32, #tpu.memory_space<vmem_shared>> -> memref<64x128xf32, #tpu.memory_space<vmem_shared>>
      %dma_start3A_69 = arith.constant 0 : i32
      %dma_start3A_70 = tpu.memref_slice %arg11[%add3A_39, %dma_start3A_69] : memref<10240x128xf32, #tpu.memory_space<vmem_shared>> -> memref<64x128xf32, #tpu.memory_space<vmem_shared>>
      tpu.enqueue_dma source(%arg10 : memref<64x128xf32, #tpu.memory_space<vmem>>) target(%dma_start3A_70 : memref<64x128xf32, #tpu.memory_space<vmem_shared>>) target_semaphore(%run_scoped3A : memref<!tpu.dma_semaphore, #tpu.memory_space<semaphore_mem>>)
      %dma_wait3A = arith.constant 0 : i32
      %dma_wait3A_71 = tpu.memref_slice %arg11[%add3A_39, %dma_wait3A] : memref<10240x128xf32, #tpu.memory_space<vmem_shared>> -> memref<64x128xf32, #tpu.memory_space<vmem_shared>>
      %dma_wait3A_72 = arith.constant 0 : i32
      %dma_wait3A_73 = tpu.memref_slice %arg11[%add3A_39, %dma_wait3A_72] : memref<10240x128xf32, #tpu.memory_space<vmem_shared>> -> memref<64x128xf32, #tpu.memory_space<vmem_shared>>
      tpu.wait_dma2 semaphore(%run_scoped3A : memref<!tpu.dma_semaphore, #tpu.memory_space<semaphore_mem>>) src(%arg10 : memref<64x128xf32, #tpu.memory_space<vmem>>) dst(%dma_wait3A_73 : memref<64x128xf32, #tpu.memory_space<vmem_shared>>)
      tpu.yield
    }) : () -> ()
    %add3A_40 = arith.constant 64 : i32
    %add3A_41 = arith.addi %mul3A_2, %add3A_40 : i32
    "tpu.region"() ({
      %run_scoped3A = tpu.sem_alloc : memref<!tpu.dma_semaphore, #tpu.memory_space<semaphore_mem>>
      %dma_start3A = arith.constant 0 : i32
      %dma_start3A_68 = tpu.memref_slice %arg11[%add3A_41, %dma_start3A] : memref<10240x128xf32, #tpu.memory_space<vmem_shared>> -> memref<64x128xf32, #tpu.memory_space<vmem_shared>>
      %dma_start3A_69 = arith.constant 0 : i32
      %dma_start3A_70 = tpu.memref_slice %arg11[%add3A_41, %dma_start3A_69] : memref<10240x128xf32, #tpu.memory_space<vmem_shared>> -> memref<64x128xf32, #tpu.memory_space<vmem_shared>>
      tpu.enqueue_dma source(%arg10 : memref<64x128xf32, #tpu.memory_space<vmem>>) target(%dma_start3A_70 : memref<64x128xf32, #tpu.memory_space<vmem_shared>>) target_semaphore(%run_scoped3A : memref<!tpu.dma_semaphore, #tpu.memory_space<semaphore_mem>>)
      %dma_wait3A = arith.constant 0 : i32
      %dma_wait3A_71 = tpu.memref_slice %arg11[%add3A_41, %dma_wait3A] : memref<10240x128xf32, #tpu.memory_space<vmem_shared>> -> memref<64x128xf32, #tpu.memory_space<vmem_shared>>
      %dma_wait3A_72 = arith.constant 0 : i32
      %dma_wait3A_73 = tpu.memref_slice %arg11[%add3A_41, %dma_wait3A_72] : memref<10240x128xf32, #tpu.memory_space<vmem_shared>> -> memref<64x128xf32, #tpu.memory_space<vmem_shared>>
      tpu.wait_dma2 semaphore(%run_scoped3A : memref<!tpu.dma_semaphore, #tpu.memory_space<semaphore_mem>>) src(%arg10 : memref<64x128xf32, #tpu.memory_space<vmem>>) dst(%dma_wait3A_73 : memref<64x128xf32, #tpu.memory_space<vmem_shared>>)
      tpu.yield
    }) : () -> ()
    %add3A_42 = arith.constant 128 : i32
    %add3A_43 = arith.addi %mul3A_2, %add3A_42 : i32
    "tpu.region"() ({
      %run_scoped3A = tpu.sem_alloc : memref<!tpu.dma_semaphore, #tpu.memory_space<semaphore_mem>>
      %dma_start3A = arith.constant 0 : i32
      %dma_start3A_68 = tpu.memref_slice %arg11[%add3A_43, %dma_start3A] : memref<10240x128xf32, #tpu.memory_space<vmem_shared>> -> memref<64x128xf32, #tpu.memory_space<vmem_shared>>
      %dma_start3A_69 = arith.constant 0 : i32
      %dma_start3A_70 = tpu.memref_slice %arg11[%add3A_43, %dma_start3A_69] : memref<10240x128xf32, #tpu.memory_space<vmem_shared>> -> memref<64x128xf32, #tpu.memory_space<vmem_shared>>
      tpu.enqueue_dma source(%arg10 : memref<64x128xf32, #tpu.memory_space<vmem>>) target(%dma_start3A_70 : memref<64x128xf32, #tpu.memory_space<vmem_shared>>) target_semaphore(%run_scoped3A : memref<!tpu.dma_semaphore, #tpu.memory_space<semaphore_mem>>)
      %dma_wait3A = arith.constant 0 : i32
      %dma_wait3A_71 = tpu.memref_slice %arg11[%add3A_43, %dma_wait3A] : memref<10240x128xf32, #tpu.memory_space<vmem_shared>> -> memref<64x128xf32, #tpu.memory_space<vmem_shared>>
      %dma_wait3A_72 = arith.constant 0 : i32
      %dma_wait3A_73 = tpu.memref_slice %arg11[%add3A_43, %dma_wait3A_72] : memref<10240x128xf32, #tpu.memory_space<vmem_shared>> -> memref<64x128xf32, #tpu.memory_space<vmem_shared>>
      tpu.wait_dma2 semaphore(%run_scoped3A : memref<!tpu.dma_semaphore, #tpu.memory_space<semaphore_mem>>) src(%arg10 : memref<64x128xf32, #tpu.memory_space<vmem>>) dst(%dma_wait3A_73 : memref<64x128xf32, #tpu.memory_space<vmem_shared>>)
      tpu.yield
    }) : () -> ()
    %add3A_44 = arith.constant 192 : i32
    %add3A_45 = arith.addi %mul3A_2, %add3A_44 : i32
    "tpu.region"() ({
      %run_scoped3A = tpu.sem_alloc : memref<!tpu.dma_semaphore, #tpu.memory_space<semaphore_mem>>
      %dma_start3A = arith.constant 0 : i32
      %dma_start3A_68 = tpu.memref_slice %arg11[%add3A_45, %dma_start3A] : memref<10240x128xf32, #tpu.memory_space<vmem_shared>> -> memref<64x128xf32, #tpu.memory_space<vmem_shared>>
      %dma_start3A_69 = arith.constant 0 : i32
      %dma_start3A_70 = tpu.memref_slice %arg11[%add3A_45, %dma_start3A_69] : memref<10240x128xf32, #tpu.memory_space<vmem_shared>> -> memref<64x128xf32, #tpu.memory_space<vmem_shared>>
      tpu.enqueue_dma source(%arg10 : memref<64x128xf32, #tpu.memory_space<vmem>>) target(%dma_start3A_70 : memref<64x128xf32, #tpu.memory_space<vmem_shared>>) target_semaphore(%run_scoped3A : memref<!tpu.dma_semaphore, #tpu.memory_space<semaphore_mem>>)
      %dma_wait3A = arith.constant 0 : i32
      %dma_wait3A_71 = tpu.memref_slice %arg11[%add3A_45, %dma_wait3A] : memref<10240x128xf32, #tpu.memory_space<vmem_shared>> -> memref<64x128xf32, #tpu.memory_space<vmem_shared>>
      %dma_wait3A_72 = arith.constant 0 : i32
      %dma_wait3A_73 = tpu.memref_slice %arg11[%add3A_45, %dma_wait3A_72] : memref<10240x128xf32, #tpu.memory_space<vmem_shared>> -> memref<64x128xf32, #tpu.memory_space<vmem_shared>>
      tpu.wait_dma2 semaphore(%run_scoped3A : memref<!tpu.dma_semaphore, #tpu.memory_space<semaphore_mem>>) src(%arg10 : memref<64x128xf32, #tpu.memory_space<vmem>>) dst(%dma_wait3A_73 : memref<64x128xf32, #tpu.memory_space<vmem_shared>>)
      tpu.yield
    }) : () -> ()
    %add3A_46 = arith.constant 256 : i32
    %add3A_47 = arith.addi %mul3A_2, %add3A_46 : i32
    "tpu.region"() ({
      %run_scoped3A = tpu.sem_alloc : memref<!tpu.dma_semaphore, #tpu.memory_space<semaphore_mem>>
      %dma_start3A = arith.constant 0 : i32
      %dma_start3A_68 = tpu.memref_slice %arg11[%add3A_47, %dma_start3A] : memref<10240x128xf32, #tpu.memory_space<vmem_shared>> -> memref<64x128xf32, #tpu.memory_space<vmem_shared>>
      %dma_start3A_69 = arith.constant 0 : i32
      %dma_start3A_70 = tpu.memref_slice %arg11[%add3A_47, %dma_start3A_69] : memref<10240x128xf32, #tpu.memory_space<vmem_shared>> -> memref<64x128xf32, #tpu.memory_space<vmem_shared>>
      tpu.enqueue_dma source(%arg10 : memref<64x128xf32, #tpu.memory_space<vmem>>) target(%dma_start3A_70 : memref<64x128xf32, #tpu.memory_space<vmem_shared>>) target_semaphore(%run_scoped3A : memref<!tpu.dma_semaphore, #tpu.memory_space<semaphore_mem>>)
      %dma_wait3A = arith.constant 0 : i32
      %dma_wait3A_71 = tpu.memref_slice %arg11[%add3A_47, %dma_wait3A] : memref<10240x128xf32, #tpu.memory_space<vmem_shared>> -> memref<64x128xf32, #tpu.memory_space<vmem_shared>>
      %dma_wait3A_72 = arith.constant 0 : i32
      %dma_wait3A_73 = tpu.memref_slice %arg11[%add3A_47, %dma_wait3A_72] : memref<10240x128xf32, #tpu.memory_space<vmem_shared>> -> memref<64x128xf32, #tpu.memory_space<vmem_shared>>
      tpu.wait_dma2 semaphore(%run_scoped3A : memref<!tpu.dma_semaphore, #tpu.memory_space<semaphore_mem>>) src(%arg10 : memref<64x128xf32, #tpu.memory_space<vmem>>) dst(%dma_wait3A_73 : memref<64x128xf32, #tpu.memory_space<vmem_shared>>)
      tpu.yield
    }) : () -> ()
    %add3A_48 = arith.constant 320 : i32
    %add3A_49 = arith.addi %mul3A_2, %add3A_48 : i32
    "tpu.region"() ({
      %run_scoped3A = tpu.sem_alloc : memref<!tpu.dma_semaphore, #tpu.memory_space<semaphore_mem>>
      %dma_start3A = arith.constant 0 : i32
      %dma_start3A_68 = tpu.memref_slice %arg11[%add3A_49, %dma_start3A] : memref<10240x128xf32, #tpu.memory_space<vmem_shared>> -> memref<64x128xf32, #tpu.memory_space<vmem_shared>>
      %dma_start3A_69 = arith.constant 0 : i32
      %dma_start3A_70 = tpu.memref_slice %arg11[%add3A_49, %dma_start3A_69] : memref<10240x128xf32, #tpu.memory_space<vmem_shared>> -> memref<64x128xf32, #tpu.memory_space<vmem_shared>>
      tpu.enqueue_dma source(%arg10 : memref<64x128xf32, #tpu.memory_space<vmem>>) target(%dma_start3A_70 : memref<64x128xf32, #tpu.memory_space<vmem_shared>>) target_semaphore(%run_scoped3A : memref<!tpu.dma_semaphore, #tpu.memory_space<semaphore_mem>>)
      %dma_wait3A = arith.constant 0 : i32
      %dma_wait3A_71 = tpu.memref_slice %arg11[%add3A_49, %dma_wait3A] : memref<10240x128xf32, #tpu.memory_space<vmem_shared>> -> memref<64x128xf32, #tpu.memory_space<vmem_shared>>
      %dma_wait3A_72 = arith.constant 0 : i32
      %dma_wait3A_73 = tpu.memref_slice %arg11[%add3A_49, %dma_wait3A_72] : memref<10240x128xf32, #tpu.memory_space<vmem_shared>> -> memref<64x128xf32, #tpu.memory_space<vmem_shared>>
      tpu.wait_dma2 semaphore(%run_scoped3A : memref<!tpu.dma_semaphore, #tpu.memory_space<semaphore_mem>>) src(%arg10 : memref<64x128xf32, #tpu.memory_space<vmem>>) dst(%dma_wait3A_73 : memref<64x128xf32, #tpu.memory_space<vmem_shared>>)
      tpu.yield
    }) : () -> ()
    %add3A_50 = arith.constant 384 : i32
    %add3A_51 = arith.addi %mul3A_2, %add3A_50 : i32
    "tpu.region"() ({
      %run_scoped3A = tpu.sem_alloc : memref<!tpu.dma_semaphore, #tpu.memory_space<semaphore_mem>>
      %dma_start3A = arith.constant 0 : i32
      %dma_start3A_68 = tpu.memref_slice %arg11[%add3A_51, %dma_start3A] : memref<10240x128xf32, #tpu.memory_space<vmem_shared>> -> memref<64x128xf32, #tpu.memory_space<vmem_shared>>
      %dma_start3A_69 = arith.constant 0 : i32
      %dma_start3A_70 = tpu.memref_slice %arg11[%add3A_51, %dma_start3A_69] : memref<10240x128xf32, #tpu.memory_space<vmem_shared>> -> memref<64x128xf32, #tpu.memory_space<vmem_shared>>
      tpu.enqueue_dma source(%arg10 : memref<64x128xf32, #tpu.memory_space<vmem>>) target(%dma_start3A_70 : memref<64x128xf32, #tpu.memory_space<vmem_shared>>) target_semaphore(%run_scoped3A : memref<!tpu.dma_semaphore, #tpu.memory_space<semaphore_mem>>)
      %dma_wait3A = arith.constant 0 : i32
      %dma_wait3A_71 = tpu.memref_slice %arg11[%add3A_51, %dma_wait3A] : memref<10240x128xf32, #tpu.memory_space<vmem_shared>> -> memref<64x128xf32, #tpu.memory_space<vmem_shared>>
      %dma_wait3A_72 = arith.constant 0 : i32
      %dma_wait3A_73 = tpu.memref_slice %arg11[%add3A_51, %dma_wait3A_72] : memref<10240x128xf32, #tpu.memory_space<vmem_shared>> -> memref<64x128xf32, #tpu.memory_space<vmem_shared>>
      tpu.wait_dma2 semaphore(%run_scoped3A : memref<!tpu.dma_semaphore, #tpu.memory_space<semaphore_mem>>) src(%arg10 : memref<64x128xf32, #tpu.memory_space<vmem>>) dst(%dma_wait3A_73 : memref<64x128xf32, #tpu.memory_space<vmem_shared>>)
      tpu.yield
    }) : () -> ()
    %add3A_52 = arith.constant 448 : i32
    %add3A_53 = arith.addi %mul3A_2, %add3A_52 : i32
    "tpu.region"() ({
      %run_scoped3A = tpu.sem_alloc : memref<!tpu.dma_semaphore, #tpu.memory_space<semaphore_mem>>
      %dma_start3A = arith.constant 0 : i32
      %dma_start3A_68 = tpu.memref_slice %arg11[%add3A_53, %dma_start3A] : memref<10240x128xf32, #tpu.memory_space<vmem_shared>> -> memref<64x128xf32, #tpu.memory_space<vmem_shared>>
      %dma_start3A_69 = arith.constant 0 : i32
      %dma_start3A_70 = tpu.memref_slice %arg11[%add3A_53, %dma_start3A_69] : memref<10240x128xf32, #tpu.memory_space<vmem_shared>> -> memref<64x128xf32, #tpu.memory_space<vmem_shared>>
      tpu.enqueue_dma source(%arg10 : memref<64x128xf32, #tpu.memory_space<vmem>>) target(%dma_start3A_70 : memref<64x128xf32, #tpu.memory_space<vmem_shared>>) target_semaphore(%run_scoped3A : memref<!tpu.dma_semaphore, #tpu.memory_space<semaphore_mem>>)
      %dma_wait3A = arith.constant 0 : i32
      %dma_wait3A_71 = tpu.memref_slice %arg11[%add3A_53, %dma_wait3A] : memref<10240x128xf32, #tpu.memory_space<vmem_shared>> -> memref<64x128xf32, #tpu.memory_space<vmem_shared>>
      %dma_wait3A_72 = arith.constant 0 : i32
      %dma_wait3A_73 = tpu.memref_slice %arg11[%add3A_53, %dma_wait3A_72] : memref<10240x128xf32, #tpu.memory_space<vmem_shared>> -> memref<64x128xf32, #tpu.memory_space<vmem_shared>>
      tpu.wait_dma2 semaphore(%run_scoped3A : memref<!tpu.dma_semaphore, #tpu.memory_space<semaphore_mem>>) src(%arg10 : memref<64x128xf32, #tpu.memory_space<vmem>>) dst(%dma_wait3A_73 : memref<64x128xf32, #tpu.memory_space<vmem_shared>>)
      tpu.yield
    }) : () -> ()
    %add3A_54 = arith.constant 512 : i32
    %add3A_55 = arith.addi %mul3A_2, %add3A_54 : i32
    "tpu.region"() ({
      %run_scoped3A = tpu.sem_alloc : memref<!tpu.dma_semaphore, #tpu.memory_space<semaphore_mem>>
      %dma_start3A = arith.constant 0 : i32
      %dma_start3A_68 = tpu.memref_slice %arg11[%add3A_55, %dma_start3A] : memref<10240x128xf32, #tpu.memory_space<vmem_shared>> -> memref<64x128xf32, #tpu.memory_space<vmem_shared>>
      %dma_start3A_69 = arith.constant 0 : i32
      %dma_start3A_70 = tpu.memref_slice %arg11[%add3A_55, %dma_start3A_69] : memref<10240x128xf32, #tpu.memory_space<vmem_shared>> -> memref<64x128xf32, #tpu.memory_space<vmem_shared>>
      tpu.enqueue_dma source(%arg10 : memref<64x128xf32, #tpu.memory_space<vmem>>) target(%dma_start3A_70 : memref<64x128xf32, #tpu.memory_space<vmem_shared>>) target_semaphore(%run_scoped3A : memref<!tpu.dma_semaphore, #tpu.memory_space<semaphore_mem>>)
      %dma_wait3A = arith.constant 0 : i32
      %dma_wait3A_71 = tpu.memref_slice %arg11[%add3A_55, %dma_wait3A] : memref<10240x128xf32, #tpu.memory_space<vmem_shared>> -> memref<64x128xf32, #tpu.memory_space<vmem_shared>>
      %dma_wait3A_72 = arith.constant 0 : i32
      %dma_wait3A_73 = tpu.memref_slice %arg11[%add3A_55, %dma_wait3A_72] : memref<10240x128xf32, #tpu.memory_space<vmem_shared>> -> memref<64x128xf32, #tpu.memory_space<vmem_shared>>
      tpu.wait_dma2 semaphore(%run_scoped3A : memref<!tpu.dma_semaphore, #tpu.memory_space<semaphore_mem>>) src(%arg10 : memref<64x128xf32, #tpu.memory_space<vmem>>) dst(%dma_wait3A_73 : memref<64x128xf32, #tpu.memory_space<vmem_shared>>)
      tpu.yield
    }) : () -> ()
    %add3A_56 = arith.constant 576 : i32
    %add3A_57 = arith.addi %mul3A_2, %add3A_56 : i32
    "tpu.region"() ({
      %run_scoped3A = tpu.sem_alloc : memref<!tpu.dma_semaphore, #tpu.memory_space<semaphore_mem>>
      %dma_start3A = arith.constant 0 : i32
      %dma_start3A_68 = tpu.memref_slice %arg11[%add3A_57, %dma_start3A] : memref<10240x128xf32, #tpu.memory_space<vmem_shared>> -> memref<64x128xf32, #tpu.memory_space<vmem_shared>>
      %dma_start3A_69 = arith.constant 0 : i32
      %dma_start3A_70 = tpu.memref_slice %arg11[%add3A_57, %dma_start3A_69] : memref<10240x128xf32, #tpu.memory_space<vmem_shared>> -> memref<64x128xf32, #tpu.memory_space<vmem_shared>>
      tpu.enqueue_dma source(%arg10 : memref<64x128xf32, #tpu.memory_space<vmem>>) target(%dma_start3A_70 : memref<64x128xf32, #tpu.memory_space<vmem_shared>>) target_semaphore(%run_scoped3A : memref<!tpu.dma_semaphore, #tpu.memory_space<semaphore_mem>>)
      %dma_wait3A = arith.constant 0 : i32
      %dma_wait3A_71 = tpu.memref_slice %arg11[%add3A_57, %dma_wait3A] : memref<10240x128xf32, #tpu.memory_space<vmem_shared>> -> memref<64x128xf32, #tpu.memory_space<vmem_shared>>
      %dma_wait3A_72 = arith.constant 0 : i32
      %dma_wait3A_73 = tpu.memref_slice %arg11[%add3A_57, %dma_wait3A_72] : memref<10240x128xf32, #tpu.memory_space<vmem_shared>> -> memref<64x128xf32, #tpu.memory_space<vmem_shared>>
      tpu.wait_dma2 semaphore(%run_scoped3A : memref<!tpu.dma_semaphore, #tpu.memory_space<semaphore_mem>>) src(%arg10 : memref<64x128xf32, #tpu.memory_space<vmem>>) dst(%dma_wait3A_73 : memref<64x128xf32, #tpu.memory_space<vmem_shared>>)
      tpu.yield
    }) : () -> ()
    %barrier3A_58 = arith.constant 0 : index
    tpu.barrier barrier_id(%barrier3A_58)
    %scan3A_59 = arith.constant 0 : i32
    %scan3A_60 = arith.constant 0 : i32
    %scan3A_61 = arith.constant 40 : i32
    %scan3A_62 = arith.addi %scan3A_60, %scan3A_61 : i32
    %scan3A_63 = arith.constant 1 : i32
    scf.for %scan3A_68 = %scan3A_60 to %scan3A_62 step %scan3A_63  : i32 {
      "tpu.region"() ({
        %run_scoped3A = tpu.sem_alloc : memref<!tpu.dma_semaphore, #tpu.memory_space<semaphore_mem>>
        %dma_start3A = arith.constant 0 : i32
        %dma_start3A_69 = tpu.memref_slice %arg7[%scan3A_68, %dma_start3A] : memref<40x128xi32, #tpu.memory_space<vmem>> -> memref<1x128xi32, #tpu.memory_space<vmem>>
        %dma_start3A_70 = tpu.memref_squeeze %dma_start3A_69 : memref<1x128xi32, #tpu.memory_space<vmem>> -> memref<128xi32, #tpu.memory_space<vmem>>
        %dma_start3A_71 = arith.constant 0 : i32
        %dma_start3A_72 = arith.constant 0 : i32
        %dma_start3A_73 = tpu.memref_slice %arg3[%dma_start3A_71, %dma_start3A_72] : memref<10240x128xf32, #tpu.memory_space<hbm>> -> memref<10240x128xf32, #tpu.memory_space<hbm>>
        tpu.enqueue_indirect_dma source(%dma_start3A_73 : memref<10240x128xf32, #tpu.memory_space<hbm>>) target(%arg9 : memref<128x128xf32, #tpu.memory_space<vmem>>) offsets(%dma_start3A_70 : memref<128xi32, #tpu.memory_space<vmem>>) semaphore(%run_scoped3A : memref<!tpu.dma_semaphore, #tpu.memory_space<semaphore_mem>>)
        %dma_wait3A = arith.constant 0 : i32
        %dma_wait3A_74 = tpu.memref_slice %arg7[%scan3A_68, %dma_wait3A] : memref<40x128xi32, #tpu.memory_space<vmem>> -> memref<1x128xi32, #tpu.memory_space<vmem>>
        %dma_wait3A_75 = tpu.memref_squeeze %dma_wait3A_74 : memref<1x128xi32, #tpu.memory_space<vmem>> -> memref<128xi32, #tpu.memory_space<vmem>>
        %dma_wait3A_76 = arith.constant 0 : i32
        %dma_wait3A_77 = arith.constant 0 : i32
        %dma_wait3A_78 = tpu.memref_slice %arg3[%dma_wait3A_76, %dma_wait3A_77] : memref<10240x128xf32, #tpu.memory_space<hbm>> -> memref<10240x128xf32, #tpu.memory_space<hbm>>
        tpu.wait_indirect_dma semaphore(%run_scoped3A : memref<!tpu.dma_semaphore, #tpu.memory_space<semaphore_mem>>) src(%dma_wait3A_78 : memref<10240x128xf32, #tpu.memory_space<hbm>>) dst(%arg9 : memref<128x128xf32, #tpu.memory_space<vmem>>)
        tpu.yield
      }) : () -> ()
      "tpu.region"() ({
        %run_scoped3A = tpu.sem_alloc : memref<!tpu.dma_semaphore, #tpu.memory_space<semaphore_mem>>
        %dma_start3A = arith.constant 0 : i32
        %dma_start3A_69 = tpu.memref_slice %arg8[%scan3A_68, %dma_start3A] : memref<40x128xi32, #tpu.memory_space<vmem>> -> memref<1x128xi32, #tpu.memory_space<vmem>>
        %dma_start3A_70 = tpu.memref_squeeze %dma_start3A_69 : memref<1x128xi32, #tpu.memory_space<vmem>> -> memref<128xi32, #tpu.memory_space<vmem>>
        %dma_start3A_71 = arith.constant 0 : i32
        %dma_start3A_72 = arith.constant 0 : i32
        %dma_start3A_73 = tpu.memref_slice %arg11[%dma_start3A_71, %dma_start3A_72] : memref<10240x128xf32, #tpu.memory_space<vmem_shared>> -> memref<10240x128xf32, #tpu.memory_space<vmem_shared>>
        tpu.enqueue_indirect_dma source(%arg9 : memref<128x128xf32, #tpu.memory_space<vmem>>) target(%dma_start3A_73 : memref<10240x128xf32, #tpu.memory_space<vmem_shared>>) offsets(%dma_start3A_70 : memref<128xi32, #tpu.memory_space<vmem>>) semaphore(%run_scoped3A : memref<!tpu.dma_semaphore, #tpu.memory_space<semaphore_mem>>) {add = true}
        %dma_wait3A = arith.constant 0 : i32
        %dma_wait3A_74 = tpu.memref_slice %arg8[%scan3A_68, %dma_wait3A] : memref<40x128xi32, #tpu.memory_space<vmem>> -> memref<1x128xi32, #tpu.memory_space<vmem>>
        %dma_wait3A_75 = tpu.memref_squeeze %dma_wait3A_74 : memref<1x128xi32, #tpu.memory_space<vmem>> -> memref<128xi32, #tpu.memory_space<vmem>>
        %dma_wait3A_76 = arith.constant 0 : i32
        %dma_wait3A_77 = arith.constant 0 : i32
        %dma_wait3A_78 = tpu.memref_slice %arg11[%dma_wait3A_76, %dma_wait3A_77] : memref<10240x128xf32, #tpu.memory_space<vmem_shared>> -> memref<10240x128xf32, #tpu.memory_space<vmem_shared>>
        tpu.wait_indirect_dma semaphore(%run_scoped3A : memref<!tpu.dma_semaphore, #tpu.memory_space<semaphore_mem>>) src(%arg9 : memref<128x128xf32, #tpu.memory_space<vmem>>) dst(%dma_wait3A_78 : memref<10240x128xf32, #tpu.memory_space<vmem_shared>>)
        tpu.yield
      }) : () -> ()
    }
    %scan3A_64 = arith.constant 40 : i32
    %barrier3A_65 = arith.constant 0 : index
    tpu.barrier barrier_id(%barrier3A_65)
    %add3A_66 = arith.constant 10240 : i32
    %add3A_67 = arith.addi %add3A_66, %mul3A_2 : i32
    "tpu.region"() ({
      %run_scoped3A = tpu.sem_alloc : memref<!tpu.dma_semaphore, #tpu.memory_space<semaphore_mem>>
      %dma_start3A = arith.constant 0 : i32
      %dma_start3A_68 = tpu.memref_slice %arg6[%arg0, %add3A_67, %dma_start3A] : memref<2x20480x128xf32, #tpu.memory_space<hbm>> -> memref<1x640x128xf32, #tpu.memory_space<hbm>>
      %dma_start3A_69 = tpu.memref_squeeze %dma_start3A_68 : memref<1x640x128xf32, #tpu.memory_space<hbm>> -> memref<640x128xf32, #tpu.memory_space<hbm>>
      %dma_start3A_70 = arith.constant 0 : i32
      %dma_start3A_71 = tpu.memref_slice %arg11[%mul3A_2, %dma_start3A_70] : memref<10240x128xf32, #tpu.memory_space<vmem_shared>> -> memref<640x128xf32, #tpu.memory_space<vmem_shared>>
      tpu.enqueue_dma source(%dma_start3A_71 : memref<640x128xf32, #tpu.memory_space<vmem_shared>>) target(%dma_start3A_69 : memref<640x128xf32, #tpu.memory_space<hbm>>) target_semaphore(%run_scoped3A : memref<!tpu.dma_semaphore, #tpu.memory_space<semaphore_mem>>)
      %dma_wait3A = arith.constant 0 : i32
      %dma_wait3A_72 = tpu.memref_slice %arg6[%arg0, %add3A_67, %dma_wait3A] : memref<2x20480x128xf32, #tpu.memory_space<hbm>> -> memref<1x640x128xf32, #tpu.memory_space<hbm>>
      %dma_wait3A_73 = tpu.memref_squeeze %dma_wait3A_72 : memref<1x640x128xf32, #tpu.memory_space<hbm>> -> memref<640x128xf32, #tpu.memory_space<hbm>>
      %dma_wait3A_74 = arith.constant 0 : i32
      %dma_wait3A_75 = tpu.memref_slice %arg11[%mul3A_2, %dma_wait3A_74] : memref<10240x128xf32, #tpu.memory_space<vmem_shared>> -> memref<640x128xf32, #tpu.memory_space<vmem_shared>>
      tpu.wait_dma2 semaphore(%run_scoped3A : memref<!tpu.dma_semaphore, #tpu.memory_space<semaphore_mem>>) src(%dma_wait3A_75 : memref<640x128xf32, #tpu.memory_space<vmem_shared>>) dst(%dma_wait3A_73 : memref<640x128xf32, #tpu.memory_space<hbm>>)
      tpu.yield
    }) : () -> ()
    return
  }
}

module attributes {stable_mosaic.version = 14 : i64} {
  func.func @_tc1_body(%arg0: i32, %arg1: memref<512x128xf32, #tpu.memory_space<vmem>>, %arg2: memref<128x256xf32, #tpu.memory_space<vmem>>, %arg3: memref<2x512x128xf32, #tpu.memory_space<vmem>>, %arg4: memref<512x128xf32, #tpu.memory_space<vmem>>, %arg5: memref<512x128xf32, #tpu.memory_space<vmem>>, %arg6: memref<512x128xf32, #tpu.memory_space<vmem>>) attributes {dimension_semantics = [#tpu.dimension_semantics<arbitrary>], iteration_bounds = array<i64: 20>, scalar_prefetch = 0 : i64, scratch_operands = 0 : i64, tpu.core_type = #tpu.core_type<tc>, window_params = [{transform_indices = @transform_0, window_bounds = array<i64: 512, 128>}, {pipeline_mode = #tpu.pipeline_mode<synchronous>, transform_indices = @transform_1, window_bounds = array<i64: 128, 256>}, {transform_indices = @transform_2, window_bounds = array<i64: 2, 512, 128>}, {transform_indices = @transform_3, window_bounds = array<i64: 512, 128>}, {transform_indices = @transform_4, window_bounds = array<i64: 512, 128>}, {transform_indices = @transform_5, window_bounds = array<i64: 512, 128>}]} {
    %get3A = arith.constant 0 : index
    %get3A_0 = arith.constant 0 : index
    %get3A_1 = arith.constant 0 : index
    %get3A_2 = vector.load %arg3[%get3A, %get3A_0, %get3A_1] : memref<2x512x128xf32, #tpu.memory_space<vmem>>, vector<1x512x1xf32>
    %get3A_3 = vector.shape_cast %get3A_2 : vector<1x512x1xf32> to vector<512x1xf32>
    %get3A_4 = arith.constant 1 : index
    %get3A_5 = arith.constant 0 : index
    %get3A_6 = arith.constant 0 : index
    %get3A_7 = vector.load %arg3[%get3A_4, %get3A_5, %get3A_6] : memref<2x512x128xf32, #tpu.memory_space<vmem>>, vector<1x512x1xf32>
    %get3A_8 = vector.shape_cast %get3A_7 : vector<1x512x1xf32> to vector<512x1xf32>
    %add3A = arith.addf %get3A_3, %get3A_8 : vector<512x1xf32>
    %add3A_9 = arith.constant 1.000000e+00 : f32
    %add3A_10 = vector.broadcast %add3A_9 : f32 to vector<512x1xf32>
    %add3A_11 = arith.addf %add3A, %add3A_10 : vector<512x1xf32>
    %rsqrt3A = math.rsqrt %add3A_11 : vector<512x1xf32>
    %get3A_12 = arith.constant 0 : index
    %get3A_13 = arith.constant 0 : index
    %get3A_14 = vector.load %arg1[%get3A_12, %get3A_13] : memref<512x128xf32, #tpu.memory_space<vmem>>, vector<512x128xf32>
    %get3A_15 = arith.constant 0 : index
    %get3A_16 = arith.constant 0 : index
    %get3A_17 = vector.load %arg2[%get3A_15, %get3A_16] : memref<128x256xf32, #tpu.memory_space<vmem>>, vector<128x256xf32>
    %dot_general3A = arith.constant dense<0.000000e+00> : vector<512x256xf32>
    %dot_general3A_18 = tpu.matmul %get3A_14, %get3A_17, %dot_general3A {dimension_numbers = #tpu.dot_dimension_numbers<[1], [0], [0], [1], [0, 0, 1, 1], [], []>, transpose_lhs_hint = false} : vector<512x128xf32>, vector<128x256xf32>, vector<512x256xf32> -> vector<512x256xf32>
    %mul3A = vector.broadcast %rsqrt3A : vector<512x1xf32> to vector<512x256xf32>
    %mul3A_19 = arith.mulf %dot_general3A_18, %mul3A : vector<512x256xf32>
    %slice3A = vector.extract_strided_slice %mul3A_19 {offsets = [0, 0], sizes = [512, 128], strides = [1, 1]} : vector<512x256xf32> to vector<512x128xf32>
    %swap3A = arith.constant 0 : index
    %swap3A_20 = arith.constant 0 : index
    %swap3A_21 = vector.load %arg4[%swap3A, %swap3A_20] : memref<512x128xf32, #tpu.memory_space<vmem>>, vector<512x128xf32>
    tpu.vector_store %arg4[%swap3A, %swap3A_20], %slice3A {strides = array<i32>} : memref<512x128xf32, #tpu.memory_space<vmem>>, vector<512x128xf32>,
    %slice3A_22 = vector.extract_strided_slice %mul3A_19 {offsets = [0, 128], sizes = [512, 128], strides = [1, 1]} : vector<512x256xf32> to vector<512x128xf32>
    %swap3A_23 = arith.constant 0 : index
    %swap3A_24 = arith.constant 0 : index
    %swap3A_25 = vector.load %arg5[%swap3A_23, %swap3A_24] : memref<512x128xf32, #tpu.memory_space<vmem>>, vector<512x128xf32>
    tpu.vector_store %arg5[%swap3A_23, %swap3A_24], %slice3A_22 {strides = array<i32>} : memref<512x128xf32, #tpu.memory_space<vmem>>, vector<512x128xf32>,
    %broadcast_in_dim3A = vector.shape_cast %rsqrt3A : vector<512x1xf32> to vector<512x1xf32>
    %broadcast_in_dim3A_26 = vector.broadcast %broadcast_in_dim3A : vector<512x1xf32> to vector<512x128xf32>
    %swap3A_27 = arith.constant 0 : index
    %swap3A_28 = arith.constant 0 : index
    %swap3A_29 = vector.load %arg6[%swap3A_27, %swap3A_28] : memref<512x128xf32, #tpu.memory_space<vmem>>, vector<512x128xf32>
    tpu.vector_store %arg6[%swap3A_27, %swap3A_28], %broadcast_in_dim3A_26 {strides = array<i32>} : memref<512x128xf32, #tpu.memory_space<vmem>>, vector<512x128xf32>,
    return
  }
  func.func @transform_0(%arg0: i32) -> (i32, i32) {
    %c0_i32 = arith.constant 0 : i32
    %c0_i32_0 = arith.constant 0 : i32
    return %arg0, %c0_i32 : i32, i32
  }
  func.func @transform_1(%arg0: i32) -> (i32, i32) {
    %c0_i32 = arith.constant 0 : i32
    %c0_i32_0 = arith.constant 0 : i32
    %c0_i32_1 = arith.constant 0 : i32
    return %c0_i32, %c0_i32_0 : i32, i32
  }
  func.func @transform_2(%arg0: i32) -> (i32, i32, i32) {
    %c0_i32 = arith.constant 0 : i32
    %c0_i32_0 = arith.constant 0 : i32
    %c0_i32_1 = arith.constant 0 : i32
    return %c0_i32, %arg0, %c0_i32_0 : i32, i32, i32
  }
  func.func @transform_3(%arg0: i32) -> (i32, i32) {
    %c0_i32 = arith.constant 0 : i32
    %c0_i32_0 = arith.constant 0 : i32
    return %arg0, %c0_i32 : i32, i32
  }
  func.func @transform_4(%arg0: i32) -> (i32, i32) {
    %c0_i32 = arith.constant 0 : i32
    %c0_i32_0 = arith.constant 0 : i32
    return %arg0, %c0_i32 : i32, i32
  }
  func.func @transform_5(%arg0: i32) -> (i32, i32) {
    %c0_i32 = arith.constant 0 : i32
    %c0_i32_0 = arith.constant 0 : i32
    return %arg0, %c0_i32 : i32, i32
  }
}

module attributes {stable_mosaic.version = 14 : i64} {
  func.func @body(%arg0: i32, %arg1: memref<2x2x512x128xf32, #tpu.memory_space<vmem>>, %arg2: memref<512x128xf32, #tpu.memory_space<vmem>>, %arg3: memref<512x128xf32, #tpu.memory_space<vmem>>, %arg4: memref<512x128xf32, #tpu.memory_space<vmem>>, %arg5: memref<1x256xf32, #tpu.memory_space<vmem>>, %arg6: memref<256x512xf32, #tpu.memory_space<vmem>>, %arg7: memref<512x128xf32, #tpu.memory_space<vmem>>, %arg8: memref<512x128xf32, #tpu.memory_space<vmem>>, %arg9: memref<512x128xf32, #tpu.memory_space<vmem>>, %arg10: memref<512x128xf32, #tpu.memory_space<vmem>>) attributes {dimension_semantics = [#tpu.dimension_semantics<arbitrary>], iteration_bounds = array<i64: 20>, scalar_prefetch = 0 : i64, scratch_operands = 0 : i64, tpu.core_type = #tpu.core_type<tc>, window_params = [{transform_indices = @transform_0, window_bounds = array<i64: 2, 2, 512, 128>}, {transform_indices = @transform_1, window_bounds = array<i64: 512, 128>}, {transform_indices = @transform_2, window_bounds = array<i64: 512, 128>}, {transform_indices = @transform_3, window_bounds = array<i64: 512, 128>}, {pipeline_mode = #tpu.pipeline_mode<synchronous>, transform_indices = @transform_4, window_bounds = array<i64: 1, 256>}, {pipeline_mode = #tpu.pipeline_mode<synchronous>, transform_indices = @transform_5, window_bounds = array<i64: 256, 512>}, {transform_indices = @transform_6, window_bounds = array<i64: 512, 128>}, {transform_indices = @transform_7, window_bounds = array<i64: 512, 128>}, {transform_indices = @transform_8, window_bounds = array<i64: 512, 128>}, {transform_indices = @transform_9, window_bounds = array<i64: 512, 128>}]} {
    %get3A = arith.constant 0 : index
    %get3A_0 = arith.constant 0 : index
    %get3A_1 = vector.load %arg4[%get3A, %get3A_0] : memref<512x128xf32, #tpu.memory_space<vmem>>, vector<512x1xf32>
    %get3A_2 = arith.constant 0 : index
    %get3A_3 = arith.constant 0 : index
    %get3A_4 = arith.constant 0 : index
    %get3A_5 = arith.constant 0 : index
    %get3A_6 = vector.load %arg1[%get3A_2, %get3A_3, %get3A_4, %get3A_5] : memref<2x2x512x128xf32, #tpu.memory_space<vmem>>, vector<1x1x512x128xf32>
    %get3A_7 = vector.shape_cast %get3A_6 : vector<1x1x512x128xf32> to vector<512x128xf32>
    %get3A_8 = arith.constant 1 : index
    %get3A_9 = arith.constant 0 : index
    %get3A_10 = arith.constant 0 : index
    %get3A_11 = arith.constant 0 : index
    %get3A_12 = vector.load %arg1[%get3A_8, %get3A_9, %get3A_10, %get3A_11] : memref<2x2x512x128xf32, #tpu.memory_space<vmem>>, vector<1x1x512x128xf32>
    %get3A_13 = vector.shape_cast %get3A_12 : vector<1x1x512x128xf32> to vector<512x128xf32>
    %add3A = arith.addf %get3A_7, %get3A_13 : vector<512x128xf32>
    %get3A_14 = arith.constant 0 : index
    %get3A_15 = arith.constant 0 : index
    %get3A_16 = vector.load %arg2[%get3A_14, %get3A_15] : memref<512x128xf32, #tpu.memory_space<vmem>>, vector<512x128xf32>
    %add3A_17 = arith.addf %add3A, %get3A_16 : vector<512x128xf32>
    %get3A_18 = arith.constant 0 : index
    %get3A_19 = arith.constant 1 : index
    %get3A_20 = arith.constant 0 : index
    %get3A_21 = arith.constant 0 : index
    %get3A_22 = vector.load %arg1[%get3A_18, %get3A_19, %get3A_20, %get3A_21] : memref<2x2x512x128xf32, #tpu.memory_space<vmem>>, vector<1x1x512x128xf32>
    %get3A_23 = vector.shape_cast %get3A_22 : vector<1x1x512x128xf32> to vector<512x128xf32>
    %get3A_24 = arith.constant 1 : index
    %get3A_25 = arith.constant 1 : index
    %get3A_26 = arith.constant 0 : index
    %get3A_27 = arith.constant 0 : index
    %get3A_28 = vector.load %arg1[%get3A_24, %get3A_25, %get3A_26, %get3A_27] : memref<2x2x512x128xf32, #tpu.memory_space<vmem>>, vector<1x1x512x128xf32>
    %get3A_29 = vector.shape_cast %get3A_28 : vector<1x1x512x128xf32> to vector<512x128xf32>
    %add3A_30 = arith.addf %get3A_23, %get3A_29 : vector<512x128xf32>
    %get3A_31 = arith.constant 0 : index
    %get3A_32 = arith.constant 0 : index
    %get3A_33 = vector.load %arg3[%get3A_31, %get3A_32] : memref<512x128xf32, #tpu.memory_space<vmem>>, vector<512x128xf32>
    %add3A_34 = arith.addf %add3A_30, %get3A_33 : vector<512x128xf32>
    %concatenate3A = tpu.concatenate %add3A_17, %add3A_34 in 1 : vector<512x128xf32>, vector<512x128xf32> -> vector<512x256xf32>
    %mul3A = vector.broadcast %get3A_1 : vector<512x1xf32> to vector<512x256xf32>
    %mul3A_35 = arith.mulf %mul3A, %concatenate3A : vector<512x256xf32>
    %get3A_36 = arith.constant 0 : index
    %get3A_37 = arith.constant 0 : index
    %get3A_38 = vector.load %arg5[%get3A_36, %get3A_37] : memref<1x256xf32, #tpu.memory_space<vmem>>, vector<1x256xf32>
    %add3A_39 = vector.broadcast %get3A_38 : vector<1x256xf32> to vector<512x256xf32>
    %add3A_40 = arith.addf %mul3A_35, %add3A_39 : vector<512x256xf32>
    %max3A = arith.constant 0.000000e+00 : f32
    %max3A_41 = vector.broadcast %max3A : f32 to vector<512x256xf32>
    %max3A_42 = arith.maximumf %add3A_40, %max3A_41 : vector<512x256xf32>
    %get3A_43 = arith.constant 0 : index
    %get3A_44 = arith.constant 0 : index
    %get3A_45 = vector.load %arg6[%get3A_43, %get3A_44] : memref<256x512xf32, #tpu.memory_space<vmem>>, vector<256x512xf32>
    %dot_general3A = arith.constant dense<0.000000e+00> : vector<512x512xf32>
    %dot_general3A_46 = tpu.matmul %max3A_42, %get3A_45, %dot_general3A {dimension_numbers = #tpu.dot_dimension_numbers<[1], [0], [0], [1], [0, 0, 1, 1], [], []>, transpose_lhs_hint = false} : vector<512x256xf32>, vector<256x512xf32>, vector<512x512xf32> -> vector<512x512xf32>
    %mul3A_47 = vector.broadcast %get3A_1 : vector<512x1xf32> to vector<512x512xf32>
    %mul3A_48 = arith.mulf %dot_general3A_46, %mul3A_47 : vector<512x512xf32>
    %slice3A = vector.extract_strided_slice %mul3A_48 {offsets = [0, 0], sizes = [512, 128], strides = [1, 1]} : vector<512x512xf32> to vector<512x128xf32>
    %swap3A = arith.constant 0 : index
    %swap3A_49 = arith.constant 0 : index
    %swap3A_50 = vector.load %arg7[%swap3A, %swap3A_49] : memref<512x128xf32, #tpu.memory_space<vmem>>, vector<512x128xf32>
    tpu.vector_store %arg7[%swap3A, %swap3A_49], %slice3A {strides = array<i32>} : memref<512x128xf32, #tpu.memory_space<vmem>>, vector<512x128xf32>,
    %slice3A_51 = vector.extract_strided_slice %mul3A_48 {offsets = [0, 128], sizes = [512, 128], strides = [1, 1]} : vector<512x512xf32> to vector<512x128xf32>
    %swap3A_52 = arith.constant 0 : index
    %swap3A_53 = arith.constant 0 : index
    %swap3A_54 = vector.load %arg8[%swap3A_52, %swap3A_53] : memref<512x128xf32, #tpu.memory_space<vmem>>, vector<512x128xf32>
    tpu.vector_store %arg8[%swap3A_52, %swap3A_53], %slice3A_51 {strides = array<i32>} : memref<512x128xf32, #tpu.memory_space<vmem>>, vector<512x128xf32>,
    %slice3A_55 = vector.extract_strided_slice %mul3A_48 {offsets = [0, 256], sizes = [512, 128], strides = [1, 1]} : vector<512x512xf32> to vector<512x128xf32>
    %swap3A_56 = arith.constant 0 : index
    %swap3A_57 = arith.constant 0 : index
    %swap3A_58 = vector.load %arg9[%swap3A_56, %swap3A_57] : memref<512x128xf32, #tpu.memory_space<vmem>>, vector<512x128xf32>
    tpu.vector_store %arg9[%swap3A_56, %swap3A_57], %slice3A_55 {strides = array<i32>} : memref<512x128xf32, #tpu.memory_space<vmem>>, vector<512x128xf32>,
    %slice3A_59 = vector.extract_strided_slice %mul3A_48 {offsets = [0, 384], sizes = [512, 128], strides = [1, 1]} : vector<512x512xf32> to vector<512x128xf32>
    %swap3A_60 = arith.constant 0 : index
    %swap3A_61 = arith.constant 0 : index
    %swap3A_62 = vector.load %arg10[%swap3A_60, %swap3A_61] : memref<512x128xf32, #tpu.memory_space<vmem>>, vector<512x128xf32>
    tpu.vector_store %arg10[%swap3A_60, %swap3A_61], %slice3A_59 {strides = array<i32>} : memref<512x128xf32, #tpu.memory_space<vmem>>, vector<512x128xf32>,
    return
  }
  func.func @transform_0(%arg0: i32) -> (i32, i32, i32, i32) {
    %c0_i32 = arith.constant 0 : i32
    %c0_i32_0 = arith.constant 0 : i32
    %c0_i32_1 = arith.constant 0 : i32
    %c0_i32_2 = arith.constant 0 : i32
    return %c0_i32, %c0_i32_0, %arg0, %c0_i32_1 : i32, i32, i32, i32
  }
  func.func @transform_1(%arg0: i32) -> (i32, i32) {
    %c0_i32 = arith.constant 0 : i32
    %c0_i32_0 = arith.constant 0 : i32
    return %arg0, %c0_i32 : i32, i32
  }
  func.func @transform_2(%arg0: i32) -> (i32, i32) {
    %c0_i32 = arith.constant 0 : i32
    %c0_i32_0 = arith.constant 0 : i32
    return %arg0, %c0_i32 : i32, i32
  }
  func.func @transform_3(%arg0: i32) -> (i32, i32) {
    %c0_i32 = arith.constant 0 : i32
    %c0_i32_0 = arith.constant 0 : i32
    return %arg0, %c0_i32 : i32, i32
  }
  func.func @transform_4(%arg0: i32) -> (i32, i32) {
    %c0_i32 = arith.constant 0 : i32
    %c0_i32_0 = arith.constant 0 : i32
    %c0_i32_1 = arith.constant 0 : i32
    return %c0_i32, %c0_i32_0 : i32, i32
  }
  func.func @transform_5(%arg0: i32) -> (i32, i32) {
    %c0_i32 = arith.constant 0 : i32
    %c0_i32_0 = arith.constant 0 : i32
    %c0_i32_1 = arith.constant 0 : i32
    return %c0_i32, %c0_i32_0 : i32, i32
  }
  func.func @transform_6(%arg0: i32) -> (i32, i32) {
    %c0_i32 = arith.constant 0 : i32
    %c0_i32_0 = arith.constant 0 : i32
    return %arg0, %c0_i32 : i32, i32
  }
  func.func @transform_7(%arg0: i32) -> (i32, i32) {
    %c0_i32 = arith.constant 0 : i32
    %c0_i32_0 = arith.constant 0 : i32
    return %arg0, %c0_i32 : i32, i32
  }
  func.func @transform_8(%arg0: i32) -> (i32, i32) {
    %c0_i32 = arith.constant 0 : i32
    %c0_i32_0 = arith.constant 0 : i32
    return %arg0, %c0_i32 : i32, i32
  }
  func.func @transform_9(%arg0: i32) -> (i32, i32) {
    %c0_i32 = arith.constant 0 : i32
    %c0_i32_0 = arith.constant 0 : i32
    return %arg0, %c0_i32 : i32, i32
  }
}

module attributes {stable_mosaic.version = 14 : i64} {
  func.func @body(%arg0: i32, %arg1: memref<2x4x512x128xf32, #tpu.memory_space<vmem>>, %arg2: memref<512x128xf32, #tpu.memory_space<vmem>>, %arg3: memref<512x128xf32, #tpu.memory_space<vmem>>, %arg4: memref<512x128xf32, #tpu.memory_space<vmem>>, %arg5: memref<512x128xf32, #tpu.memory_space<vmem>>, %arg6: memref<512x128xf32, #tpu.memory_space<vmem>>, %arg7: memref<1x512xf32, #tpu.memory_space<vmem>>, %arg8: memref<512x512xf32, #tpu.memory_space<vmem>>, %arg9: memref<512x128xf32, #tpu.memory_space<vmem>>, %arg10: memref<512x128xf32, #tpu.memory_space<vmem>>, %arg11: memref<512x128xf32, #tpu.memory_space<vmem>>, %arg12: memref<512x128xf32, #tpu.memory_space<vmem>>) attributes {dimension_semantics = [#tpu.dimension_semantics<arbitrary>], iteration_bounds = array<i64: 20>, scalar_prefetch = 0 : i64, scratch_operands = 0 : i64, tpu.core_type = #tpu.core_type<tc>, window_params = [{transform_indices = @transform_0, window_bounds = array<i64: 2, 4, 512, 128>}, {transform_indices = @transform_1, window_bounds = array<i64: 512, 128>}, {transform_indices = @transform_2, window_bounds = array<i64: 512, 128>}, {transform_indices = @transform_3, window_bounds = array<i64: 512, 128>}, {transform_indices = @transform_4, window_bounds = array<i64: 512, 128>}, {transform_indices = @transform_5, window_bounds = array<i64: 512, 128>}, {pipeline_mode = #tpu.pipeline_mode<synchronous>, transform_indices = @transform_6, window_bounds = array<i64: 1, 512>}, {pipeline_mode = #tpu.pipeline_mode<synchronous>, transform_indices = @transform_7, window_bounds = array<i64: 512, 512>}, {transform_indices = @transform_8, window_bounds = array<i64: 512, 128>}, {transform_indices = @transform_9, window_bounds = array<i64: 512, 128>}, {transform_indices = @transform_10, window_bounds = array<i64: 512, 128>}, {transform_indices = @transform_11, window_bounds = array<i64: 512, 128>}]} {
    %get3A = arith.constant 0 : index
    %get3A_0 = arith.constant 0 : index
    %get3A_1 = vector.load %arg6[%get3A, %get3A_0] : memref<512x128xf32, #tpu.memory_space<vmem>>, vector<512x1xf32>
    %get3A_2 = arith.constant 0 : index
    %get3A_3 = arith.constant 0 : index
    %get3A_4 = arith.constant 0 : index
    %get3A_5 = arith.constant 0 : index
    %get3A_6 = vector.load %arg1[%get3A_2, %get3A_3, %get3A_4, %get3A_5] : memref<2x4x512x128xf32, #tpu.memory_space<vmem>>, vector<1x1x512x128xf32>
    %get3A_7 = vector.shape_cast %get3A_6 : vector<1x1x512x128xf32> to vector<512x128xf32>
    %get3A_8 = arith.constant 1 : index
    %get3A_9 = arith.constant 0 : index
    %get3A_10 = arith.constant 0 : index
    %get3A_11 = arith.constant 0 : index
    %get3A_12 = vector.load %arg1[%get3A_8, %get3A_9, %get3A_10, %get3A_11] : memref<2x4x512x128xf32, #tpu.memory_space<vmem>>, vector<1x1x512x128xf32>
    %get3A_13 = vector.shape_cast %get3A_12 : vector<1x1x512x128xf32> to vector<512x128xf32>
    %add3A = arith.addf %get3A_7, %get3A_13 : vector<512x128xf32>
    %get3A_14 = arith.constant 0 : index
    %get3A_15 = arith.constant 0 : index
    %get3A_16 = vector.load %arg2[%get3A_14, %get3A_15] : memref<512x128xf32, #tpu.memory_space<vmem>>, vector<512x128xf32>
    %add3A_17 = arith.addf %add3A, %get3A_16 : vector<512x128xf32>
    %get3A_18 = arith.constant 0 : index
    %get3A_19 = arith.constant 1 : index
    %get3A_20 = arith.constant 0 : index
    %get3A_21 = arith.constant 0 : index
    %get3A_22 = vector.load %arg1[%get3A_18, %get3A_19, %get3A_20, %get3A_21] : memref<2x4x512x128xf32, #tpu.memory_space<vmem>>, vector<1x1x512x128xf32>
    %get3A_23 = vector.shape_cast %get3A_22 : vector<1x1x512x128xf32> to vector<512x128xf32>
    %get3A_24 = arith.constant 1 : index
    %get3A_25 = arith.constant 1 : index
    %get3A_26 = arith.constant 0 : index
    %get3A_27 = arith.constant 0 : index
    %get3A_28 = vector.load %arg1[%get3A_24, %get3A_25, %get3A_26, %get3A_27] : memref<2x4x512x128xf32, #tpu.memory_space<vmem>>, vector<1x1x512x128xf32>
    %get3A_29 = vector.shape_cast %get3A_28 : vector<1x1x512x128xf32> to vector<512x128xf32>
    %add3A_30 = arith.addf %get3A_23, %get3A_29 : vector<512x128xf32>
    %get3A_31 = arith.constant 0 : index
    %get3A_32 = arith.constant 0 : index
    %get3A_33 = vector.load %arg3[%get3A_31, %get3A_32] : memref<512x128xf32, #tpu.memory_space<vmem>>, vector<512x128xf32>
    %add3A_34 = arith.addf %add3A_30, %get3A_33 : vector<512x128xf32>
    %get3A_35 = arith.constant 0 : index
    %get3A_36 = arith.constant 2 : index
    %get3A_37 = arith.constant 0 : index
    %get3A_38 = arith.constant 0 : index
    %get3A_39 = vector.load %arg1[%get3A_35, %get3A_36, %get3A_37, %get3A_38] : memref<2x4x512x128xf32, #tpu.memory_space<vmem>>, vector<1x1x512x128xf32>
    %get3A_40 = vector.shape_cast %get3A_39 : vector<1x1x512x128xf32> to vector<512x128xf32>
    %get3A_41 = arith.constant 1 : index
    %get3A_42 = arith.constant 2 : index
    %get3A_43 = arith.constant 0 : index
    %get3A_44 = arith.constant 0 : index
    %get3A_45 = vector.load %arg1[%get3A_41, %get3A_42, %get3A_43, %get3A_44] : memref<2x4x512x128xf32, #tpu.memory_space<vmem>>, vector<1x1x512x128xf32>
    %get3A_46 = vector.shape_cast %get3A_45 : vector<1x1x512x128xf32> to vector<512x128xf32>
    %add3A_47 = arith.addf %get3A_40, %get3A_46 : vector<512x128xf32>
    %get3A_48 = arith.constant 0 : index
    %get3A_49 = arith.constant 0 : index
    %get3A_50 = vector.load %arg4[%get3A_48, %get3A_49] : memref<512x128xf32, #tpu.memory_space<vmem>>, vector<512x128xf32>
    %add3A_51 = arith.addf %add3A_47, %get3A_50 : vector<512x128xf32>
    %get3A_52 = arith.constant 0 : index
    %get3A_53 = arith.constant 3 : index
    %get3A_54 = arith.constant 0 : index
    %get3A_55 = arith.constant 0 : index
    %get3A_56 = vector.load %arg1[%get3A_52, %get3A_53, %get3A_54, %get3A_55] : memref<2x4x512x128xf32, #tpu.memory_space<vmem>>, vector<1x1x512x128xf32>
    %get3A_57 = vector.shape_cast %get3A_56 : vector<1x1x512x128xf32> to vector<512x128xf32>
    %get3A_58 = arith.constant 1 : index
    %get3A_59 = arith.constant 3 : index
    %get3A_60 = arith.constant 0 : index
    %get3A_61 = arith.constant 0 : index
    %get3A_62 = vector.load %arg1[%get3A_58, %get3A_59, %get3A_60, %get3A_61] : memref<2x4x512x128xf32, #tpu.memory_space<vmem>>, vector<1x1x512x128xf32>
    %get3A_63 = vector.shape_cast %get3A_62 : vector<1x1x512x128xf32> to vector<512x128xf32>
    %add3A_64 = arith.addf %get3A_57, %get3A_63 : vector<512x128xf32>
    %get3A_65 = arith.constant 0 : index
    %get3A_66 = arith.constant 0 : index
    %get3A_67 = vector.load %arg5[%get3A_65, %get3A_66] : memref<512x128xf32, #tpu.memory_space<vmem>>, vector<512x128xf32>
    %add3A_68 = arith.addf %add3A_64, %get3A_67 : vector<512x128xf32>
    %concatenate3A = tpu.concatenate %add3A_17, %add3A_34, %add3A_51, %add3A_68 in 1 : vector<512x128xf32>, vector<512x128xf32>, vector<512x128xf32>, vector<512x128xf32> -> vector<512x512xf32>
    %mul3A = vector.broadcast %get3A_1 : vector<512x1xf32> to vector<512x512xf32>
    %mul3A_69 = arith.mulf %mul3A, %concatenate3A : vector<512x512xf32>
    %get3A_70 = arith.constant 0 : index
    %get3A_71 = arith.constant 0 : index
    %get3A_72 = vector.load %arg7[%get3A_70, %get3A_71] : memref<1x512xf32, #tpu.memory_space<vmem>>, vector<1x512xf32>
    %add3A_73 = vector.broadcast %get3A_72 : vector<1x512xf32> to vector<512x512xf32>
    %add3A_74 = arith.addf %mul3A_69, %add3A_73 : vector<512x512xf32>
    %max3A = arith.constant 0.000000e+00 : f32
    %max3A_75 = vector.broadcast %max3A : f32 to vector<512x512xf32>
    %max3A_76 = arith.maximumf %add3A_74, %max3A_75 : vector<512x512xf32>
    %get3A_77 = arith.constant 0 : index
    %get3A_78 = arith.constant 0 : index
    %get3A_79 = vector.load %arg8[%get3A_77, %get3A_78] : memref<512x512xf32, #tpu.memory_space<vmem>>, vector<512x512xf32>
    %dot_general3A = arith.constant dense<0.000000e+00> : vector<512x512xf32>
    %dot_general3A_80 = tpu.matmul %max3A_76, %get3A_79, %dot_general3A {dimension_numbers = #tpu.dot_dimension_numbers<[1], [0], [0], [1], [0, 0, 1, 1], [], []>, transpose_lhs_hint = false} : vector<512x512xf32>, vector<512x512xf32>, vector<512x512xf32> -> vector<512x512xf32>
    %mul3A_81 = vector.broadcast %get3A_1 : vector<512x1xf32> to vector<512x512xf32>
    %mul3A_82 = arith.mulf %dot_general3A_80, %mul3A_81 : vector<512x512xf32>
    %slice3A = vector.extract_strided_slice %mul3A_82 {offsets = [0, 0], sizes = [512, 128], strides = [1, 1]} : vector<512x512xf32> to vector<512x128xf32>
    %swap3A = arith.constant 0 : index
    %swap3A_83 = arith.constant 0 : index
    %swap3A_84 = vector.load %arg9[%swap3A, %swap3A_83] : memref<512x128xf32, #tpu.memory_space<vmem>>, vector<512x128xf32>
    tpu.vector_store %arg9[%swap3A, %swap3A_83], %slice3A {strides = array<i32>} : memref<512x128xf32, #tpu.memory_space<vmem>>, vector<512x128xf32>,
    %slice3A_85 = vector.extract_strided_slice %mul3A_82 {offsets = [0, 128], sizes = [512, 128], strides = [1, 1]} : vector<512x512xf32> to vector<512x128xf32>
    %swap3A_86 = arith.constant 0 : index
    %swap3A_87 = arith.constant 0 : index
    %swap3A_88 = vector.load %arg10[%swap3A_86, %swap3A_87] : memref<512x128xf32, #tpu.memory_space<vmem>>, vector<512x128xf32>
    tpu.vector_store %arg10[%swap3A_86, %swap3A_87], %slice3A_85 {strides = array<i32>} : memref<512x128xf32, #tpu.memory_space<vmem>>, vector<512x128xf32>,
    %slice3A_89 = vector.extract_strided_slice %mul3A_82 {offsets = [0, 256], sizes = [512, 128], strides = [1, 1]} : vector<512x512xf32> to vector<512x128xf32>
    %swap3A_90 = arith.constant 0 : index
    %swap3A_91 = arith.constant 0 : index
    %swap3A_92 = vector.load %arg11[%swap3A_90, %swap3A_91] : memref<512x128xf32, #tpu.memory_space<vmem>>, vector<512x128xf32>
    tpu.vector_store %arg11[%swap3A_90, %swap3A_91], %slice3A_89 {strides = array<i32>} : memref<512x128xf32, #tpu.memory_space<vmem>>, vector<512x128xf32>,
    %slice3A_93 = vector.extract_strided_slice %mul3A_82 {offsets = [0, 384], sizes = [512, 128], strides = [1, 1]} : vector<512x512xf32> to vector<512x128xf32>
    %swap3A_94 = arith.constant 0 : index
    %swap3A_95 = arith.constant 0 : index
    %swap3A_96 = vector.load %arg12[%swap3A_94, %swap3A_95] : memref<512x128xf32, #tpu.memory_space<vmem>>, vector<512x128xf32>
    tpu.vector_store %arg12[%swap3A_94, %swap3A_95], %slice3A_93 {strides = array<i32>} : memref<512x128xf32, #tpu.memory_space<vmem>>, vector<512x128xf32>,
    return
  }
  func.func @transform_0(%arg0: i32) -> (i32, i32, i32, i32) {
    %c0_i32 = arith.constant 0 : i32
    %c0_i32_0 = arith.constant 0 : i32
    %c0_i32_1 = arith.constant 0 : i32
    %c0_i32_2 = arith.constant 0 : i32
    return %c0_i32, %c0_i32_0, %arg0, %c0_i32_1 : i32, i32, i32, i32
  }
  func.func @transform_1(%arg0: i32) -> (i32, i32) {
    %c0_i32 = arith.constant 0 : i32
    %c0_i32_0 = arith.constant 0 : i32
    return %arg0, %c0_i32 : i32, i32
  }
  func.func @transform_2(%arg0: i32) -> (i32, i32) {
    %c0_i32 = arith.constant 0 : i32
    %c0_i32_0 = arith.constant 0 : i32
    return %arg0, %c0_i32 : i32, i32
  }
  func.func @transform_3(%arg0: i32) -> (i32, i32) {
    %c0_i32 = arith.constant 0 : i32
    %c0_i32_0 = arith.constant 0 : i32
    return %arg0, %c0_i32 : i32, i32
  }
  func.func @transform_4(%arg0: i32) -> (i32, i32) {
    %c0_i32 = arith.constant 0 : i32
    %c0_i32_0 = arith.constant 0 : i32
    return %arg0, %c0_i32 : i32, i32
  }
  func.func @transform_5(%arg0: i32) -> (i32, i32) {
    %c0_i32 = arith.constant 0 : i32
    %c0_i32_0 = arith.constant 0 : i32
    return %arg0, %c0_i32 : i32, i32
  }
  func.func @transform_6(%arg0: i32) -> (i32, i32) {
    %c0_i32 = arith.constant 0 : i32
    %c0_i32_0 = arith.constant 0 : i32
    %c0_i32_1 = arith.constant 0 : i32
    return %c0_i32, %c0_i32_0 : i32, i32
  }
  func.func @transform_7(%arg0: i32) -> (i32, i32) {
    %c0_i32 = arith.constant 0 : i32
    %c0_i32_0 = arith.constant 0 : i32
    %c0_i32_1 = arith.constant 0 : i32
    return %c0_i32, %c0_i32_0 : i32, i32
  }
  func.func @transform_8(%arg0: i32) -> (i32, i32) {
    %c0_i32 = arith.constant 0 : i32
    %c0_i32_0 = arith.constant 0 : i32
    return %arg0, %c0_i32 : i32, i32
  }
  func.func @transform_9(%arg0: i32) -> (i32, i32) {
    %c0_i32 = arith.constant 0 : i32
    %c0_i32_0 = arith.constant 0 : i32
    return %arg0, %c0_i32 : i32, i32
  }
  func.func @transform_10(%arg0: i32) -> (i32, i32) {
    %c0_i32 = arith.constant 0 : i32
    %c0_i32_0 = arith.constant 0 : i32
    return %arg0, %c0_i32 : i32, i32
  }
  func.func @transform_11(%arg0: i32) -> (i32, i32) {
    %c0_i32 = arith.constant 0 : i32
    %c0_i32_0 = arith.constant 0 : i32
    return %arg0, %c0_i32 : i32, i32
  }
}

module attributes {stable_mosaic.version = 14 : i64} {
  func.func @_tc4_body(%arg0: i32, %arg1: memref<2x4x512x128xf32, #tpu.memory_space<vmem>>, %arg2: memref<512x128xf32, #tpu.memory_space<vmem>>, %arg3: memref<512x128xf32, #tpu.memory_space<vmem>>, %arg4: memref<512x128xf32, #tpu.memory_space<vmem>>, %arg5: memref<512x128xf32, #tpu.memory_space<vmem>>, %arg6: memref<512x128xf32, #tpu.memory_space<vmem>>, %arg7: memref<1x512xf32, #tpu.memory_space<vmem>>, %arg8: memref<512x128xf32, #tpu.memory_space<vmem>>, %arg9: memref<512x128xf32, #tpu.memory_space<vmem>>, %arg10: memref<1x128xf32, #tpu.memory_space<vmem>>, %arg11: memref<64x128xf32, #tpu.memory_space<vmem>>, %arg12: memref<64x512xf32, #tpu.memory_space<vmem>>, %arg13: memref<64x128xf32, #tpu.memory_space<vmem>>) attributes {dimension_semantics = [#tpu.dimension_semantics<arbitrary>], iteration_bounds = array<i64: 20>, scalar_prefetch = 0 : i64, scratch_operands = 2 : i64, tpu.core_type = #tpu.core_type<tc>, window_params = [{transform_indices = @transform_0, window_bounds = array<i64: 2, 4, 512, 128>}, {transform_indices = @transform_1, window_bounds = array<i64: 512, 128>}, {transform_indices = @transform_2, window_bounds = array<i64: 512, 128>}, {transform_indices = @transform_3, window_bounds = array<i64: 512, 128>}, {transform_indices = @transform_4, window_bounds = array<i64: 512, 128>}, {transform_indices = @transform_5, window_bounds = array<i64: 512, 128>}, {pipeline_mode = #tpu.pipeline_mode<synchronous>, transform_indices = @transform_6, window_bounds = array<i64: 1, 512>}, {transform_indices = @transform_7, window_bounds = array<i64: 512, 128>}, {pipeline_mode = #tpu.pipeline_mode<synchronous>, transform_indices = @transform_8, window_bounds = array<i64: 512, 128>}, {pipeline_mode = #tpu.pipeline_mode<synchronous>, transform_indices = @transform_9, window_bounds = array<i64: 1, 128>}, {pipeline_mode = #tpu.pipeline_mode<synchronous>, transform_indices = @transform_10, window_bounds = array<i64: 64, 128>}]} {
    %eq3A = arith.constant 0 : i32
    %eq3A_0 = arith.cmpi eq, %arg0, %eq3A : i32
    %convert_element_type3A = arith.extui %eq3A_0 : i1 to i32
    %cond3A = arith.constant 0 : i32
    %cond3A_1 = arith.cmpi ne, %convert_element_type3A, %cond3A : i32
    scf.if %cond3A_1 {
      %broadcast_in_dim3A_109 = arith.constant 0.000000e+00 : f32
      %broadcast_in_dim3A_110 = vector.broadcast %broadcast_in_dim3A_109 : f32 to vector<64x512xf32>
      %swap3A_111 = arith.constant 0 : index
      %swap3A_112 = arith.constant 0 : index
      %swap3A_113 = vector.load %arg12[%swap3A_111, %swap3A_112] : memref<64x512xf32, #tpu.memory_space<vmem>>, vector<64x512xf32>
      tpu.vector_store %arg12[%swap3A_111, %swap3A_112], %broadcast_in_dim3A_110 {strides = array<i32>} : memref<64x512xf32, #tpu.memory_space<vmem>>, vector<64x512xf32>,
      %broadcast_in_dim3A_114 = arith.constant 0.000000e+00 : f32
      %broadcast_in_dim3A_115 = vector.broadcast %broadcast_in_dim3A_114 : f32 to vector<64x128xf32>
      %swap3A_116 = arith.constant 0 : index
      %swap3A_117 = arith.constant 0 : index
      %swap3A_118 = vector.load %arg13[%swap3A_116, %swap3A_117] : memref<64x128xf32, #tpu.memory_space<vmem>>, vector<64x128xf32>
      tpu.vector_store %arg13[%swap3A_116, %swap3A_117], %broadcast_in_dim3A_115 {strides = array<i32>} : memref<64x128xf32, #tpu.memory_space<vmem>>, vector<64x128xf32>,
    } else {
    }
    %get3A = arith.constant 0 : index
    %get3A_2 = arith.constant 0 : index
    %get3A_3 = vector.load %arg6[%get3A, %get3A_2] : memref<512x128xf32, #tpu.memory_space<vmem>>, vector<512x1xf32>
    %get3A_4 = arith.constant 0 : index
    %get3A_5 = arith.constant 0 : index
    %get3A_6 = arith.constant 0 : index
    %get3A_7 = arith.constant 0 : index
    %get3A_8 = vector.load %arg1[%get3A_4, %get3A_5, %get3A_6, %get3A_7] : memref<2x4x512x128xf32, #tpu.memory_space<vmem>>, vector<1x1x512x128xf32>
    %get3A_9 = vector.shape_cast %get3A_8 : vector<1x1x512x128xf32> to vector<512x128xf32>
    %get3A_10 = arith.constant 1 : index
    %get3A_11 = arith.constant 0 : index
    %get3A_12 = arith.constant 0 : index
    %get3A_13 = arith.constant 0 : index
    %get3A_14 = vector.load %arg1[%get3A_10, %get3A_11, %get3A_12, %get3A_13] : memref<2x4x512x128xf32, #tpu.memory_space<vmem>>, vector<1x1x512x128xf32>
    %get3A_15 = vector.shape_cast %get3A_14 : vector<1x1x512x128xf32> to vector<512x128xf32>
    %add3A = arith.addf %get3A_9, %get3A_15 : vector<512x128xf32>
    %get3A_16 = arith.constant 0 : index
    %get3A_17 = arith.constant 0 : index
    %get3A_18 = vector.load %arg2[%get3A_16, %get3A_17] : memref<512x128xf32, #tpu.memory_space<vmem>>, vector<512x128xf32>
    %add3A_19 = arith.addf %add3A, %get3A_18 : vector<512x128xf32>
    %get3A_20 = arith.constant 0 : index
    %get3A_21 = arith.constant 1 : index
    %get3A_22 = arith.constant 0 : index
    %get3A_23 = arith.constant 0 : index
    %get3A_24 = vector.load %arg1[%get3A_20, %get3A_21, %get3A_22, %get3A_23] : memref<2x4x512x128xf32, #tpu.memory_space<vmem>>, vector<1x1x512x128xf32>
    %get3A_25 = vector.shape_cast %get3A_24 : vector<1x1x512x128xf32> to vector<512x128xf32>
    %get3A_26 = arith.constant 1 : index
    %get3A_27 = arith.constant 1 : index
    %get3A_28 = arith.constant 0 : index
    %get3A_29 = arith.constant 0 : index
    %get3A_30 = vector.load %arg1[%get3A_26, %get3A_27, %get3A_28, %get3A_29] : memref<2x4x512x128xf32, #tpu.memory_space<vmem>>, vector<1x1x512x128xf32>
    %get3A_31 = vector.shape_cast %get3A_30 : vector<1x1x512x128xf32> to vector<512x128xf32>
    %add3A_32 = arith.addf %get3A_25, %get3A_31 : vector<512x128xf32>
    %get3A_33 = arith.constant 0 : index
    %get3A_34 = arith.constant 0 : index
    %get3A_35 = vector.load %arg3[%get3A_33, %get3A_34] : memref<512x128xf32, #tpu.memory_space<vmem>>, vector<512x128xf32>
    %add3A_36 = arith.addf %add3A_32, %get3A_35 : vector<512x128xf32>
    %get3A_37 = arith.constant 0 : index
    %get3A_38 = arith.constant 2 : index
    %get3A_39 = arith.constant 0 : index
    %get3A_40 = arith.constant 0 : index
    %get3A_41 = vector.load %arg1[%get3A_37, %get3A_38, %get3A_39, %get3A_40] : memref<2x4x512x128xf32, #tpu.memory_space<vmem>>, vector<1x1x512x128xf32>
    %get3A_42 = vector.shape_cast %get3A_41 : vector<1x1x512x128xf32> to vector<512x128xf32>
    %get3A_43 = arith.constant 1 : index
    %get3A_44 = arith.constant 2 : index
    %get3A_45 = arith.constant 0 : index
    %get3A_46 = arith.constant 0 : index
    %get3A_47 = vector.load %arg1[%get3A_43, %get3A_44, %get3A_45, %get3A_46] : memref<2x4x512x128xf32, #tpu.memory_space<vmem>>, vector<1x1x512x128xf32>
    %get3A_48 = vector.shape_cast %get3A_47 : vector<1x1x512x128xf32> to vector<512x128xf32>
    %add3A_49 = arith.addf %get3A_42, %get3A_48 : vector<512x128xf32>
    %get3A_50 = arith.constant 0 : index
    %get3A_51 = arith.constant 0 : index
    %get3A_52 = vector.load %arg4[%get3A_50, %get3A_51] : memref<512x128xf32, #tpu.memory_space<vmem>>, vector<512x128xf32>
    %add3A_53 = arith.addf %add3A_49, %get3A_52 : vector<512x128xf32>
    %get3A_54 = arith.constant 0 : index
    %get3A_55 = arith.constant 3 : index
    %get3A_56 = arith.constant 0 : index
    %get3A_57 = arith.constant 0 : index
    %get3A_58 = vector.load %arg1[%get3A_54, %get3A_55, %get3A_56, %get3A_57] : memref<2x4x512x128xf32, #tpu.memory_space<vmem>>, vector<1x1x512x128xf32>
    %get3A_59 = vector.shape_cast %get3A_58 : vector<1x1x512x128xf32> to vector<512x128xf32>
    %get3A_60 = arith.constant 1 : index
    %get3A_61 = arith.constant 3 : index
    %get3A_62 = arith.constant 0 : index
    %get3A_63 = arith.constant 0 : index
    %get3A_64 = vector.load %arg1[%get3A_60, %get3A_61, %get3A_62, %get3A_63] : memref<2x4x512x128xf32, #tpu.memory_space<vmem>>, vector<1x1x512x128xf32>
    %get3A_65 = vector.shape_cast %get3A_64 : vector<1x1x512x128xf32> to vector<512x128xf32>
    %add3A_66 = arith.addf %get3A_59, %get3A_65 : vector<512x128xf32>
    %get3A_67 = arith.constant 0 : index
    %get3A_68 = arith.constant 0 : index
    %get3A_69 = vector.load %arg5[%get3A_67, %get3A_68] : memref<512x128xf32, #tpu.memory_space<vmem>>, vector<512x128xf32>
    %add3A_70 = arith.addf %add3A_66, %get3A_69 : vector<512x128xf32>
    %concatenate3A = tpu.concatenate %add3A_19, %add3A_36, %add3A_53, %add3A_70 in 1 : vector<512x128xf32>, vector<512x128xf32>, vector<512x128xf32>, vector<512x128xf32> -> vector<512x512xf32>
    %mul3A = vector.broadcast %get3A_3 : vector<512x1xf32> to vector<512x512xf32>
    %mul3A_71 = arith.mulf %mul3A, %concatenate3A : vector<512x512xf32>
    %get3A_72 = arith.constant 0 : index
    %get3A_73 = arith.constant 0 : index
    %get3A_74 = vector.load %arg7[%get3A_72, %get3A_73] : memref<1x512xf32, #tpu.memory_space<vmem>>, vector<1x512xf32>
    %add3A_75 = vector.broadcast %get3A_74 : vector<1x512xf32> to vector<512x512xf32>
    %add3A_76 = arith.addf %mul3A_71, %add3A_75 : vector<512x512xf32>
    %get3A_77 = arith.constant 0 : index
    %get3A_78 = arith.constant 0 : index
    %get3A_79 = vector.load %arg8[%get3A_77, %get3A_78] : memref<512x128xf32, #tpu.memory_space<vmem>>, vector<512x1xf32>
    %get3A_80 = vector.shape_cast %get3A_79 : vector<512x1xf32> to vector<512xf32>
    %iota3A = tpu.iota {dimensions = array<i32: 0>} : vector<64x512xi32>
    %convert_element_type3A_81 = arith.sitofp %iota3A : vector<64x512xi32> to vector<64x512xf32>
    %broadcast_in_dim3A = vector.shape_cast %get3A_80 : vector<512xf32> to vector<1x512xf32>
    %eq3A_82 = vector.broadcast %broadcast_in_dim3A : vector<1x512xf32> to vector<64x512xf32>
    %eq3A_83 = arith.cmpf oeq, %eq3A_82, %convert_element_type3A_81 : vector<64x512xf32>
    %convert_element_type3A_84 = arith.extui %eq3A_83 : vector<64x512xi1> to vector<64x512xi32>
    %convert_element_type3A_85 = arith.sitofp %convert_element_type3A_84 : vector<64x512xi32> to vector<64x512xf32>
    %get3A_86 = arith.constant 0 : index
    %get3A_87 = arith.constant 0 : index
    %get3A_88 = vector.load %arg12[%get3A_86, %get3A_87] : memref<64x512xf32, #tpu.memory_space<vmem>>, vector<64x512xf32>
    %dot_general3A = arith.constant dense<0.000000e+00> : vector<64x512xf32>
    %dot_general3A_89 = tpu.matmul %convert_element_type3A_85, %add3A_76, %dot_general3A {dimension_numbers = #tpu.dot_dimension_numbers<[1], [0], [0], [1], [0, 0, 1, 1], [], []>, transpose_lhs_hint = false} : vector<64x512xf32>, vector<512x512xf32>, vector<64x512xf32> -> vector<64x512xf32>
    %add3A_90 = arith.addf %get3A_88, %dot_general3A_89 : vector<64x512xf32>
    %swap3A = arith.constant 0 : index
    %swap3A_91 = arith.constant 0 : index
    %swap3A_92 = vector.load %arg12[%swap3A, %swap3A_91] : memref<64x512xf32, #tpu.memory_space<vmem>>, vector<64x512xf32>
    tpu.vector_store %arg12[%swap3A, %swap3A_91], %add3A_90 {strides = array<i32>} : memref<64x512xf32, #tpu.memory_space<vmem>>, vector<64x512xf32>,
    %get3A_93 = arith.constant 0 : index
    %get3A_94 = arith.constant 0 : index
    %get3A_95 = vector.load %arg13[%get3A_93, %get3A_94] : memref<64x128xf32, #tpu.memory_space<vmem>>, vector<64x128xf32>
    %reduce_sum3A = arith.constant dense<0.000000e+00> : vector<64xf32>
    %reduce_sum3A_96 = vector.multi_reduction <add>, %convert_element_type3A_85, %reduce_sum3A [1] : vector<64x512xf32> to vector<64xf32>
    %broadcast_in_dim3A_97 = vector.shape_cast %reduce_sum3A_96 : vector<64xf32> to vector<64x1xf32>
    %broadcast_in_dim3A_98 = vector.shape_cast %broadcast_in_dim3A_97 : vector<64x1xf32> to vector<64x1xf32>
    %broadcast_in_dim3A_99 = vector.broadcast %broadcast_in_dim3A_98 : vector<64x1xf32> to vector<64x128xf32>
    %add3A_100 = arith.addf %get3A_95, %broadcast_in_dim3A_99 : vector<64x128xf32>
    %swap3A_101 = arith.constant 0 : index
    %swap3A_102 = arith.constant 0 : index
    %swap3A_103 = vector.load %arg13[%swap3A_101, %swap3A_102] : memref<64x128xf32, #tpu.memory_space<vmem>>, vector<64x128xf32>
    tpu.vector_store %arg13[%swap3A_101, %swap3A_102], %add3A_100 {strides = array<i32>} : memref<64x128xf32, #tpu.memory_space<vmem>>, vector<64x128xf32>,
    %eq3A_104 = arith.constant 19 : i32
    %eq3A_105 = arith.cmpi eq, %arg0, %eq3A_104 : i32
    %convert_element_type3A_106 = arith.extui %eq3A_105 : i1 to i32
    %cond3A_107 = arith.constant 0 : i32
    %cond3A_108 = arith.cmpi ne, %convert_element_type3A_106, %cond3A_107 : i32
    scf.if %cond3A_108 {
      %get3A_109 = arith.constant 0 : index
      %get3A_110 = arith.constant 0 : index
      %get3A_111 = vector.load %arg12[%get3A_109, %get3A_110] : memref<64x512xf32, #tpu.memory_space<vmem>>, vector<64x512xf32>
      %get3A_112 = arith.constant 0 : index
      %get3A_113 = arith.constant 0 : index
      %get3A_114 = vector.load %arg13[%get3A_112, %get3A_113] : memref<64x128xf32, #tpu.memory_space<vmem>>, vector<64x1xf32>
      %max3A = arith.constant 1.000000e+00 : f32
      %max3A_115 = vector.broadcast %max3A : f32 to vector<64x1xf32>
      %max3A_116 = arith.maximumf %get3A_114, %max3A_115 : vector<64x1xf32>
      %div3A = vector.broadcast %max3A_116 : vector<64x1xf32> to vector<64x512xf32>
      %div3A_117 = arith.divf %get3A_111, %div3A : vector<64x512xf32>
      %get3A_118 = arith.constant 0 : index
      %get3A_119 = arith.constant 0 : index
      %get3A_120 = vector.load %arg9[%get3A_118, %get3A_119] : memref<512x128xf32, #tpu.memory_space<vmem>>, vector<512x128xf32>
      %dot_general3A_121 = arith.constant dense<0.000000e+00> : vector<64x128xf32>
      %dot_general3A_122 = tpu.matmul %div3A_117, %get3A_120, %dot_general3A_121 {dimension_numbers = #tpu.dot_dimension_numbers<[1], [0], [0], [1], [0, 0, 1, 1], [], []>, transpose_lhs_hint = false} : vector<64x512xf32>, vector<512x128xf32>, vector<64x128xf32> -> vector<64x128xf32>
      %get3A_123 = arith.constant 0 : index
      %get3A_124 = arith.constant 0 : index
      %get3A_125 = vector.load %arg10[%get3A_123, %get3A_124] : memref<1x128xf32, #tpu.memory_space<vmem>>, vector<1x128xf32>
      %add3A_126 = vector.broadcast %get3A_125 : vector<1x128xf32> to vector<64x128xf32>
      %add3A_127 = arith.addf %dot_general3A_122, %add3A_126 : vector<64x128xf32>
      %swap3A_128 = arith.constant 0 : index
      %swap3A_129 = arith.constant 0 : index
      %swap3A_130 = vector.load %arg11[%swap3A_128, %swap3A_129] : memref<64x128xf32, #tpu.memory_space<vmem>>, vector<64x128xf32>
      tpu.vector_store %arg11[%swap3A_128, %swap3A_129], %add3A_127 {strides = array<i32>} : memref<64x128xf32, #tpu.memory_space<vmem>>, vector<64x128xf32>,
    } else {
    }
    return
  }
  func.func @transform_0(%arg0: i32) -> (i32, i32, i32, i32) {
    %c0_i32 = arith.constant 0 : i32
    %c0_i32_0 = arith.constant 0 : i32
    %c0_i32_1 = arith.constant 0 : i32
    %c0_i32_2 = arith.constant 0 : i32
    return %c0_i32, %c0_i32_0, %arg0, %c0_i32_1 : i32, i32, i32, i32
  }
  func.func @transform_1(%arg0: i32) -> (i32, i32) {
    %c0_i32 = arith.constant 0 : i32
    %c0_i32_0 = arith.constant 0 : i32
    return %arg0, %c0_i32 : i32, i32
  }
  func.func @transform_2(%arg0: i32) -> (i32, i32) {
    %c0_i32 = arith.constant 0 : i32
    %c0_i32_0 = arith.constant 0 : i32
    return %arg0, %c0_i32 : i32, i32
  }
  func.func @transform_3(%arg0: i32) -> (i32, i32) {
    %c0_i32 = arith.constant 0 : i32
    %c0_i32_0 = arith.constant 0 : i32
    return %arg0, %c0_i32 : i32, i32
  }
  func.func @transform_4(%arg0: i32) -> (i32, i32) {
    %c0_i32 = arith.constant 0 : i32
    %c0_i32_0 = arith.constant 0 : i32
    return %arg0, %c0_i32 : i32, i32
  }
  func.func @transform_5(%arg0: i32) -> (i32, i32) {
    %c0_i32 = arith.constant 0 : i32
    %c0_i32_0 = arith.constant 0 : i32
    return %arg0, %c0_i32 : i32, i32
  }
  func.func @transform_6(%arg0: i32) -> (i32, i32) {
    %c0_i32 = arith.constant 0 : i32
    %c0_i32_0 = arith.constant 0 : i32
    %c0_i32_1 = arith.constant 0 : i32
    return %c0_i32, %c0_i32_0 : i32, i32
  }
  func.func @transform_7(%arg0: i32) -> (i32, i32) {
    %c0_i32 = arith.constant 0 : i32
    %c0_i32_0 = arith.constant 0 : i32
    return %arg0, %c0_i32 : i32, i32
  }
  func.func @transform_8(%arg0: i32) -> (i32, i32) {
    %c0_i32 = arith.constant 0 : i32
    %c0_i32_0 = arith.constant 0 : i32
    %c0_i32_1 = arith.constant 0 : i32
    return %c0_i32, %c0_i32_0 : i32, i32
  }
  func.func @transform_9(%arg0: i32) -> (i32, i32) {
    %c0_i32 = arith.constant 0 : i32
    %c0_i32_0 = arith.constant 0 : i32
    %c0_i32_1 = arith.constant 0 : i32
    return %c0_i32, %c0_i32_0 : i32, i32
  }
  func.func @transform_10(%arg0: i32) -> (i32, i32) {
    %c0_i32 = arith.constant 0 : i32
    %c0_i32_0 = arith.constant 0 : i32
    %c0_i32_1 = arith.constant 0 : i32
    return %c0_i32, %c0_i32_0 : i32, i32
  }
}

</mosaic_0001>

<sc_bundles>
// kernel: kernel.10.cloned.1.call-start
scs
__scs_entry_jumppad:
0x0: {  	(pc) =	sbr.rel $0x88, $3  }
0x1: {  	(tag) =	ssettag $0x0;
	lr =	simm.s32 $0x1  }
0x2: {  	[smem:$0x3F96] =	sst lr;
	_ =	strace $0xD0000000  }
0x3: {  	_ = 	snop  }
0x4: {  	_ = 	snop  }
0x5: {  	_ = 	snop  }
0x6: {  	_ = 	snop  }
0x7: {  	_ = 	snop  }
__scs_overlays_trampoline_lowered:
0x8: {  	[smem:$0x3FA5] =	sst s0  }
0x9: {  	[smem:$0x3FA6] =	sst s1  }
0xa: {  	[smem:$0x3FA7] =	sst s2  }
0xb: {  	[smem:$0x3FA8] =	sst s3  }
0xc: {  	[smem:$0x3FA9] =	sst s4  }
0xd: {  	[smem:$0x3FAA] =	sst s5  }
0xe: {  	[smem:$0x3FAB] =	sst s6  }
0xf: {  	[smem:$0x3FAC] =	sst s7  }
0x10: {  	[smem:$0x3FAD] =	sst s8  }
0x11: {  	[smem:$0x3FAE] =	sst s9;
	s0 =	simm.s32 @!p0 $0x0  }
0x12: {  	s1 =	sld [smem:$0x3F94];
	s0 =	simm.s32 @p0 $0x1  }
0x13: {  	[smem:$0x3FAF] =	sst s0;
	s0 =	simm.s32 @!p1 $0x0  }
0x14: {  	s2 =	sld [smem:$0x3F93];
	s0 =	simm.s32 @p1 $0x1  }
0x15: {  	[smem:$0x3FB0] =	sst s0;
	s0 =	simm.s32 @!p2 $0x0  }
0x16: {  	s3 =	sld [smem:$0x3FDB];
	s0 =	simm.s32 @p2 $0x1  }
0x17: {  	s4 =	simm.s32 $0x1BF5;
	[smem:$0x3FB2] =	sst s0  }
0x18: {  	s0 =	sld [smem:$0x3F95];
	_ =	swait.ge [sflag:s4], $0x0  }
0x19: {  	s7 =	sld [smem:$0x3F96]  }
0x1a: {  	s8 =	sadd.s32 $0xFFFFE003, lr  }
0x1b: {  	s9 =	sadd.s32 $0xFFFFFEF7, lr;
	s5 =	simm.s32 $0xFFFFFFFF;
	p2 =	slt.u32 s8, $0xFFFFF086  }
0x1c: {  	p1 =	slt.u32 s9, $0xF7A;
	s5 =	simm.s32 @!p2 $0x0  }
0x1d: {  	s5 =	simm.s32 @p1 $0x1;
	p0 =	seq.s32 s7, s2  }
0x1e: {  	s7 =	smul.u32 @!p0 $0xF7A, s2;
	p2 =	seq.s32 @!p0 s5, $0x0  }
0x1f: {  	s9 =	smul.u32 $0xF7A, s1;
	s8 =	simm.s32 @!p0 $0x1BF5;
	p2 =	por !p2, p0  }
0x20: {  	[sflag:s8] =	ssyncset.s32 @!p0 $0xFFFFF086;
	s6 =	sadd.s32 @!p0 s3, s7;
	s7 =	simm.s32 @!p0 $0x108  }
0x21: {  	s3 =	sadd.s32 s3, s9;
	s6 =	sadd.s32 @!p0 $0x88, s6;
	s7 =	simm.s32 @p2 $0x1082  }
0x22: {  	[simem:s7], [sflag:s8] =	dma.local @!p0 [hbm:s6], $0xF7A  }
0x23: {  	s9 =	sor.u32 $0xD0000000, s2;
	s6 =	simm.s32 $0x108;
	_ =	swait.ge @!p0 [sflag:s8], $0x0  }
0x24: {  	s3 =	sadd.s32 $0x88, s3;
	s6 =	simm.s32 @!p1 $0x1082;
	[sflag:s4] =	ssyncset.s32 $0xFFFFF086  }
0x25: {  	[simem:s6], [sflag:s4] =	dma.local [hbm:s3], $0xF7A  }
0x26: {  	[smem:$0x3F96] =	sst s1;
	(tag) =	ssettag s2;
	_ =	strace s9  }
0x27: {  	s1 =	sld [smem:$0x3FA6]  }
0x28: {  	s2 =	sld [smem:$0x3FA7]  }
0x29: {  	s4 =	sld [smem:$0x3FA9]  }
0x2a: {  	p0 =	seq.s32 s5, $0x0;
	s5 =	sld [smem:$0x3FAA]  }
0x2b: {  	s6 =	sld [smem:$0x3FAB]  }
0x2c: {  	s7 =	sld [smem:$0x3FAC]  }
0x2d: {  	s3 =	simm.s32 $0x108;
	s8 =	sld [smem:$0x3FAD]  }
0x2e: {  	s3 =	simm.s32 @!p0 $0x1082;
	s9 =	sld [smem:$0x3FAE]  }
0x2f: {  	lr =	sadd.s32 s0, s3;
	s0 =	sld [smem:$0x3FA5]  }
0x30: {  	s3 =	sld [smem:$0x3FA8]  }
0x31: {  	[smem:$0x3FB1] =	sst s10  }
0x32: {  	s10 =	sld [smem:$0x3FAF];
	_ =	sdelay $0x3  }
0x33: {  	p0 =	seq.s32 s10, $0x1;
	s10 =	sld [smem:$0x3FB1];
	_ =	sdelay $0x3  }
0x34: {  	[smem:$0x3FB1] =	sst s10  }
0x35: {  	s10 =	sld [smem:$0x3FB0];
	_ =	sdelay $0x3  }
0x36: {  	p1 =	seq.s32 s10, $0x1;
	s10 =	sld [smem:$0x3FB1];
	_ =	sdelay $0x3  }
0x37: {  	[smem:$0x3FB1] =	sst s10  }
0x38: {  	s10 =	sld [smem:$0x3FB2]  }
0x39: {  	_ = 	snop;
	(pc) =	sbr.ind lr, $3  }
0x3a: {  	_ = 	snop  }
0x3b: {  	_ = 	snop  }
0x3c: {  	p2 =	seq.s32 s10, $0x1;
	s10 =	sld [smem:$0x3FB1]  }
0x3d: {  	_ =	shalt  }
0x3e: {  	_ =	shalt  }
0x3f: {  	_ =	shalt  }
0x40: {  	_ =	shalt  }
0x41: {  	_ =	shalt  }
0x42: {  	_ =	shalt  }
0x43: {  	_ =	shalt  }
0x44: {  	_ =	shalt  }
0x45: {  	_ =	shalt  }
0x46: {  	_ =	shalt  }
0x47: {  	_ =	shalt  }
0x48: {  	_ =	shalt  }
0x49: {  	_ =	shalt  }
0x4a: {  	_ =	shalt  }
0x4b: {  	_ =	shalt  }
0x4c: {  	_ =	shalt  }
0x4d: {  	_ =	shalt  }
0x4e: {  	_ =	shalt  }
0x4f: {  	_ =	shalt  }
0x50: {  	_ =	shalt  }
0x51: {  	_ =	shalt  }
0x52: {  	_ =	shalt  }
0x53: {  	_ =	shalt  }
0x54: {  	_ =	shalt  }
0x55: {  	_ =	shalt  }
0x56: {  	_ =	shalt  }
0x57: {  	_ =	shalt  }
0x58: {  	_ =	shalt  }
0x59: {  	_ =	shalt  }
0x5a: {  	_ =	shalt  }
0x5b: {  	_ =	shalt  }
0x5c: {  	_ =	shalt  }
0x5d: {  	_ =	shalt  }
0x5e: {  	_ =	shalt  }
0x5f: {  	_ =	shalt  }
0x60: {  	_ =	shalt  }
0x61: {  	_ =	shalt  }
0x62: {  	_ =	shalt  }
0x63: {  	_ =	shalt  }
0x64: {  	_ =	shalt  }
0x65: {  	_ =	shalt  }
0x66: {  	_ =	shalt  }
0x67: {  	_ =	shalt  }
0x68: {  	_ =	shalt  }
0x69: {  	_ =	shalt  }
0x6a: {  	_ =	shalt  }
0x6b: {  	_ =	shalt  }
0x6c: {  	_ =	shalt  }
0x6d: {  	_ =	shalt  }
0x6e: {  	_ =	shalt  }
0x6f: {  	_ =	shalt  }
0x70: {  	_ =	shalt  }
0x71: {  	_ =	shalt  }
0x72: {  	_ =	shalt  }
0x73: {  	_ =	shalt  }
0x74: {  	_ =	shalt  }
0x75: {  	_ =	shalt  }
0x76: {  	_ =	shalt  }
0x77: {  	_ =	shalt  }
0x78: {  	_ =	shalt  }
0x79: {  	_ =	shalt  }
0x7a: {  	_ =	shalt  }
0x7b: {  	_ =	shalt  }
0x7c: {  	_ =	shalt  }
0x7d: {  	_ =	shalt  }
0x7e: {  	_ =	shalt  }
0x7f: {  	_ =	shalt  }
0x80: {  	_ =	shalt  }
0x81: {  	_ =	shalt  }
0x82: {  	_ =	shalt  }
0x83: {  	_ =	shalt  }
0x84: {  	_ =	shalt  }
0x85: {  	_ =	shalt  }
0x86: {  	_ =	shalt  }
0x87: {  	_ =	shalt  }
.Lfunc_end0:
.L_simem_size_0:
called_computation_lowered:
.L_overlay_start_0:
0x88: {  	s2 =	sld [smem:$0x3FD9]  }
0x89: {  	s3 =	sld [smem:$0x3FFE];
	_ =	sdelay $0x1  }
0x8a: {  	s1 =	srdreg.scid  }
0x8b: {  	s0 =	sand.u32 $0x1, s1  }
0x8c: {  	s16 =	sshll.u32 s0, $0xA;
	s2 =	sadd.s32 s3, s2  }
0x8d: {  	s2 =	sadd.s32 s2, s16  }
0x8e: {  	[smem:$0x3FBD] =	sst s2  }
0x8f: {  	_ = 	snop  }
0x90: {  	(tm) =	ssettm $0x1  }
0x91: {  	s17 =	sld [smem:$0x3FFB];
	_ =	sdelay $0x3  }
0x92: {  	_ =	strace s17  }
0x93: {  	s2 =	sld [smem:$0x3FFC];
	_ =	sdelay $0x3  }
0x94: {  	_ =	strace s2  }
0x95: {  	s2 =	sld [smem:$0x3FFD];
	_ =	sdelay $0x3  }
0x96: {  	_ =	strace s2  }
0x97: {  	_ =	strace $0x8FFFFFFF  }
0x98: {  	s18 =	sld [smem:$0x3FDB];
	_ =	sdelay $0x1  }
0x99: {  	s19 =	simm.s32 $_scs_section_size  }
0x9a: {  	s4 =	simm.s32 $_size__tile_overlayer_lowered;
	s5 =	simm.s32 $_tile_overlayer_lowered  }
0x9b: {  	s22 =	simm.s32 $0x1BFF;
	s21 =	sshll.u32 s5, $0x1;
	s2 =	sadd.s32 s19, s18  }
0x9c: {  	s6 =	simm.s32 $0x0;
	s20 =	sshll.u32 s4, $0x1;
	s4 =	sadd.s32 s21, s2  }
0x9d: {  	[timem:s6], [sflag:s22] =	dma.local [hbm:s4], s20  }
0x9e: {  	_ =	swait.ge [sflag:s22], s20  }
0x9f: {  	s3 =	ssub.s32 $0x0, s20;
	[sflag:s22] =	ssyncset.done $0x0  }
0xa0: {  	[sflag:s22] =	ssyncadd.s32 s3;
	_ =	sdelay $0x1  }
0xa1: {  	s23 =	simm.s32 $0x1B8B  }
0xa2: {  	_ =	swait.ge [sflag:s23], $0x1  }
0xa3: {  	[sflag:s23] =	ssyncset.done $0x0  }
0xa4: {  	s25 =	simm.s32 $0x1B8E;
	s24 =	sld [smem:$0x3FFE];
	[sflag:s23] =	ssyncadd.s32 $0xFFFFFFFF  }
0xa5: {  	s26 =	simm.s32 $execute0_lowered;
	[smem:$0x3FD2] =	sst s25  }
0xa6: {  	s4 =	sshll.u32 s26, $0x1;
	_ =	strace $0x80000046;
	[dreg:$0x1] =	wrdreg $0xFFFFFFFF  }
0xa7: {  	s28 =	simm.s32 $_size_execute0_lowered;
	s2 =	sadd.s32 s2, s4;
	[dreg:$0x0] =	wrdreg $0x0  }
0xa8: {  	s4 =	sshll.u32 s28, $0x1;
	[dreg:$0x2] =	wrdreg s2  }
0xa9: {  	[dreg:$0x3] =	wrdreg s4  }
0xaa: {  	[dreg:$0x4] =	wrdreg $0xC0  }
0xab: {  	_ =	task [dreg:s6], $0x5FFFF  }
0xac: {  	[dreg:$0x1] =	wrdreg $0xFFFFFFFF  }
0xad: {  	[dreg:$0x0] =	wrdreg $0x60  }
0xae: {  	[dreg:$0x2] =	wrdreg s24  }
0xaf: {  	[dreg:$0x3] =	wrdreg $0x74000  }
0xb0: {  	[dreg:$0x4] =	wrdreg $0x9  }
0xb1: {  	_ =	task.clear_ibuf [dreg:s6], $0x5FFFF;
	_ =	strace $0x90000046  }
0xb2: {  	s29 =	simm.s32 $0x9;
	_ =	strace $0x80000048  }
0xb3: {  	_ =	swait.ge [sflag:s29], $0x1  }
0xb4: {  	[sflag:s29] =	ssyncadd.s32 $0xFFFFFFFF  }
0xb5: {  	_ =	strace $0x90000048  }
0xb6: {  	_ =	sfence  }
0xb7: {  	s30 =	sld [smem:$0x0];
	_ =	sdelay $0x2  }
0xb8: {  	s31 =	sshll.u32 s1, $0xD;
	s1 =	sshrl.u32 s1, $0x2  }
0xb9: {  	s3 =	sand.u32 $0x4000, s31;
	s1 =	sadd.s32 s1, s30  }
0xba: {  	s0 =	sor.u32 s3, s0;
	s1 =	sshll.u32 s1, $0x11  }
0xbb: {  	s0 =	sor.u32 s1, s0  }
0xbc: {  	s0 =	sadd.s32 $0x8F2B, s0  }
0xbd: {  	[sflag:s0] =	ssyncadd.remote.s32 $0x1  }
0xbe: {  	_ =	sfence.sel $0xFFFF  }
0xbf: {  	[dreg:$0x0] =	wrdreg $0xFFFFFFFF;
	(pc) =	sbr.abs _section_cstart, $3  }
0xc0: {  	[dreg:$0x1] =	wrdreg $0xFFFFFFFF  }
0xc1: {  	_ =	task.clear_ibuf [dreg:s6], $0x2FFFF;
	_ =	strace $0x9FFFFFFF  }
0xc2: {  	(tm) =	ssettm $0x7FFFFFFF  }
0xc3: {  	_ =	shalt  }
tec
execute0_lowered:
.L_overlay_start_1:
0x0: {  	(tag) =	ssettag $0x1  }
0x1: {  	s4 =	rddreg [dreg:$0x0]  }
0x2: {  	s2 =	rddreg [dreg:$0x1]  }
0x3: {  	s1 =	srdreg.scid;
	s0 =	rddreg [dreg:$0x2]  }
0x4: {  	s3 =	simm.s32 $0x0;
	s17 =	simm.s32 $0x1;
	s18 =	simm.s32 $0x5400  }
0x5: {  	s19 =	simm.s32 $0x80;
	s5 =	sand.u32 $0x1, s1;
	s1 =	stileid.u32  }
0x6: {  	s20 =	simm.s32 $0x1400;
	[smem:$0x7FF] =	sst s3;
	s7 =	smul.u32 $0x140000, s5  }
0x7: {  	s6 =	sshll.u32 s5, $0x4;
	s8 =	smul.u32 $0x14000, s1;
	_ =	strace $0x80000047  }
0x8: {  	s29 =	smul.u32 $0x50000, s1;
	s5 =	ssub.s32 $0x2, s5;
	s6 =	sor.u32 s1, s6  }
0x9: {  	s30 =	sshrl.u32 s5, $0x1;
	s6 =	smul.u32 $0x280, s6;
	s7 =	sadd.s32 s8, s7  }
0xa: {  	s31 =	sshrl.u32 s29, $0x2;
	s16 =	ssub.s32 s5, s30;
	s7 =	sshrl.u32 s7, $0x3  }
0xb: {  	s5 =	sadd.s32 s31, s2;
	s16 =	smax.u32 s16, $0x1;
	s6 =	sadd.s32 s6, s4  }
0xc: {  	s15 =	sadd.s32 s7, s4;
	s7 =	sadd.s32 $0x4000, s5;
	s8 =	sadd.s32 $0x6000, s5  }
0xd: {  	s9 =	sadd.s32 $0x8000, s5;
	s10 =	sadd.s32 $0xA000, s5;
	s11 =	sadd.s32 $0xC000, s5  }
0xe: {  	s12 =	sadd.s32 $0xE000, s5;
	s13 =	sadd.s32 $0x10000, s5;
	s14 =	sadd.s32 $0x12000, s5  }
0xf: {  	v0 =	vimm.f32 $1.000000000e+00;
	v1 =	vimm.f32 $0.0e+00;
	s4 =	sadd.s32 $0x5E00, s6;
	s6 =	sadd.s32 $0x2000, s5;
	s15 =	sadd.s32 $0xAE00, s15  }
.LBB2_1:
0x10: {  	s21 =	simm.s32 $0x0;
	s22 =	simm.s32 $0x0  }
.LBB2_2:
0x11: {  	p0 =	sne.s32 s22, $0xFFC0  }
.Ltmp0:
0x12: {  	_ = 	snop;
	(pc) =	sbr.rel @p0 .LBB2_2-.Ltmp0, $4  }
0x13: {  	s23 =	sand.u32 $0xFE00, s22  }
0x14: {  	s24 =	sand.u32 $0x70, s21;
	s23 =	sshrl.u32 s23, $0x2  }
0x15: {  	s23 =	sor.u32 s24, s23  }
0x16: {  	s21 =	sadd.s32 $0x10, s21;
	s22 =	sadd.s32 $0x40, s22;
	[tilespmem:s23+$0x1400] =	vst v0  }
0x17: {  	s21 =	simm.s32 $0x0  }
0x18: {  	s22 =	sand.u32 $0x7E00, s21  }
0x19: {  	s23 =	sand.u32 $0x70, s21;
	s24 =	sshrl.u32 s22, $0x2  }
0x1a: {  	s22 =	simm.s32 $0x40;
	s23 =	sor.u32 s23, s24  }
.LBB2_4:
0x1b: {  	p0 =	sne.s32 s22, $0x7FC0  }
0x1c: {  	[tilespmem:s23+$0x5400] =	vst v1;
	s21 =	sadd.s32 $0x10, s21;
	s23 =	smov.u32 s22;
	s22 =	sadd.s32 $0x40, s22  }
.Ltmp1:
0x1d: {  	(pc) =	sbr.rel @p0 .LBB2_4-.Ltmp1, $4  }
0x1e: {  	_ = 	snop  }
0x1f: {  	s23 =	sand.u32 $0x7E00, s23  }
0x20: {  	s24 =	sand.u32 $0x70, s21;
	s23 =	sshrl.u32 s23, $0x2  }
0x21: {  	s23 =	sor.u32 s24, s23  }
0x22: {  	[tilespmem:s23+$0x5400] =	vst v1;
	s21 =	simm.s32 $0x0  }
0x23: {  	[tilespmem:s21], [sflag:$0x1] =	stream.linear.gather [hbm4b:s4+s21], $0x1400, $0x38;
	[tilespmem:$0x1B400] =	vst v63  }
0x24: {  	_ =	swait.ge [sflag:s17], $0x1400  }
0x25: {  	[sflag:s17] =	ssyncset.done $0x0  }
0x26: {  	[sflag:s17] =	ssyncadd.s32 $0xFFFFEC00  }
0x27: {  	[spmem:s5] =	stream.linear.scatter [tilespmem:s18], [sflag:$0x1], $0x2000, $0x38;
	[tilespmem:$0x1B400] =	vst v63  }
0x28: {  	_ =	swait.ge [sflag:s17], $0x2000  }
0x29: {  	[sflag:s17] =	ssyncset.done $0x0  }
0x2a: {  	[sflag:s17] =	ssyncadd.s32 $0xFFFFE000  }
0x2b: {  	[spmem:s6] =	stream.linear.scatter [tilespmem:s18], [sflag:$0x1], $0x2000, $0x38;
	[tilespmem:$0x1B400] =	vst v63  }
0x2c: {  	_ =	swait.ge [sflag:s17], $0x2000  }
0x2d: {  	[sflag:s17] =	ssyncset.done $0x0  }
0x2e: {  	[sflag:s17] =	ssyncadd.s32 $0xFFFFE000  }
0x2f: {  	[spmem:s7] =	stream.linear.scatter [tilespmem:s18], [sflag:$0x1], $0x2000, $0x38;
	[tilespmem:$0x1B400] =	vst v63  }
0x30: {  	_ =	swait.ge [sflag:s17], $0x2000  }
0x31: {  	[sflag:s17] =	ssyncset.done $0x0  }
0x32: {  	[sflag:s17] =	ssyncadd.s32 $0xFFFFE000  }
0x33: {  	[spmem:s8] =	stream.linear.scatter [tilespmem:s18], [sflag:$0x1], $0x2000, $0x38;
	[tilespmem:$0x1B400] =	vst v63  }
0x34: {  	_ =	swait.ge [sflag:s17], $0x2000  }
0x35: {  	[sflag:s17] =	ssyncset.done $0x0  }
0x36: {  	[sflag:s17] =	ssyncadd.s32 $0xFFFFE000  }
0x37: {  	[spmem:s9] =	stream.linear.scatter [tilespmem:s18], [sflag:$0x1], $0x2000, $0x38;
	[tilespmem:$0x1B400] =	vst v63  }
0x38: {  	_ =	swait.ge [sflag:s17], $0x2000  }
0x39: {  	[sflag:s17] =	ssyncset.done $0x0  }
0x3a: {  	[sflag:s17] =	ssyncadd.s32 $0xFFFFE000  }
0x3b: {  	[spmem:s10] =	stream.linear.scatter [tilespmem:s18], [sflag:$0x1], $0x2000, $0x38;
	[tilespmem:$0x1B400] =	vst v63  }
0x3c: {  	_ =	swait.ge [sflag:s17], $0x2000  }
0x3d: {  	[sflag:s17] =	ssyncset.done $0x0  }
0x3e: {  	[sflag:s17] =	ssyncadd.s32 $0xFFFFE000  }
0x3f: {  	[spmem:s11] =	stream.linear.scatter [tilespmem:s18], [sflag:$0x1], $0x2000, $0x38;
	[tilespmem:$0x1B400] =	vst v63  }
0x40: {  	_ =	swait.ge [sflag:s17], $0x2000  }
0x41: {  	[sflag:s17] =	ssyncset.done $0x0  }
0x42: {  	[sflag:s17] =	ssyncadd.s32 $0xFFFFE000  }
0x43: {  	[spmem:s12] =	stream.linear.scatter [tilespmem:s18], [sflag:$0x1], $0x2000, $0x38;
	[tilespmem:$0x1B400] =	vst v63  }
0x44: {  	_ =	swait.ge [sflag:s17], $0x2000  }
0x45: {  	[sflag:s17] =	ssyncset.done $0x0  }
0x46: {  	[sflag:s17] =	ssyncadd.s32 $0xFFFFE000  }
0x47: {  	[spmem:s13] =	stream.linear.scatter [tilespmem:s18], [sflag:$0x1], $0x2000, $0x38;
	[tilespmem:$0x1B400] =	vst v63  }
0x48: {  	_ =	swait.ge [sflag:s17], $0x2000  }
0x49: {  	[sflag:s17] =	ssyncset.done $0x0  }
0x4a: {  	[sflag:s17] =	ssyncadd.s32 $0xFFFFE000  }
0x4b: {  	[spmem:s14] =	stream.linear.scatter [tilespmem:s18], [sflag:$0x1], $0x2000, $0x38;
	[tilespmem:$0x1B400] =	vst v63  }
0x4c: {  	_ =	swait.ge [sflag:s17], $0x2000  }
0x4d: {  	[sflag:s17] =	ssyncset.done $0x0  }
0x4e: {  	[sflag:s17] =	ssyncadd.s32 $0xFFFFE000  }
0x4f: {  	s31 =	simm.s32 $0x0;
	[bflag:$0x0] =	sbarrier.arrive $0xFFFF  }
0x50: {  	[spmem:s2] =	stream.indirect.scatter.add.f32 [tilespmem:s20], [sflag:$0x1], $0x80, s31, s19, $0xb8;
	[tilespmem:$0x1B400] =	vst v63  }
0x51: {  	_ =	swait.ge [sflag:s17], $0x4000  }
0x52: {  	s21 =	simm.s32 $0x200;
	[sflag:s17] =	ssyncset.done $0x0  }
.LBB2_6:
0x53: {  	s22 =	sshra.s32 s21, $0x2;
	[sflag:s17] =	ssyncadd.s32 $0xFFFFC000;
	p0 =	sne.s32 s21, $0x4E00  }
0x54: {  	[spmem:s2] =	stream.indirect.scatter.add.f32 [tilespmem:s20], [sflag:$0x1], $0x80, s22, s19, $0xb8;
	[tilespmem:$0x1B400] =	vst v63  }
.Ltmp2:
0x55: {  	_ = 	snop;
	(pc) =	sbr.rel @p0 .LBB2_6-.Ltmp2, $4  }
0x56: {  	_ = 	snop  }
0x57: {  	s21 =	sadd.s32 $0x200, s21  }
0x58: {  	_ =	swait.ge [sflag:s17], $0x4000  }
0x59: {  	[sflag:s17] =	ssyncset.done $0x0  }
0x5a: {  	[sflag:s17] =	ssyncadd.s32 $0xFFFFC000;
	s3 =	sadd.s32 $0x1, s3  }
0x5b: {  	s21 =	sshll.u32 s1, $0x6;
	s22 =	sshrl.u32 s5, $0x3;
	p0 =	sne.s32 s3, s16  }
.Ltmp3:
0x5c: {  	[bflag:$0x0] =	sbarrier.arrive $0xFFFF;
	s21 =	sor.u32 $0x1C01, s21;
	(pc) =	sbr.rel @p0 .LBB2_1-.Ltmp3, $4  }
0x5d: {  	[hbm:s15], [sflag:s21] =	dma.local [spmem:s22], $0x2800  }
0x5e: {  	_ =	swait.ge [sflag:s17], $0x2800  }
0x5f: {  	[sflag:s17] =	ssyncset.done $0x0  }
0x60: {  	[sflag:s17] =	ssyncadd.s32 $0xFFFFD800  }
0x61: {  	_ =	sfence.sel $0x180000  }
0x62: {  	[bflag:$0x0] =	sbarrier.arrive $0xFFFF  }
0x63: {  	p0 =	sne.s32 s1, $0x0;
	_ =	strace $0x90000047  }
0x64: {  	s0 =	sadd.s32 @!p0 $0x100000, s0;
	[bflag:$0x2] =	sbarrier.arrive $0xFFFF  }
0x65: {  	[sflag:s0] =	ssyncadd.tile.s32 @!p0 $0x1;
	_ =	shalt  }
.Lfunc_end2:
_tile_overlayer_lowered:
.L_overlay_start_2:
0x66: {  	(tag) =	ssettag $0x2  }
0x67: {  	s0 =	rddreg [dreg:$0x0];
	s2 =	stileid.u32  }
0x68: {  	s1 =	rddreg [dreg:$0x1];
	p0 =	sne.s32 s2, $0x0  }
0x69: {  	s3 =	rddreg [dreg:$0x2];
	[bflag:$0x3] =	sbarrier.arrive $0xFFFF;
	s2 =	simm.s32 @!p0 $0x1C01  }
0x6a: {  	[timem:s3], [sflag:s2] =	dma.local @!p0 [hbm:s0], s1  }
0x6b: {  	s0 =	simm.s32 @!p0 $0x1  }
0x6c: {  	_ =	swait.ge @!p0 [sflag:s0], s1  }
0x6d: {  	s1 =	ssub.s32 @!p0 $0x0, s1;
	[sflag:s0] =	ssyncset.done @!p0 $0x0  }
0x6e: {  	[sflag:s0] =	ssyncadd.s32 @!p0 s1  }
0x6f: {  	[bflag:$0x3] =	sbarrier.arrive $0xFFFF  }
0x70: {  	_ =	shalt  }

// kernel: kernel.13.cloned.1.call-start
scs
__scs_entry_jumppad:
0x0: {  	(pc) =	sbr.rel $0x88, $3  }
0x1: {  	(tag) =	ssettag $0x0;
	lr =	simm.s32 $0x1  }
0x2: {  	[smem:$0x3F96] =	sst lr;
	_ =	strace $0xD0000000  }
0x3: {  	_ = 	snop  }
0x4: {  	_ = 	snop  }
0x5: {  	_ = 	snop  }
0x6: {  	_ = 	snop  }
0x7: {  	_ = 	snop  }
__scs_overlays_trampoline_lowered:
0x8: {  	[smem:$0x3FA5] =	sst s0  }
0x9: {  	[smem:$0x3FA6] =	sst s1  }
0xa: {  	[smem:$0x3FA7] =	sst s2  }
0xb: {  	[smem:$0x3FA8] =	sst s3  }
0xc: {  	[smem:$0x3FA9] =	sst s4  }
0xd: {  	[smem:$0x3FAA] =	sst s5  }
0xe: {  	[smem:$0x3FAB] =	sst s6  }
0xf: {  	[smem:$0x3FAC] =	sst s7  }
0x10: {  	[smem:$0x3FAD] =	sst s8  }
0x11: {  	[smem:$0x3FAE] =	sst s9;
	s0 =	simm.s32 @!p0 $0x0  }
0x12: {  	s1 =	sld [smem:$0x3F94];
	s0 =	simm.s32 @p0 $0x1  }
0x13: {  	[smem:$0x3FAF] =	sst s0;
	s0 =	simm.s32 @!p1 $0x0  }
0x14: {  	s2 =	sld [smem:$0x3F93];
	s0 =	simm.s32 @p1 $0x1  }
0x15: {  	[smem:$0x3FB0] =	sst s0;
	s0 =	simm.s32 @!p2 $0x0  }
0x16: {  	s3 =	sld [smem:$0x3FDB];
	s0 =	simm.s32 @p2 $0x1  }
0x17: {  	s4 =	simm.s32 $0x1BF5;
	[smem:$0x3FB2] =	sst s0  }
0x18: {  	s0 =	sld [smem:$0x3F95];
	_ =	swait.ge [sflag:s4], $0x0  }
0x19: {  	s7 =	sld [smem:$0x3F96]  }
0x1a: {  	s8 =	sadd.s32 $0xFFFFE003, lr  }
0x1b: {  	s9 =	sadd.s32 $0xFFFFFEF7, lr;
	s5 =	simm.s32 $0xFFFFFFFF;
	p2 =	slt.u32 s8, $0xFFFFF086  }
0x1c: {  	p1 =	slt.u32 s9, $0xF7A;
	s5 =	simm.s32 @!p2 $0x0  }
0x1d: {  	s5 =	simm.s32 @p1 $0x1;
	p0 =	seq.s32 s7, s2  }
0x1e: {  	s7 =	smul.u32 @!p0 $0xF7A, s2;
	p2 =	seq.s32 @!p0 s5, $0x0  }
0x1f: {  	s9 =	smul.u32 $0xF7A, s1;
	s8 =	simm.s32 @!p0 $0x1BF5;
	p2 =	por !p2, p0  }
0x20: {  	[sflag:s8] =	ssyncset.s32 @!p0 $0xFFFFF086;
	s6 =	sadd.s32 @!p0 s3, s7;
	s7 =	simm.s32 @!p0 $0x108  }
0x21: {  	s3 =	sadd.s32 s3, s9;
	s6 =	sadd.s32 @!p0 $0x88, s6;
	s7 =	simm.s32 @p2 $0x1082  }
0x22: {  	[simem:s7], [sflag:s8] =	dma.local @!p0 [hbm:s6], $0xF7A  }
0x23: {  	s9 =	sor.u32 $0xD0000000, s2;
	s6 =	simm.s32 $0x108;
	_ =	swait.ge @!p0 [sflag:s8], $0x0  }
0x24: {  	s3 =	sadd.s32 $0x88, s3;
	s6 =	simm.s32 @!p1 $0x1082;
	[sflag:s4] =	ssyncset.s32 $0xFFFFF086  }
0x25: {  	[simem:s6], [sflag:s4] =	dma.local [hbm:s3], $0xF7A  }
0x26: {  	[smem:$0x3F96] =	sst s1;
	(tag) =	ssettag s2;
	_ =	strace s9  }
0x27: {  	s1 =	sld [smem:$0x3FA6]  }
0x28: {  	s2 =	sld [smem:$0x3FA7]  }
0x29: {  	s4 =	sld [smem:$0x3FA9]  }
0x2a: {  	p0 =	seq.s32 s5, $0x0;
	s5 =	sld [smem:$0x3FAA]  }
0x2b: {  	s6 =	sld [smem:$0x3FAB]  }
0x2c: {  	s7 =	sld [smem:$0x3FAC]  }
0x2d: {  	s3 =	simm.s32 $0x108;
	s8 =	sld [smem:$0x3FAD]  }
0x2e: {  	s3 =	simm.s32 @!p0 $0x1082;
	s9 =	sld [smem:$0x3FAE]  }
0x2f: {  	lr =	sadd.s32 s0, s3;
	s0 =	sld [smem:$0x3FA5]  }
0x30: {  	s3 =	sld [smem:$0x3FA8]  }
0x31: {  	[smem:$0x3FB1] =	sst s10  }
0x32: {  	s10 =	sld [smem:$0x3FAF];
	_ =	sdelay $0x3  }
0x33: {  	p0 =	seq.s32 s10, $0x1;
	s10 =	sld [smem:$0x3FB1];
	_ =	sdelay $0x3  }
0x34: {  	[smem:$0x3FB1] =	sst s10  }
0x35: {  	s10 =	sld [smem:$0x3FB0];
	_ =	sdelay $0x3  }
0x36: {  	p1 =	seq.s32 s10, $0x1;
	s10 =	sld [smem:$0x3FB1];
	_ =	sdelay $0x3  }
0x37: {  	[smem:$0x3FB1] =	sst s10  }
0x38: {  	s10 =	sld [smem:$0x3FB2]  }
0x39: {  	_ = 	snop;
	(pc) =	sbr.ind lr, $3  }
0x3a: {  	_ = 	snop  }
0x3b: {  	_ = 	snop  }
0x3c: {  	p2 =	seq.s32 s10, $0x1;
	s10 =	sld [smem:$0x3FB1]  }
0x3d: {  	_ =	shalt  }
0x3e: {  	_ =	shalt  }
0x3f: {  	_ =	shalt  }
0x40: {  	_ =	shalt  }
0x41: {  	_ =	shalt  }
0x42: {  	_ =	shalt  }
0x43: {  	_ =	shalt  }
0x44: {  	_ =	shalt  }
0x45: {  	_ =	shalt  }
0x46: {  	_ =	shalt  }
0x47: {  	_ =	shalt  }
0x48: {  	_ =	shalt  }
0x49: {  	_ =	shalt  }
0x4a: {  	_ =	shalt  }
0x4b: {  	_ =	shalt  }
0x4c: {  	_ =	shalt  }
0x4d: {  	_ =	shalt  }
0x4e: {  	_ =	shalt  }
0x4f: {  	_ =	shalt  }
0x50: {  	_ =	shalt  }
0x51: {  	_ =	shalt  }
0x52: {  	_ =	shalt  }
0x53: {  	_ =	shalt  }
0x54: {  	_ =	shalt  }
0x55: {  	_ =	shalt  }
0x56: {  	_ =	shalt  }
0x57: {  	_ =	shalt  }
0x58: {  	_ =	shalt  }
0x59: {  	_ =	shalt  }
0x5a: {  	_ =	shalt  }
0x5b: {  	_ =	shalt  }
0x5c: {  	_ =	shalt  }
0x5d: {  	_ =	shalt  }
0x5e: {  	_ =	shalt  }
0x5f: {  	_ =	shalt  }
0x60: {  	_ =	shalt  }
0x61: {  	_ =	shalt  }
0x62: {  	_ =	shalt  }
0x63: {  	_ =	shalt  }
0x64: {  	_ =	shalt  }
0x65: {  	_ =	shalt  }
0x66: {  	_ =	shalt  }
0x67: {  	_ =	shalt  }
0x68: {  	_ =	shalt  }
0x69: {  	_ =	shalt  }
0x6a: {  	_ =	shalt  }
0x6b: {  	_ =	shalt  }
0x6c: {  	_ =	shalt  }
0x6d: {  	_ =	shalt  }
0x6e: {  	_ =	shalt  }
0x6f: {  	_ =	shalt  }
0x70: {  	_ =	shalt  }
0x71: {  	_ =	shalt  }
0x72: {  	_ =	shalt  }
0x73: {  	_ =	shalt  }
0x74: {  	_ =	shalt  }
0x75: {  	_ =	shalt  }
0x76: {  	_ =	shalt  }
0x77: {  	_ =	shalt  }
0x78: {  	_ =	shalt  }
0x79: {  	_ =	shalt  }
0x7a: {  	_ =	shalt  }
0x7b: {  	_ =	shalt  }
0x7c: {  	_ =	shalt  }
0x7d: {  	_ =	shalt  }
0x7e: {  	_ =	shalt  }
0x7f: {  	_ =	shalt  }
0x80: {  	_ =	shalt  }
0x81: {  	_ =	shalt  }
0x82: {  	_ =	shalt  }
0x83: {  	_ =	shalt  }
0x84: {  	_ =	shalt  }
0x85: {  	_ =	shalt  }
0x86: {  	_ =	shalt  }
0x87: {  	_ =	shalt  }
.Lfunc_end0:
.L_simem_size_0:
called_computation.1_lowered:
.L_overlay_start_0:
0x88: {  	s2 =	sld [smem:$0x3FD9]  }
0x89: {  	s3 =	sld [smem:$0x3FFE];
	_ =	sdelay $0x1  }
0x8a: {  	s1 =	srdreg.scid  }
0x8b: {  	s0 =	sand.u32 $0x1, s1  }
0x8c: {  	s16 =	sshll.u32 s0, $0xA;
	s2 =	sadd.s32 s3, s2  }
0x8d: {  	s2 =	sadd.s32 s2, s16  }
0x8e: {  	[smem:$0x3FBD] =	sst s2  }
0x8f: {  	_ = 	snop  }
0x90: {  	(tm) =	ssettm $0x1  }
0x91: {  	s17 =	sld [smem:$0x3FFB];
	_ =	sdelay $0x3  }
0x92: {  	_ =	strace s17  }
0x93: {  	s2 =	sld [smem:$0x3FFC];
	_ =	sdelay $0x3  }
0x94: {  	_ =	strace s2  }
0x95: {  	s2 =	sld [smem:$0x3FFD];
	_ =	sdelay $0x3  }
0x96: {  	_ =	strace s2  }
0x97: {  	_ =	strace $0x8FFFFFFF  }
0x98: {  	s18 =	sld [smem:$0x3FDB];
	_ =	sdelay $0x1  }
0x99: {  	s19 =	simm.s32 $_scs_section_size  }
0x9a: {  	s4 =	simm.s32 $_size__tile_overlayer_lowered;
	s5 =	simm.s32 $_tile_overlayer_lowered  }
0x9b: {  	s22 =	simm.s32 $0x1BFF;
	s21 =	sshll.u32 s5, $0x1;
	s2 =	sadd.s32 s19, s18  }
0x9c: {  	s6 =	simm.s32 $0x0;
	s20 =	sshll.u32 s4, $0x1;
	s4 =	sadd.s32 s21, s2  }
0x9d: {  	[timem:s6], [sflag:s22] =	dma.local [hbm:s4], s20  }
0x9e: {  	_ =	swait.ge [sflag:s22], s20  }
0x9f: {  	s3 =	ssub.s32 $0x0, s20;
	[sflag:s22] =	ssyncset.done $0x0  }
0xa0: {  	[sflag:s22] =	ssyncadd.s32 s3;
	_ =	sdelay $0x1  }
0xa1: {  	s23 =	simm.s32 $0x1B8B  }
0xa2: {  	_ =	swait.ge [sflag:s23], $0x1  }
0xa3: {  	[sflag:s23] =	ssyncset.done $0x0  }
0xa4: {  	s25 =	simm.s32 $0x1B8E;
	s24 =	sld [smem:$0x3FFE];
	[sflag:s23] =	ssyncadd.s32 $0xFFFFFFFF  }
0xa5: {  	s26 =	simm.s32 $execute0_lowered;
	[smem:$0x3FD2] =	sst s25  }
0xa6: {  	s4 =	sshll.u32 s26, $0x1;
	_ =	strace $0x80000049;
	[dreg:$0x1] =	wrdreg $0xFFFFFFFF  }
0xa7: {  	s28 =	simm.s32 $_size_execute0_lowered;
	s2 =	sadd.s32 s2, s4;
	[dreg:$0x0] =	wrdreg $0x0  }
0xa8: {  	s4 =	sshll.u32 s28, $0x1;
	[dreg:$0x2] =	wrdreg s2  }
0xa9: {  	[dreg:$0x3] =	wrdreg s4  }
0xaa: {  	[dreg:$0x4] =	wrdreg $0xC0  }
0xab: {  	_ =	task [dreg:s6], $0x5FFFF  }
0xac: {  	[dreg:$0x1] =	wrdreg $0xFFFFFFFF  }
0xad: {  	[dreg:$0x0] =	wrdreg $0x60  }
0xae: {  	[dreg:$0x2] =	wrdreg s24  }
0xaf: {  	[dreg:$0x3] =	wrdreg $0x88000  }
0xb0: {  	[dreg:$0x4] =	wrdreg $0x9  }
0xb1: {  	_ =	task.clear_ibuf [dreg:s6], $0x5FFFF;
	_ =	strace $0x90000049  }
0xb2: {  	s29 =	simm.s32 $0x9;
	_ =	strace $0x8000004B  }
0xb3: {  	_ =	swait.ge [sflag:s29], $0x1  }
0xb4: {  	[sflag:s29] =	ssyncadd.s32 $0xFFFFFFFF  }
0xb5: {  	_ =	strace $0x9000004B  }
0xb6: {  	_ =	sfence  }
0xb7: {  	s30 =	sld [smem:$0x0];
	_ =	sdelay $0x2  }
0xb8: {  	s31 =	sshll.u32 s1, $0xD;
	s1 =	sshrl.u32 s1, $0x2  }
0xb9: {  	s3 =	sand.u32 $0x4000, s31;
	s1 =	sadd.s32 s1, s30  }
0xba: {  	s0 =	sor.u32 s3, s0;
	s1 =	sshll.u32 s1, $0x11  }
0xbb: {  	s0 =	sor.u32 s1, s0  }
0xbc: {  	s0 =	sadd.s32 $0x8F2B, s0  }
0xbd: {  	[sflag:s0] =	ssyncadd.remote.s32 $0x1  }
0xbe: {  	_ =	sfence.sel $0xFFFF  }
0xbf: {  	[dreg:$0x0] =	wrdreg $0xFFFFFFFF;
	(pc) =	sbr.abs _section_cstart, $3  }
0xc0: {  	[dreg:$0x1] =	wrdreg $0xFFFFFFFF  }
0xc1: {  	_ =	task.clear_ibuf [dreg:s6], $0x2FFFF;
	_ =	strace $0x9FFFFFFF  }
0xc2: {  	(tm) =	ssettm $0x7FFFFFFF  }
0xc3: {  	_ =	shalt  }
tec
execute0_lowered:
.L_overlay_start_1:
0x0: {  	(tag) =	ssettag $0x1  }
0x1: {  	s6 =	rddreg [dreg:$0x0]  }
0x2: {  	s1 =	rddreg [dreg:$0x1];
	s3 =	simm.s32 $0x0  }
0x3: {  	s2 =	srdreg.scid;
	s0 =	stileid.u32;
	s21 =	simm.s32 $0x1  }
0x4: {  	s22 =	simm.s32 $0x1400;
	s23 =	simm.s32 $0x6800;
	s24 =	simm.s32 $0x80  }
0x5: {  	s25 =	simm.s32 $0x2800;
	s26 =	simm.s32 $0x0;
	s10 =	smul.u32 $0x14000, s0  }
0x6: {  	[smem:$0x7FF] =	sst s3;
	s7 =	sand.u32 $0x1, s2;
	s30 =	smul.u32 $0x50000, s0  }
0x7: {  	s5 =	sadd.s32 $0x32E00, s6;
	s4 =	sshll.u32 s7, $0x4;
	s8 =	smul.u32 $0x280000, s7  }
0x8: {  	_ =	strace $0x8000004A;
	s7 =	ssub.s32 $0x2, s7;
	s9 =	sor.u32 s0, s4  }
0x9: {  	s4 =	sadd.s32 $0xAE00, s6;
	s11 =	sshrl.u32 s7, $0x1;
	s9 =	smul.u32 $0x280, s9  }
0xa: {  	s31 =	sshrl.u32 s30, $0x2;
	s8 =	sadd.s32 s10, s8;
	s20 =	ssub.s32 s7, s11  }
0xb: {  	s8 =	sshrl.u32 s8, $0x3;
	s20 =	smax.u32 s20, $0x1;
	s9 =	sadd.s32 s9, s6  }
0xc: {  	s19 =	sadd.s32 s8, s6;
	s8 =	sadd.s32 s31, s1;
	s6 =	sadd.s32 $0x5AE00, s9  }
0xd: {  	s7 =	sadd.s32 $0x5E00, s9;
	s9 =	sadd.s32 $0x2000, s8;
	s10 =	sadd.s32 $0x4000, s8  }
0xe: {  	s11 =	sadd.s32 $0x6000, s8;
	s12 =	sadd.s32 $0x8000, s8;
	s13 =	sadd.s32 $0xA000, s8  }
0xf: {  	s14 =	sadd.s32 $0xC000, s8;
	s15 =	sadd.s32 $0xE000, s8;
	s16 =	sadd.s32 $0x10000, s8  }
0x10: {  	v0 =	vimm.f32 $0.0e+00;
	s17 =	sadd.s32 $0x12000, s8;
	s18 =	sadd.s32 $0x87E00, s19;
	s19 =	sadd.s32 $0xAFE00, s19  }
.LBB2_1:
0x11: {  	s28 =	sand.u32 $0x7E00, s3  }
0x12: {  	s29 =	sand.u32 $0x70, s3;
	s30 =	sshrl.u32 s28, $0x2  }
0x13: {  	s28 =	simm.s32 $0x40;
	s30 =	sor.u32 s29, s30;
	s29 =	simm.s32 $0x0  }
.LBB2_2:
0x14: {  	p0 =	sne.s32 s28, $0x7FC0  }
0x15: {  	[tilespmem:s30+$0x6800] =	vst v0;
	s29 =	sadd.s32 $0x10, s29;
	s30 =	smov.u32 s28;
	s28 =	sadd.s32 $0x40, s28  }
.Ltmp0:
0x16: {  	(pc) =	sbr.rel @p0 .LBB2_2-.Ltmp0, $4  }
0x17: {  	_ = 	snop  }
0x18: {  	s30 =	sand.u32 $0x7E00, s30  }
0x19: {  	s31 =	sand.u32 $0x70, s29;
	s30 =	sshrl.u32 s30, $0x2  }
0x1a: {  	s30 =	sor.u32 s31, s30  }
0x1b: {  	[tilespmem:s30+$0x6800] =	vst v0;
	s28 =	simm.s32 $0x0  }
0x1c: {  	[tilespmem:s28], [sflag:$0x1] =	stream.linear.gather [hbm4b:s6+s28], $0x1400, $0x38;
	[tilespmem:$0x1C800] =	vst v63  }
0x1d: {  	_ =	swait.ge [sflag:s21], $0x1400  }
0x1e: {  	[sflag:s21] =	ssyncset.done $0x0  }
0x1f: {  	[sflag:s21] =	ssyncadd.s32 $0xFFFFEC00  }
0x20: {  	[tilespmem:s22], [sflag:$0x1] =	stream.linear.gather [hbm4b:s7+s28], $0x1400, $0x38;
	[tilespmem:$0x1C800] =	vst v63  }
0x21: {  	_ =	swait.ge [sflag:s21], $0x1400  }
0x22: {  	[sflag:s21] =	ssyncset.done $0x0  }
0x23: {  	[sflag:s21] =	ssyncadd.s32 $0xFFFFEC00  }
0x24: {  	[spmem:s8] =	stream.linear.scatter [tilespmem:s23], [sflag:$0x1], $0x2000, $0x38;
	[tilespmem:$0x1C800] =	vst v63  }
0x25: {  	_ =	swait.ge [sflag:s21], $0x2000  }
0x26: {  	[sflag:s21] =	ssyncset.done $0x0  }
0x27: {  	[sflag:s21] =	ssyncadd.s32 $0xFFFFE000  }
0x28: {  	[spmem:s9] =	stream.linear.scatter [tilespmem:s23], [sflag:$0x1], $0x2000, $0x38;
	[tilespmem:$0x1C800] =	vst v63  }
0x29: {  	_ =	swait.ge [sflag:s21], $0x2000  }
0x2a: {  	[sflag:s21] =	ssyncset.done $0x0  }
0x2b: {  	[sflag:s21] =	ssyncadd.s32 $0xFFFFE000  }
0x2c: {  	[spmem:s10] =	stream.linear.scatter [tilespmem:s23], [sflag:$0x1], $0x2000, $0x38;
	[tilespmem:$0x1C800] =	vst v63  }
0x2d: {  	_ =	swait.ge [sflag:s21], $0x2000  }
0x2e: {  	[sflag:s21] =	ssyncset.done $0x0  }
0x2f: {  	[sflag:s21] =	ssyncadd.s32 $0xFFFFE000  }
0x30: {  	[spmem:s11] =	stream.linear.scatter [tilespmem:s23], [sflag:$0x1], $0x2000, $0x38;
	[tilespmem:$0x1C800] =	vst v63  }
0x31: {  	_ =	swait.ge [sflag:s21], $0x2000  }
0x32: {  	[sflag:s21] =	ssyncset.done $0x0  }
0x33: {  	[sflag:s21] =	ssyncadd.s32 $0xFFFFE000  }
0x34: {  	[spmem:s12] =	stream.linear.scatter [tilespmem:s23], [sflag:$0x1], $0x2000, $0x38;
	[tilespmem:$0x1C800] =	vst v63  }
0x35: {  	_ =	swait.ge [sflag:s21], $0x2000  }
0x36: {  	[sflag:s21] =	ssyncset.done $0x0  }
0x37: {  	[sflag:s21] =	ssyncadd.s32 $0xFFFFE000  }
0x38: {  	[spmem:s13] =	stream.linear.scatter [tilespmem:s23], [sflag:$0x1], $0x2000, $0x38;
	[tilespmem:$0x1C800] =	vst v63  }
0x39: {  	_ =	swait.ge [sflag:s21], $0x2000  }
0x3a: {  	[sflag:s21] =	ssyncset.done $0x0  }
0x3b: {  	[sflag:s21] =	ssyncadd.s32 $0xFFFFE000  }
0x3c: {  	[spmem:s14] =	stream.linear.scatter [tilespmem:s23], [sflag:$0x1], $0x2000, $0x38;
	[tilespmem:$0x1C800] =	vst v63  }
0x3d: {  	_ =	swait.ge [sflag:s21], $0x2000  }
0x3e: {  	[sflag:s21] =	ssyncset.done $0x0  }
0x3f: {  	[sflag:s21] =	ssyncadd.s32 $0xFFFFE000  }
0x40: {  	[spmem:s15] =	stream.linear.scatter [tilespmem:s23], [sflag:$0x1], $0x2000, $0x38;
	[tilespmem:$0x1C800] =	vst v63  }
0x41: {  	_ =	swait.ge [sflag:s21], $0x2000  }
0x42: {  	[sflag:s21] =	ssyncset.done $0x0  }
0x43: {  	[sflag:s21] =	ssyncadd.s32 $0xFFFFE000  }
0x44: {  	[spmem:s16] =	stream.linear.scatter [tilespmem:s23], [sflag:$0x1], $0x2000, $0x38;
	[tilespmem:$0x1C800] =	vst v63  }
0x45: {  	_ =	swait.ge [sflag:s21], $0x2000  }
0x46: {  	[sflag:s21] =	ssyncset.done $0x0  }
0x47: {  	[sflag:s21] =	ssyncadd.s32 $0xFFFFE000  }
0x48: {  	[spmem:s17] =	stream.linear.scatter [tilespmem:s23], [sflag:$0x1], $0x2000, $0x38;
	[tilespmem:$0x1C800] =	vst v63  }
0x49: {  	_ =	swait.ge [sflag:s21], $0x2000  }
0x4a: {  	[sflag:s21] =	ssyncset.done $0x0  }
0x4b: {  	[sflag:s21] =	ssyncadd.s32 $0xFFFFE000  }
0x4c: {  	s28 =	simm.s32 $0x0;
	[bflag:$0x0] =	sbarrier.arrive $0xFFFF  }
0x4d: {  	[tilespmem:s25], [sflag:$0x1] =	stream.indirect.gather [hbm4b:s4+s24], $0x80, s28, s24, $0xb8;
	[tilespmem:$0x1C800] =	vst v63  }
0x4e: {  	_ =	swait.ge [sflag:s21], $0x4000  }
0x4f: {  	[sflag:s21] =	ssyncset.done $0x0  }
0x50: {  	s28 =	simm.s32 $0x1400;
	[sflag:s21] =	ssyncadd.s32 $0xFFFFC000  }
0x51: {  	[spmem:s1] =	stream.indirect.scatter.add.f32 [tilespmem:s25], [sflag:$0x1], $0x80, s28, s24, $0xb8;
	[tilespmem:$0x1C800] =	vst v63  }
0x52: {  	_ =	swait.ge [sflag:s21], $0x4000  }
0x53: {  	s29 =	simm.s32 $0x400;
	s28 =	simm.s32 $0x200;
	[sflag:s21] =	ssyncset.done $0x0  }
.LBB2_4:
0x54: {  	s30 =	sshra.s32 s28, $0x2  }
0x55: {  	[sflag:s21] =	ssyncadd.s32 $0xFFFFC000;
	s28 =	smov.u32 s29;
	s31 =	sadd.s32 $0x200, s29  }
0x56: {  	[tilespmem:s25], [sflag:$0x1] =	stream.indirect.gather [hbm4b:s4+s24], $0x80, s30, s24, $0xb8;
	[tilespmem:$0x1C800] =	vst v63  }
0x57: {  	p0 =	sne.s32 s29, $0x4E00;
	_ =	swait.ge [sflag:s21], $0x4000  }
.Ltmp1:
0x58: {  	[sflag:s21] =	ssyncset.done $0x0;
	(pc) =	sbr.rel @p0 .LBB2_4-.Ltmp1, $4  }
0x59: {  	s29 =	sadd.s32 $0x1400, s30;
	[sflag:s21] =	ssyncadd.s32 $0xFFFFC000  }
0x5a: {  	[spmem:s1] =	stream.indirect.scatter.add.f32 [tilespmem:s25], [sflag:$0x1], $0x80, s29, s24, $0xb8;
	[tilespmem:$0x1C800] =	vst v63  }
0x5b: {  	_ =	swait.ge [sflag:s21], $0x4000  }
0x5c: {  	s29 =	smov.u32 s31;
	[sflag:s21] =	ssyncset.done $0x0  }
0x5d: {  	s28 =	sshra.s32 s28, $0x2;
	[sflag:s21] =	ssyncadd.s32 $0xFFFFC000  }
0x5e: {  	[tilespmem:s25], [sflag:$0x1] =	stream.indirect.gather [hbm4b:s4+s24], $0x80, s28, s24, $0xb8;
	[tilespmem:$0x1C800] =	vst v63  }
0x5f: {  	_ =	swait.ge [sflag:s21], $0x4000  }
0x60: {  	[sflag:s21] =	ssyncset.done $0x0  }
0x61: {  	s28 =	sadd.s32 $0x1400, s28;
	[sflag:s21] =	ssyncadd.s32 $0xFFFFC000  }
0x62: {  	[spmem:s1] =	stream.indirect.scatter.add.f32 [tilespmem:s25], [sflag:$0x1], $0x80, s28, s24, $0xb8;
	[tilespmem:$0x1C800] =	vst v63  }
0x63: {  	_ =	swait.ge [sflag:s21], $0x4000  }
0x64: {  	s0 =	stileid.u32;
	[sflag:s21] =	ssyncset.done $0x0  }
0x65: {  	s28 =	sshll.u32 s0, $0x6;
	[sflag:s21] =	ssyncadd.s32 $0xFFFFC000  }
0x66: {  	s29 =	sshrl.u32 s8, $0x3;
	s28 =	sor.u32 $0x1C01, s28;
	[bflag:$0x0] =	sbarrier.arrive $0xFFFF  }
0x67: {  	[hbm:s18], [sflag:s28] =	dma.local [spmem:s29], $0x2800  }
0x68: {  	_ =	swait.ge [sflag:s21], $0x2800  }
0x69: {  	[sflag:s21] =	ssyncset.done $0x0  }
0x6a: {  	[sflag:s21] =	ssyncadd.s32 $0xFFFFD800  }
0x6b: {  	[spmem:s8] =	stream.linear.scatter [tilespmem:s23], [sflag:$0x1], $0x2000, $0x38;
	[tilespmem:$0x1C800] =	vst v63  }
0x6c: {  	_ =	swait.ge [sflag:s21], $0x2000  }
0x6d: {  	[sflag:s21] =	ssyncset.done $0x0  }
0x6e: {  	[sflag:s21] =	ssyncadd.s32 $0xFFFFE000  }
0x6f: {  	[spmem:s9] =	stream.linear.scatter [tilespmem:s23], [sflag:$0x1], $0x2000, $0x38;
	[tilespmem:$0x1C800] =	vst v63  }
0x70: {  	_ =	swait.ge [sflag:s21], $0x2000  }
0x71: {  	[sflag:s21] =	ssyncset.done $0x0  }
0x72: {  	[sflag:s21] =	ssyncadd.s32 $0xFFFFE000  }
0x73: {  	[spmem:s10] =	stream.linear.scatter [tilespmem:s23], [sflag:$0x1], $0x2000, $0x38;
	[tilespmem:$0x1C800] =	vst v63  }
0x74: {  	_ =	swait.ge [sflag:s21], $0x2000  }
0x75: {  	[sflag:s21] =	ssyncset.done $0x0  }
0x76: {  	[sflag:s21] =	ssyncadd.s32 $0xFFFFE000  }
0x77: {  	[spmem:s11] =	stream.linear.scatter [tilespmem:s23], [sflag:$0x1], $0x2000, $0x38;
	[tilespmem:$0x1C800] =	vst v63  }
0x78: {  	_ =	swait.ge [sflag:s21], $0x2000  }
0x79: {  	[sflag:s21] =	ssyncset.done $0x0  }
0x7a: {  	[sflag:s21] =	ssyncadd.s32 $0xFFFFE000  }
0x7b: {  	[spmem:s12] =	stream.linear.scatter [tilespmem:s23], [sflag:$0x1], $0x2000, $0x38;
	[tilespmem:$0x1C800] =	vst v63  }
0x7c: {  	_ =	swait.ge [sflag:s21], $0x2000  }
0x7d: {  	[sflag:s21] =	ssyncset.done $0x0  }
0x7e: {  	[sflag:s21] =	ssyncadd.s32 $0xFFFFE000  }
0x7f: {  	[spmem:s13] =	stream.linear.scatter [tilespmem:s23], [sflag:$0x1], $0x2000, $0x38;
	[tilespmem:$0x1C800] =	vst v63  }
0x80: {  	_ =	swait.ge [sflag:s21], $0x2000  }
0x81: {  	[sflag:s21] =	ssyncset.done $0x0  }
0x82: {  	[sflag:s21] =	ssyncadd.s32 $0xFFFFE000  }
0x83: {  	[spmem:s14] =	stream.linear.scatter [tilespmem:s23], [sflag:$0x1], $0x2000, $0x38;
	[tilespmem:$0x1C800] =	vst v63  }
0x84: {  	_ =	swait.ge [sflag:s21], $0x2000  }
0x85: {  	[sflag:s21] =	ssyncset.done $0x0  }
0x86: {  	[sflag:s21] =	ssyncadd.s32 $0xFFFFE000  }
0x87: {  	[spmem:s15] =	stream.linear.scatter [tilespmem:s23], [sflag:$0x1], $0x2000, $0x38;
	[tilespmem:$0x1C800] =	vst v63  }
0x88: {  	_ =	swait.ge [sflag:s21], $0x2000  }
0x89: {  	[sflag:s21] =	ssyncset.done $0x0  }
0x8a: {  	[sflag:s21] =	ssyncadd.s32 $0xFFFFE000  }
0x8b: {  	[spmem:s16] =	stream.linear.scatter [tilespmem:s23], [sflag:$0x1], $0x2000, $0x38;
	[tilespmem:$0x1C800] =	vst v63  }
0x8c: {  	_ =	swait.ge [sflag:s21], $0x2000  }
0x8d: {  	[sflag:s21] =	ssyncset.done $0x0  }
0x8e: {  	[sflag:s21] =	ssyncadd.s32 $0xFFFFE000  }
0x8f: {  	[spmem:s17] =	stream.linear.scatter [tilespmem:s23], [sflag:$0x1], $0x2000, $0x38;
	[tilespmem:$0x1C800] =	vst v63  }
0x90: {  	_ =	swait.ge [sflag:s21], $0x2000  }
0x91: {  	[sflag:s21] =	ssyncset.done $0x0  }
0x92: {  	[sflag:s21] =	ssyncadd.s32 $0xFFFFE000  }
0x93: {  	s30 =	simm.s32 $0x0;
	[bflag:$0x0] =	sbarrier.arrive $0xFFFF  }
0x94: {  	[tilespmem:s25], [sflag:$0x1] =	stream.indirect.gather [hbm4b:s5+s24], $0x80, s30, s24, $0xb8;
	[tilespmem:$0x1C800] =	vst v63  }
0x95: {  	_ =	swait.ge [sflag:s21], $0x4000  }
0x96: {  	[sflag:s21] =	ssyncset.done $0x0  }
0x97: {  	s30 =	simm.s32 $0x1400;
	[sflag:s21] =	ssyncadd.s32 $0xFFFFC000  }
0x98: {  	[spmem:s1] =	stream.indirect.scatter.add.f32 [tilespmem:s25], [sflag:$0x1], $0x80, s30, s24, $0xb8;
	[tilespmem:$0x1C800] =	vst v63  }
0x99: {  	_ =	swait.ge [sflag:s21], $0x4000  }
0x9a: {  	s31 =	simm.s32 $0x400;
	s30 =	simm.s32 $0x200;
	[sflag:s21] =	ssyncset.done $0x0  }
.LBB2_6:
0x9b: {  	s0 =	sshra.s32 s30, $0x2  }
0x9c: {  	[sflag:s21] =	ssyncadd.s32 $0xFFFFC000;
	s30 =	smov.u32 s31;
	s2 =	sadd.s32 $0x200, s31  }
0x9d: {  	[tilespmem:s25], [sflag:$0x1] =	stream.indirect.gather [hbm4b:s5+s24], $0x80, s0, s24, $0xb8;
	[tilespmem:$0x1C800] =	vst v63  }
0x9e: {  	p0 =	sne.s32 s31, $0x4E00;
	_ =	swait.ge [sflag:s21], $0x4000  }
.Ltmp2:
0x9f: {  	[sflag:s21] =	ssyncset.done $0x0;
	(pc) =	sbr.rel @p0 .LBB2_6-.Ltmp2, $4  }
0xa0: {  	s0 =	sadd.s32 $0x1400, s0;
	[sflag:s21] =	ssyncadd.s32 $0xFFFFC000  }
0xa1: {  	[spmem:s1] =	stream.indirect.scatter.add.f32 [tilespmem:s25], [sflag:$0x1], $0x80, s0, s24, $0xb8;
	[tilespmem:$0x1C800] =	vst v63  }
0xa2: {  	_ =	swait.ge [sflag:s21], $0x4000  }
0xa3: {  	s31 =	smov.u32 s2;
	[sflag:s21] =	ssyncset.done $0x0  }
0xa4: {  	s0 =	sshra.s32 s30, $0x2;
	[sflag:s21] =	ssyncadd.s32 $0xFFFFC000  }
0xa5: {  	[tilespmem:s25], [sflag:$0x1] =	stream.indirect.gather [hbm4b:s5+s24], $0x80, s0, s24, $0xb8;
	[tilespmem:$0x1C800] =	vst v63  }
0xa6: {  	_ =	swait.ge [sflag:s21], $0x4000  }
0xa7: {  	[sflag:s21] =	ssyncset.done $0x0  }
0xa8: {  	s0 =	sadd.s32 $0x1400, s0;
	[sflag:s21] =	ssyncadd.s32 $0xFFFFC000  }
0xa9: {  	[spmem:s1] =	stream.indirect.scatter.add.f32 [tilespmem:s25], [sflag:$0x1], $0x80, s0, s24, $0xb8;
	[tilespmem:$0x1C800] =	vst v63  }
0xaa: {  	_ =	swait.ge [sflag:s21], $0x4000  }
0xab: {  	s26 =	sadd.s32 $0x1, s26;
	[sflag:s21] =	ssyncset.done $0x0  }
0xac: {  	p0 =	sne.s32 s26, s20;
	[sflag:s21] =	ssyncadd.s32 $0xFFFFC000  }
.Ltmp3:
0xad: {  	[bflag:$0x0] =	sbarrier.arrive $0xFFFF;
	(pc) =	sbr.rel @p0 .LBB2_1-.Ltmp3, $4  }
0xae: {  	[hbm:s19], [sflag:s28] =	dma.local [spmem:s29], $0x2800  }
0xaf: {  	_ =	swait.ge [sflag:s21], $0x2800  }
0xb0: {  	[sflag:s21] =	ssyncset.done $0x0  }
0xb1: {  	[sflag:s21] =	ssyncadd.s32 $0xFFFFD800  }
0xb2: {  	_ =	sfence.sel $0x180000  }
0xb3: {  	[bflag:$0x0] =	sbarrier.arrive $0xFFFF  }
0xb4: {  	_ =	strace $0x9000004A  }
0xb5: {  	s0 =	stileid.u32;
	[bflag:$0x2] =	sbarrier.arrive $0xFFFF  }
0xb6: {  	p0 =	sne.s32 s0, $0x0;
	s0 =	rddreg [dreg:$0x2]  }
0xb7: {  	s0 =	sadd.s32 @!p0 $0x100000, s0  }
0xb8: {  	[sflag:s0] =	ssyncadd.tile.s32 @!p0 $0x1;
	_ =	shalt  }
.Lfunc_end2:
_tile_overlayer_lowered:
.L_overlay_start_2:
0xb9: {  	(tag) =	ssettag $0x2  }
0xba: {  	s0 =	rddreg [dreg:$0x0];
	s2 =	stileid.u32  }
0xbb: {  	s1 =	rddreg [dreg:$0x1];
	p0 =	sne.s32 s2, $0x0  }
0xbc: {  	s3 =	rddreg [dreg:$0x2];
	[bflag:$0x3] =	sbarrier.arrive $0xFFFF;
	s2 =	simm.s32 @!p0 $0x1C01  }
0xbd: {  	[timem:s3], [sflag:s2] =	dma.local @!p0 [hbm:s0], s1  }
0xbe: {  	s0 =	simm.s32 @!p0 $0x1  }
0xbf: {  	_ =	swait.ge @!p0 [sflag:s0], s1  }
0xc0: {  	s1 =	ssub.s32 @!p0 $0x0, s1;
	[sflag:s0] =	ssyncset.done @!p0 $0x0  }
0xc1: {  	[sflag:s0] =	ssyncadd.s32 @!p0 s1  }
0xc2: {  	[bflag:$0x3] =	sbarrier.arrive $0xFFFF  }
0xc3: {  	_ =	shalt  }

// kernel: kernel.16.cloned.1.call-start
scs
__scs_entry_jumppad:
0x0: {  	(pc) =	sbr.rel $0x88, $3  }
0x1: {  	(tag) =	ssettag $0x0;
	lr =	simm.s32 $0x1  }
0x2: {  	[smem:$0x3F96] =	sst lr;
	_ =	strace $0xD0000000  }
0x3: {  	_ = 	snop  }
0x4: {  	_ = 	snop  }
0x5: {  	_ = 	snop  }
0x6: {  	_ = 	snop  }
0x7: {  	_ = 	snop  }
__scs_overlays_trampoline_lowered:
0x8: {  	[smem:$0x3FA5] =	sst s0  }
0x9: {  	[smem:$0x3FA6] =	sst s1  }
0xa: {  	[smem:$0x3FA7] =	sst s2  }
0xb: {  	[smem:$0x3FA8] =	sst s3  }
0xc: {  	[smem:$0x3FA9] =	sst s4  }
0xd: {  	[smem:$0x3FAA] =	sst s5  }
0xe: {  	[smem:$0x3FAB] =	sst s6  }
0xf: {  	[smem:$0x3FAC] =	sst s7  }
0x10: {  	[smem:$0x3FAD] =	sst s8  }
0x11: {  	[smem:$0x3FAE] =	sst s9;
	s0 =	simm.s32 @!p0 $0x0  }
0x12: {  	s1 =	sld [smem:$0x3F94];
	s0 =	simm.s32 @p0 $0x1  }
0x13: {  	[smem:$0x3FAF] =	sst s0;
	s0 =	simm.s32 @!p1 $0x0  }
0x14: {  	s2 =	sld [smem:$0x3F93];
	s0 =	simm.s32 @p1 $0x1  }
0x15: {  	[smem:$0x3FB0] =	sst s0;
	s0 =	simm.s32 @!p2 $0x0  }
0x16: {  	s3 =	sld [smem:$0x3FDB];
	s0 =	simm.s32 @p2 $0x1  }
0x17: {  	s4 =	simm.s32 $0x1BF5;
	[smem:$0x3FB2] =	sst s0  }
0x18: {  	s0 =	sld [smem:$0x3F95];
	_ =	swait.ge [sflag:s4], $0x0  }
0x19: {  	s7 =	sld [smem:$0x3F96]  }
0x1a: {  	s8 =	sadd.s32 $0xFFFFE003, lr  }
0x1b: {  	s9 =	sadd.s32 $0xFFFFFEF7, lr;
	s5 =	simm.s32 $0xFFFFFFFF;
	p2 =	slt.u32 s8, $0xFFFFF086  }
0x1c: {  	p1 =	slt.u32 s9, $0xF7A;
	s5 =	simm.s32 @!p2 $0x0  }
0x1d: {  	s5 =	simm.s32 @p1 $0x1;
	p0 =	seq.s32 s7, s2  }
0x1e: {  	s7 =	smul.u32 @!p0 $0xF7A, s2;
	p2 =	seq.s32 @!p0 s5, $0x0  }
0x1f: {  	s9 =	smul.u32 $0xF7A, s1;
	s8 =	simm.s32 @!p0 $0x1BF5;
	p2 =	por !p2, p0  }
0x20: {  	[sflag:s8] =	ssyncset.s32 @!p0 $0xFFFFF086;
	s6 =	sadd.s32 @!p0 s3, s7;
	s7 =	simm.s32 @!p0 $0x108  }
0x21: {  	s3 =	sadd.s32 s3, s9;
	s6 =	sadd.s32 @!p0 $0x88, s6;
	s7 =	simm.s32 @p2 $0x1082  }
0x22: {  	[simem:s7], [sflag:s8] =	dma.local @!p0 [hbm:s6], $0xF7A  }
0x23: {  	s9 =	sor.u32 $0xD0000000, s2;
	s6 =	simm.s32 $0x108;
	_ =	swait.ge @!p0 [sflag:s8], $0x0  }
0x24: {  	s3 =	sadd.s32 $0x88, s3;
	s6 =	simm.s32 @!p1 $0x1082;
	[sflag:s4] =	ssyncset.s32 $0xFFFFF086  }
0x25: {  	[simem:s6], [sflag:s4] =	dma.local [hbm:s3], $0xF7A  }
0x26: {  	[smem:$0x3F96] =	sst s1;
	(tag) =	ssettag s2;
	_ =	strace s9  }
0x27: {  	s1 =	sld [smem:$0x3FA6]  }
0x28: {  	s2 =	sld [smem:$0x3FA7]  }
0x29: {  	s4 =	sld [smem:$0x3FA9]  }
0x2a: {  	p0 =	seq.s32 s5, $0x0;
	s5 =	sld [smem:$0x3FAA]  }
0x2b: {  	s6 =	sld [smem:$0x3FAB]  }
0x2c: {  	s7 =	sld [smem:$0x3FAC]  }
0x2d: {  	s3 =	simm.s32 $0x108;
	s8 =	sld [smem:$0x3FAD]  }
0x2e: {  	s3 =	simm.s32 @!p0 $0x1082;
	s9 =	sld [smem:$0x3FAE]  }
0x2f: {  	lr =	sadd.s32 s0, s3;
	s0 =	sld [smem:$0x3FA5]  }
0x30: {  	s3 =	sld [smem:$0x3FA8]  }
0x31: {  	[smem:$0x3FB1] =	sst s10  }
0x32: {  	s10 =	sld [smem:$0x3FAF];
	_ =	sdelay $0x3  }
0x33: {  	p0 =	seq.s32 s10, $0x1;
	s10 =	sld [smem:$0x3FB1];
	_ =	sdelay $0x3  }
0x34: {  	[smem:$0x3FB1] =	sst s10  }
0x35: {  	s10 =	sld [smem:$0x3FB0];
	_ =	sdelay $0x3  }
0x36: {  	p1 =	seq.s32 s10, $0x1;
	s10 =	sld [smem:$0x3FB1];
	_ =	sdelay $0x3  }
0x37: {  	[smem:$0x3FB1] =	sst s10  }
0x38: {  	s10 =	sld [smem:$0x3FB2]  }
0x39: {  	_ = 	snop;
	(pc) =	sbr.ind lr, $3  }
0x3a: {  	_ = 	snop  }
0x3b: {  	_ = 	snop  }
0x3c: {  	p2 =	seq.s32 s10, $0x1;
	s10 =	sld [smem:$0x3FB1]  }
0x3d: {  	_ =	shalt  }
0x3e: {  	_ =	shalt  }
0x3f: {  	_ =	shalt  }
0x40: {  	_ =	shalt  }
0x41: {  	_ =	shalt  }
0x42: {  	_ =	shalt  }
0x43: {  	_ =	shalt  }
0x44: {  	_ =	shalt  }
0x45: {  	_ =	shalt  }
0x46: {  	_ =	shalt  }
0x47: {  	_ =	shalt  }
0x48: {  	_ =	shalt  }
0x49: {  	_ =	shalt  }
0x4a: {  	_ =	shalt  }
0x4b: {  	_ =	shalt  }
0x4c: {  	_ =	shalt  }
0x4d: {  	_ =	shalt  }
0x4e: {  	_ =	shalt  }
0x4f: {  	_ =	shalt  }
0x50: {  	_ =	shalt  }
0x51: {  	_ =	shalt  }
0x52: {  	_ =	shalt  }
0x53: {  	_ =	shalt  }
0x54: {  	_ =	shalt  }
0x55: {  	_ =	shalt  }
0x56: {  	_ =	shalt  }
0x57: {  	_ =	shalt  }
0x58: {  	_ =	shalt  }
0x59: {  	_ =	shalt  }
0x5a: {  	_ =	shalt  }
0x5b: {  	_ =	shalt  }
0x5c: {  	_ =	shalt  }
0x5d: {  	_ =	shalt  }
0x5e: {  	_ =	shalt  }
0x5f: {  	_ =	shalt  }
0x60: {  	_ =	shalt  }
0x61: {  	_ =	shalt  }
0x62: {  	_ =	shalt  }
0x63: {  	_ =	shalt  }
0x64: {  	_ =	shalt  }
0x65: {  	_ =	shalt  }
0x66: {  	_ =	shalt  }
0x67: {  	_ =	shalt  }
0x68: {  	_ =	shalt  }
0x69: {  	_ =	shalt  }
0x6a: {  	_ =	shalt  }
0x6b: {  	_ =	shalt  }
0x6c: {  	_ =	shalt  }
0x6d: {  	_ =	shalt  }
0x6e: {  	_ =	shalt  }
0x6f: {  	_ =	shalt  }
0x70: {  	_ =	shalt  }
0x71: {  	_ =	shalt  }
0x72: {  	_ =	shalt  }
0x73: {  	_ =	shalt  }
0x74: {  	_ =	shalt  }
0x75: {  	_ =	shalt  }
0x76: {  	_ =	shalt  }
0x77: {  	_ =	shalt  }
0x78: {  	_ =	shalt  }
0x79: {  	_ =	shalt  }
0x7a: {  	_ =	shalt  }
0x7b: {  	_ =	shalt  }
0x7c: {  	_ =	shalt  }
0x7d: {  	_ =	shalt  }
0x7e: {  	_ =	shalt  }
0x7f: {  	_ =	shalt  }
0x80: {  	_ =	shalt  }
0x81: {  	_ =	shalt  }
0x82: {  	_ =	shalt  }
0x83: {  	_ =	shalt  }
0x84: {  	_ =	shalt  }
0x85: {  	_ =	shalt  }
0x86: {  	_ =	shalt  }
0x87: {  	_ =	shalt  }
.Lfunc_end0:
.L_simem_size_0:
called_computation.2_lowered:
.L_overlay_start_0:
0x88: {  	s2 =	sld [smem:$0x3FD9]  }
0x89: {  	s3 =	sld [smem:$0x3FFE];
	_ =	sdelay $0x1  }
0x8a: {  	s1 =	srdreg.scid  }
0x8b: {  	s0 =	sand.u32 $0x1, s1  }
0x8c: {  	s16 =	sshll.u32 s0, $0xA;
	s2 =	sadd.s32 s3, s2  }
0x8d: {  	s2 =	sadd.s32 s2, s16  }
0x8e: {  	[smem:$0x3FBD] =	sst s2  }
0x8f: {  	_ = 	snop  }
0x90: {  	(tm) =	ssettm $0x1  }
0x91: {  	s17 =	sld [smem:$0x3FFB];
	_ =	sdelay $0x3  }
0x92: {  	_ =	strace s17  }
0x93: {  	s2 =	sld [smem:$0x3FFC];
	_ =	sdelay $0x3  }
0x94: {  	_ =	strace s2  }
0x95: {  	s2 =	sld [smem:$0x3FFD];
	_ =	sdelay $0x3  }
0x96: {  	_ =	strace s2  }
0x97: {  	_ =	strace $0x8FFFFFFF  }
0x98: {  	s18 =	sld [smem:$0x3FDB];
	_ =	sdelay $0x1  }
0x99: {  	s19 =	simm.s32 $_scs_section_size  }
0x9a: {  	s4 =	simm.s32 $_size__tile_overlayer_lowered;
	s5 =	simm.s32 $_tile_overlayer_lowered  }
0x9b: {  	s22 =	simm.s32 $0x1BFF;
	s21 =	sshll.u32 s5, $0x1;
	s2 =	sadd.s32 s19, s18  }
0x9c: {  	s6 =	simm.s32 $0x0;
	s20 =	sshll.u32 s4, $0x1;
	s4 =	sadd.s32 s21, s2  }
0x9d: {  	[timem:s6], [sflag:s22] =	dma.local [hbm:s4], s20  }
0x9e: {  	_ =	swait.ge [sflag:s22], s20  }
0x9f: {  	s3 =	ssub.s32 $0x0, s20;
	[sflag:s22] =	ssyncset.done $0x0  }
0xa0: {  	[sflag:s22] =	ssyncadd.s32 s3;
	_ =	sdelay $0x1  }
0xa1: {  	s23 =	simm.s32 $0x1B8B  }
0xa2: {  	_ =	swait.ge [sflag:s23], $0x1  }
0xa3: {  	[sflag:s23] =	ssyncset.done $0x0  }
0xa4: {  	s25 =	simm.s32 $0x1B8E;
	s24 =	sld [smem:$0x3FFE];
	[sflag:s23] =	ssyncadd.s32 $0xFFFFFFFF  }
0xa5: {  	s26 =	simm.s32 $execute0_lowered;
	[smem:$0x3FD2] =	sst s25  }
0xa6: {  	s4 =	sshll.u32 s26, $0x1;
	_ =	strace $0x8000004C;
	[dreg:$0x1] =	wrdreg $0xFFFFFFFF  }
0xa7: {  	s28 =	simm.s32 $_size_execute0_lowered;
	s2 =	sadd.s32 s2, s4;
	[dreg:$0x0] =	wrdreg $0x0  }
0xa8: {  	s4 =	sshll.u32 s28, $0x1;
	[dreg:$0x2] =	wrdreg s2  }
0xa9: {  	[dreg:$0x3] =	wrdreg s4  }
0xaa: {  	[dreg:$0x4] =	wrdreg $0xC0  }
0xab: {  	_ =	task [dreg:s6], $0x5FFFF  }
0xac: {  	[dreg:$0x1] =	wrdreg $0xFFFFFFFF  }
0xad: {  	[dreg:$0x0] =	wrdreg $0x60  }
0xae: {  	[dreg:$0x2] =	wrdreg s24  }
0xaf: {  	[dreg:$0x3] =	wrdreg $0x88000  }
0xb0: {  	[dreg:$0x4] =	wrdreg $0x9  }
0xb1: {  	_ =	task.clear_ibuf [dreg:s6], $0x5FFFF;
	_ =	strace $0x9000004C  }
0xb2: {  	s29 =	simm.s32 $0x9;
	_ =	strace $0x8000004E  }
0xb3: {  	_ =	swait.ge [sflag:s29], $0x1  }
0xb4: {  	[sflag:s29] =	ssyncadd.s32 $0xFFFFFFFF  }
0xb5: {  	_ =	strace $0x9000004E  }
0xb6: {  	_ =	sfence  }
0xb7: {  	s30 =	sld [smem:$0x0];
	_ =	sdelay $0x2  }
0xb8: {  	s31 =	sshll.u32 s1, $0xD;
	s1 =	sshrl.u32 s1, $0x2  }
0xb9: {  	s3 =	sand.u32 $0x4000, s31;
	s1 =	sadd.s32 s1, s30  }
0xba: {  	s0 =	sor.u32 s3, s0;
	s1 =	sshll.u32 s1, $0x11  }
0xbb: {  	s0 =	sor.u32 s1, s0  }
0xbc: {  	s0 =	sadd.s32 $0x8F2B, s0  }
0xbd: {  	[sflag:s0] =	ssyncadd.remote.s32 $0x1  }
0xbe: {  	_ =	sfence.sel $0xFFFF  }
0xbf: {  	[dreg:$0x0] =	wrdreg $0xFFFFFFFF;
	(pc) =	sbr.abs _section_cstart, $3  }
0xc0: {  	[dreg:$0x1] =	wrdreg $0xFFFFFFFF  }
0xc1: {  	_ =	task.clear_ibuf [dreg:s6], $0x2FFFF;
	_ =	strace $0x9FFFFFFF  }
0xc2: {  	(tm) =	ssettm $0x7FFFFFFF  }
0xc3: {  	_ =	shalt  }
tec
execute0_lowered:
.L_overlay_start_1:
0x0: {  	(tag) =	ssettag $0x1  }
0x1: {  	s0 =	rddreg [dreg:$0x0]  }
0x2: {  	s1 =	rddreg [dreg:$0x1]  }
0x3: {  	s2 =	simm.s32 $0x0;
	s23 =	srdreg.scid;
	s10 =	stileid.u32  }
0x4: {  	s28 =	simm.s32 $0x6800;
	s29 =	simm.s32 $0x80;
	s30 =	simm.s32 $0x2800  }
0x5: {  	s31 =	simm.s32 $0x0;
	[smem:$0x7FF] =	sst s2;
	s2 =	sand.u32 $0x1, s23  }
0x6: {  	s4 =	sadd.s32 $0xAE00, s0;
	s9 =	smul.u32 $0x14000, s10;
	s5 =	sadd.s32 $0x32E00, s0  }
0x7: {  	s6 =	sadd.s32 $0x87E00, s0;
	s7 =	sadd.s32 $0xAFE00, s0;
	s24 =	smul.u32 $0x50000, s10  }
0x8: {  	s3 =	sshll.u32 s2, $0x4;
	s8 =	smul.u32 $0x500000, s2;
	s2 =	ssub.s32 $0x2, s2  }
0x9: {  	_ =	strace $0x8000004D;
	s3 =	sor.u32 s10, s3;
	s25 =	sshrl.u32 s2, $0x1  }
0xa: {  	s3 =	smul.u32 $0x280, s3;
	s8 =	sadd.s32 s9, s8;
	s9 =	sshrl.u32 s24, $0x2  }
0xb: {  	s2 =	ssub.s32 s2, s25;
	s25 =	simm.s32 $0x1;
	s8 =	sshrl.u32 s8, $0x3  }
0xc: {  	s9 =	sadd.s32 s9, s1;
	s24 =	smax.u32 s2, $0x1;
	s3 =	sadd.s32 s3, s0  }
0xd: {  	s0 =	sadd.s32 s8, s0;
	s11 =	sadd.s32 $0x2000, s9;
	s12 =	sadd.s32 $0x4000, s9  }
0xe: {  	s13 =	sadd.s32 $0x6000, s9;
	s14 =	sadd.s32 $0x8000, s9;
	s15 =	sadd.s32 $0xA000, s9  }
0xf: {  	s16 =	sadd.s32 $0xC000, s9;
	s17 =	sadd.s32 $0xE000, s9;
	s18 =	sadd.s32 $0x10000, s9  }
0x10: {  	s19 =	sadd.s32 $0x12000, s9;
	s26 =	sadd.s32 $0x5AE00, s3;
	s3 =	sadd.s32 $0x5E00, s3  }
0x11: {  	s20 =	sadd.s32 $0xD7E00, s0;
	s21 =	sadd.s32 $0xFFE00, s0;
	[dreg:$0x3] =	wrdreg s26  }
0x12: {  	v0 =	vimm.f32 $0.0e+00;
	s22 =	sadd.s32 $0x127E00, s0;
	s23 =	sadd.s32 $0x14FE00, s0;
	[dreg:$0x4] =	wrdreg s3  }
.LBB2_1:
0x13: {  	s2 =	simm.s32 $0x0  }
0x14: {  	s0 =	sand.u32 $0x7E00, s2  }
0x15: {  	s2 =	sand.u32 $0x70, s2;
	s3 =	sshrl.u32 s0, $0x2  }
0x16: {  	s0 =	simm.s32 $0x40;
	s2 =	sor.u32 s2, s3;
	s3 =	simm.s32 $0x0  }
.LBB2_2:
0x17: {  	p0 =	sne.s32 s0, $0x7FC0  }
0x18: {  	[tilespmem:s2+$0x6800] =	vst v0;
	s3 =	sadd.s32 $0x10, s3;
	s2 =	smov.u32 s0;
	s0 =	sadd.s32 $0x40, s0  }
.Ltmp0:
0x19: {  	(pc) =	sbr.rel @p0 .LBB2_2-.Ltmp0, $4  }
0x1a: {  	_ = 	snop  }
0x1b: {  	s2 =	sand.u32 $0x7E00, s2  }
0x1c: {  	s26 =	sand.u32 $0x70, s3;
	s2 =	sshrl.u32 s2, $0x2  }
0x1d: {  	s2 =	sor.u32 s26, s2  }
0x1e: {  	[tilespmem:s2+$0x6800] =	vst v0;
	s0 =	simm.s32 $0x0;
	s3 =	rddreg [dreg:$0x3]  }
0x1f: {  	[tilespmem:s0], [sflag:$0x1] =	stream.linear.gather [hbm4b:s3+s0], $0x1400, $0x38;
	[tilespmem:$0x1C800] =	vst v63  }
0x20: {  	_ =	swait.ge [sflag:s25], $0x1400  }
0x21: {  	[sflag:s25] =	ssyncset.done $0x0  }
0x22: {  	s3 =	simm.s32 $0x1400;
	s8 =	rddreg [dreg:$0x4];
	[sflag:s25] =	ssyncadd.s32 $0xFFFFEC00  }
0x23: {  	[tilespmem:s3], [sflag:$0x1] =	stream.linear.gather [hbm4b:s8+s0], $0x1400, $0x38;
	[tilespmem:$0x1C800] =	vst v63  }
0x24: {  	_ =	swait.ge [sflag:s25], $0x1400  }
0x25: {  	[sflag:s25] =	ssyncset.done $0x0  }
0x26: {  	[sflag:s25] =	ssyncadd.s32 $0xFFFFEC00  }
0x27: {  	[spmem:s9] =	stream.linear.scatter [tilespmem:s28], [sflag:$0x1], $0x2000, $0x38;
	[tilespmem:$0x1C800] =	vst v63  }
0x28: {  	_ =	swait.ge [sflag:s25], $0x2000  }
0x29: {  	[sflag:s25] =	ssyncset.done $0x0  }
0x2a: {  	[sflag:s25] =	ssyncadd.s32 $0xFFFFE000  }
0x2b: {  	[spmem:s11] =	stream.linear.scatter [tilespmem:s28], [sflag:$0x1], $0x2000, $0x38;
	[tilespmem:$0x1C800] =	vst v63  }
0x2c: {  	_ =	swait.ge [sflag:s25], $0x2000  }
0x2d: {  	[sflag:s25] =	ssyncset.done $0x0  }
0x2e: {  	[sflag:s25] =	ssyncadd.s32 $0xFFFFE000  }
0x2f: {  	[spmem:s12] =	stream.linear.scatter [tilespmem:s28], [sflag:$0x1], $0x2000, $0x38;
	[tilespmem:$0x1C800] =	vst v63  }
0x30: {  	_ =	swait.ge [sflag:s25], $0x2000  }
0x31: {  	[sflag:s25] =	ssyncset.done $0x0  }
0x32: {  	[sflag:s25] =	ssyncadd.s32 $0xFFFFE000  }
0x33: {  	[spmem:s13] =	stream.linear.scatter [tilespmem:s28], [sflag:$0x1], $0x2000, $0x38;
	[tilespmem:$0x1C800] =	vst v63  }
0x34: {  	_ =	swait.ge [sflag:s25], $0x2000  }
0x35: {  	[sflag:s25] =	ssyncset.done $0x0  }
0x36: {  	[sflag:s25] =	ssyncadd.s32 $0xFFFFE000  }
0x37: {  	[spmem:s14] =	stream.linear.scatter [tilespmem:s28], [sflag:$0x1], $0x2000, $0x38;
	[tilespmem:$0x1C800] =	vst v63  }
0x38: {  	_ =	swait.ge [sflag:s25], $0x2000  }
0x39: {  	[sflag:s25] =	ssyncset.done $0x0  }
0x3a: {  	[sflag:s25] =	ssyncadd.s32 $0xFFFFE000  }
0x3b: {  	[spmem:s15] =	stream.linear.scatter [tilespmem:s28], [sflag:$0x1], $0x2000, $0x38;
	[tilespmem:$0x1C800] =	vst v63  }
0x3c: {  	_ =	swait.ge [sflag:s25], $0x2000  }
0x3d: {  	[sflag:s25] =	ssyncset.done $0x0  }
0x3e: {  	[sflag:s25] =	ssyncadd.s32 $0xFFFFE000  }
0x3f: {  	[spmem:s16] =	stream.linear.scatter [tilespmem:s28], [sflag:$0x1], $0x2000, $0x38;
	[tilespmem:$0x1C800] =	vst v63  }
0x40: {  	_ =	swait.ge [sflag:s25], $0x2000  }
0x41: {  	[sflag:s25] =	ssyncset.done $0x0  }
0x42: {  	[sflag:s25] =	ssyncadd.s32 $0xFFFFE000  }
0x43: {  	[spmem:s17] =	stream.linear.scatter [tilespmem:s28], [sflag:$0x1], $0x2000, $0x38;
	[tilespmem:$0x1C800] =	vst v63  }
0x44: {  	_ =	swait.ge [sflag:s25], $0x2000  }
0x45: {  	[sflag:s25] =	ssyncset.done $0x0  }
0x46: {  	[sflag:s25] =	ssyncadd.s32 $0xFFFFE000  }
0x47: {  	[spmem:s18] =	stream.linear.scatter [tilespmem:s28], [sflag:$0x1], $0x2000, $0x38;
	[tilespmem:$0x1C800] =	vst v63  }
0x48: {  	_ =	swait.ge [sflag:s25], $0x2000  }
0x49: {  	[sflag:s25] =	ssyncset.done $0x0  }
0x4a: {  	[sflag:s25] =	ssyncadd.s32 $0xFFFFE000  }
0x4b: {  	[spmem:s19] =	stream.linear.scatter [tilespmem:s28], [sflag:$0x1], $0x2000, $0x38;
	[tilespmem:$0x1C800] =	vst v63  }
0x4c: {  	_ =	swait.ge [sflag:s25], $0x2000  }
0x4d: {  	[sflag:s25] =	ssyncset.done $0x0  }
0x4e: {  	[sflag:s25] =	ssyncadd.s32 $0xFFFFE000  }
0x4f: {  	s10 =	simm.s32 $0x0;
	[bflag:$0x0] =	sbarrier.arrive $0xFFFF  }
0x50: {  	[tilespmem:s30], [sflag:$0x1] =	stream.indirect.gather [hbm4b:s4+s29], $0x80, s10, s29, $0xb8;
	[tilespmem:$0x1C800] =	vst v63  }
0x51: {  	_ =	swait.ge [sflag:s25], $0x4000  }
0x52: {  	[sflag:s25] =	ssyncset.done $0x0  }
0x53: {  	s26 =	simm.s32 $0x1400;
	[sflag:s25] =	ssyncadd.s32 $0xFFFFC000  }
0x54: {  	[spmem:s1] =	stream.indirect.scatter.add.f32 [tilespmem:s30], [sflag:$0x1], $0x80, s26, s29, $0xb8;
	[tilespmem:$0x1C800] =	vst v63  }
0x55: {  	_ =	swait.ge [sflag:s25], $0x4000  }
0x56: {  	s0 =	simm.s32 $0x200;
	s3 =	simm.s32 $0x400;
	[sflag:s25] =	ssyncset.done $0x0  }
.LBB2_4:
0x57: {  	s2 =	sshra.s32 s0, $0x2  }
0x58: {  	[sflag:s25] =	ssyncadd.s32 $0xFFFFC000;
	s0 =	smov.u32 s3;
	s26 =	sadd.s32 $0x200, s3  }
0x59: {  	[tilespmem:s30], [sflag:$0x1] =	stream.indirect.gather [hbm4b:s4+s29], $0x80, s2, s29, $0xb8;
	[tilespmem:$0x1C800] =	vst v63  }
0x5a: {  	p0 =	sne.s32 s3, $0x4E00;
	_ =	swait.ge [sflag:s25], $0x4000  }
.Ltmp1:
0x5b: {  	[sflag:s25] =	ssyncset.done $0x0;
	(pc) =	sbr.rel @p0 .LBB2_4-.Ltmp1, $4  }
0x5c: {  	s2 =	sadd.s32 $0x1400, s2;
	[sflag:s25] =	ssyncadd.s32 $0xFFFFC000  }
0x5d: {  	[spmem:s1] =	stream.indirect.scatter.add.f32 [tilespmem:s30], [sflag:$0x1], $0x80, s2, s29, $0xb8;
	[tilespmem:$0x1C800] =	vst v63  }
0x5e: {  	_ =	swait.ge [sflag:s25], $0x4000  }
0x5f: {  	s3 =	smov.u32 s26;
	[sflag:s25] =	ssyncset.done $0x0  }
0x60: {  	s0 =	sshra.s32 s0, $0x2;
	[sflag:s25] =	ssyncadd.s32 $0xFFFFC000  }
0x61: {  	[tilespmem:s30], [sflag:$0x1] =	stream.indirect.gather [hbm4b:s4+s29], $0x80, s0, s29, $0xb8;
	[tilespmem:$0x1C800] =	vst v63  }
0x62: {  	_ =	swait.ge [sflag:s25], $0x4000  }
0x63: {  	[sflag:s25] =	ssyncset.done $0x0  }
0x64: {  	s0 =	sadd.s32 $0x1400, s0;
	[sflag:s25] =	ssyncadd.s32 $0xFFFFC000  }
0x65: {  	[spmem:s1] =	stream.indirect.scatter.add.f32 [tilespmem:s30], [sflag:$0x1], $0x80, s0, s29, $0xb8;
	[tilespmem:$0x1C800] =	vst v63  }
0x66: {  	_ =	swait.ge [sflag:s25], $0x4000  }
0x67: {  	s8 =	stileid.u32;
	[sflag:s25] =	ssyncset.done $0x0  }
0x68: {  	s0 =	sshll.u32 s8, $0x6;
	[sflag:s25] =	ssyncadd.s32 $0xFFFFC000  }
0x69: {  	s26 =	sshrl.u32 s9, $0x3;
	s0 =	sor.u32 $0x1C01, s0;
	[bflag:$0x0] =	sbarrier.arrive $0xFFFF  }
0x6a: {  	[hbm:s20], [sflag:s0] =	dma.local [spmem:s26], $0x2800  }
0x6b: {  	_ =	swait.ge [sflag:s25], $0x2800  }
0x6c: {  	[sflag:s25] =	ssyncset.done $0x0  }
0x6d: {  	[sflag:s25] =	ssyncadd.s32 $0xFFFFD800  }
0x6e: {  	[spmem:s9] =	stream.linear.scatter [tilespmem:s28], [sflag:$0x1], $0x2000, $0x38;
	[tilespmem:$0x1C800] =	vst v63  }
0x6f: {  	_ =	swait.ge [sflag:s25], $0x2000  }
0x70: {  	[sflag:s25] =	ssyncset.done $0x0  }
0x71: {  	[sflag:s25] =	ssyncadd.s32 $0xFFFFE000  }
0x72: {  	[spmem:s11] =	stream.linear.scatter [tilespmem:s28], [sflag:$0x1], $0x2000, $0x38;
	[tilespmem:$0x1C800] =	vst v63  }
0x73: {  	_ =	swait.ge [sflag:s25], $0x2000  }
0x74: {  	[sflag:s25] =	ssyncset.done $0x0  }
0x75: {  	[sflag:s25] =	ssyncadd.s32 $0xFFFFE000  }
0x76: {  	[spmem:s12] =	stream.linear.scatter [tilespmem:s28], [sflag:$0x1], $0x2000, $0x38;
	[tilespmem:$0x1C800] =	vst v63  }
0x77: {  	_ =	swait.ge [sflag:s25], $0x2000  }
0x78: {  	[sflag:s25] =	ssyncset.done $0x0  }
0x79: {  	[sflag:s25] =	ssyncadd.s32 $0xFFFFE000  }
0x7a: {  	[spmem:s13] =	stream.linear.scatter [tilespmem:s28], [sflag:$0x1], $0x2000, $0x38;
	[tilespmem:$0x1C800] =	vst v63  }
0x7b: {  	_ =	swait.ge [sflag:s25], $0x2000  }
0x7c: {  	[sflag:s25] =	ssyncset.done $0x0  }
0x7d: {  	[sflag:s25] =	ssyncadd.s32 $0xFFFFE000  }
0x7e: {  	[spmem:s14] =	stream.linear.scatter [tilespmem:s28], [sflag:$0x1], $0x2000, $0x38;
	[tilespmem:$0x1C800] =	vst v63  }
0x7f: {  	_ =	swait.ge [sflag:s25], $0x2000  }
0x80: {  	[sflag:s25] =	ssyncset.done $0x0  }
0x81: {  	[sflag:s25] =	ssyncadd.s32 $0xFFFFE000  }
0x82: {  	[spmem:s15] =	stream.linear.scatter [tilespmem:s28], [sflag:$0x1], $0x2000, $0x38;
	[tilespmem:$0x1C800] =	vst v63  }
0x83: {  	_ =	swait.ge [sflag:s25], $0x2000  }
0x84: {  	[sflag:s25] =	ssyncset.done $0x0  }
0x85: {  	[sflag:s25] =	ssyncadd.s32 $0xFFFFE000  }
0x86: {  	[spmem:s16] =	stream.linear.scatter [tilespmem:s28], [sflag:$0x1], $0x2000, $0x38;
	[tilespmem:$0x1C800] =	vst v63  }
0x87: {  	_ =	swait.ge [sflag:s25], $0x2000  }
0x88: {  	[sflag:s25] =	ssyncset.done $0x0  }
0x89: {  	[sflag:s25] =	ssyncadd.s32 $0xFFFFE000  }
0x8a: {  	[spmem:s17] =	stream.linear.scatter [tilespmem:s28], [sflag:$0x1], $0x2000, $0x38;
	[tilespmem:$0x1C800] =	vst v63  }
0x8b: {  	_ =	swait.ge [sflag:s25], $0x2000  }
0x8c: {  	[sflag:s25] =	ssyncset.done $0x0  }
0x8d: {  	[sflag:s25] =	ssyncadd.s32 $0xFFFFE000  }
0x8e: {  	[spmem:s18] =	stream.linear.scatter [tilespmem:s28], [sflag:$0x1], $0x2000, $0x38;
	[tilespmem:$0x1C800] =	vst v63  }
0x8f: {  	_ =	swait.ge [sflag:s25], $0x2000  }
0x90: {  	[sflag:s25] =	ssyncset.done $0x0  }
0x91: {  	[sflag:s25] =	ssyncadd.s32 $0xFFFFE000  }
0x92: {  	[spmem:s19] =	stream.linear.scatter [tilespmem:s28], [sflag:$0x1], $0x2000, $0x38;
	[tilespmem:$0x1C800] =	vst v63  }
0x93: {  	_ =	swait.ge [sflag:s25], $0x2000  }
0x94: {  	[sflag:s25] =	ssyncset.done $0x0  }
0x95: {  	[sflag:s25] =	ssyncadd.s32 $0xFFFFE000  }
0x96: {  	s2 =	simm.s32 $0x0;
	[bflag:$0x0] =	sbarrier.arrive $0xFFFF  }
0x97: {  	[tilespmem:s30], [sflag:$0x1] =	stream.indirect.gather [hbm4b:s5+s29], $0x80, s2, s29, $0xb8;
	[tilespmem:$0x1C800] =	vst v63  }
0x98: {  	_ =	swait.ge [sflag:s25], $0x4000  }
0x99: {  	[sflag:s25] =	ssyncset.done $0x0  }
0x9a: {  	s10 =	simm.s32 $0x1400;
	[sflag:s25] =	ssyncadd.s32 $0xFFFFC000  }
0x9b: {  	[spmem:s1] =	stream.indirect.scatter.add.f32 [tilespmem:s30], [sflag:$0x1], $0x80, s10, s29, $0xb8;
	[tilespmem:$0x1C800] =	vst v63  }
0x9c: {  	_ =	swait.ge [sflag:s25], $0x4000  }
0x9d: {  	s3 =	simm.s32 $0x200;
	s2 =	simm.s32 $0x400;
	[sflag:s25] =	ssyncset.done $0x0  }
.LBB2_6:
0x9e: {  	s8 =	sshra.s32 s3, $0x2  }
0x9f: {  	[sflag:s25] =	ssyncadd.s32 $0xFFFFC000;
	s3 =	smov.u32 s2;
	s10 =	sadd.s32 $0x200, s2  }
0xa0: {  	[tilespmem:s30], [sflag:$0x1] =	stream.indirect.gather [hbm4b:s5+s29], $0x80, s8, s29, $0xb8;
	[tilespmem:$0x1C800] =	vst v63  }
0xa1: {  	p0 =	sne.s32 s2, $0x4E00;
	_ =	swait.ge [sflag:s25], $0x4000  }
.Ltmp2:
0xa2: {  	[sflag:s25] =	ssyncset.done $0x0;
	(pc) =	sbr.rel @p0 .LBB2_6-.Ltmp2, $4  }
0xa3: {  	s2 =	sadd.s32 $0x1400, s8;
	[sflag:s25] =	ssyncadd.s32 $0xFFFFC000  }
0xa4: {  	[spmem:s1] =	stream.indirect.scatter.add.f32 [tilespmem:s30], [sflag:$0x1], $0x80, s2, s29, $0xb8;
	[tilespmem:$0x1C800] =	vst v63  }
0xa5: {  	_ =	swait.ge [sflag:s25], $0x4000  }
0xa6: {  	s2 =	smov.u32 s10;
	[sflag:s25] =	ssyncset.done $0x0  }
0xa7: {  	s2 =	sshra.s32 s3, $0x2;
	[sflag:s25] =	ssyncadd.s32 $0xFFFFC000  }
0xa8: {  	[tilespmem:s30], [sflag:$0x1] =	stream.indirect.gather [hbm4b:s5+s29], $0x80, s2, s29, $0xb8;
	[tilespmem:$0x1C800] =	vst v63  }
0xa9: {  	_ =	swait.ge [sflag:s25], $0x4000  }
0xaa: {  	[sflag:s25] =	ssyncset.done $0x0  }
0xab: {  	s2 =	sadd.s32 $0x1400, s2;
	[sflag:s25] =	ssyncadd.s32 $0xFFFFC000  }
0xac: {  	[spmem:s1] =	stream.indirect.scatter.add.f32 [tilespmem:s30], [sflag:$0x1], $0x80, s2, s29, $0xb8;
	[tilespmem:$0x1C800] =	vst v63  }
0xad: {  	_ =	swait.ge [sflag:s25], $0x4000  }
0xae: {  	[sflag:s25] =	ssyncset.done $0x0  }
0xaf: {  	[sflag:s25] =	ssyncadd.s32 $0xFFFFC000  }
0xb0: {  	[bflag:$0x0] =	sbarrier.arrive $0xFFFF  }
0xb1: {  	[hbm:s21], [sflag:s0] =	dma.local [spmem:s26], $0x2800  }
0xb2: {  	_ =	swait.ge [sflag:s25], $0x2800  }
0xb3: {  	[sflag:s25] =	ssyncset.done $0x0  }
0xb4: {  	[sflag:s25] =	ssyncadd.s32 $0xFFFFD800  }
0xb5: {  	[spmem:s9] =	stream.linear.scatter [tilespmem:s28], [sflag:$0x1], $0x2000, $0x38;
	[tilespmem:$0x1C800] =	vst v63  }
0xb6: {  	_ =	swait.ge [sflag:s25], $0x2000  }
0xb7: {  	[sflag:s25] =	ssyncset.done $0x0  }
0xb8: {  	[sflag:s25] =	ssyncadd.s32 $0xFFFFE000  }
0xb9: {  	[spmem:s11] =	stream.linear.scatter [tilespmem:s28], [sflag:$0x1], $0x2000, $0x38;
	[tilespmem:$0x1C800] =	vst v63  }
0xba: {  	_ =	swait.ge [sflag:s25], $0x2000  }
0xbb: {  	[sflag:s25] =	ssyncset.done $0x0  }
0xbc: {  	[sflag:s25] =	ssyncadd.s32 $0xFFFFE000  }
0xbd: {  	[spmem:s12] =	stream.linear.scatter [tilespmem:s28], [sflag:$0x1], $0x2000, $0x38;
	[tilespmem:$0x1C800] =	vst v63  }
0xbe: {  	_ =	swait.ge [sflag:s25], $0x2000  }
0xbf: {  	[sflag:s25] =	ssyncset.done $0x0  }
0xc0: {  	[sflag:s25] =	ssyncadd.s32 $0xFFFFE000  }
0xc1: {  	[spmem:s13] =	stream.linear.scatter [tilespmem:s28], [sflag:$0x1], $0x2000, $0x38;
	[tilespmem:$0x1C800] =	vst v63  }
0xc2: {  	_ =	swait.ge [sflag:s25], $0x2000  }
0xc3: {  	[sflag:s25] =	ssyncset.done $0x0  }
0xc4: {  	[sflag:s25] =	ssyncadd.s32 $0xFFFFE000  }
0xc5: {  	[spmem:s14] =	stream.linear.scatter [tilespmem:s28], [sflag:$0x1], $0x2000, $0x38;
	[tilespmem:$0x1C800] =	vst v63  }
0xc6: {  	_ =	swait.ge [sflag:s25], $0x2000  }
0xc7: {  	[sflag:s25] =	ssyncset.done $0x0  }
0xc8: {  	[sflag:s25] =	ssyncadd.s32 $0xFFFFE000  }
0xc9: {  	[spmem:s15] =	stream.linear.scatter [tilespmem:s28], [sflag:$0x1], $0x2000, $0x38;
	[tilespmem:$0x1C800] =	vst v63  }
0xca: {  	_ =	swait.ge [sflag:s25], $0x2000  }
0xcb: {  	[sflag:s25] =	ssyncset.done $0x0  }
0xcc: {  	[sflag:s25] =	ssyncadd.s32 $0xFFFFE000  }
0xcd: {  	[spmem:s16] =	stream.linear.scatter [tilespmem:s28], [sflag:$0x1], $0x2000, $0x38;
	[tilespmem:$0x1C800] =	vst v63  }
0xce: {  	_ =	swait.ge [sflag:s25], $0x2000  }
0xcf: {  	[sflag:s25] =	ssyncset.done $0x0  }
0xd0: {  	[sflag:s25] =	ssyncadd.s32 $0xFFFFE000  }
0xd1: {  	[spmem:s17] =	stream.linear.scatter [tilespmem:s28], [sflag:$0x1], $0x2000, $0x38;
	[tilespmem:$0x1C800] =	vst v63  }
0xd2: {  	_ =	swait.ge [sflag:s25], $0x2000  }
0xd3: {  	[sflag:s25] =	ssyncset.done $0x0  }
0xd4: {  	[sflag:s25] =	ssyncadd.s32 $0xFFFFE000  }
0xd5: {  	[spmem:s18] =	stream.linear.scatter [tilespmem:s28], [sflag:$0x1], $0x2000, $0x38;
	[tilespmem:$0x1C800] =	vst v63  }
0xd6: {  	_ =	swait.ge [sflag:s25], $0x2000  }
0xd7: {  	[sflag:s25] =	ssyncset.done $0x0  }
0xd8: {  	[sflag:s25] =	ssyncadd.s32 $0xFFFFE000  }
0xd9: {  	[spmem:s19] =	stream.linear.scatter [tilespmem:s28], [sflag:$0x1], $0x2000, $0x38;
	[tilespmem:$0x1C800] =	vst v63  }
0xda: {  	_ =	swait.ge [sflag:s25], $0x2000  }
0xdb: {  	[sflag:s25] =	ssyncset.done $0x0  }
0xdc: {  	[sflag:s25] =	ssyncadd.s32 $0xFFFFE000  }
0xdd: {  	s8 =	simm.s32 $0x0;
	[bflag:$0x0] =	sbarrier.arrive $0xFFFF  }
0xde: {  	[tilespmem:s30], [sflag:$0x1] =	stream.indirect.gather [hbm4b:s6+s29], $0x80, s8, s29, $0xb8;
	[tilespmem:$0x1C800] =	vst v63  }
0xdf: {  	_ =	swait.ge [sflag:s25], $0x4000  }
0xe0: {  	[sflag:s25] =	ssyncset.done $0x0  }
0xe1: {  	s10 =	simm.s32 $0x1400;
	[sflag:s25] =	ssyncadd.s32 $0xFFFFC000  }
0xe2: {  	[spmem:s1] =	stream.indirect.scatter.add.f32 [tilespmem:s30], [sflag:$0x1], $0x80, s10, s29, $0xb8;
	[tilespmem:$0x1C800] =	vst v63  }
0xe3: {  	_ =	swait.ge [sflag:s25], $0x4000  }
0xe4: {  	s3 =	simm.s32 $0x200;
	s2 =	simm.s32 $0x400;
	[sflag:s25] =	ssyncset.done $0x0  }
.LBB2_8:
0xe5: {  	s8 =	sshra.s32 s3, $0x2  }
0xe6: {  	[sflag:s25] =	ssyncadd.s32 $0xFFFFC000;
	s3 =	smov.u32 s2;
	s10 =	sadd.s32 $0x200, s2  }
0xe7: {  	[tilespmem:s30], [sflag:$0x1] =	stream.indirect.gather [hbm4b:s6+s29], $0x80, s8, s29, $0xb8;
	[tilespmem:$0x1C800] =	vst v63  }
0xe8: {  	p0 =	sne.s32 s2, $0x4E00;
	_ =	swait.ge [sflag:s25], $0x4000  }
.Ltmp3:
0xe9: {  	[sflag:s25] =	ssyncset.done $0x0;
	(pc) =	sbr.rel @p0 .LBB2_8-.Ltmp3, $4  }
0xea: {  	s2 =	sadd.s32 $0x1400, s8;
	[sflag:s25] =	ssyncadd.s32 $0xFFFFC000  }
0xeb: {  	[spmem:s1] =	stream.indirect.scatter.add.f32 [tilespmem:s30], [sflag:$0x1], $0x80, s2, s29, $0xb8;
	[tilespmem:$0x1C800] =	vst v63  }
0xec: {  	_ =	swait.ge [sflag:s25], $0x4000  }
0xed: {  	s2 =	smov.u32 s10;
	[sflag:s25] =	ssyncset.done $0x0  }
0xee: {  	s2 =	sshra.s32 s3, $0x2;
	[sflag:s25] =	ssyncadd.s32 $0xFFFFC000  }
0xef: {  	[tilespmem:s30], [sflag:$0x1] =	stream.indirect.gather [hbm4b:s6+s29], $0x80, s2, s29, $0xb8;
	[tilespmem:$0x1C800] =	vst v63  }
0xf0: {  	_ =	swait.ge [sflag:s25], $0x4000  }
0xf1: {  	[sflag:s25] =	ssyncset.done $0x0  }
0xf2: {  	s2 =	sadd.s32 $0x1400, s2;
	[sflag:s25] =	ssyncadd.s32 $0xFFFFC000  }
0xf3: {  	[spmem:s1] =	stream.indirect.scatter.add.f32 [tilespmem:s30], [sflag:$0x1], $0x80, s2, s29, $0xb8;
	[tilespmem:$0x1C800] =	vst v63  }
0xf4: {  	_ =	swait.ge [sflag:s25], $0x4000  }
0xf5: {  	[sflag:s25] =	ssyncset.done $0x0  }
0xf6: {  	[sflag:s25] =	ssyncadd.s32 $0xFFFFC000  }
0xf7: {  	[bflag:$0x0] =	sbarrier.arrive $0xFFFF  }
0xf8: {  	[hbm:s22], [sflag:s0] =	dma.local [spmem:s26], $0x2800  }
0xf9: {  	_ =	swait.ge [sflag:s25], $0x2800  }
0xfa: {  	[sflag:s25] =	ssyncset.done $0x0  }
0xfb: {  	[sflag:s25] =	ssyncadd.s32 $0xFFFFD800  }
0xfc: {  	[spmem:s9] =	stream.linear.scatter [tilespmem:s28], [sflag:$0x1], $0x2000, $0x38;
	[tilespmem:$0x1C800] =	vst v63  }
0xfd: {  	_ =	swait.ge [sflag:s25], $0x2000  }
0xfe: {  	[sflag:s25] =	ssyncset.done $0x0  }
0xff: {  	[sflag:s25] =	ssyncadd.s32 $0xFFFFE000  }
0x100: {  	[spmem:s11] =	stream.linear.scatter [tilespmem:s28], [sflag:$0x1], $0x2000, $0x38;
	[tilespmem:$0x1C800] =	vst v63  }
0x101: {  	_ =	swait.ge [sflag:s25], $0x2000  }
0x102: {  	[sflag:s25] =	ssyncset.done $0x0  }
0x103: {  	[sflag:s25] =	ssyncadd.s32 $0xFFFFE000  }
0x104: {  	[spmem:s12] =	stream.linear.scatter [tilespmem:s28], [sflag:$0x1], $0x2000, $0x38;
	[tilespmem:$0x1C800] =	vst v63  }
0x105: {  	_ =	swait.ge [sflag:s25], $0x2000  }
0x106: {  	[sflag:s25] =	ssyncset.done $0x0  }
0x107: {  	[sflag:s25] =	ssyncadd.s32 $0xFFFFE000  }
0x108: {  	[spmem:s13] =	stream.linear.scatter [tilespmem:s28], [sflag:$0x1], $0x2000, $0x38;
	[tilespmem:$0x1C800] =	vst v63  }
0x109: {  	_ =	swait.ge [sflag:s25], $0x2000  }
0x10a: {  	[sflag:s25] =	ssyncset.done $0x0  }
0x10b: {  	[sflag:s25] =	ssyncadd.s32 $0xFFFFE000  }
0x10c: {  	[spmem:s14] =	stream.linear.scatter [tilespmem:s28], [sflag:$0x1], $0x2000, $0x38;
	[tilespmem:$0x1C800] =	vst v63  }
0x10d: {  	_ =	swait.ge [sflag:s25], $0x2000  }
0x10e: {  	[sflag:s25] =	ssyncset.done $0x0  }
0x10f: {  	[sflag:s25] =	ssyncadd.s32 $0xFFFFE000  }
0x110: {  	[spmem:s15] =	stream.linear.scatter [tilespmem:s28], [sflag:$0x1], $0x2000, $0x38;
	[tilespmem:$0x1C800] =	vst v63  }
0x111: {  	_ =	swait.ge [sflag:s25], $0x2000  }
0x112: {  	[sflag:s25] =	ssyncset.done $0x0  }
0x113: {  	[sflag:s25] =	ssyncadd.s32 $0xFFFFE000  }
0x114: {  	[spmem:s16] =	stream.linear.scatter [tilespmem:s28], [sflag:$0x1], $0x2000, $0x38;
	[tilespmem:$0x1C800] =	vst v63  }
0x115: {  	_ =	swait.ge [sflag:s25], $0x2000  }
0x116: {  	[sflag:s25] =	ssyncset.done $0x0  }
0x117: {  	[sflag:s25] =	ssyncadd.s32 $0xFFFFE000  }
0x118: {  	[spmem:s17] =	stream.linear.scatter [tilespmem:s28], [sflag:$0x1], $0x2000, $0x38;
	[tilespmem:$0x1C800] =	vst v63  }
0x119: {  	_ =	swait.ge [sflag:s25], $0x2000  }
0x11a: {  	[sflag:s25] =	ssyncset.done $0x0  }
0x11b: {  	[sflag:s25] =	ssyncadd.s32 $0xFFFFE000  }
0x11c: {  	[spmem:s18] =	stream.linear.scatter [tilespmem:s28], [sflag:$0x1], $0x2000, $0x38;
	[tilespmem:$0x1C800] =	vst v63  }
0x11d: {  	_ =	swait.ge [sflag:s25], $0x2000  }
0x11e: {  	[sflag:s25] =	ssyncset.done $0x0  }
0x11f: {  	[sflag:s25] =	ssyncadd.s32 $0xFFFFE000  }
0x120: {  	[spmem:s19] =	stream.linear.scatter [tilespmem:s28], [sflag:$0x1], $0x2000, $0x38;
	[tilespmem:$0x1C800] =	vst v63  }
0x121: {  	_ =	swait.ge [sflag:s25], $0x2000  }
0x122: {  	[sflag:s25] =	ssyncset.done $0x0  }
0x123: {  	[sflag:s25] =	ssyncadd.s32 $0xFFFFE000  }
0x124: {  	s8 =	simm.s32 $0x0;
	[bflag:$0x0] =	sbarrier.arrive $0xFFFF  }
0x125: {  	[tilespmem:s30], [sflag:$0x1] =	stream.indirect.gather [hbm4b:s7+s29], $0x80, s8, s29, $0xb8;
	[tilespmem:$0x1C800] =	vst v63  }
0x126: {  	_ =	swait.ge [sflag:s25], $0x4000  }
0x127: {  	[sflag:s25] =	ssyncset.done $0x0  }
0x128: {  	s10 =	simm.s32 $0x1400;
	[sflag:s25] =	ssyncadd.s32 $0xFFFFC000  }
0x129: {  	[spmem:s1] =	stream.indirect.scatter.add.f32 [tilespmem:s30], [sflag:$0x1], $0x80, s10, s29, $0xb8;
	[tilespmem:$0x1C800] =	vst v63  }
0x12a: {  	_ =	swait.ge [sflag:s25], $0x4000  }
0x12b: {  	s3 =	simm.s32 $0x200;
	s2 =	simm.s32 $0x400;
	[sflag:s25] =	ssyncset.done $0x0  }
.LBB2_10:
0x12c: {  	s8 =	sshra.s32 s3, $0x2  }
0x12d: {  	[sflag:s25] =	ssyncadd.s32 $0xFFFFC000;
	s3 =	smov.u32 s2;
	s10 =	sadd.s32 $0x200, s2  }
0x12e: {  	[tilespmem:s30], [sflag:$0x1] =	stream.indirect.gather [hbm4b:s7+s29], $0x80, s8, s29, $0xb8;
	[tilespmem:$0x1C800] =	vst v63  }
0x12f: {  	p0 =	sne.s32 s2, $0x4E00;
	_ =	swait.ge [sflag:s25], $0x4000  }
.Ltmp4:
0x130: {  	[sflag:s25] =	ssyncset.done $0x0;
	(pc) =	sbr.rel @p0 .LBB2_10-.Ltmp4, $4  }
0x131: {  	s2 =	sadd.s32 $0x1400, s8;
	[sflag:s25] =	ssyncadd.s32 $0xFFFFC000  }
0x132: {  	[spmem:s1] =	stream.indirect.scatter.add.f32 [tilespmem:s30], [sflag:$0x1], $0x80, s2, s29, $0xb8;
	[tilespmem:$0x1C800] =	vst v63  }
0x133: {  	_ =	swait.ge [sflag:s25], $0x4000  }
0x134: {  	s2 =	smov.u32 s10;
	[sflag:s25] =	ssyncset.done $0x0  }
0x135: {  	s2 =	sshra.s32 s3, $0x2;
	[sflag:s25] =	ssyncadd.s32 $0xFFFFC000  }
0x136: {  	[tilespmem:s30], [sflag:$0x1] =	stream.indirect.gather [hbm4b:s7+s29], $0x80, s2, s29, $0xb8;
	[tilespmem:$0x1C800] =	vst v63  }
0x137: {  	_ =	swait.ge [sflag:s25], $0x4000  }
0x138: {  	[sflag:s25] =	ssyncset.done $0x0  }
0x139: {  	s2 =	sadd.s32 $0x1400, s2;
	[sflag:s25] =	ssyncadd.s32 $0xFFFFC000  }
0x13a: {  	[spmem:s1] =	stream.indirect.scatter.add.f32 [tilespmem:s30], [sflag:$0x1], $0x80, s2, s29, $0xb8;
	[tilespmem:$0x1C800] =	vst v63  }
0x13b: {  	_ =	swait.ge [sflag:s25], $0x4000  }
0x13c: {  	s31 =	sadd.s32 $0x1, s31;
	[sflag:s25] =	ssyncset.done $0x0  }
0x13d: {  	p0 =	sne.s32 s31, s24;
	[sflag:s25] =	ssyncadd.s32 $0xFFFFC000  }
.Ltmp5:
0x13e: {  	[bflag:$0x0] =	sbarrier.arrive $0xFFFF;
	(pc) =	sbr.rel @p0 .LBB2_1-.Ltmp5, $4  }
0x13f: {  	[hbm:s23], [sflag:s0] =	dma.local [spmem:s26], $0x2800  }
0x140: {  	_ =	swait.ge [sflag:s25], $0x2800  }
0x141: {  	[sflag:s25] =	ssyncset.done $0x0  }
0x142: {  	[sflag:s25] =	ssyncadd.s32 $0xFFFFD800  }
0x143: {  	_ =	sfence.sel $0x180000  }
0x144: {  	[bflag:$0x0] =	sbarrier.arrive $0xFFFF  }
0x145: {  	_ =	strace $0x9000004D  }
0x146: {  	s0 =	stileid.u32;
	[bflag:$0x2] =	sbarrier.arrive $0xFFFF  }
0x147: {  	p0 =	sne.s32 s0, $0x0;
	s0 =	rddreg [dreg:$0x2]  }
0x148: {  	s0 =	sadd.s32 @!p0 $0x100000, s0  }
0x149: {  	[sflag:s0] =	ssyncadd.tile.s32 @!p0 $0x1;
	_ =	shalt  }
.Lfunc_end2:
_tile_overlayer_lowered:
.L_overlay_start_2:
0x14a: {  	(tag) =	ssettag $0x2  }
0x14b: {  	s0 =	rddreg [dreg:$0x0];
	s2 =	stileid.u32  }
0x14c: {  	s1 =	rddreg [dreg:$0x1];
	p0 =	sne.s32 s2, $0x0  }
0x14d: {  	s3 =	rddreg [dreg:$0x2];
	[bflag:$0x3] =	sbarrier.arrive $0xFFFF;
	s2 =	simm.s32 @!p0 $0x1C01  }
0x14e: {  	[timem:s3], [sflag:s2] =	dma.local @!p0 [hbm:s0], s1  }
0x14f: {  	s0 =	simm.s32 @!p0 $0x1  }
0x150: {  	_ =	swait.ge @!p0 [sflag:s0], s1  }
0x151: {  	s1 =	ssub.s32 @!p0 $0x0, s1;
	[sflag:s0] =	ssyncset.done @!p0 $0x0  }
0x152: {  	[sflag:s0] =	ssyncadd.s32 @!p0 s1  }
0x153: {  	[bflag:$0x3] =	sbarrier.arrive $0xFFFF  }
0x154: {  	_ =	shalt  }

// kernel: kernel.19.cloned.1.call-start
scs
__scs_entry_jumppad:
0x0: {  	(pc) =	sbr.rel $0x88, $3  }
0x1: {  	(tag) =	ssettag $0x0;
	lr =	simm.s32 $0x1  }
0x2: {  	[smem:$0x3F96] =	sst lr;
	_ =	strace $0xD0000000  }
0x3: {  	_ = 	snop  }
0x4: {  	_ = 	snop  }
0x5: {  	_ = 	snop  }
0x6: {  	_ = 	snop  }
0x7: {  	_ = 	snop  }
__scs_overlays_trampoline_lowered:
0x8: {  	[smem:$0x3FA5] =	sst s0  }
0x9: {  	[smem:$0x3FA6] =	sst s1  }
0xa: {  	[smem:$0x3FA7] =	sst s2  }
0xb: {  	[smem:$0x3FA8] =	sst s3  }
0xc: {  	[smem:$0x3FA9] =	sst s4  }
0xd: {  	[smem:$0x3FAA] =	sst s5  }
0xe: {  	[smem:$0x3FAB] =	sst s6  }
0xf: {  	[smem:$0x3FAC] =	sst s7  }
0x10: {  	[smem:$0x3FAD] =	sst s8  }
0x11: {  	[smem:$0x3FAE] =	sst s9;
	s0 =	simm.s32 @!p0 $0x0  }
0x12: {  	s1 =	sld [smem:$0x3F94];
	s0 =	simm.s32 @p0 $0x1  }
0x13: {  	[smem:$0x3FAF] =	sst s0;
	s0 =	simm.s32 @!p1 $0x0  }
0x14: {  	s2 =	sld [smem:$0x3F93];
	s0 =	simm.s32 @p1 $0x1  }
0x15: {  	[smem:$0x3FB0] =	sst s0;
	s0 =	simm.s32 @!p2 $0x0  }
0x16: {  	s3 =	sld [smem:$0x3FDB];
	s0 =	simm.s32 @p2 $0x1  }
0x17: {  	s4 =	simm.s32 $0x1BF5;
	[smem:$0x3FB2] =	sst s0  }
0x18: {  	s0 =	sld [smem:$0x3F95];
	_ =	swait.ge [sflag:s4], $0x0  }
0x19: {  	s7 =	sld [smem:$0x3F96]  }
0x1a: {  	s8 =	sadd.s32 $0xFFFFE003, lr  }
0x1b: {  	s9 =	sadd.s32 $0xFFFFFEF7, lr;
	s5 =	simm.s32 $0xFFFFFFFF;
	p2 =	slt.u32 s8, $0xFFFFF086  }
0x1c: {  	p1 =	slt.u32 s9, $0xF7A;
	s5 =	simm.s32 @!p2 $0x0  }
0x1d: {  	s5 =	simm.s32 @p1 $0x1;
	p0 =	seq.s32 s7, s2  }
0x1e: {  	s7 =	smul.u32 @!p0 $0xF7A, s2;
	p2 =	seq.s32 @!p0 s5, $0x0  }
0x1f: {  	s9 =	smul.u32 $0xF7A, s1;
	s8 =	simm.s32 @!p0 $0x1BF5;
	p2 =	por !p2, p0  }
0x20: {  	[sflag:s8] =	ssyncset.s32 @!p0 $0xFFFFF086;
	s6 =	sadd.s32 @!p0 s3, s7;
	s7 =	simm.s32 @!p0 $0x108  }
0x21: {  	s3 =	sadd.s32 s3, s9;
	s6 =	sadd.s32 @!p0 $0x88, s6;
	s7 =	simm.s32 @p2 $0x1082  }
0x22: {  	[simem:s7], [sflag:s8] =	dma.local @!p0 [hbm:s6], $0xF7A  }
0x23: {  	s9 =	sor.u32 $0xD0000000, s2;
	s6 =	simm.s32 $0x108;
	_ =	swait.ge @!p0 [sflag:s8], $0x0  }
0x24: {  	s3 =	sadd.s32 $0x88, s3;
	s6 =	simm.s32 @!p1 $0x1082;
	[sflag:s4] =	ssyncset.s32 $0xFFFFF086  }
0x25: {  	[simem:s6], [sflag:s4] =	dma.local [hbm:s3], $0xF7A  }
0x26: {  	[smem:$0x3F96] =	sst s1;
	(tag) =	ssettag s2;
	_ =	strace s9  }
0x27: {  	s1 =	sld [smem:$0x3FA6]  }
0x28: {  	s2 =	sld [smem:$0x3FA7]  }
0x29: {  	s4 =	sld [smem:$0x3FA9]  }
0x2a: {  	p0 =	seq.s32 s5, $0x0;
	s5 =	sld [smem:$0x3FAA]  }
0x2b: {  	s6 =	sld [smem:$0x3FAB]  }
0x2c: {  	s7 =	sld [smem:$0x3FAC]  }
0x2d: {  	s3 =	simm.s32 $0x108;
	s8 =	sld [smem:$0x3FAD]  }
0x2e: {  	s3 =	simm.s32 @!p0 $0x1082;
	s9 =	sld [smem:$0x3FAE]  }
0x2f: {  	lr =	sadd.s32 s0, s3;
	s0 =	sld [smem:$0x3FA5]  }
0x30: {  	s3 =	sld [smem:$0x3FA8]  }
0x31: {  	[smem:$0x3FB1] =	sst s10  }
0x32: {  	s10 =	sld [smem:$0x3FAF];
	_ =	sdelay $0x3  }
0x33: {  	p0 =	seq.s32 s10, $0x1;
	s10 =	sld [smem:$0x3FB1];
	_ =	sdelay $0x3  }
0x34: {  	[smem:$0x3FB1] =	sst s10  }
0x35: {  	s10 =	sld [smem:$0x3FB0];
	_ =	sdelay $0x3  }
0x36: {  	p1 =	seq.s32 s10, $0x1;
	s10 =	sld [smem:$0x3FB1];
	_ =	sdelay $0x3  }
0x37: {  	[smem:$0x3FB1] =	sst s10  }
0x38: {  	s10 =	sld [smem:$0x3FB2]  }
0x39: {  	_ = 	snop;
	(pc) =	sbr.ind lr, $3  }
0x3a: {  	_ = 	snop  }
0x3b: {  	_ = 	snop  }
0x3c: {  	p2 =	seq.s32 s10, $0x1;
	s10 =	sld [smem:$0x3FB1]  }
0x3d: {  	_ =	shalt  }
0x3e: {  	_ =	shalt  }
0x3f: {  	_ =	shalt  }
0x40: {  	_ =	shalt  }
0x41: {  	_ =	shalt  }
0x42: {  	_ =	shalt  }
0x43: {  	_ =	shalt  }
0x44: {  	_ =	shalt  }
0x45: {  	_ =	shalt  }
0x46: {  	_ =	shalt  }
0x47: {  	_ =	shalt  }
0x48: {  	_ =	shalt  }
0x49: {  	_ =	shalt  }
0x4a: {  	_ =	shalt  }
0x4b: {  	_ =	shalt  }
0x4c: {  	_ =	shalt  }
0x4d: {  	_ =	shalt  }
0x4e: {  	_ =	shalt  }
0x4f: {  	_ =	shalt  }
0x50: {  	_ =	shalt  }
0x51: {  	_ =	shalt  }
0x52: {  	_ =	shalt  }
0x53: {  	_ =	shalt  }
0x54: {  	_ =	shalt  }
0x55: {  	_ =	shalt  }
0x56: {  	_ =	shalt  }
0x57: {  	_ =	shalt  }
0x58: {  	_ =	shalt  }
0x59: {  	_ =	shalt  }
0x5a: {  	_ =	shalt  }
0x5b: {  	_ =	shalt  }
0x5c: {  	_ =	shalt  }
0x5d: {  	_ =	shalt  }
0x5e: {  	_ =	shalt  }
0x5f: {  	_ =	shalt  }
0x60: {  	_ =	shalt  }
0x61: {  	_ =	shalt  }
0x62: {  	_ =	shalt  }
0x63: {  	_ =	shalt  }
0x64: {  	_ =	shalt  }
0x65: {  	_ =	shalt  }
0x66: {  	_ =	shalt  }
0x67: {  	_ =	shalt  }
0x68: {  	_ =	shalt  }
0x69: {  	_ =	shalt  }
0x6a: {  	_ =	shalt  }
0x6b: {  	_ =	shalt  }
0x6c: {  	_ =	shalt  }
0x6d: {  	_ =	shalt  }
0x6e: {  	_ =	shalt  }
0x6f: {  	_ =	shalt  }
0x70: {  	_ =	shalt  }
0x71: {  	_ =	shalt  }
0x72: {  	_ =	shalt  }
0x73: {  	_ =	shalt  }
0x74: {  	_ =	shalt  }
0x75: {  	_ =	shalt  }
0x76: {  	_ =	shalt  }
0x77: {  	_ =	shalt  }
0x78: {  	_ =	shalt  }
0x79: {  	_ =	shalt  }
0x7a: {  	_ =	shalt  }
0x7b: {  	_ =	shalt  }
0x7c: {  	_ =	shalt  }
0x7d: {  	_ =	shalt  }
0x7e: {  	_ =	shalt  }
0x7f: {  	_ =	shalt  }
0x80: {  	_ =	shalt  }
0x81: {  	_ =	shalt  }
0x82: {  	_ =	shalt  }
0x83: {  	_ =	shalt  }
0x84: {  	_ =	shalt  }
0x85: {  	_ =	shalt  }
0x86: {  	_ =	shalt  }
0x87: {  	_ =	shalt  }
.Lfunc_end0:
.L_simem_size_0:
called_computation.3_lowered:
.L_overlay_start_0:
0x88: {  	s2 =	sld [smem:$0x3FD9]  }
0x89: {  	s3 =	sld [smem:$0x3FFE];
	_ =	sdelay $0x1  }
0x8a: {  	s1 =	srdreg.scid  }
0x8b: {  	s0 =	sand.u32 $0x1, s1  }
0x8c: {  	s16 =	sshll.u32 s0, $0xA;
	s2 =	sadd.s32 s3, s2  }
0x8d: {  	s2 =	sadd.s32 s2, s16  }
0x8e: {  	[smem:$0x3FBD] =	sst s2  }
0x8f: {  	_ = 	snop  }
0x90: {  	(tm) =	ssettm $0x1  }
0x91: {  	s17 =	sld [smem:$0x3FFB];
	_ =	sdelay $0x3  }
0x92: {  	_ =	strace s17  }
0x93: {  	s2 =	sld [smem:$0x3FFC];
	_ =	sdelay $0x3  }
0x94: {  	_ =	strace s2  }
0x95: {  	s2 =	sld [smem:$0x3FFD];
	_ =	sdelay $0x3  }
0x96: {  	_ =	strace s2  }
0x97: {  	_ =	strace $0x8FFFFFFF  }
0x98: {  	s18 =	sld [smem:$0x3FDB];
	_ =	sdelay $0x1  }
0x99: {  	s19 =	simm.s32 $_scs_section_size  }
0x9a: {  	s4 =	simm.s32 $_size__tile_overlayer_lowered;
	s5 =	simm.s32 $_tile_overlayer_lowered  }
0x9b: {  	s22 =	simm.s32 $0x1BFF;
	s21 =	sshll.u32 s5, $0x1;
	s2 =	sadd.s32 s19, s18  }
0x9c: {  	s6 =	simm.s32 $0x0;
	s20 =	sshll.u32 s4, $0x1;
	s4 =	sadd.s32 s21, s2  }
0x9d: {  	[timem:s6], [sflag:s22] =	dma.local [hbm:s4], s20  }
0x9e: {  	_ =	swait.ge [sflag:s22], s20  }
0x9f: {  	s3 =	ssub.s32 $0x0, s20;
	[sflag:s22] =	ssyncset.done $0x0  }
0xa0: {  	[sflag:s22] =	ssyncadd.s32 s3;
	_ =	sdelay $0x1  }
0xa1: {  	s23 =	simm.s32 $0x1B8B  }
0xa2: {  	_ =	swait.ge [sflag:s23], $0x1  }
0xa3: {  	[sflag:s23] =	ssyncset.done $0x0  }
0xa4: {  	s25 =	simm.s32 $0x1B8E;
	s24 =	sld [smem:$0x3FFE];
	[sflag:s23] =	ssyncadd.s32 $0xFFFFFFFF  }
0xa5: {  	s26 =	simm.s32 $execute0_lowered;
	[smem:$0x3FD2] =	sst s25  }
0xa6: {  	s4 =	sshll.u32 s26, $0x1;
	_ =	strace $0x8000004F;
	[dreg:$0x1] =	wrdreg $0xFFFFFFFF  }
0xa7: {  	s28 =	simm.s32 $_size_execute0_lowered;
	s2 =	sadd.s32 s2, s4;
	[dreg:$0x0] =	wrdreg $0x0  }
0xa8: {  	s4 =	sshll.u32 s28, $0x1;
	[dreg:$0x2] =	wrdreg s2  }
0xa9: {  	[dreg:$0x3] =	wrdreg s4  }
0xaa: {  	[dreg:$0x4] =	wrdreg $0xC0  }
0xab: {  	_ =	task [dreg:s6], $0x5FFFF  }
0xac: {  	[dreg:$0x1] =	wrdreg $0xFFFFFFFF  }
0xad: {  	[dreg:$0x0] =	wrdreg $0x60  }
0xae: {  	[dreg:$0x2] =	wrdreg s24  }
0xaf: {  	[dreg:$0x3] =	wrdreg $0x88000  }
0xb0: {  	[dreg:$0x4] =	wrdreg $0x9  }
0xb1: {  	_ =	task.clear_ibuf [dreg:s6], $0x5FFFF;
	_ =	strace $0x9000004F  }
0xb2: {  	s29 =	simm.s32 $0x9;
	_ =	strace $0x80000051  }
0xb3: {  	_ =	swait.ge [sflag:s29], $0x1  }
0xb4: {  	[sflag:s29] =	ssyncadd.s32 $0xFFFFFFFF  }
0xb5: {  	_ =	strace $0x90000051  }
0xb6: {  	_ =	sfence  }
0xb7: {  	s30 =	sld [smem:$0x0];
	_ =	sdelay $0x2  }
0xb8: {  	s31 =	sshll.u32 s1, $0xD;
	s1 =	sshrl.u32 s1, $0x2  }
0xb9: {  	s3 =	sand.u32 $0x4000, s31;
	s1 =	sadd.s32 s1, s30  }
0xba: {  	s0 =	sor.u32 s3, s0;
	s1 =	sshll.u32 s1, $0x11  }
0xbb: {  	s0 =	sor.u32 s1, s0  }
0xbc: {  	s0 =	sadd.s32 $0x8F2B, s0  }
0xbd: {  	[sflag:s0] =	ssyncadd.remote.s32 $0x1  }
0xbe: {  	_ =	sfence.sel $0xFFFF  }
0xbf: {  	[dreg:$0x0] =	wrdreg $0xFFFFFFFF;
	(pc) =	sbr.abs _section_cstart, $3  }
0xc0: {  	[dreg:$0x1] =	wrdreg $0xFFFFFFFF  }
0xc1: {  	_ =	task.clear_ibuf [dreg:s6], $0x2FFFF;
	_ =	strace $0x9FFFFFFF  }
0xc2: {  	(tm) =	ssettm $0x7FFFFFFF  }
0xc3: {  	_ =	shalt  }
tec
execute0_lowered:
.L_overlay_start_1:
0x0: {  	(tag) =	ssettag $0x1  }
0x1: {  	s0 =	rddreg [dreg:$0x0]  }
0x2: {  	s1 =	rddreg [dreg:$0x1]  }
0x3: {  	s2 =	simm.s32 $0x0;
	s23 =	srdreg.scid;
	s10 =	stileid.u32  }
0x4: {  	s28 =	simm.s32 $0x6800;
	s29 =	simm.s32 $0x80;
	s30 =	simm.s32 $0x2800  }
0x5: {  	s31 =	simm.s32 $0x0;
	[smem:$0x7FF] =	sst s2;
	s2 =	sand.u32 $0x1, s23  }
0x6: {  	s4 =	sadd.s32 $0xAE00, s0;
	s9 =	smul.u32 $0x14000, s10;
	s5 =	sadd.s32 $0x32E00, s0  }
0x7: {  	s6 =	sadd.s32 $0x87E00, s0;
	s7 =	sadd.s32 $0xAFE00, s0;
	s24 =	smul.u32 $0x50000, s10  }
0x8: {  	s3 =	sshll.u32 s2, $0x4;
	s8 =	smul.u32 $0x500000, s2;
	s2 =	ssub.s32 $0x2, s2  }
0x9: {  	_ =	strace $0x80000050;
	s3 =	sor.u32 s10, s3;
	s25 =	sshrl.u32 s2, $0x1  }
0xa: {  	s3 =	smul.u32 $0x280, s3;
	s8 =	sadd.s32 s9, s8;
	s9 =	sshrl.u32 s24, $0x2  }
0xb: {  	s2 =	ssub.s32 s2, s25;
	s25 =	simm.s32 $0x1;
	s8 =	sshrl.u32 s8, $0x3  }
0xc: {  	s9 =	sadd.s32 s9, s1;
	s24 =	smax.u32 s2, $0x1;
	s3 =	sadd.s32 s3, s0  }
0xd: {  	s0 =	sadd.s32 s8, s0;
	s11 =	sadd.s32 $0x2000, s9;
	s12 =	sadd.s32 $0x4000, s9  }
0xe: {  	s13 =	sadd.s32 $0x6000, s9;
	s14 =	sadd.s32 $0x8000, s9;
	s15 =	sadd.s32 $0xA000, s9  }
0xf: {  	s16 =	sadd.s32 $0xC000, s9;
	s17 =	sadd.s32 $0xE000, s9;
	s18 =	sadd.s32 $0x10000, s9  }
0x10: {  	s19 =	sadd.s32 $0x12000, s9;
	s26 =	sadd.s32 $0x5AE00, s3;
	s3 =	sadd.s32 $0x5E00, s3  }
0x11: {  	s20 =	sadd.s32 $0xD7E00, s0;
	s21 =	sadd.s32 $0xFFE00, s0;
	[dreg:$0x3] =	wrdreg s26  }
0x12: {  	v0 =	vimm.f32 $0.0e+00;
	s22 =	sadd.s32 $0x127E00, s0;
	s23 =	sadd.s32 $0x14FE00, s0;
	[dreg:$0x4] =	wrdreg s3  }
.LBB2_1:
0x13: {  	s2 =	simm.s32 $0x0  }
0x14: {  	s0 =	sand.u32 $0x7E00, s2  }
0x15: {  	s2 =	sand.u32 $0x70, s2;
	s3 =	sshrl.u32 s0, $0x2  }
0x16: {  	s0 =	simm.s32 $0x40;
	s2 =	sor.u32 s2, s3;
	s3 =	simm.s32 $0x0  }
.LBB2_2:
0x17: {  	p0 =	sne.s32 s0, $0x7FC0  }
0x18: {  	[tilespmem:s2+$0x6800] =	vst v0;
	s3 =	sadd.s32 $0x10, s3;
	s2 =	smov.u32 s0;
	s0 =	sadd.s32 $0x40, s0  }
.Ltmp0:
0x19: {  	(pc) =	sbr.rel @p0 .LBB2_2-.Ltmp0, $4  }
0x1a: {  	_ = 	snop  }
0x1b: {  	s2 =	sand.u32 $0x7E00, s2  }
0x1c: {  	s26 =	sand.u32 $0x70, s3;
	s2 =	sshrl.u32 s2, $0x2  }
0x1d: {  	s2 =	sor.u32 s26, s2  }
0x1e: {  	[tilespmem:s2+$0x6800] =	vst v0;
	s0 =	simm.s32 $0x0;
	s3 =	rddreg [dreg:$0x3]  }
0x1f: {  	[tilespmem:s0], [sflag:$0x1] =	stream.linear.gather [hbm4b:s3+s0], $0x1400, $0x38;
	[tilespmem:$0x1C800] =	vst v63  }
0x20: {  	_ =	swait.ge [sflag:s25], $0x1400  }
0x21: {  	[sflag:s25] =	ssyncset.done $0x0  }
0x22: {  	s3 =	simm.s32 $0x1400;
	s8 =	rddreg [dreg:$0x4];
	[sflag:s25] =	ssyncadd.s32 $0xFFFFEC00  }
0x23: {  	[tilespmem:s3], [sflag:$0x1] =	stream.linear.gather [hbm4b:s8+s0], $0x1400, $0x38;
	[tilespmem:$0x1C800] =	vst v63  }
0x24: {  	_ =	swait.ge [sflag:s25], $0x1400  }
0x25: {  	[sflag:s25] =	ssyncset.done $0x0  }
0x26: {  	[sflag:s25] =	ssyncadd.s32 $0xFFFFEC00  }
0x27: {  	[spmem:s9] =	stream.linear.scatter [tilespmem:s28], [sflag:$0x1], $0x2000, $0x38;
	[tilespmem:$0x1C800] =	vst v63  }
0x28: {  	_ =	swait.ge [sflag:s25], $0x2000  }
0x29: {  	[sflag:s25] =	ssyncset.done $0x0  }
0x2a: {  	[sflag:s25] =	ssyncadd.s32 $0xFFFFE000  }
0x2b: {  	[spmem:s11] =	stream.linear.scatter [tilespmem:s28], [sflag:$0x1], $0x2000, $0x38;
	[tilespmem:$0x1C800] =	vst v63  }
0x2c: {  	_ =	swait.ge [sflag:s25], $0x2000  }
0x2d: {  	[sflag:s25] =	ssyncset.done $0x0  }
0x2e: {  	[sflag:s25] =	ssyncadd.s32 $0xFFFFE000  }
0x2f: {  	[spmem:s12] =	stream.linear.scatter [tilespmem:s28], [sflag:$0x1], $0x2000, $0x38;
	[tilespmem:$0x1C800] =	vst v63  }
0x30: {  	_ =	swait.ge [sflag:s25], $0x2000  }
0x31: {  	[sflag:s25] =	ssyncset.done $0x0  }
0x32: {  	[sflag:s25] =	ssyncadd.s32 $0xFFFFE000  }
0x33: {  	[spmem:s13] =	stream.linear.scatter [tilespmem:s28], [sflag:$0x1], $0x2000, $0x38;
	[tilespmem:$0x1C800] =	vst v63  }
0x34: {  	_ =	swait.ge [sflag:s25], $0x2000  }
0x35: {  	[sflag:s25] =	ssyncset.done $0x0  }
0x36: {  	[sflag:s25] =	ssyncadd.s32 $0xFFFFE000  }
0x37: {  	[spmem:s14] =	stream.linear.scatter [tilespmem:s28], [sflag:$0x1], $0x2000, $0x38;
	[tilespmem:$0x1C800] =	vst v63  }
0x38: {  	_ =	swait.ge [sflag:s25], $0x2000  }
0x39: {  	[sflag:s25] =	ssyncset.done $0x0  }
0x3a: {  	[sflag:s25] =	ssyncadd.s32 $0xFFFFE000  }
0x3b: {  	[spmem:s15] =	stream.linear.scatter [tilespmem:s28], [sflag:$0x1], $0x2000, $0x38;
	[tilespmem:$0x1C800] =	vst v63  }
0x3c: {  	_ =	swait.ge [sflag:s25], $0x2000  }
0x3d: {  	[sflag:s25] =	ssyncset.done $0x0  }
0x3e: {  	[sflag:s25] =	ssyncadd.s32 $0xFFFFE000  }
0x3f: {  	[spmem:s16] =	stream.linear.scatter [tilespmem:s28], [sflag:$0x1], $0x2000, $0x38;
	[tilespmem:$0x1C800] =	vst v63  }
0x40: {  	_ =	swait.ge [sflag:s25], $0x2000  }
0x41: {  	[sflag:s25] =	ssyncset.done $0x0  }
0x42: {  	[sflag:s25] =	ssyncadd.s32 $0xFFFFE000  }
0x43: {  	[spmem:s17] =	stream.linear.scatter [tilespmem:s28], [sflag:$0x1], $0x2000, $0x38;
	[tilespmem:$0x1C800] =	vst v63  }
0x44: {  	_ =	swait.ge [sflag:s25], $0x2000  }
0x45: {  	[sflag:s25] =	ssyncset.done $0x0  }
0x46: {  	[sflag:s25] =	ssyncadd.s32 $0xFFFFE000  }
0x47: {  	[spmem:s18] =	stream.linear.scatter [tilespmem:s28], [sflag:$0x1], $0x2000, $0x38;
	[tilespmem:$0x1C800] =	vst v63  }
0x48: {  	_ =	swait.ge [sflag:s25], $0x2000  }
0x49: {  	[sflag:s25] =	ssyncset.done $0x0  }
0x4a: {  	[sflag:s25] =	ssyncadd.s32 $0xFFFFE000  }
0x4b: {  	[spmem:s19] =	stream.linear.scatter [tilespmem:s28], [sflag:$0x1], $0x2000, $0x38;
	[tilespmem:$0x1C800] =	vst v63  }
0x4c: {  	_ =	swait.ge [sflag:s25], $0x2000  }
0x4d: {  	[sflag:s25] =	ssyncset.done $0x0  }
0x4e: {  	[sflag:s25] =	ssyncadd.s32 $0xFFFFE000  }
0x4f: {  	s10 =	simm.s32 $0x0;
	[bflag:$0x0] =	sbarrier.arrive $0xFFFF  }
0x50: {  	[tilespmem:s30], [sflag:$0x1] =	stream.indirect.gather [hbm4b:s4+s29], $0x80, s10, s29, $0xb8;
	[tilespmem:$0x1C800] =	vst v63  }
0x51: {  	_ =	swait.ge [sflag:s25], $0x4000  }
0x52: {  	[sflag:s25] =	ssyncset.done $0x0  }
0x53: {  	s26 =	simm.s32 $0x1400;
	[sflag:s25] =	ssyncadd.s32 $0xFFFFC000  }
0x54: {  	[spmem:s1] =	stream.indirect.scatter.add.f32 [tilespmem:s30], [sflag:$0x1], $0x80, s26, s29, $0xb8;
	[tilespmem:$0x1C800] =	vst v63  }
0x55: {  	_ =	swait.ge [sflag:s25], $0x4000  }
0x56: {  	s0 =	simm.s32 $0x200;
	s3 =	simm.s32 $0x400;
	[sflag:s25] =	ssyncset.done $0x0  }
.LBB2_4:
0x57: {  	s2 =	sshra.s32 s0, $0x2  }
0x58: {  	[sflag:s25] =	ssyncadd.s32 $0xFFFFC000;
	s0 =	smov.u32 s3;
	s26 =	sadd.s32 $0x200, s3  }
0x59: {  	[tilespmem:s30], [sflag:$0x1] =	stream.indirect.gather [hbm4b:s4+s29], $0x80, s2, s29, $0xb8;
	[tilespmem:$0x1C800] =	vst v63  }
0x5a: {  	p0 =	sne.s32 s3, $0x4E00;
	_ =	swait.ge [sflag:s25], $0x4000  }
.Ltmp1:
0x5b: {  	[sflag:s25] =	ssyncset.done $0x0;
	(pc) =	sbr.rel @p0 .LBB2_4-.Ltmp1, $4  }
0x5c: {  	s2 =	sadd.s32 $0x1400, s2;
	[sflag:s25] =	ssyncadd.s32 $0xFFFFC000  }
0x5d: {  	[spmem:s1] =	stream.indirect.scatter.add.f32 [tilespmem:s30], [sflag:$0x1], $0x80, s2, s29, $0xb8;
	[tilespmem:$0x1C800] =	vst v63  }
0x5e: {  	_ =	swait.ge [sflag:s25], $0x4000  }
0x5f: {  	s3 =	smov.u32 s26;
	[sflag:s25] =	ssyncset.done $0x0  }
0x60: {  	s0 =	sshra.s32 s0, $0x2;
	[sflag:s25] =	ssyncadd.s32 $0xFFFFC000  }
0x61: {  	[tilespmem:s30], [sflag:$0x1] =	stream.indirect.gather [hbm4b:s4+s29], $0x80, s0, s29, $0xb8;
	[tilespmem:$0x1C800] =	vst v63  }
0x62: {  	_ =	swait.ge [sflag:s25], $0x4000  }
0x63: {  	[sflag:s25] =	ssyncset.done $0x0  }
0x64: {  	s0 =	sadd.s32 $0x1400, s0;
	[sflag:s25] =	ssyncadd.s32 $0xFFFFC000  }
0x65: {  	[spmem:s1] =	stream.indirect.scatter.add.f32 [tilespmem:s30], [sflag:$0x1], $0x80, s0, s29, $0xb8;
	[tilespmem:$0x1C800] =	vst v63  }
0x66: {  	_ =	swait.ge [sflag:s25], $0x4000  }
0x67: {  	s8 =	stileid.u32;
	[sflag:s25] =	ssyncset.done $0x0  }
0x68: {  	s0 =	sshll.u32 s8, $0x6;
	[sflag:s25] =	ssyncadd.s32 $0xFFFFC000  }
0x69: {  	s26 =	sshrl.u32 s9, $0x3;
	s0 =	sor.u32 $0x1C01, s0;
	[bflag:$0x0] =	sbarrier.arrive $0xFFFF  }
0x6a: {  	[hbm:s20], [sflag:s0] =	dma.local [spmem:s26], $0x2800  }
0x6b: {  	_ =	swait.ge [sflag:s25], $0x2800  }
0x6c: {  	[sflag:s25] =	ssyncset.done $0x0  }
0x6d: {  	[sflag:s25] =	ssyncadd.s32 $0xFFFFD800  }
0x6e: {  	[spmem:s9] =	stream.linear.scatter [tilespmem:s28], [sflag:$0x1], $0x2000, $0x38;
	[tilespmem:$0x1C800] =	vst v63  }
0x6f: {  	_ =	swait.ge [sflag:s25], $0x2000  }
0x70: {  	[sflag:s25] =	ssyncset.done $0x0  }
0x71: {  	[sflag:s25] =	ssyncadd.s32 $0xFFFFE000  }
0x72: {  	[spmem:s11] =	stream.linear.scatter [tilespmem:s28], [sflag:$0x1], $0x2000, $0x38;
	[tilespmem:$0x1C800] =	vst v63  }
0x73: {  	_ =	swait.ge [sflag:s25], $0x2000  }
0x74: {  	[sflag:s25] =	ssyncset.done $0x0  }
0x75: {  	[sflag:s25] =	ssyncadd.s32 $0xFFFFE000  }
0x76: {  	[spmem:s12] =	stream.linear.scatter [tilespmem:s28], [sflag:$0x1], $0x2000, $0x38;
	[tilespmem:$0x1C800] =	vst v63  }
0x77: {  	_ =	swait.ge [sflag:s25], $0x2000  }
0x78: {  	[sflag:s25] =	ssyncset.done $0x0  }
0x79: {  	[sflag:s25] =	ssyncadd.s32 $0xFFFFE000  }
0x7a: {  	[spmem:s13] =	stream.linear.scatter [tilespmem:s28], [sflag:$0x1], $0x2000, $0x38;
	[tilespmem:$0x1C800] =	vst v63  }
0x7b: {  	_ =	swait.ge [sflag:s25], $0x2000  }
0x7c: {  	[sflag:s25] =	ssyncset.done $0x0  }
0x7d: {  	[sflag:s25] =	ssyncadd.s32 $0xFFFFE000  }
0x7e: {  	[spmem:s14] =	stream.linear.scatter [tilespmem:s28], [sflag:$0x1], $0x2000, $0x38;
	[tilespmem:$0x1C800] =	vst v63  }
0x7f: {  	_ =	swait.ge [sflag:s25], $0x2000  }
0x80: {  	[sflag:s25] =	ssyncset.done $0x0  }
0x81: {  	[sflag:s25] =	ssyncadd.s32 $0xFFFFE000  }
0x82: {  	[spmem:s15] =	stream.linear.scatter [tilespmem:s28], [sflag:$0x1], $0x2000, $0x38;
	[tilespmem:$0x1C800] =	vst v63  }
0x83: {  	_ =	swait.ge [sflag:s25], $0x2000  }
0x84: {  	[sflag:s25] =	ssyncset.done $0x0  }
0x85: {  	[sflag:s25] =	ssyncadd.s32 $0xFFFFE000  }
0x86: {  	[spmem:s16] =	stream.linear.scatter [tilespmem:s28], [sflag:$0x1], $0x2000, $0x38;
	[tilespmem:$0x1C800] =	vst v63  }
0x87: {  	_ =	swait.ge [sflag:s25], $0x2000  }
0x88: {  	[sflag:s25] =	ssyncset.done $0x0  }
0x89: {  	[sflag:s25] =	ssyncadd.s32 $0xFFFFE000  }
0x8a: {  	[spmem:s17] =	stream.linear.scatter [tilespmem:s28], [sflag:$0x1], $0x2000, $0x38;
	[tilespmem:$0x1C800] =	vst v63  }
0x8b: {  	_ =	swait.ge [sflag:s25], $0x2000  }
0x8c: {  	[sflag:s25] =	ssyncset.done $0x0  }
0x8d: {  	[sflag:s25] =	ssyncadd.s32 $0xFFFFE000  }
0x8e: {  	[spmem:s18] =	stream.linear.scatter [tilespmem:s28], [sflag:$0x1], $0x2000, $0x38;
	[tilespmem:$0x1C800] =	vst v63  }
0x8f: {  	_ =	swait.ge [sflag:s25], $0x2000  }
0x90: {  	[sflag:s25] =	ssyncset.done $0x0  }
0x91: {  	[sflag:s25] =	ssyncadd.s32 $0xFFFFE000  }
0x92: {  	[spmem:s19] =	stream.linear.scatter [tilespmem:s28], [sflag:$0x1], $0x2000, $0x38;
	[tilespmem:$0x1C800] =	vst v63  }
0x93: {  	_ =	swait.ge [sflag:s25], $0x2000  }
0x94: {  	[sflag:s25] =	ssyncset.done $0x0  }
0x95: {  	[sflag:s25] =	ssyncadd.s32 $0xFFFFE000  }
0x96: {  	s2 =	simm.s32 $0x0;
	[bflag:$0x0] =	sbarrier.arrive $0xFFFF  }
0x97: {  	[tilespmem:s30], [sflag:$0x1] =	stream.indirect.gather [hbm4b:s5+s29], $0x80, s2, s29, $0xb8;
	[tilespmem:$0x1C800] =	vst v63  }
0x98: {  	_ =	swait.ge [sflag:s25], $0x4000  }
0x99: {  	[sflag:s25] =	ssyncset.done $0x0  }
0x9a: {  	s10 =	simm.s32 $0x1400;
	[sflag:s25] =	ssyncadd.s32 $0xFFFFC000  }
0x9b: {  	[spmem:s1] =	stream.indirect.scatter.add.f32 [tilespmem:s30], [sflag:$0x1], $0x80, s10, s29, $0xb8;
	[tilespmem:$0x1C800] =	vst v63  }
0x9c: {  	_ =	swait.ge [sflag:s25], $0x4000  }
0x9d: {  	s3 =	simm.s32 $0x200;
	s2 =	simm.s32 $0x400;
	[sflag:s25] =	ssyncset.done $0x0  }
.LBB2_6:
0x9e: {  	s8 =	sshra.s32 s3, $0x2  }
0x9f: {  	[sflag:s25] =	ssyncadd.s32 $0xFFFFC000;
	s3 =	smov.u32 s2;
	s10 =	sadd.s32 $0x200, s2  }
0xa0: {  	[tilespmem:s30], [sflag:$0x1] =	stream.indirect.gather [hbm4b:s5+s29], $0x80, s8, s29, $0xb8;
	[tilespmem:$0x1C800] =	vst v63  }
0xa1: {  	p0 =	sne.s32 s2, $0x4E00;
	_ =	swait.ge [sflag:s25], $0x4000  }
.Ltmp2:
0xa2: {  	[sflag:s25] =	ssyncset.done $0x0;
	(pc) =	sbr.rel @p0 .LBB2_6-.Ltmp2, $4  }
0xa3: {  	s2 =	sadd.s32 $0x1400, s8;
	[sflag:s25] =	ssyncadd.s32 $0xFFFFC000  }
0xa4: {  	[spmem:s1] =	stream.indirect.scatter.add.f32 [tilespmem:s30], [sflag:$0x1], $0x80, s2, s29, $0xb8;
	[tilespmem:$0x1C800] =	vst v63  }
0xa5: {  	_ =	swait.ge [sflag:s25], $0x4000  }
0xa6: {  	s2 =	smov.u32 s10;
	[sflag:s25] =	ssyncset.done $0x0  }
0xa7: {  	s2 =	sshra.s32 s3, $0x2;
	[sflag:s25] =	ssyncadd.s32 $0xFFFFC000  }
0xa8: {  	[tilespmem:s30], [sflag:$0x1] =	stream.indirect.gather [hbm4b:s5+s29], $0x80, s2, s29, $0xb8;
	[tilespmem:$0x1C800] =	vst v63  }
0xa9: {  	_ =	swait.ge [sflag:s25], $0x4000  }
0xaa: {  	[sflag:s25] =	ssyncset.done $0x0  }
0xab: {  	s2 =	sadd.s32 $0x1400, s2;
	[sflag:s25] =	ssyncadd.s32 $0xFFFFC000  }
0xac: {  	[spmem:s1] =	stream.indirect.scatter.add.f32 [tilespmem:s30], [sflag:$0x1], $0x80, s2, s29, $0xb8;
	[tilespmem:$0x1C800] =	vst v63  }
0xad: {  	_ =	swait.ge [sflag:s25], $0x4000  }
0xae: {  	[sflag:s25] =	ssyncset.done $0x0  }
0xaf: {  	[sflag:s25] =	ssyncadd.s32 $0xFFFFC000  }
0xb0: {  	[bflag:$0x0] =	sbarrier.arrive $0xFFFF  }
0xb1: {  	[hbm:s21], [sflag:s0] =	dma.local [spmem:s26], $0x2800  }
0xb2: {  	_ =	swait.ge [sflag:s25], $0x2800  }
0xb3: {  	[sflag:s25] =	ssyncset.done $0x0  }
0xb4: {  	[sflag:s25] =	ssyncadd.s32 $0xFFFFD800  }
0xb5: {  	[spmem:s9] =	stream.linear.scatter [tilespmem:s28], [sflag:$0x1], $0x2000, $0x38;
	[tilespmem:$0x1C800] =	vst v63  }
0xb6: {  	_ =	swait.ge [sflag:s25], $0x2000  }
0xb7: {  	[sflag:s25] =	ssyncset.done $0x0  }
0xb8: {  	[sflag:s25] =	ssyncadd.s32 $0xFFFFE000  }
0xb9: {  	[spmem:s11] =	stream.linear.scatter [tilespmem:s28], [sflag:$0x1], $0x2000, $0x38;
	[tilespmem:$0x1C800] =	vst v63  }
0xba: {  	_ =	swait.ge [sflag:s25], $0x2000  }
0xbb: {  	[sflag:s25] =	ssyncset.done $0x0  }
0xbc: {  	[sflag:s25] =	ssyncadd.s32 $0xFFFFE000  }
0xbd: {  	[spmem:s12] =	stream.linear.scatter [tilespmem:s28], [sflag:$0x1], $0x2000, $0x38;
	[tilespmem:$0x1C800] =	vst v63  }
0xbe: {  	_ =	swait.ge [sflag:s25], $0x2000  }
0xbf: {  	[sflag:s25] =	ssyncset.done $0x0  }
0xc0: {  	[sflag:s25] =	ssyncadd.s32 $0xFFFFE000  }
0xc1: {  	[spmem:s13] =	stream.linear.scatter [tilespmem:s28], [sflag:$0x1], $0x2000, $0x38;
	[tilespmem:$0x1C800] =	vst v63  }
0xc2: {  	_ =	swait.ge [sflag:s25], $0x2000  }
0xc3: {  	[sflag:s25] =	ssyncset.done $0x0  }
0xc4: {  	[sflag:s25] =	ssyncadd.s32 $0xFFFFE000  }
0xc5: {  	[spmem:s14] =	stream.linear.scatter [tilespmem:s28], [sflag:$0x1], $0x2000, $0x38;
	[tilespmem:$0x1C800] =	vst v63  }
0xc6: {  	_ =	swait.ge [sflag:s25], $0x2000  }
0xc7: {  	[sflag:s25] =	ssyncset.done $0x0  }
0xc8: {  	[sflag:s25] =	ssyncadd.s32 $0xFFFFE000  }
0xc9: {  	[spmem:s15] =	stream.linear.scatter [tilespmem:s28], [sflag:$0x1], $0x2000, $0x38;
	[tilespmem:$0x1C800] =	vst v63  }
0xca: {  	_ =	swait.ge [sflag:s25], $0x2000  }
0xcb: {  	[sflag:s25] =	ssyncset.done $0x0  }
0xcc: {  	[sflag:s25] =	ssyncadd.s32 $0xFFFFE000  }
0xcd: {  	[spmem:s16] =	stream.linear.scatter [tilespmem:s28], [sflag:$0x1], $0x2000, $0x38;
	[tilespmem:$0x1C800] =	vst v63  }
0xce: {  	_ =	swait.ge [sflag:s25], $0x2000  }
0xcf: {  	[sflag:s25] =	ssyncset.done $0x0  }
0xd0: {  	[sflag:s25] =	ssyncadd.s32 $0xFFFFE000  }
0xd1: {  	[spmem:s17] =	stream.linear.scatter [tilespmem:s28], [sflag:$0x1], $0x2000, $0x38;
	[tilespmem:$0x1C800] =	vst v63  }
0xd2: {  	_ =	swait.ge [sflag:s25], $0x2000  }
0xd3: {  	[sflag:s25] =	ssyncset.done $0x0  }
0xd4: {  	[sflag:s25] =	ssyncadd.s32 $0xFFFFE000  }
0xd5: {  	[spmem:s18] =	stream.linear.scatter [tilespmem:s28], [sflag:$0x1], $0x2000, $0x38;
	[tilespmem:$0x1C800] =	vst v63  }
0xd6: {  	_ =	swait.ge [sflag:s25], $0x2000  }
0xd7: {  	[sflag:s25] =	ssyncset.done $0x0  }
0xd8: {  	[sflag:s25] =	ssyncadd.s32 $0xFFFFE000  }
0xd9: {  	[spmem:s19] =	stream.linear.scatter [tilespmem:s28], [sflag:$0x1], $0x2000, $0x38;
	[tilespmem:$0x1C800] =	vst v63  }
0xda: {  	_ =	swait.ge [sflag:s25], $0x2000  }
0xdb: {  	[sflag:s25] =	ssyncset.done $0x0  }
0xdc: {  	[sflag:s25] =	ssyncadd.s32 $0xFFFFE000  }
0xdd: {  	s8 =	simm.s32 $0x0;
	[bflag:$0x0] =	sbarrier.arrive $0xFFFF  }
0xde: {  	[tilespmem:s30], [sflag:$0x1] =	stream.indirect.gather [hbm4b:s6+s29], $0x80, s8, s29, $0xb8;
	[tilespmem:$0x1C800] =	vst v63  }
0xdf: {  	_ =	swait.ge [sflag:s25], $0x4000  }
0xe0: {  	[sflag:s25] =	ssyncset.done $0x0  }
0xe1: {  	s10 =	simm.s32 $0x1400;
	[sflag:s25] =	ssyncadd.s32 $0xFFFFC000  }
0xe2: {  	[spmem:s1] =	stream.indirect.scatter.add.f32 [tilespmem:s30], [sflag:$0x1], $0x80, s10, s29, $0xb8;
	[tilespmem:$0x1C800] =	vst v63  }
0xe3: {  	_ =	swait.ge [sflag:s25], $0x4000  }
0xe4: {  	s3 =	simm.s32 $0x200;
	s2 =	simm.s32 $0x400;
	[sflag:s25] =	ssyncset.done $0x0  }
.LBB2_8:
0xe5: {  	s8 =	sshra.s32 s3, $0x2  }
0xe6: {  	[sflag:s25] =	ssyncadd.s32 $0xFFFFC000;
	s3 =	smov.u32 s2;
	s10 =	sadd.s32 $0x200, s2  }
0xe7: {  	[tilespmem:s30], [sflag:$0x1] =	stream.indirect.gather [hbm4b:s6+s29], $0x80, s8, s29, $0xb8;
	[tilespmem:$0x1C800] =	vst v63  }
0xe8: {  	p0 =	sne.s32 s2, $0x4E00;
	_ =	swait.ge [sflag:s25], $0x4000  }
.Ltmp3:
0xe9: {  	[sflag:s25] =	ssyncset.done $0x0;
	(pc) =	sbr.rel @p0 .LBB2_8-.Ltmp3, $4  }
0xea: {  	s2 =	sadd.s32 $0x1400, s8;
	[sflag:s25] =	ssyncadd.s32 $0xFFFFC000  }
0xeb: {  	[spmem:s1] =	stream.indirect.scatter.add.f32 [tilespmem:s30], [sflag:$0x1], $0x80, s2, s29, $0xb8;
	[tilespmem:$0x1C800] =	vst v63  }
0xec: {  	_ =	swait.ge [sflag:s25], $0x4000  }
0xed: {  	s2 =	smov.u32 s10;
	[sflag:s25] =	ssyncset.done $0x0  }
0xee: {  	s2 =	sshra.s32 s3, $0x2;
	[sflag:s25] =	ssyncadd.s32 $0xFFFFC000  }
0xef: {  	[tilespmem:s30], [sflag:$0x1] =	stream.indirect.gather [hbm4b:s6+s29], $0x80, s2, s29, $0xb8;
	[tilespmem:$0x1C800] =	vst v63  }
0xf0: {  	_ =	swait.ge [sflag:s25], $0x4000  }
0xf1: {  	[sflag:s25] =	ssyncset.done $0x0  }
0xf2: {  	s2 =	sadd.s32 $0x1400, s2;
	[sflag:s25] =	ssyncadd.s32 $0xFFFFC000  }
0xf3: {  	[spmem:s1] =	stream.indirect.scatter.add.f32 [tilespmem:s30], [sflag:$0x1], $0x80, s2, s29, $0xb8;
	[tilespmem:$0x1C800] =	vst v63  }
0xf4: {  	_ =	swait.ge [sflag:s25], $0x4000  }
0xf5: {  	[sflag:s25] =	ssyncset.done $0x0  }
0xf6: {  	[sflag:s25] =	ssyncadd.s32 $0xFFFFC000  }
0xf7: {  	[bflag:$0x0] =	sbarrier.arrive $0xFFFF  }
0xf8: {  	[hbm:s22], [sflag:s0] =	dma.local [spmem:s26], $0x2800  }
0xf9: {  	_ =	swait.ge [sflag:s25], $0x2800  }
0xfa: {  	[sflag:s25] =	ssyncset.done $0x0  }
0xfb: {  	[sflag:s25] =	ssyncadd.s32 $0xFFFFD800  }
0xfc: {  	[spmem:s9] =	stream.linear.scatter [tilespmem:s28], [sflag:$0x1], $0x2000, $0x38;
	[tilespmem:$0x1C800] =	vst v63  }
0xfd: {  	_ =	swait.ge [sflag:s25], $0x2000  }
0xfe: {  	[sflag:s25] =	ssyncset.done $0x0  }
0xff: {  	[sflag:s25] =	ssyncadd.s32 $0xFFFFE000  }
0x100: {  	[spmem:s11] =	stream.linear.scatter [tilespmem:s28], [sflag:$0x1], $0x2000, $0x38;
	[tilespmem:$0x1C800] =	vst v63  }
0x101: {  	_ =	swait.ge [sflag:s25], $0x2000  }
0x102: {  	[sflag:s25] =	ssyncset.done $0x0  }
0x103: {  	[sflag:s25] =	ssyncadd.s32 $0xFFFFE000  }
0x104: {  	[spmem:s12] =	stream.linear.scatter [tilespmem:s28], [sflag:$0x1], $0x2000, $0x38;
	[tilespmem:$0x1C800] =	vst v63  }
0x105: {  	_ =	swait.ge [sflag:s25], $0x2000  }
0x106: {  	[sflag:s25] =	ssyncset.done $0x0  }
0x107: {  	[sflag:s25] =	ssyncadd.s32 $0xFFFFE000  }
0x108: {  	[spmem:s13] =	stream.linear.scatter [tilespmem:s28], [sflag:$0x1], $0x2000, $0x38;
	[tilespmem:$0x1C800] =	vst v63  }
0x109: {  	_ =	swait.ge [sflag:s25], $0x2000  }
0x10a: {  	[sflag:s25] =	ssyncset.done $0x0  }
0x10b: {  	[sflag:s25] =	ssyncadd.s32 $0xFFFFE000  }
0x10c: {  	[spmem:s14] =	stream.linear.scatter [tilespmem:s28], [sflag:$0x1], $0x2000, $0x38;
	[tilespmem:$0x1C800] =	vst v63  }
0x10d: {  	_ =	swait.ge [sflag:s25], $0x2000  }
0x10e: {  	[sflag:s25] =	ssyncset.done $0x0  }
0x10f: {  	[sflag:s25] =	ssyncadd.s32 $0xFFFFE000  }
0x110: {  	[spmem:s15] =	stream.linear.scatter [tilespmem:s28], [sflag:$0x1], $0x2000, $0x38;
	[tilespmem:$0x1C800] =	vst v63  }
0x111: {  	_ =	swait.ge [sflag:s25], $0x2000  }
0x112: {  	[sflag:s25] =	ssyncset.done $0x0  }
0x113: {  	[sflag:s25] =	ssyncadd.s32 $0xFFFFE000  }
0x114: {  	[spmem:s16] =	stream.linear.scatter [tilespmem:s28], [sflag:$0x1], $0x2000, $0x38;
	[tilespmem:$0x1C800] =	vst v63  }
0x115: {  	_ =	swait.ge [sflag:s25], $0x2000  }
0x116: {  	[sflag:s25] =	ssyncset.done $0x0  }
0x117: {  	[sflag:s25] =	ssyncadd.s32 $0xFFFFE000  }
0x118: {  	[spmem:s17] =	stream.linear.scatter [tilespmem:s28], [sflag:$0x1], $0x2000, $0x38;
	[tilespmem:$0x1C800] =	vst v63  }
0x119: {  	_ =	swait.ge [sflag:s25], $0x2000  }
0x11a: {  	[sflag:s25] =	ssyncset.done $0x0  }
0x11b: {  	[sflag:s25] =	ssyncadd.s32 $0xFFFFE000  }
0x11c: {  	[spmem:s18] =	stream.linear.scatter [tilespmem:s28], [sflag:$0x1], $0x2000, $0x38;
	[tilespmem:$0x1C800] =	vst v63  }
0x11d: {  	_ =	swait.ge [sflag:s25], $0x2000  }
0x11e: {  	[sflag:s25] =	ssyncset.done $0x0  }
0x11f: {  	[sflag:s25] =	ssyncadd.s32 $0xFFFFE000  }
0x120: {  	[spmem:s19] =	stream.linear.scatter [tilespmem:s28], [sflag:$0x1], $0x2000, $0x38;
	[tilespmem:$0x1C800] =	vst v63  }
0x121: {  	_ =	swait.ge [sflag:s25], $0x2000  }
0x122: {  	[sflag:s25] =	ssyncset.done $0x0  }
0x123: {  	[sflag:s25] =	ssyncadd.s32 $0xFFFFE000  }
0x124: {  	s8 =	simm.s32 $0x0;
	[bflag:$0x0] =	sbarrier.arrive $0xFFFF  }
0x125: {  	[tilespmem:s30], [sflag:$0x1] =	stream.indirect.gather [hbm4b:s7+s29], $0x80, s8, s29, $0xb8;
	[tilespmem:$0x1C800] =	vst v63  }
0x126: {  	_ =	swait.ge [sflag:s25], $0x4000  }
0x127: {  	[sflag:s25] =	ssyncset.done $0x0  }
0x128: {  	s10 =	simm.s32 $0x1400;
	[sflag:s25] =	ssyncadd.s32 $0xFFFFC000  }
0x129: {  	[spmem:s1] =	stream.indirect.scatter.add.f32 [tilespmem:s30], [sflag:$0x1], $0x80, s10, s29, $0xb8;
	[tilespmem:$0x1C800] =	vst v63  }
0x12a: {  	_ =	swait.ge [sflag:s25], $0x4000  }
0x12b: {  	s3 =	simm.s32 $0x200;
	s2 =	simm.s32 $0x400;
	[sflag:s25] =	ssyncset.done $0x0  }
.LBB2_10:
0x12c: {  	s8 =	sshra.s32 s3, $0x2  }
0x12d: {  	[sflag:s25] =	ssyncadd.s32 $0xFFFFC000;
	s3 =	smov.u32 s2;
	s10 =	sadd.s32 $0x200, s2  }
0x12e: {  	[tilespmem:s30], [sflag:$0x1] =	stream.indirect.gather [hbm4b:s7+s29], $0x80, s8, s29, $0xb8;
	[tilespmem:$0x1C800] =	vst v63  }
0x12f: {  	p0 =	sne.s32 s2, $0x4E00;
	_ =	swait.ge [sflag:s25], $0x4000  }
.Ltmp4:
0x130: {  	[sflag:s25] =	ssyncset.done $0x0;
	(pc) =	sbr.rel @p0 .LBB2_10-.Ltmp4, $4  }
0x131: {  	s2 =	sadd.s32 $0x1400, s8;
	[sflag:s25] =	ssyncadd.s32 $0xFFFFC000  }
0x132: {  	[spmem:s1] =	stream.indirect.scatter.add.f32 [tilespmem:s30], [sflag:$0x1], $0x80, s2, s29, $0xb8;
	[tilespmem:$0x1C800] =	vst v63  }
0x133: {  	_ =	swait.ge [sflag:s25], $0x4000  }
0x134: {  	s2 =	smov.u32 s10;
	[sflag:s25] =	ssyncset.done $0x0  }
0x135: {  	s2 =	sshra.s32 s3, $0x2;
	[sflag:s25] =	ssyncadd.s32 $0xFFFFC000  }
0x136: {  	[tilespmem:s30], [sflag:$0x1] =	stream.indirect.gather [hbm4b:s7+s29], $0x80, s2, s29, $0xb8;
	[tilespmem:$0x1C800] =	vst v63  }
0x137: {  	_ =	swait.ge [sflag:s25], $0x4000  }
0x138: {  	[sflag:s25] =	ssyncset.done $0x0  }
0x139: {  	s2 =	sadd.s32 $0x1400, s2;
	[sflag:s25] =	ssyncadd.s32 $0xFFFFC000  }
0x13a: {  	[spmem:s1] =	stream.indirect.scatter.add.f32 [tilespmem:s30], [sflag:$0x1], $0x80, s2, s29, $0xb8;
	[tilespmem:$0x1C800] =	vst v63  }
0x13b: {  	_ =	swait.ge [sflag:s25], $0x4000  }
0x13c: {  	s31 =	sadd.s32 $0x1, s31;
	[sflag:s25] =	ssyncset.done $0x0  }
0x13d: {  	p0 =	sne.s32 s31, s24;
	[sflag:s25] =	ssyncadd.s32 $0xFFFFC000  }
.Ltmp5:
0x13e: {  	[bflag:$0x0] =	sbarrier.arrive $0xFFFF;
	(pc) =	sbr.rel @p0 .LBB2_1-.Ltmp5, $4  }
0x13f: {  	[hbm:s23], [sflag:s0] =	dma.local [spmem:s26], $0x2800  }
0x140: {  	_ =	swait.ge [sflag:s25], $0x2800  }
0x141: {  	[sflag:s25] =	ssyncset.done $0x0  }
0x142: {  	[sflag:s25] =	ssyncadd.s32 $0xFFFFD800  }
0x143: {  	_ =	sfence.sel $0x180000  }
0x144: {  	[bflag:$0x0] =	sbarrier.arrive $0xFFFF  }
0x145: {  	_ =	strace $0x90000050  }
0x146: {  	s0 =	stileid.u32;
	[bflag:$0x2] =	sbarrier.arrive $0xFFFF  }
0x147: {  	p0 =	sne.s32 s0, $0x0;
	s0 =	rddreg [dreg:$0x2]  }
0x148: {  	s0 =	sadd.s32 @!p0 $0x100000, s0  }
0x149: {  	[sflag:s0] =	ssyncadd.tile.s32 @!p0 $0x1;
	_ =	shalt  }
.Lfunc_end2:
_tile_overlayer_lowered:
.L_overlay_start_2:
0x14a: {  	(tag) =	ssettag $0x2  }
0x14b: {  	s0 =	rddreg [dreg:$0x0];
	s2 =	stileid.u32  }
0x14c: {  	s1 =	rddreg [dreg:$0x1];
	p0 =	sne.s32 s2, $0x0  }
0x14d: {  	s3 =	rddreg [dreg:$0x2];
	[bflag:$0x3] =	sbarrier.arrive $0xFFFF;
	s2 =	simm.s32 @!p0 $0x1C01  }
0x14e: {  	[timem:s3], [sflag:s2] =	dma.local @!p0 [hbm:s0], s1  }
0x14f: {  	s0 =	simm.s32 @!p0 $0x1  }
0x150: {  	_ =	swait.ge @!p0 [sflag:s0], s1  }
0x151: {  	s1 =	ssub.s32 @!p0 $0x0, s1;
	[sflag:s0] =	ssyncset.done @!p0 $0x0  }
0x152: {  	[sflag:s0] =	ssyncadd.s32 @!p0 s1  }
0x153: {  	[bflag:$0x3] =	sbarrier.arrive $0xFFFF  }
0x154: {  	_ =	shalt  }

</sc_bundles>
